<compile_context>
chip_gen: v7x
topology: tpu7x:2x2x1
jax: 0.10.2.dev20260603
libtpu: 0.0.44.dev20260713+nightly
codegen_flags: <defaults>
</compile_context>

<pallas_src>
import functools
import math

import jax
import jax.numpy as jnp
from jax import lax
from jax.experimental import pallas as pl
from jax.experimental.pallas import tpu as pltpu
from jax.experimental.pallas import tpu_sc as plsc

N = 10000
H = 128
NPAD = 10240
NC = 2
NS = 16
NW = NC * NS
CH = 128
RPT = NPAD // NS
FASTC = 0
FR = 112
BN_EPS = 1e-5
_BN_SCALE = 1.0 / math.sqrt(1.0 + BN_EPS)

_MESH = plsc.VectorSubcoreMesh(core_axis_name="c", subcore_axis_name="s",
                               num_cores=NC, num_subcores=NS)


def _worker_ids():
    c = lax.axis_index("c")
    s = lax.axis_index("s")
    return c, s, s * NC + c



def _deg_body(nch, dst_hbm, degp_hbm, deg_sh, dst_v, ones_v, sem):
    c, s, wid = _worker_ids()
    hc = nch // 2

    @pl.loop(0, CH)
    def _zfill(i):
        for q in range(H // 16):
            ones_v[i, pl.ds(q * 16, 16)] = jnp.zeros((16,), jnp.float32)

    @pl.loop(0, RPT // CH)
    def _zero(r):
        pltpu.sync_copy(ones_v, deg_sh.at[pl.ds(s * RPT + r * CH, CH)])

    @pl.loop(0, CH)
    def _ofill(i):
        for q in range(H // 16):
            ones_v[i, pl.ds(q * 16, 16)] = jnp.ones((16,), jnp.float32)

    plsc.subcore_barrier()

    for half in range(2):
        pltpu.sync_copy(dst_hbm.at[pl.ds(wid * nch + half * hc, hc)], dst_v)

        @pl.loop(0, hc)
        def _scat(j):
            pltpu.async_copy(ones_v, deg_sh.at[dst_v.at[j]], sem, add=True)

            @pl.when(j >= 8)
            def _w():
                pltpu.make_async_copy(ones_v, deg_sh.at[dst_v.at[0]],
                                      sem).wait()

        @pl.loop(0, 8)
        def _tail(j):
            pltpu.make_async_copy(ones_v, deg_sh.at[dst_v.at[0]], sem).wait()

    plsc.subcore_barrier()
    _drain(deg_sh, degp_hbm, c, s)


def _drain(sh, out_hbm, c, s):
    last = N - (NS - 1) * RPT

    @pl.when(s < NS - 1)
    def _full():
        pltpu.sync_copy(sh.at[pl.ds(s * RPT, RPT)],
                        out_hbm.at[c, pl.ds(s * RPT, RPT)])

    @pl.when(s == NS - 1)
    def _clip():
        pltpu.sync_copy(sh.at[pl.ds((NS - 1) * RPT, last)],
                        out_hbm.at[c, pl.ds((NS - 1) * RPT, last)])


def _deg_call(dst2, nch):
    return pl.kernel(
        functools.partial(_deg_body, nch),
        out_type=jax.ShapeDtypeStruct((NC, N, H), jnp.float32),
        mesh=_MESH,
        scratch_types=[
            pltpu.VMEM_SHARED((NPAD, H), jnp.float32),
            pltpu.VMEM((nch // 2, CH), jnp.int32),
            pltpu.VMEM((CH, H), jnp.float32),
            pltpu.SemaphoreType.DMA,
        ],
    )(dst2)



def _agg_body(nch, g_hbm, src_hbm, dst_hbm, accp_hbm, acc_sh, src_v, dst_v,
              rows, g0, g1, g2, g3, s0, s1):
    c, s, wid = _worker_ids()
    hc = nch // 2
    gsem = ((g0, g1), (g2, g3))
    ssem = (s0, s1)
    HCH = CH // 2

    def fire_g(m, b):
        pltpu.async_copy(g_hbm.at[src_v.at[m, pl.ds(0, HCH)]],
                         rows.at[b, pl.ds(0, HCH)], gsem[b][0])
        pltpu.async_copy(g_hbm.at[src_v.at[m, pl.ds(HCH, HCH)]],
                         rows.at[b, pl.ds(HCH, HCH)], gsem[b][1])

    def wait_g(b):
        pltpu.make_async_copy(g_hbm.at[src_v.at[0, pl.ds(0, HCH)]],
                              rows.at[b, pl.ds(0, HCH)], gsem[b][0]).wait()
        pltpu.make_async_copy(g_hbm.at[src_v.at[0, pl.ds(0, HCH)]],
                              rows.at[b, pl.ds(HCH, HCH)], gsem[b][1]).wait()

    def wait_s(b):
        pltpu.make_async_copy(rows.at[b], acc_sh.at[dst_v.at[0]],
                              ssem[b]).wait()

    @pl.loop(0, CH)
    def _zfill(i):
        for q in range(H // 16):
            rows[0, i, pl.ds(q * 16, 16)] = jnp.zeros((16,), jnp.float32)

    @pl.loop(0, RPT // CH)
    def _zero(r):
        pltpu.sync_copy(rows.at[0],
                        acc_sh.at[pl.ds(s * RPT + r * CH, CH)])

    plsc.subcore_barrier()

    def run(nck, base0):
        hcc = nck // 2
        for stage in range(2):
            base = base0 + stage * hcc
            pltpu.sync_copy(src_hbm.at[pl.ds(base, hcc)],
                            src_v.at[pl.ds(0, hcc)])
            pltpu.sync_copy(dst_hbm.at[pl.ds(base, hcc)],
                            dst_v.at[pl.ds(0, hcc)])

            fire_g(0, 0)

            @pl.loop(0, hcc // 2)
            def _steps(t):
                for b in range(2):
                    m = t * 2 + b
                    wait_g(b)
                    pltpu.async_copy(rows.at[b], acc_sh.at[dst_v.at[m]],
                                     ssem[b], add=True)
                    if b == 0:
                        @pl.when(t > 0)
                        def _w0():
                            wait_s(1)

                        fire_g(m + 1, 1)
                    else:
                        wait_s(0)

                        @pl.when(t + 1 < hcc // 2)
                        def _pf1():
                            fire_g(m + 1, 0)

            wait_s(1)

    blk = s * 2 * nch

    @pl.when(c == FASTC)
    def _fast():
        run(FR, blk)

    @pl.when(c == 1 - FASTC)
    def _slow():
        run(2 * nch - FR, blk + FR)

    plsc.subcore_barrier()
    _drain(acc_sh, accp_hbm, c, s)


def _agg_call(g, src2, dst2, nch):
    return pl.kernel(
        functools.partial(_agg_body, nch),
        out_type=jax.ShapeDtypeStruct((NC, N, H), jnp.float32),
        mesh=_MESH,
        scratch_types=[
            pltpu.VMEM_SHARED((NPAD, H), jnp.float32),
            pltpu.VMEM((FR // 2, CH), jnp.int32),
            pltpu.VMEM((FR // 2, CH), jnp.int32),
            pltpu.VMEM((2, CH, H), jnp.float32),
        ] + [pltpu.SemaphoreType.DMA] * 6,
    )(g, src2, dst2)



BM = 2000


def _dinv_from(degp_ref):
    deg = 1.0 + degp_ref[0, :, 0:1] + degp_ref[1, :, 0:1]
    return lax.rsqrt(deg)


def _mm_t(x, w_ref):
    return lax.dot_general(x, w_ref[:], (((1,), (1,)), ((), ())),
                           preferred_element_type=jnp.float32)


def _pre_body(idw, n2v, win, bin_, w0, degp, x0_o, h0_o, g0_o):
    xa = lax.dot_general(idw[:], win[:, :H], (((1,), (1,)), ((), ())),
                         preferred_element_type=jnp.float32)
    xb = lax.dot_general(n2v[:], win[:, H:], (((1,), (1,)), ((), ())),
                         preferred_element_type=jnp.float32)
    x0 = xa + xb + bin_[:]
    h0 = _mm_t(x0, w0)
    dinv = _dinv_from(degp)
    x0_o[:] = x0
    h0_o[:] = h0
    g0_o[:] = dinv * h0


def _layer_body(xp, hp, accp, degp, bc, bng, bnb, wn, xo, ho, go):
    dinv = _dinv_from(degp)
    agg = accp[0] + accp[1]
    conv = dinv * agg + (dinv * dinv) * hp[:] + bc[:]
    xbn = conv * (bng[:] * _BN_SCALE) + bnb[:]
    xn = xp[:] + jnp.maximum(xbn, 0.0)
    xo[:] = xn
    hn = _mm_t(xn, wn)
    ho[:] = hn
    go[:] = dinv * hn


def _final_body(xp, hp, accp, degp, bc, bng, bnb, xo):
    dinv = _dinv_from(degp)
    agg = accp[0] + accp[1]
    conv = dinv * agg + (dinv * dinv) * hp[:] + bc[:]
    xbn = conv * (bng[:] * _BN_SCALE) + bnb[:]
    xo[:] = xp[:] + jnp.maximum(xbn, 0.0)


_F32 = lambda *s: jax.ShapeDtypeStruct(s, jnp.float32)

_ROWS = pl.BlockSpec((BM, H), lambda i: (i, 0))
_CONST = lambda *shape: pl.BlockSpec(shape, lambda i: (0,) * len(shape))
_PARTS = pl.BlockSpec((NC, BM, H), lambda i: (0, i, 0))
_DEGS = pl.BlockSpec((NC, BM, H), lambda i: (0, i, 0))


def kernel(edge_index, id_emb_w, n2v_w, W_in, b_in, convW0, convb0, bn_g0,
           bn_b0, convW1, convb1, bn_g1, bn_b1):
    src, dst = edge_index[0], edge_index[1]
    E = src.shape[0]
    nch = -(-E // (NW * CH))
    nch = -(-nch // 8) * 8
    epad = NW * nch * CH
    pad = epad - E
    src_p = jnp.concatenate([src, jnp.zeros((pad,), jnp.int32)])
    dump = N + jnp.arange(pad, dtype=jnp.int32) % (NPAD - N)
    dst_p = jnp.concatenate([dst, dump])
    src2 = src_p.reshape(NW * nch, CH)
    dst2 = dst_p.reshape(NW * nch, CH)

    degp = _deg_call(dst2, nch)

    b_in2 = b_in.reshape(1, H)
    x0, h0, g0 = pl.pallas_call(
        _pre_body,
        grid=(N // BM,),
        in_specs=[_ROWS, _ROWS, _CONST(H, 2 * H), _CONST(1, H),
                  _CONST(H, H), _DEGS],
        out_specs=[_ROWS, _ROWS, _ROWS],
        out_shape=[_F32(N, H), _F32(N, H), _F32(N, H)],
    )(id_emb_w, n2v_w, W_in, b_in2, convW0, degp)

    accp0 = _agg_call(g0, src2, dst2, nch)

    x1, h1, g1 = pl.pallas_call(
        _layer_body,
        grid=(N // BM,),
        in_specs=[_ROWS, _ROWS, _PARTS, _DEGS, _CONST(1, H), _CONST(1, H),
                  _CONST(1, H), _CONST(H, H)],
        out_specs=[_ROWS, _ROWS, _ROWS],
        out_shape=[_F32(N, H), _F32(N, H), _F32(N, H)],
    )(x0, h0, accp0, degp, convb0.reshape(1, H), bn_g0.reshape(1, H),
      bn_b0.reshape(1, H), convW1)

    accp1 = _agg_call(g1, src2, dst2, nch)

    out = pl.pallas_call(
        _final_body,
        grid=(N // BM,),
        in_specs=[_ROWS, _ROWS, _PARTS, _DEGS, _CONST(1, H), _CONST(1, H),
                  _CONST(1, H)],
        out_specs=_ROWS,
        out_shape=_F32(N, H),
    )(x1, h1, accp1, degp, convb1.reshape(1, H), bn_g1.reshape(1, H),
      bn_b1.reshape(1, H))
    return out

# --- scband reference (transcript-rebuilt; emitter-appended) ---
"""Pipeline reference for scband-node2-vec-gcnmodel-16638703305294 (READ-ONLY COPY).

The authoritative reference and input builder live on the scoring server;
editing this copy changes nothing except your own understanding.
"""

import jax, jax.numpy as jnp
import numpy as np

N = 10000
E = 320000
H = 128
D2V = 128
BN_EPS = 1e-5


def _xavier_uniform(key, shape):
    fan_in, fan_out = shape[1], shape[0]
    a = (6.0 / (fan_in + fan_out)) ** 0.5
    return jax.random.uniform(key, shape, minval=-a, maxval=a, dtype=jnp.float32)


def _linear_init(key, out_f, in_f):
    k1, k2 = jax.random.split(key)
    bound = 1.0 / (in_f ** 0.5)
    W = jax.random.uniform(k1, (out_f, in_f), minval=-bound, maxval=bound, dtype=jnp.float32)
    b = jax.random.uniform(k2, (out_f,), minval=-bound, maxval=bound, dtype=jnp.float32)
    return W, b


def setup_inputs(seed: int = 0) -> dict:
    key = jax.random.key(seed)
    ks = jax.random.split(key, 8)
    edge_index = jax.random.randint(ks[0], (2, E), 0, N, dtype=jnp.int32)
    # xavier_uniform on Embedding weight [N, H] (fan_in=H, fan_out=N per torch convention on 2D weight)
    a = (6.0 / (N + H)) ** 0.5
    id_emb_w = jax.random.uniform(ks[1], (N, H), minval=-a, maxval=a, dtype=jnp.float32)
    n2v_w = jax.random.normal(ks[2], (N, D2V), dtype=jnp.float32)  # frozen pretrained embeddings
    W_in, b_in = _linear_init(ks[3], H, H + D2V)
    convW0, convb0 = _xavier_uniform(ks[4], (H, H)), jnp.zeros((H,), jnp.float32)
    convW1, convb1 = _xavier_uniform(ks[5], (H, H)), jnp.zeros((H,), jnp.float32)
    bn_g0 = jnp.ones((H,), jnp.float32); bn_b0 = jnp.zeros((H,), jnp.float32)
    bn_g1 = jnp.ones((H,), jnp.float32); bn_b1 = jnp.zeros((H,), jnp.float32)
    return {
        "edge_index": edge_index,
        "id_emb_w": id_emb_w,
        "n2v_w": n2v_w,
        "W_in": W_in, "b_in": b_in,
        "convW0": convW0, "convb0": convb0,
        "bn_g0": bn_g0, "bn_b0": bn_b0,
        "convW1": convW1, "convb1": convb1,
        "bn_g1": bn_g1, "bn_b1": bn_b1,
    }


def _gcn_conv(x, W, b, src, dst):
    # PyG GCNConv: linear, add self-loops, symmetric normalization, sum-aggregate at dst, + bias
    h = x @ W.T
    loop = jnp.arange(N, dtype=src.dtype)
    src_sl = jnp.concatenate([src, loop])
    dst_sl = jnp.concatenate([dst, loop])
    deg = jax.ops.segment_sum(jnp.ones_like(dst_sl, dtype=x.dtype), dst_sl, num_segments=N)
    dinv = jnp.where(deg > 0, deg ** -0.5, 0.0)
    norm = dinv[src_sl] * dinv[dst_sl]
    msg = h[src_sl] * norm[:, None]
    out = jax.ops.segment_sum(msg, dst_sl, num_segments=N)
    return out + b


def _bn_eval(x, g, b):
    # eval-mode BatchNorm1d with fresh running stats (mean=0, var=1)
    return x / jnp.sqrt(1.0 + BN_EPS) * g + b


def reference(edge_index, id_emb_w, n2v_w, W_in, b_in, convW0, convb0, bn_g0, bn_b0, convW1, convb1, bn_g1, bn_b1):
    src, dst = edge_index[0], edge_index[1]
    x = jnp.concatenate([id_emb_w, n2v_w], axis=1)
    x = x @ W_in.T + b_in
    for (Wc, bc, g, be) in ((convW0, convb0, bn_g0, bn_b0), (convW1, convb1, bn_g1, bn_b1)):
        x_new = _gcn_conv(x, Wc, bc, src, dst)
        x_new = _bn_eval(x_new, g, be)
        x_new = jax.nn.relu(x_new)
        x = x + x_new  # same shape -> residual
    return x

if __name__ == "__main__":
    import jax
    _d = setup_inputs()
    print(jax.jit(kernel)(*tuple(_d.values())))

</pallas_src>

<mosaic_0001>
#map = affine_map<(d0, d1) -> (0, 0)>
#map1 = affine_map<(d0, d1) -> (0, 0, 0)>
module attributes {stable_mosaic.version = 14 : i64} {
  func.func @_deg_body(%arg0: i32, %arg1: i32, %arg2: memref<2560x128xi32, #tpu.memory_space<hbm>>, %arg3: memref<2x10000x128xf32, #tpu.memory_space<hbm>>, %arg4: memref<10240x128xf32, #tpu.memory_space<vmem_shared>>, %arg5: memref<40x128xi32, #tpu.memory_space<vmem>>, %arg6: memref<128x128xf32, #tpu.memory_space<vmem>>, %arg7: memref<!tpu.dma_semaphore, #tpu.memory_space<semaphore_mem>>) attributes {dimension_semantics = [#tpu.dimension_semantics<core_parallel>, #tpu.dimension_semantics<subcore_parallel>], iteration_bounds = array<i64: 2, 16>, scalar_prefetch = 0 : i64, scratch_operands = 4 : i64, tpu.core_type = #tpu.core_type<sc_vector_subcore>, window_params = [{transform_indices = #map}, {transform_indices = #map1}]} {
    %mul3A = arith.constant 2 : i32
    %mul3A_0 = arith.muli %arg1, %mul3A : i32
    %add3A = arith.addi %mul3A_0, %arg0 : i32
    %scan3A = arith.constant 0 : i32
    %scan3A_1 = arith.constant 128 : i32
    %scan3A_2 = arith.addi %scan3A, %scan3A_1 : i32
    %scan3A_3 = arith.constant 1 : i32
    scf.for %scan3A_50 = %scan3A to %scan3A_2 step %scan3A_3  : i32 {
      %mul3A_51 = arith.constant 1 : i32
      %mul3A_52 = arith.muli %scan3A_50, %mul3A_51 : i32
      %add3A_53 = arith.constant 0 : i32
      %add3A_54 = arith.addi %add3A_53, %mul3A_52 : i32
      %broadcast_in_dim3A = arith.constant 0.000000e+00 : f32
      %broadcast_in_dim3A_55 = vector.broadcast %broadcast_in_dim3A : f32 to vector<16xf32>
      %swap3A = arith.index_cast %add3A_54 : i32 to index
      %swap3A_56 = arith.constant 0 : index
      %swap3A_57 = tpu.vector_load %arg6[%swap3A, %swap3A_56] {strides = array<i32>} : memref<128x128xf32, #tpu.memory_space<vmem>>, vector<1x16xf32>,
      %swap3A_58 = vector.shape_cast %swap3A_57 : vector<1x16xf32> to vector<16xf32>
      %swap3A_59 = vector.shape_cast %broadcast_in_dim3A_55 : vector<16xf32> to vector<1x16xf32>
      tpu.vector_store %arg6[%swap3A, %swap3A_56], %swap3A_59 {strides = array<i32>} : memref<128x128xf32, #tpu.memory_space<vmem>>, vector<1x16xf32>,
      %broadcast_in_dim3A_60 = arith.constant 0.000000e+00 : f32
      %broadcast_in_dim3A_61 = vector.broadcast %broadcast_in_dim3A_60 : f32 to vector<16xf32>
      %swap3A_62 = arith.index_cast %add3A_54 : i32 to index
      %swap3A_63 = arith.constant 16 : index
      %swap3A_64 = tpu.vector_load %arg6[%swap3A_62, %swap3A_63] {strides = array<i32>} : memref<128x128xf32, #tpu.memory_space<vmem>>, vector<1x16xf32>,
      %swap3A_65 = vector.shape_cast %swap3A_64 : vector<1x16xf32> to vector<16xf32>
      %swap3A_66 = vector.shape_cast %broadcast_in_dim3A_61 : vector<16xf32> to vector<1x16xf32>
      tpu.vector_store %arg6[%swap3A_62, %swap3A_63], %swap3A_66 {strides = array<i32>} : memref<128x128xf32, #tpu.memory_space<vmem>>, vector<1x16xf32>,
      %broadcast_in_dim3A_67 = arith.constant 0.000000e+00 : f32
      %broadcast_in_dim3A_68 = vector.broadcast %broadcast_in_dim3A_67 : f32 to vector<16xf32>
      %swap3A_69 = arith.index_cast %add3A_54 : i32 to index
      %swap3A_70 = arith.constant 32 : index
      %swap3A_71 = tpu.vector_load %arg6[%swap3A_69, %swap3A_70] {strides = array<i32>} : memref<128x128xf32, #tpu.memory_space<vmem>>, vector<1x16xf32>,
      %swap3A_72 = vector.shape_cast %swap3A_71 : vector<1x16xf32> to vector<16xf32>
      %swap3A_73 = vector.shape_cast %broadcast_in_dim3A_68 : vector<16xf32> to vector<1x16xf32>
      tpu.vector_store %arg6[%swap3A_69, %swap3A_70], %swap3A_73 {strides = array<i32>} : memref<128x128xf32, #tpu.memory_space<vmem>>, vector<1x16xf32>,
      %broadcast_in_dim3A_74 = arith.constant 0.000000e+00 : f32
      %broadcast_in_dim3A_75 = vector.broadcast %broadcast_in_dim3A_74 : f32 to vector<16xf32>
      %swap3A_76 = arith.index_cast %add3A_54 : i32 to index
      %swap3A_77 = arith.constant 48 : index
      %swap3A_78 = tpu.vector_load %arg6[%swap3A_76, %swap3A_77] {strides = array<i32>} : memref<128x128xf32, #tpu.memory_space<vmem>>, vector<1x16xf32>,
      %swap3A_79 = vector.shape_cast %swap3A_78 : vector<1x16xf32> to vector<16xf32>
      %swap3A_80 = vector.shape_cast %broadcast_in_dim3A_75 : vector<16xf32> to vector<1x16xf32>
      tpu.vector_store %arg6[%swap3A_76, %swap3A_77], %swap3A_80 {strides = array<i32>} : memref<128x128xf32, #tpu.memory_space<vmem>>, vector<1x16xf32>,
      %broadcast_in_dim3A_81 = arith.constant 0.000000e+00 : f32
      %broadcast_in_dim3A_82 = vector.broadcast %broadcast_in_dim3A_81 : f32 to vector<16xf32>
      %swap3A_83 = arith.index_cast %add3A_54 : i32 to index
      %swap3A_84 = arith.constant 64 : index
      %swap3A_85 = tpu.vector_load %arg6[%swap3A_83, %swap3A_84] {strides = array<i32>} : memref<128x128xf32, #tpu.memory_space<vmem>>, vector<1x16xf32>,
      %swap3A_86 = vector.shape_cast %swap3A_85 : vector<1x16xf32> to vector<16xf32>
      %swap3A_87 = vector.shape_cast %broadcast_in_dim3A_82 : vector<16xf32> to vector<1x16xf32>
      tpu.vector_store %arg6[%swap3A_83, %swap3A_84], %swap3A_87 {strides = array<i32>} : memref<128x128xf32, #tpu.memory_space<vmem>>, vector<1x16xf32>,
      %broadcast_in_dim3A_88 = arith.constant 0.000000e+00 : f32
      %broadcast_in_dim3A_89 = vector.broadcast %broadcast_in_dim3A_88 : f32 to vector<16xf32>
      %swap3A_90 = arith.index_cast %add3A_54 : i32 to index
      %swap3A_91 = arith.constant 80 : index
      %swap3A_92 = tpu.vector_load %arg6[%swap3A_90, %swap3A_91] {strides = array<i32>} : memref<128x128xf32, #tpu.memory_space<vmem>>, vector<1x16xf32>,
      %swap3A_93 = vector.shape_cast %swap3A_92 : vector<1x16xf32> to vector<16xf32>
      %swap3A_94 = vector.shape_cast %broadcast_in_dim3A_89 : vector<16xf32> to vector<1x16xf32>
      tpu.vector_store %arg6[%swap3A_90, %swap3A_91], %swap3A_94 {strides = array<i32>} : memref<128x128xf32, #tpu.memory_space<vmem>>, vector<1x16xf32>,
      %broadcast_in_dim3A_95 = arith.constant 0.000000e+00 : f32
      %broadcast_in_dim3A_96 = vector.broadcast %broadcast_in_dim3A_95 : f32 to vector<16xf32>
      %swap3A_97 = arith.index_cast %add3A_54 : i32 to index
      %swap3A_98 = arith.constant 96 : index
      %swap3A_99 = tpu.vector_load %arg6[%swap3A_97, %swap3A_98] {strides = array<i32>} : memref<128x128xf32, #tpu.memory_space<vmem>>, vector<1x16xf32>,
      %swap3A_100 = vector.shape_cast %swap3A_99 : vector<1x16xf32> to vector<16xf32>
      %swap3A_101 = vector.shape_cast %broadcast_in_dim3A_96 : vector<16xf32> to vector<1x16xf32>
      tpu.vector_store %arg6[%swap3A_97, %swap3A_98], %swap3A_101 {strides = array<i32>} : memref<128x128xf32, #tpu.memory_space<vmem>>, vector<1x16xf32>,
      %broadcast_in_dim3A_102 = arith.constant 0.000000e+00 : f32
      %broadcast_in_dim3A_103 = vector.broadcast %broadcast_in_dim3A_102 : f32 to vector<16xf32>
      %swap3A_104 = arith.index_cast %add3A_54 : i32 to index
      %swap3A_105 = arith.constant 112 : index
      %swap3A_106 = tpu.vector_load %arg6[%swap3A_104, %swap3A_105] {strides = array<i32>} : memref<128x128xf32, #tpu.memory_space<vmem>>, vector<1x16xf32>,
      %swap3A_107 = vector.shape_cast %swap3A_106 : vector<1x16xf32> to vector<16xf32>
      %swap3A_108 = vector.shape_cast %broadcast_in_dim3A_103 : vector<16xf32> to vector<1x16xf32>
      tpu.vector_store %arg6[%swap3A_104, %swap3A_105], %swap3A_108 {strides = array<i32>} : memref<128x128xf32, #tpu.memory_space<vmem>>, vector<1x16xf32>,
    }
    %scan3A_4 = arith.constant 128 : i32
    %scan3A_5 = arith.constant 0 : i32
    %scan3A_6 = arith.constant 5 : i32
    %scan3A_7 = arith.addi %scan3A_5, %scan3A_6 : i32
    %scan3A_8 = arith.constant 1 : i32
    scf.for %scan3A_50 = %scan3A_5 to %scan3A_7 step %scan3A_8  : i32 {
      %mul3A_51 = arith.constant 1 : i32
      %mul3A_52 = arith.muli %scan3A_50, %mul3A_51 : i32
      %add3A_53 = arith.constant 0 : i32
      %add3A_54 = arith.addi %add3A_53, %mul3A_52 : i32
      %mul3A_55 = arith.constant 640 : i32
      %mul3A_56 = arith.muli %arg1, %mul3A_55 : i32
      %mul3A_57 = arith.constant 128 : i32
      %mul3A_58 = arith.muli %add3A_54, %mul3A_57 : i32
      %add3A_59 = arith.addi %mul3A_56, %mul3A_58 : i32
      "tpu.region"() ({
        %run_scoped3A = tpu.sem_alloc : memref<!tpu.dma_semaphore, #tpu.memory_space<semaphore_mem>>
        %dma_start3A = arith.constant 0 : i32
        %dma_start3A_60 = tpu.memref_slice %arg4[%add3A_59, %dma_start3A] : memref<10240x128xf32, #tpu.memory_space<vmem_shared>> -> memref<128x128xf32, #tpu.memory_space<vmem_shared>>
        %dma_start3A_61 = arith.constant 0 : i32
        %dma_start3A_62 = tpu.memref_slice %arg4[%add3A_59, %dma_start3A_61] : memref<10240x128xf32, #tpu.memory_space<vmem_shared>> -> memref<128x128xf32, #tpu.memory_space<vmem_shared>>
        tpu.enqueue_dma source(%arg6 : memref<128x128xf32, #tpu.memory_space<vmem>>) target(%dma_start3A_62 : memref<128x128xf32, #tpu.memory_space<vmem_shared>>) target_semaphore(%run_scoped3A : memref<!tpu.dma_semaphore, #tpu.memory_space<semaphore_mem>>)
        %dma_wait3A = arith.constant 0 : i32
        %dma_wait3A_63 = tpu.memref_slice %arg4[%add3A_59, %dma_wait3A] : memref<10240x128xf32, #tpu.memory_space<vmem_shared>> -> memref<128x128xf32, #tpu.memory_space<vmem_shared>>
        %dma_wait3A_64 = arith.constant 0 : i32
        %dma_wait3A_65 = tpu.memref_slice %arg4[%add3A_59, %dma_wait3A_64] : memref<10240x128xf32, #tpu.memory_space<vmem_shared>> -> memref<128x128xf32, #tpu.memory_space<vmem_shared>>
        tpu.wait_dma2 semaphore(%run_scoped3A : memref<!tpu.dma_semaphore, #tpu.memory_space<semaphore_mem>>) src(%arg6 : memref<128x128xf32, #tpu.memory_space<vmem>>) dst(%dma_wait3A_65 : memref<128x128xf32, #tpu.memory_space<vmem_shared>>)
        tpu.yield
      }) : () -> ()
    }
    %scan3A_9 = arith.constant 5 : i32
    %scan3A_10 = arith.constant 0 : i32
    %scan3A_11 = arith.constant 128 : i32
    %scan3A_12 = arith.addi %scan3A_10, %scan3A_11 : i32
    %scan3A_13 = arith.constant 1 : i32
    scf.for %scan3A_50 = %scan3A_10 to %scan3A_12 step %scan3A_13  : i32 {
      %mul3A_51 = arith.constant 1 : i32
      %mul3A_52 = arith.muli %scan3A_50, %mul3A_51 : i32
      %add3A_53 = arith.constant 0 : i32
      %add3A_54 = arith.addi %add3A_53, %mul3A_52 : i32
      %broadcast_in_dim3A = arith.constant 1.000000e+00 : f32
      %broadcast_in_dim3A_55 = vector.broadcast %broadcast_in_dim3A : f32 to vector<16xf32>
      %swap3A = arith.index_cast %add3A_54 : i32 to index
      %swap3A_56 = arith.constant 0 : index
      %swap3A_57 = tpu.vector_load %arg6[%swap3A, %swap3A_56] {strides = array<i32>} : memref<128x128xf32, #tpu.memory_space<vmem>>, vector<1x16xf32>,
      %swap3A_58 = vector.shape_cast %swap3A_57 : vector<1x16xf32> to vector<16xf32>
      %swap3A_59 = vector.shape_cast %broadcast_in_dim3A_55 : vector<16xf32> to vector<1x16xf32>
      tpu.vector_store %arg6[%swap3A, %swap3A_56], %swap3A_59 {strides = array<i32>} : memref<128x128xf32, #tpu.memory_space<vmem>>, vector<1x16xf32>,
      %broadcast_in_dim3A_60 = arith.constant 1.000000e+00 : f32
      %broadcast_in_dim3A_61 = vector.broadcast %broadcast_in_dim3A_60 : f32 to vector<16xf32>
      %swap3A_62 = arith.index_cast %add3A_54 : i32 to index
      %swap3A_63 = arith.constant 16 : index
      %swap3A_64 = tpu.vector_load %arg6[%swap3A_62, %swap3A_63] {strides = array<i32>} : memref<128x128xf32, #tpu.memory_space<vmem>>, vector<1x16xf32>,
      %swap3A_65 = vector.shape_cast %swap3A_64 : vector<1x16xf32> to vector<16xf32>
      %swap3A_66 = vector.shape_cast %broadcast_in_dim3A_61 : vector<16xf32> to vector<1x16xf32>
      tpu.vector_store %arg6[%swap3A_62, %swap3A_63], %swap3A_66 {strides = array<i32>} : memref<128x128xf32, #tpu.memory_space<vmem>>, vector<1x16xf32>,
      %broadcast_in_dim3A_67 = arith.constant 1.000000e+00 : f32
      %broadcast_in_dim3A_68 = vector.broadcast %broadcast_in_dim3A_67 : f32 to vector<16xf32>
      %swap3A_69 = arith.index_cast %add3A_54 : i32 to index
      %swap3A_70 = arith.constant 32 : index
      %swap3A_71 = tpu.vector_load %arg6[%swap3A_69, %swap3A_70] {strides = array<i32>} : memref<128x128xf32, #tpu.memory_space<vmem>>, vector<1x16xf32>,
      %swap3A_72 = vector.shape_cast %swap3A_71 : vector<1x16xf32> to vector<16xf32>
      %swap3A_73 = vector.shape_cast %broadcast_in_dim3A_68 : vector<16xf32> to vector<1x16xf32>
      tpu.vector_store %arg6[%swap3A_69, %swap3A_70], %swap3A_73 {strides = array<i32>} : memref<128x128xf32, #tpu.memory_space<vmem>>, vector<1x16xf32>,
      %broadcast_in_dim3A_74 = arith.constant 1.000000e+00 : f32
      %broadcast_in_dim3A_75 = vector.broadcast %broadcast_in_dim3A_74 : f32 to vector<16xf32>
      %swap3A_76 = arith.index_cast %add3A_54 : i32 to index
      %swap3A_77 = arith.constant 48 : index
      %swap3A_78 = tpu.vector_load %arg6[%swap3A_76, %swap3A_77] {strides = array<i32>} : memref<128x128xf32, #tpu.memory_space<vmem>>, vector<1x16xf32>,
      %swap3A_79 = vector.shape_cast %swap3A_78 : vector<1x16xf32> to vector<16xf32>
      %swap3A_80 = vector.shape_cast %broadcast_in_dim3A_75 : vector<16xf32> to vector<1x16xf32>
      tpu.vector_store %arg6[%swap3A_76, %swap3A_77], %swap3A_80 {strides = array<i32>} : memref<128x128xf32, #tpu.memory_space<vmem>>, vector<1x16xf32>,
      %broadcast_in_dim3A_81 = arith.constant 1.000000e+00 : f32
      %broadcast_in_dim3A_82 = vector.broadcast %broadcast_in_dim3A_81 : f32 to vector<16xf32>
      %swap3A_83 = arith.index_cast %add3A_54 : i32 to index
      %swap3A_84 = arith.constant 64 : index
      %swap3A_85 = tpu.vector_load %arg6[%swap3A_83, %swap3A_84] {strides = array<i32>} : memref<128x128xf32, #tpu.memory_space<vmem>>, vector<1x16xf32>,
      %swap3A_86 = vector.shape_cast %swap3A_85 : vector<1x16xf32> to vector<16xf32>
      %swap3A_87 = vector.shape_cast %broadcast_in_dim3A_82 : vector<16xf32> to vector<1x16xf32>
      tpu.vector_store %arg6[%swap3A_83, %swap3A_84], %swap3A_87 {strides = array<i32>} : memref<128x128xf32, #tpu.memory_space<vmem>>, vector<1x16xf32>,
      %broadcast_in_dim3A_88 = arith.constant 1.000000e+00 : f32
      %broadcast_in_dim3A_89 = vector.broadcast %broadcast_in_dim3A_88 : f32 to vector<16xf32>
      %swap3A_90 = arith.index_cast %add3A_54 : i32 to index
      %swap3A_91 = arith.constant 80 : index
      %swap3A_92 = tpu.vector_load %arg6[%swap3A_90, %swap3A_91] {strides = array<i32>} : memref<128x128xf32, #tpu.memory_space<vmem>>, vector<1x16xf32>,
      %swap3A_93 = vector.shape_cast %swap3A_92 : vector<1x16xf32> to vector<16xf32>
      %swap3A_94 = vector.shape_cast %broadcast_in_dim3A_89 : vector<16xf32> to vector<1x16xf32>
      tpu.vector_store %arg6[%swap3A_90, %swap3A_91], %swap3A_94 {strides = array<i32>} : memref<128x128xf32, #tpu.memory_space<vmem>>, vector<1x16xf32>,
      %broadcast_in_dim3A_95 = arith.constant 1.000000e+00 : f32
      %broadcast_in_dim3A_96 = vector.broadcast %broadcast_in_dim3A_95 : f32 to vector<16xf32>
      %swap3A_97 = arith.index_cast %add3A_54 : i32 to index
      %swap3A_98 = arith.constant 96 : index
      %swap3A_99 = tpu.vector_load %arg6[%swap3A_97, %swap3A_98] {strides = array<i32>} : memref<128x128xf32, #tpu.memory_space<vmem>>, vector<1x16xf32>,
      %swap3A_100 = vector.shape_cast %swap3A_99 : vector<1x16xf32> to vector<16xf32>
      %swap3A_101 = vector.shape_cast %broadcast_in_dim3A_96 : vector<16xf32> to vector<1x16xf32>
      tpu.vector_store %arg6[%swap3A_97, %swap3A_98], %swap3A_101 {strides = array<i32>} : memref<128x128xf32, #tpu.memory_space<vmem>>, vector<1x16xf32>,
      %broadcast_in_dim3A_102 = arith.constant 1.000000e+00 : f32
      %broadcast_in_dim3A_103 = vector.broadcast %broadcast_in_dim3A_102 : f32 to vector<16xf32>
      %swap3A_104 = arith.index_cast %add3A_54 : i32 to index
      %swap3A_105 = arith.constant 112 : index
      %swap3A_106 = tpu.vector_load %arg6[%swap3A_104, %swap3A_105] {strides = array<i32>} : memref<128x128xf32, #tpu.memory_space<vmem>>, vector<1x16xf32>,
      %swap3A_107 = vector.shape_cast %swap3A_106 : vector<1x16xf32> to vector<16xf32>
      %swap3A_108 = vector.shape_cast %broadcast_in_dim3A_103 : vector<16xf32> to vector<1x16xf32>
      tpu.vector_store %arg6[%swap3A_104, %swap3A_105], %swap3A_108 {strides = array<i32>} : memref<128x128xf32, #tpu.memory_space<vmem>>, vector<1x16xf32>,
    }
    %scan3A_14 = arith.constant 128 : i32
    %barrier3A = arith.constant 0 : index
    tpu.barrier barrier_id(%barrier3A)
    %mul3A_15 = arith.constant 80 : i32
    %mul3A_16 = arith.muli %add3A, %mul3A_15 : i32
    %add3A_17 = arith.constant 0 : i32
    %add3A_18 = arith.addi %mul3A_16, %add3A_17 : i32
    "tpu.region"() ({
      %run_scoped3A = tpu.sem_alloc : memref<!tpu.dma_semaphore, #tpu.memory_space<semaphore_mem>>
      %dma_start3A = arith.constant 0 : i32
      %dma_start3A_50 = tpu.memref_slice %arg2[%add3A_18, %dma_start3A] : memref<2560x128xi32, #tpu.memory_space<hbm>> -> memref<40x128xi32, #tpu.memory_space<hbm>>
      %dma_start3A_51 = arith.constant 0 : i32
      %dma_start3A_52 = tpu.memref_slice %arg2[%add3A_18, %dma_start3A_51] : memref<2560x128xi32, #tpu.memory_space<hbm>> -> memref<40x128xi32, #tpu.memory_space<hbm>>
      tpu.enqueue_dma source(%dma_start3A_52 : memref<40x128xi32, #tpu.memory_space<hbm>>) target(%arg5 : memref<40x128xi32, #tpu.memory_space<vmem>>) target_semaphore(%run_scoped3A : memref<!tpu.dma_semaphore, #tpu.memory_space<semaphore_mem>>)
      %dma_wait3A = arith.constant 0 : i32
      %dma_wait3A_53 = tpu.memref_slice %arg2[%add3A_18, %dma_wait3A] : memref<2560x128xi32, #tpu.memory_space<hbm>> -> memref<40x128xi32, #tpu.memory_space<hbm>>
      %dma_wait3A_54 = arith.constant 0 : i32
      %dma_wait3A_55 = tpu.memref_slice %arg2[%add3A_18, %dma_wait3A_54] : memref<2560x128xi32, #tpu.memory_space<hbm>> -> memref<40x128xi32, #tpu.memory_space<hbm>>
      tpu.wait_dma2 semaphore(%run_scoped3A : memref<!tpu.dma_semaphore, #tpu.memory_space<semaphore_mem>>) src(%dma_wait3A_55 : memref<40x128xi32, #tpu.memory_space<hbm>>) dst(%arg5 : memref<40x128xi32, #tpu.memory_space<vmem>>)
      tpu.yield
    }) : () -> ()
    %scan3A_19 = arith.constant 0 : i32
    %scan3A_20 = arith.constant 40 : i32
    %scan3A_21 = arith.addi %scan3A_19, %scan3A_20 : i32
    %scan3A_22 = arith.constant 1 : i32
    scf.for %scan3A_50 = %scan3A_19 to %scan3A_21 step %scan3A_22  : i32 {
      %mul3A_51 = arith.constant 1 : i32
      %mul3A_52 = arith.muli %scan3A_50, %mul3A_51 : i32
      %add3A_53 = arith.constant 0 : i32
      %add3A_54 = arith.addi %add3A_53, %mul3A_52 : i32
      %dma_start3A = arith.constant 0 : i32
      %dma_start3A_55 = tpu.memref_slice %arg5[%add3A_54, %dma_start3A] : memref<40x128xi32, #tpu.memory_space<vmem>> -> memref<1x128xi32, #tpu.memory_space<vmem>>
      %dma_start3A_56 = tpu.memref_squeeze %dma_start3A_55 : memref<1x128xi32, #tpu.memory_space<vmem>> -> memref<128xi32, #tpu.memory_space<vmem>>
      %dma_start3A_57 = arith.constant 0 : i32
      %dma_start3A_58 = arith.constant 0 : i32
      %dma_start3A_59 = tpu.memref_slice %arg4[%dma_start3A_57, %dma_start3A_58] : memref<10240x128xf32, #tpu.memory_space<vmem_shared>> -> memref<10240x128xf32, #tpu.memory_space<vmem_shared>>
      tpu.enqueue_indirect_dma source(%arg6 : memref<128x128xf32, #tpu.memory_space<vmem>>) target(%dma_start3A_59 : memref<10240x128xf32, #tpu.memory_space<vmem_shared>>) offsets(%dma_start3A_56 : memref<128xi32, #tpu.memory_space<vmem>>) semaphore(%arg7 : memref<!tpu.dma_semaphore, #tpu.memory_space<semaphore_mem>>) {add = true}
      %ge3A = arith.constant 8 : i32
      %ge3A_60 = arith.cmpi sge, %add3A_54, %ge3A : i32
      %convert_element_type3A_61 = arith.extui %ge3A_60 : i1 to i32
      %cond3A_62 = arith.constant 0 : i32
      %cond3A_63 = arith.cmpi ne, %convert_element_type3A_61, %cond3A_62 : i32
      scf.if %cond3A_63 {
        %dma_wait3A = arith.constant 0 : i32
        %dma_wait3A_64 = arith.constant 0 : i32
        %dma_wait3A_65 = tpu.memref_slice %arg5[%dma_wait3A, %dma_wait3A_64] : memref<40x128xi32, #tpu.memory_space<vmem>> -> memref<1x128xi32, #tpu.memory_space<vmem>>
        %dma_wait3A_66 = tpu.memref_squeeze %dma_wait3A_65 : memref<1x128xi32, #tpu.memory_space<vmem>> -> memref<128xi32, #tpu.memory_space<vmem>>
        %dma_wait3A_67 = arith.constant 0 : i32
        %dma_wait3A_68 = arith.constant 0 : i32
        %dma_wait3A_69 = tpu.memref_slice %arg4[%dma_wait3A_67, %dma_wait3A_68] : memref<10240x128xf32, #tpu.memory_space<vmem_shared>> -> memref<10240x128xf32, #tpu.memory_space<vmem_shared>>
        tpu.wait_indirect_dma semaphore(%arg7 : memref<!tpu.dma_semaphore, #tpu.memory_space<semaphore_mem>>) src(%arg6 : memref<128x128xf32, #tpu.memory_space<vmem>>) dst(%dma_wait3A_69 : memref<10240x128xf32, #tpu.memory_space<vmem_shared>>)
      } else {
      }
    }
    %scan3A_23 = arith.constant 40 : i32
    %scan3A_24 = arith.constant 0 : i32
    %scan3A_25 = arith.constant 8 : i32
    %scan3A_26 = arith.addi %scan3A_24, %scan3A_25 : i32
    %scan3A_27 = arith.constant 1 : i32
    scf.for %scan3A_50 = %scan3A_24 to %scan3A_26 step %scan3A_27  : i32 {
      %mul3A_51 = arith.constant 1 : i32
      %mul3A_52 = arith.muli %scan3A_50, %mul3A_51 : i32
      %add3A_53 = arith.constant 0 : i32
      %add3A_54 = arith.addi %add3A_53, %mul3A_52 : i32
      %dma_wait3A = arith.constant 0 : i32
      %dma_wait3A_55 = arith.constant 0 : i32
      %dma_wait3A_56 = tpu.memref_slice %arg5[%dma_wait3A, %dma_wait3A_55] : memref<40x128xi32, #tpu.memory_space<vmem>> -> memref<1x128xi32, #tpu.memory_space<vmem>>
      %dma_wait3A_57 = tpu.memref_squeeze %dma_wait3A_56 : memref<1x128xi32, #tpu.memory_space<vmem>> -> memref<128xi32, #tpu.memory_space<vmem>>
      %dma_wait3A_58 = arith.constant 0 : i32
      %dma_wait3A_59 = arith.constant 0 : i32
      %dma_wait3A_60 = tpu.memref_slice %arg4[%dma_wait3A_58, %dma_wait3A_59] : memref<10240x128xf32, #tpu.memory_space<vmem_shared>> -> memref<10240x128xf32, #tpu.memory_space<vmem_shared>>
      tpu.wait_indirect_dma semaphore(%arg7 : memref<!tpu.dma_semaphore, #tpu.memory_space<semaphore_mem>>) src(%arg6 : memref<128x128xf32, #tpu.memory_space<vmem>>) dst(%dma_wait3A_60 : memref<10240x128xf32, #tpu.memory_space<vmem_shared>>)
    }
    %scan3A_28 = arith.constant 8 : i32
    %mul3A_29 = arith.constant 80 : i32
    %mul3A_30 = arith.muli %add3A, %mul3A_29 : i32
    %add3A_31 = arith.constant 40 : i32
    %add3A_32 = arith.addi %mul3A_30, %add3A_31 : i32
    "tpu.region"() ({
      %run_scoped3A = tpu.sem_alloc : memref<!tpu.dma_semaphore, #tpu.memory_space<semaphore_mem>>
      %dma_start3A = arith.constant 0 : i32
      %dma_start3A_50 = tpu.memref_slice %arg2[%add3A_32, %dma_start3A] : memref<2560x128xi32, #tpu.memory_space<hbm>> -> memref<40x128xi32, #tpu.memory_space<hbm>>
      %dma_start3A_51 = arith.constant 0 : i32
      %dma_start3A_52 = tpu.memref_slice %arg2[%add3A_32, %dma_start3A_51] : memref<2560x128xi32, #tpu.memory_space<hbm>> -> memref<40x128xi32, #tpu.memory_space<hbm>>
      tpu.enqueue_dma source(%dma_start3A_52 : memref<40x128xi32, #tpu.memory_space<hbm>>) target(%arg5 : memref<40x128xi32, #tpu.memory_space<vmem>>) target_semaphore(%run_scoped3A : memref<!tpu.dma_semaphore, #tpu.memory_space<semaphore_mem>>)
      %dma_wait3A = arith.constant 0 : i32
      %dma_wait3A_53 = tpu.memref_slice %arg2[%add3A_32, %dma_wait3A] : memref<2560x128xi32, #tpu.memory_space<hbm>> -> memref<40x128xi32, #tpu.memory_space<hbm>>
      %dma_wait3A_54 = arith.constant 0 : i32
      %dma_wait3A_55 = tpu.memref_slice %arg2[%add3A_32, %dma_wait3A_54] : memref<2560x128xi32, #tpu.memory_space<hbm>> -> memref<40x128xi32, #tpu.memory_space<hbm>>
      tpu.wait_dma2 semaphore(%run_scoped3A : memref<!tpu.dma_semaphore, #tpu.memory_space<semaphore_mem>>) src(%dma_wait3A_55 : memref<40x128xi32, #tpu.memory_space<hbm>>) dst(%arg5 : memref<40x128xi32, #tpu.memory_space<vmem>>)
      tpu.yield
    }) : () -> ()
    %scan3A_33 = arith.constant 0 : i32
    %scan3A_34 = arith.constant 40 : i32
    %scan3A_35 = arith.addi %scan3A_33, %scan3A_34 : i32
    %scan3A_36 = arith.constant 1 : i32
    scf.for %scan3A_50 = %scan3A_33 to %scan3A_35 step %scan3A_36  : i32 {
      %mul3A_51 = arith.constant 1 : i32
      %mul3A_52 = arith.muli %scan3A_50, %mul3A_51 : i32
      %add3A_53 = arith.constant 0 : i32
      %add3A_54 = arith.addi %add3A_53, %mul3A_52 : i32
      %dma_start3A = arith.constant 0 : i32
      %dma_start3A_55 = tpu.memref_slice %arg5[%add3A_54, %dma_start3A] : memref<40x128xi32, #tpu.memory_space<vmem>> -> memref<1x128xi32, #tpu.memory_space<vmem>>
      %dma_start3A_56 = tpu.memref_squeeze %dma_start3A_55 : memref<1x128xi32, #tpu.memory_space<vmem>> -> memref<128xi32, #tpu.memory_space<vmem>>
      %dma_start3A_57 = arith.constant 0 : i32
      %dma_start3A_58 = arith.constant 0 : i32
      %dma_start3A_59 = tpu.memref_slice %arg4[%dma_start3A_57, %dma_start3A_58] : memref<10240x128xf32, #tpu.memory_space<vmem_shared>> -> memref<10240x128xf32, #tpu.memory_space<vmem_shared>>
      tpu.enqueue_indirect_dma source(%arg6 : memref<128x128xf32, #tpu.memory_space<vmem>>) target(%dma_start3A_59 : memref<10240x128xf32, #tpu.memory_space<vmem_shared>>) offsets(%dma_start3A_56 : memref<128xi32, #tpu.memory_space<vmem>>) semaphore(%arg7 : memref<!tpu.dma_semaphore, #tpu.memory_space<semaphore_mem>>) {add = true}
      %ge3A = arith.constant 8 : i32
      %ge3A_60 = arith.cmpi sge, %add3A_54, %ge3A : i32
      %convert_element_type3A_61 = arith.extui %ge3A_60 : i1 to i32
      %cond3A_62 = arith.constant 0 : i32
      %cond3A_63 = arith.cmpi ne, %convert_element_type3A_61, %cond3A_62 : i32
      scf.if %cond3A_63 {
        %dma_wait3A = arith.constant 0 : i32
        %dma_wait3A_64 = arith.constant 0 : i32
        %dma_wait3A_65 = tpu.memref_slice %arg5[%dma_wait3A, %dma_wait3A_64] : memref<40x128xi32, #tpu.memory_space<vmem>> -> memref<1x128xi32, #tpu.memory_space<vmem>>
        %dma_wait3A_66 = tpu.memref_squeeze %dma_wait3A_65 : memref<1x128xi32, #tpu.memory_space<vmem>> -> memref<128xi32, #tpu.memory_space<vmem>>
        %dma_wait3A_67 = arith.constant 0 : i32
        %dma_wait3A_68 = arith.constant 0 : i32
        %dma_wait3A_69 = tpu.memref_slice %arg4[%dma_wait3A_67, %dma_wait3A_68] : memref<10240x128xf32, #tpu.memory_space<vmem_shared>> -> memref<10240x128xf32, #tpu.memory_space<vmem_shared>>
        tpu.wait_indirect_dma semaphore(%arg7 : memref<!tpu.dma_semaphore, #tpu.memory_space<semaphore_mem>>) src(%arg6 : memref<128x128xf32, #tpu.memory_space<vmem>>) dst(%dma_wait3A_69 : memref<10240x128xf32, #tpu.memory_space<vmem_shared>>)
      } else {
      }
    }
    %scan3A_37 = arith.constant 40 : i32
    %scan3A_38 = arith.constant 0 : i32
    %scan3A_39 = arith.constant 8 : i32
    %scan3A_40 = arith.addi %scan3A_38, %scan3A_39 : i32
    %scan3A_41 = arith.constant 1 : i32
    scf.for %scan3A_50 = %scan3A_38 to %scan3A_40 step %scan3A_41  : i32 {
      %mul3A_51 = arith.constant 1 : i32
      %mul3A_52 = arith.muli %scan3A_50, %mul3A_51 : i32
      %add3A_53 = arith.constant 0 : i32
      %add3A_54 = arith.addi %add3A_53, %mul3A_52 : i32
      %dma_wait3A = arith.constant 0 : i32
      %dma_wait3A_55 = arith.constant 0 : i32
      %dma_wait3A_56 = tpu.memref_slice %arg5[%dma_wait3A, %dma_wait3A_55] : memref<40x128xi32, #tpu.memory_space<vmem>> -> memref<1x128xi32, #tpu.memory_space<vmem>>
      %dma_wait3A_57 = tpu.memref_squeeze %dma_wait3A_56 : memref<1x128xi32, #tpu.memory_space<vmem>> -> memref<128xi32, #tpu.memory_space<vmem>>
      %dma_wait3A_58 = arith.constant 0 : i32
      %dma_wait3A_59 = arith.constant 0 : i32
      %dma_wait3A_60 = tpu.memref_slice %arg4[%dma_wait3A_58, %dma_wait3A_59] : memref<10240x128xf32, #tpu.memory_space<vmem_shared>> -> memref<10240x128xf32, #tpu.memory_space<vmem_shared>>
      tpu.wait_indirect_dma semaphore(%arg7 : memref<!tpu.dma_semaphore, #tpu.memory_space<semaphore_mem>>) src(%arg6 : memref<128x128xf32, #tpu.memory_space<vmem>>) dst(%dma_wait3A_60 : memref<10240x128xf32, #tpu.memory_space<vmem_shared>>)
    }
    %scan3A_42 = arith.constant 8 : i32
    %barrier3A_43 = arith.constant 0 : index
    tpu.barrier barrier_id(%barrier3A_43)
    %lt3A = arith.constant 15 : i32
    %lt3A_44 = arith.cmpi slt, %arg1, %lt3A : i32
    %convert_element_type3A = arith.extui %lt3A_44 : i1 to i32
    %cond3A = arith.constant 0 : i32
    %cond3A_45 = arith.cmpi ne, %convert_element_type3A, %cond3A : i32
    scf.if %cond3A_45 {
      %mul3A_50 = arith.constant 640 : i32
      %mul3A_51 = arith.muli %arg1, %mul3A_50 : i32
      %mul3A_52 = arith.constant 640 : i32
      %mul3A_53 = arith.muli %arg1, %mul3A_52 : i32
      "tpu.region"() ({
        %run_scoped3A = tpu.sem_alloc : memref<!tpu.dma_semaphore, #tpu.memory_space<semaphore_mem>>
        %dma_start3A = arith.constant 0 : i32
        %dma_start3A_54 = tpu.memref_slice %arg3[%arg0, %mul3A_53, %dma_start3A] : memref<2x10000x128xf32, #tpu.memory_space<hbm>> -> memref<1x640x128xf32, #tpu.memory_space<hbm>>
        %dma_start3A_55 = tpu.memref_squeeze %dma_start3A_54 : memref<1x640x128xf32, #tpu.memory_space<hbm>> -> memref<640x128xf32, #tpu.memory_space<hbm>>
        %dma_start3A_56 = arith.constant 0 : i32
        %dma_start3A_57 = tpu.memref_slice %arg4[%mul3A_51, %dma_start3A_56] : memref<10240x128xf32, #tpu.memory_space<vmem_shared>> -> memref<640x128xf32, #tpu.memory_space<vmem_shared>>
        tpu.enqueue_dma source(%dma_start3A_57 : memref<640x128xf32, #tpu.memory_space<vmem_shared>>) target(%dma_start3A_55 : memref<640x128xf32, #tpu.memory_space<hbm>>) target_semaphore(%run_scoped3A : memref<!tpu.dma_semaphore, #tpu.memory_space<semaphore_mem>>)
        %dma_wait3A = arith.constant 0 : i32
        %dma_wait3A_58 = tpu.memref_slice %arg3[%arg0, %mul3A_53, %dma_wait3A] : memref<2x10000x128xf32, #tpu.memory_space<hbm>> -> memref<1x640x128xf32, #tpu.memory_space<hbm>>
        %dma_wait3A_59 = tpu.memref_squeeze %dma_wait3A_58 : memref<1x640x128xf32, #tpu.memory_space<hbm>> -> memref<640x128xf32, #tpu.memory_space<hbm>>
        %dma_wait3A_60 = arith.constant 0 : i32
        %dma_wait3A_61 = tpu.memref_slice %arg4[%mul3A_51, %dma_wait3A_60] : memref<10240x128xf32, #tpu.memory_space<vmem_shared>> -> memref<640x128xf32, #tpu.memory_space<vmem_shared>>
        tpu.wait_dma2 semaphore(%run_scoped3A : memref<!tpu.dma_semaphore, #tpu.memory_space<semaphore_mem>>) src(%dma_wait3A_61 : memref<640x128xf32, #tpu.memory_space<vmem_shared>>) dst(%dma_wait3A_59 : memref<640x128xf32, #tpu.memory_space<hbm>>)
        tpu.yield
      }) : () -> ()
    } else {
    }
    %eq3A = arith.constant 15 : i32
    %eq3A_46 = arith.cmpi eq, %arg1, %eq3A : i32
    %convert_element_type3A_47 = arith.extui %eq3A_46 : i1 to i32
    %cond3A_48 = arith.constant 0 : i32
    %cond3A_49 = arith.cmpi ne, %convert_element_type3A_47, %cond3A_48 : i32
    scf.if %cond3A_49 {
      "tpu.region"() ({
        %run_scoped3A = tpu.sem_alloc : memref<!tpu.dma_semaphore, #tpu.memory_space<semaphore_mem>>
        %dma_start3A = arith.constant 9600 : i32
        %dma_start3A_50 = arith.constant 0 : i32
        %dma_start3A_51 = tpu.memref_slice %arg3[%arg0, %dma_start3A, %dma_start3A_50] : memref<2x10000x128xf32, #tpu.memory_space<hbm>> -> memref<1x400x128xf32, #tpu.memory_space<hbm>>
        %dma_start3A_52 = tpu.memref_squeeze %dma_start3A_51 : memref<1x400x128xf32, #tpu.memory_space<hbm>> -> memref<400x128xf32, #tpu.memory_space<hbm>>
        %dma_start3A_53 = arith.constant 9600 : i32
        %dma_start3A_54 = arith.constant 0 : i32
        %dma_start3A_55 = tpu.memref_slice %arg4[%dma_start3A_53, %dma_start3A_54] : memref<10240x128xf32, #tpu.memory_space<vmem_shared>> -> memref<400x128xf32, #tpu.memory_space<vmem_shared>>
        tpu.enqueue_dma source(%dma_start3A_55 : memref<400x128xf32, #tpu.memory_space<vmem_shared>>) target(%dma_start3A_52 : memref<400x128xf32, #tpu.memory_space<hbm>>) target_semaphore(%run_scoped3A : memref<!tpu.dma_semaphore, #tpu.memory_space<semaphore_mem>>)
        %dma_wait3A = arith.constant 9600 : i32
        %dma_wait3A_56 = arith.constant 0 : i32
        %dma_wait3A_57 = tpu.memref_slice %arg3[%arg0, %dma_wait3A, %dma_wait3A_56] : memref<2x10000x128xf32, #tpu.memory_space<hbm>> -> memref<1x400x128xf32, #tpu.memory_space<hbm>>
        %dma_wait3A_58 = tpu.memref_squeeze %dma_wait3A_57 : memref<1x400x128xf32, #tpu.memory_space<hbm>> -> memref<400x128xf32, #tpu.memory_space<hbm>>
        %dma_wait3A_59 = arith.constant 9600 : i32
        %dma_wait3A_60 = arith.constant 0 : i32
        %dma_wait3A_61 = tpu.memref_slice %arg4[%dma_wait3A_59, %dma_wait3A_60] : memref<10240x128xf32, #tpu.memory_space<vmem_shared>> -> memref<400x128xf32, #tpu.memory_space<vmem_shared>>
        tpu.wait_dma2 semaphore(%run_scoped3A : memref<!tpu.dma_semaphore, #tpu.memory_space<semaphore_mem>>) src(%dma_wait3A_61 : memref<400x128xf32, #tpu.memory_space<vmem_shared>>) dst(%dma_wait3A_58 : memref<400x128xf32, #tpu.memory_space<hbm>>)
        tpu.yield
      }) : () -> ()
    } else {
    }
    return
  }
}

#map = affine_map<(d0, d1) -> (0, 0)>
#map1 = affine_map<(d0, d1) -> (0, 0, 0)>
module attributes {stable_mosaic.version = 14 : i64} {
  func.func @_agg_body(%arg0: i32, %arg1: i32, %arg2: memref<10000x128xf32, #tpu.memory_space<hbm>>, %arg3: memref<2560x128xi32, #tpu.memory_space<hbm>>, %arg4: memref<2560x128xi32, #tpu.memory_space<hbm>>, %arg5: memref<2x10000x128xf32, #tpu.memory_space<hbm>>, %arg6: memref<10240x128xf32, #tpu.memory_space<vmem_shared>>, %arg7: memref<56x128xi32, #tpu.memory_space<vmem>>, %arg8: memref<56x128xi32, #tpu.memory_space<vmem>>, %arg9: memref<2x128x128xf32, #tpu.memory_space<vmem>>, %arg10: memref<!tpu.dma_semaphore, #tpu.memory_space<semaphore_mem>>, %arg11: memref<!tpu.dma_semaphore, #tpu.memory_space<semaphore_mem>>, %arg12: memref<!tpu.dma_semaphore, #tpu.memory_space<semaphore_mem>>, %arg13: memref<!tpu.dma_semaphore, #tpu.memory_space<semaphore_mem>>, %arg14: memref<!tpu.dma_semaphore, #tpu.memory_space<semaphore_mem>>, %arg15: memref<!tpu.dma_semaphore, #tpu.memory_space<semaphore_mem>>) attributes {dimension_semantics = [#tpu.dimension_semantics<core_parallel>, #tpu.dimension_semantics<subcore_parallel>], iteration_bounds = array<i64: 2, 16>, scalar_prefetch = 0 : i64, scratch_operands = 10 : i64, tpu.core_type = #tpu.core_type<sc_vector_subcore>, window_params = [{transform_indices = #map}, {transform_indices = #map}, {transform_indices = #map}, {transform_indices = #map1}]} {
    %mul3A = arith.constant 2 : i32
    %mul3A_0 = arith.muli %arg1, %mul3A : i32
    %add3A = arith.addi %mul3A_0, %arg0 : i32
    %scan3A = arith.constant 0 : i32
    %scan3A_1 = arith.constant 128 : i32
    %scan3A_2 = arith.addi %scan3A, %scan3A_1 : i32
    %scan3A_3 = arith.constant 1 : i32
    scf.for %scan3A_31 = %scan3A to %scan3A_2 step %scan3A_3  : i32 {
      %mul3A_32 = arith.constant 1 : i32
      %mul3A_33 = arith.muli %scan3A_31, %mul3A_32 : i32
      %add3A_34 = arith.constant 0 : i32
      %add3A_35 = arith.addi %add3A_34, %mul3A_33 : i32
      %broadcast_in_dim3A = arith.constant 0.000000e+00 : f32
      %broadcast_in_dim3A_36 = vector.broadcast %broadcast_in_dim3A : f32 to vector<16xf32>
      %swap3A = arith.constant 0 : i32
      %swap3A_37 = arith.index_cast %swap3A : i32 to index
      %swap3A_38 = arith.index_cast %add3A_35 : i32 to index
      %swap3A_39 = arith.constant 0 : index
      %swap3A_40 = tpu.vector_load %arg9[%swap3A_37, %swap3A_38, %swap3A_39] {strides = array<i32>} : memref<2x128x128xf32, #tpu.memory_space<vmem>>, vector<1x1x16xf32>,
      %swap3A_41 = vector.shape_cast %swap3A_40 : vector<1x1x16xf32> to vector<16xf32>
      %swap3A_42 = vector.shape_cast %broadcast_in_dim3A_36 : vector<16xf32> to vector<1x1x16xf32>
      tpu.vector_store %arg9[%swap3A_37, %swap3A_38, %swap3A_39], %swap3A_42 {strides = array<i32>} : memref<2x128x128xf32, #tpu.memory_space<vmem>>, vector<1x1x16xf32>,
      %broadcast_in_dim3A_43 = arith.constant 0.000000e+00 : f32
      %broadcast_in_dim3A_44 = vector.broadcast %broadcast_in_dim3A_43 : f32 to vector<16xf32>
      %swap3A_45 = arith.constant 0 : i32
      %swap3A_46 = arith.index_cast %swap3A_45 : i32 to index
      %swap3A_47 = arith.index_cast %add3A_35 : i32 to index
      %swap3A_48 = arith.constant 16 : index
      %swap3A_49 = tpu.vector_load %arg9[%swap3A_46, %swap3A_47, %swap3A_48] {strides = array<i32>} : memref<2x128x128xf32, #tpu.memory_space<vmem>>, vector<1x1x16xf32>,
      %swap3A_50 = vector.shape_cast %swap3A_49 : vector<1x1x16xf32> to vector<16xf32>
      %swap3A_51 = vector.shape_cast %broadcast_in_dim3A_44 : vector<16xf32> to vector<1x1x16xf32>
      tpu.vector_store %arg9[%swap3A_46, %swap3A_47, %swap3A_48], %swap3A_51 {strides = array<i32>} : memref<2x128x128xf32, #tpu.memory_space<vmem>>, vector<1x1x16xf32>,
      %broadcast_in_dim3A_52 = arith.constant 0.000000e+00 : f32
      %broadcast_in_dim3A_53 = vector.broadcast %broadcast_in_dim3A_52 : f32 to vector<16xf32>
      %swap3A_54 = arith.constant 0 : i32
      %swap3A_55 = arith.index_cast %swap3A_54 : i32 to index
      %swap3A_56 = arith.index_cast %add3A_35 : i32 to index
      %swap3A_57 = arith.constant 32 : index
      %swap3A_58 = tpu.vector_load %arg9[%swap3A_55, %swap3A_56, %swap3A_57] {strides = array<i32>} : memref<2x128x128xf32, #tpu.memory_space<vmem>>, vector<1x1x16xf32>,
      %swap3A_59 = vector.shape_cast %swap3A_58 : vector<1x1x16xf32> to vector<16xf32>
      %swap3A_60 = vector.shape_cast %broadcast_in_dim3A_53 : vector<16xf32> to vector<1x1x16xf32>
      tpu.vector_store %arg9[%swap3A_55, %swap3A_56, %swap3A_57], %swap3A_60 {strides = array<i32>} : memref<2x128x128xf32, #tpu.memory_space<vmem>>, vector<1x1x16xf32>,
      %broadcast_in_dim3A_61 = arith.constant 0.000000e+00 : f32
      %broadcast_in_dim3A_62 = vector.broadcast %broadcast_in_dim3A_61 : f32 to vector<16xf32>
      %swap3A_63 = arith.constant 0 : i32
      %swap3A_64 = arith.index_cast %swap3A_63 : i32 to index
      %swap3A_65 = arith.index_cast %add3A_35 : i32 to index
      %swap3A_66 = arith.constant 48 : index
      %swap3A_67 = tpu.vector_load %arg9[%swap3A_64, %swap3A_65, %swap3A_66] {strides = array<i32>} : memref<2x128x128xf32, #tpu.memory_space<vmem>>, vector<1x1x16xf32>,
      %swap3A_68 = vector.shape_cast %swap3A_67 : vector<1x1x16xf32> to vector<16xf32>
      %swap3A_69 = vector.shape_cast %broadcast_in_dim3A_62 : vector<16xf32> to vector<1x1x16xf32>
      tpu.vector_store %arg9[%swap3A_64, %swap3A_65, %swap3A_66], %swap3A_69 {strides = array<i32>} : memref<2x128x128xf32, #tpu.memory_space<vmem>>, vector<1x1x16xf32>,
      %broadcast_in_dim3A_70 = arith.constant 0.000000e+00 : f32
      %broadcast_in_dim3A_71 = vector.broadcast %broadcast_in_dim3A_70 : f32 to vector<16xf32>
      %swap3A_72 = arith.constant 0 : i32
      %swap3A_73 = arith.index_cast %swap3A_72 : i32 to index
      %swap3A_74 = arith.index_cast %add3A_35 : i32 to index
      %swap3A_75 = arith.constant 64 : index
      %swap3A_76 = tpu.vector_load %arg9[%swap3A_73, %swap3A_74, %swap3A_75] {strides = array<i32>} : memref<2x128x128xf32, #tpu.memory_space<vmem>>, vector<1x1x16xf32>,
      %swap3A_77 = vector.shape_cast %swap3A_76 : vector<1x1x16xf32> to vector<16xf32>
      %swap3A_78 = vector.shape_cast %broadcast_in_dim3A_71 : vector<16xf32> to vector<1x1x16xf32>
      tpu.vector_store %arg9[%swap3A_73, %swap3A_74, %swap3A_75], %swap3A_78 {strides = array<i32>} : memref<2x128x128xf32, #tpu.memory_space<vmem>>, vector<1x1x16xf32>,
      %broadcast_in_dim3A_79 = arith.constant 0.000000e+00 : f32
      %broadcast_in_dim3A_80 = vector.broadcast %broadcast_in_dim3A_79 : f32 to vector<16xf32>
      %swap3A_81 = arith.constant 0 : i32
      %swap3A_82 = arith.index_cast %swap3A_81 : i32 to index
      %swap3A_83 = arith.index_cast %add3A_35 : i32 to index
      %swap3A_84 = arith.constant 80 : index
      %swap3A_85 = tpu.vector_load %arg9[%swap3A_82, %swap3A_83, %swap3A_84] {strides = array<i32>} : memref<2x128x128xf32, #tpu.memory_space<vmem>>, vector<1x1x16xf32>,
      %swap3A_86 = vector.shape_cast %swap3A_85 : vector<1x1x16xf32> to vector<16xf32>
      %swap3A_87 = vector.shape_cast %broadcast_in_dim3A_80 : vector<16xf32> to vector<1x1x16xf32>
      tpu.vector_store %arg9[%swap3A_82, %swap3A_83, %swap3A_84], %swap3A_87 {strides = array<i32>} : memref<2x128x128xf32, #tpu.memory_space<vmem>>, vector<1x1x16xf32>,
      %broadcast_in_dim3A_88 = arith.constant 0.000000e+00 : f32
      %broadcast_in_dim3A_89 = vector.broadcast %broadcast_in_dim3A_88 : f32 to vector<16xf32>
      %swap3A_90 = arith.constant 0 : i32
      %swap3A_91 = arith.index_cast %swap3A_90 : i32 to index
      %swap3A_92 = arith.index_cast %add3A_35 : i32 to index
      %swap3A_93 = arith.constant 96 : index
      %swap3A_94 = tpu.vector_load %arg9[%swap3A_91, %swap3A_92, %swap3A_93] {strides = array<i32>} : memref<2x128x128xf32, #tpu.memory_space<vmem>>, vector<1x1x16xf32>,
      %swap3A_95 = vector.shape_cast %swap3A_94 : vector<1x1x16xf32> to vector<16xf32>
      %swap3A_96 = vector.shape_cast %broadcast_in_dim3A_89 : vector<16xf32> to vector<1x1x16xf32>
      tpu.vector_store %arg9[%swap3A_91, %swap3A_92, %swap3A_93], %swap3A_96 {strides = array<i32>} : memref<2x128x128xf32, #tpu.memory_space<vmem>>, vector<1x1x16xf32>,
      %broadcast_in_dim3A_97 = arith.constant 0.000000e+00 : f32
      %broadcast_in_dim3A_98 = vector.broadcast %broadcast_in_dim3A_97 : f32 to vector<16xf32>
      %swap3A_99 = arith.constant 0 : i32
      %swap3A_100 = arith.index_cast %swap3A_99 : i32 to index
      %swap3A_101 = arith.index_cast %add3A_35 : i32 to index
      %swap3A_102 = arith.constant 112 : index
      %swap3A_103 = tpu.vector_load %arg9[%swap3A_100, %swap3A_101, %swap3A_102] {strides = array<i32>} : memref<2x128x128xf32, #tpu.memory_space<vmem>>, vector<1x1x16xf32>,
      %swap3A_104 = vector.shape_cast %swap3A_103 : vector<1x1x16xf32> to vector<16xf32>
      %swap3A_105 = vector.shape_cast %broadcast_in_dim3A_98 : vector<16xf32> to vector<1x1x16xf32>
      tpu.vector_store %arg9[%swap3A_100, %swap3A_101, %swap3A_102], %swap3A_105 {strides = array<i32>} : memref<2x128x128xf32, #tpu.memory_space<vmem>>, vector<1x1x16xf32>,
    }
    %scan3A_4 = arith.constant 128 : i32
    %scan3A_5 = arith.constant 0 : i32
    %scan3A_6 = arith.constant 5 : i32
    %scan3A_7 = arith.addi %scan3A_5, %scan3A_6 : i32
    %scan3A_8 = arith.constant 1 : i32
    scf.for %scan3A_31 = %scan3A_5 to %scan3A_7 step %scan3A_8  : i32 {
      %mul3A_32 = arith.constant 1 : i32
      %mul3A_33 = arith.muli %scan3A_31, %mul3A_32 : i32
      %add3A_34 = arith.constant 0 : i32
      %add3A_35 = arith.addi %add3A_34, %mul3A_33 : i32
      %mul3A_36 = arith.constant 640 : i32
      %mul3A_37 = arith.muli %arg1, %mul3A_36 : i32
      %mul3A_38 = arith.constant 128 : i32
      %mul3A_39 = arith.muli %add3A_35, %mul3A_38 : i32
      %add3A_40 = arith.addi %mul3A_37, %mul3A_39 : i32
      %run_scoped3A = arith.constant 0 : i32
      "tpu.region"() ({
        %run_scoped3A_41 = tpu.sem_alloc : memref<!tpu.dma_semaphore, #tpu.memory_space<semaphore_mem>>
        %dma_start3A = arith.constant 0 : i32
        %dma_start3A_42 = arith.constant 0 : i32
        %dma_start3A_43 = tpu.memref_slice %arg9[%run_scoped3A, %dma_start3A, %dma_start3A_42] : memref<2x128x128xf32, #tpu.memory_space<vmem>> -> memref<1x128x128xf32, #tpu.memory_space<vmem>>
        %dma_start3A_44 = tpu.memref_squeeze %dma_start3A_43 : memref<1x128x128xf32, #tpu.memory_space<vmem>> -> memref<128x128xf32, #tpu.memory_space<vmem>>
        %dma_start3A_45 = arith.constant 0 : i32
        %dma_start3A_46 = tpu.memref_slice %arg6[%add3A_40, %dma_start3A_45] : memref<10240x128xf32, #tpu.memory_space<vmem_shared>> -> memref<128x128xf32, #tpu.memory_space<vmem_shared>>
        %dma_start3A_47 = arith.constant 0 : i32
        %dma_start3A_48 = tpu.memref_slice %arg6[%add3A_40, %dma_start3A_47] : memref<10240x128xf32, #tpu.memory_space<vmem_shared>> -> memref<128x128xf32, #tpu.memory_space<vmem_shared>>
        %dma_start3A_49 = arith.constant 0 : i32
        %dma_start3A_50 = arith.constant 0 : i32
        %dma_start3A_51 = tpu.memref_slice %arg9[%run_scoped3A, %dma_start3A_49, %dma_start3A_50] : memref<2x128x128xf32, #tpu.memory_space<vmem>> -> memref<1x128x128xf32, #tpu.memory_space<vmem>>
        %dma_start3A_52 = tpu.memref_squeeze %dma_start3A_51 : memref<1x128x128xf32, #tpu.memory_space<vmem>> -> memref<128x128xf32, #tpu.memory_space<vmem>>
        tpu.enqueue_dma source(%dma_start3A_52 : memref<128x128xf32, #tpu.memory_space<vmem>>) target(%dma_start3A_48 : memref<128x128xf32, #tpu.memory_space<vmem_shared>>) target_semaphore(%run_scoped3A_41 : memref<!tpu.dma_semaphore, #tpu.memory_space<semaphore_mem>>)
        %dma_wait3A = arith.constant 0 : i32
        %dma_wait3A_53 = arith.constant 0 : i32
        %dma_wait3A_54 = tpu.memref_slice %arg9[%run_scoped3A, %dma_wait3A, %dma_wait3A_53] : memref<2x128x128xf32, #tpu.memory_space<vmem>> -> memref<1x128x128xf32, #tpu.memory_space<vmem>>
        %dma_wait3A_55 = tpu.memref_squeeze %dma_wait3A_54 : memref<1x128x128xf32, #tpu.memory_space<vmem>> -> memref<128x128xf32, #tpu.memory_space<vmem>>
        %dma_wait3A_56 = arith.constant 0 : i32
        %dma_wait3A_57 = tpu.memref_slice %arg6[%add3A_40, %dma_wait3A_56] : memref<10240x128xf32, #tpu.memory_space<vmem_shared>> -> memref<128x128xf32, #tpu.memory_space<vmem_shared>>
        %dma_wait3A_58 = arith.constant 0 : i32
        %dma_wait3A_59 = tpu.memref_slice %arg6[%add3A_40, %dma_wait3A_58] : memref<10240x128xf32, #tpu.memory_space<vmem_shared>> -> memref<128x128xf32, #tpu.memory_space<vmem_shared>>
        %dma_wait3A_60 = arith.constant 0 : i32
        %dma_wait3A_61 = arith.constant 0 : i32
        %dma_wait3A_62 = tpu.memref_slice %arg9[%run_scoped3A, %dma_wait3A_60, %dma_wait3A_61] : memref<2x128x128xf32, #tpu.memory_space<vmem>> -> memref<1x128x128xf32, #tpu.memory_space<vmem>>
        %dma_wait3A_63 = tpu.memref_squeeze %dma_wait3A_62 : memref<1x128x128xf32, #tpu.memory_space<vmem>> -> memref<128x128xf32, #tpu.memory_space<vmem>>
        tpu.wait_dma2 semaphore(%run_scoped3A_41 : memref<!tpu.dma_semaphore, #tpu.memory_space<semaphore_mem>>) src(%dma_wait3A_63 : memref<128x128xf32, #tpu.memory_space<vmem>>) dst(%dma_wait3A_59 : memref<128x128xf32, #tpu.memory_space<vmem_shared>>)
        tpu.yield
      }) : () -> ()
    }
    %scan3A_9 = arith.constant 5 : i32
    %barrier3A = arith.constant 0 : index
    tpu.barrier barrier_id(%barrier3A)
    %mul3A_10 = arith.constant 2 : i32
    %mul3A_11 = arith.muli %arg1, %mul3A_10 : i32
    %mul3A_12 = arith.constant 80 : i32
    %mul3A_13 = arith.muli %mul3A_11, %mul3A_12 : i32
    %eq3A = arith.constant 0 : i32
    %eq3A_14 = arith.cmpi eq, %arg0, %eq3A : i32
    %convert_element_type3A = arith.extui %eq3A_14 : i1 to i32
    %cond3A = arith.constant 0 : i32
    %cond3A_15 = arith.cmpi ne, %convert_element_type3A, %cond3A : i32
    scf.if %cond3A_15 {
      %add3A_31 = arith.constant 0 : i32
      %add3A_32 = arith.addi %mul3A_13, %add3A_31 : i32
      "tpu.region"() ({
        %run_scoped3A = tpu.sem_alloc : memref<!tpu.dma_semaphore, #tpu.memory_space<semaphore_mem>>
        %dma_start3A_115 = arith.constant 0 : i32
        %dma_start3A_116 = arith.constant 0 : i32
        %dma_start3A_117 = tpu.memref_slice %arg7[%dma_start3A_115, %dma_start3A_116] : memref<56x128xi32, #tpu.memory_space<vmem>> -> memref<56x128xi32, #tpu.memory_space<vmem>>
        %dma_start3A_118 = arith.constant 0 : i32
        %dma_start3A_119 = tpu.memref_slice %arg3[%add3A_32, %dma_start3A_118] : memref<2560x128xi32, #tpu.memory_space<hbm>> -> memref<56x128xi32, #tpu.memory_space<hbm>>
        %dma_start3A_120 = arith.constant 0 : i32
        %dma_start3A_121 = arith.constant 0 : i32
        %dma_start3A_122 = tpu.memref_slice %arg7[%dma_start3A_120, %dma_start3A_121] : memref<56x128xi32, #tpu.memory_space<vmem>> -> memref<56x128xi32, #tpu.memory_space<vmem>>
        %dma_start3A_123 = arith.constant 0 : i32
        %dma_start3A_124 = tpu.memref_slice %arg3[%add3A_32, %dma_start3A_123] : memref<2560x128xi32, #tpu.memory_space<hbm>> -> memref<56x128xi32, #tpu.memory_space<hbm>>
        tpu.enqueue_dma source(%dma_start3A_124 : memref<56x128xi32, #tpu.memory_space<hbm>>) target(%dma_start3A_122 : memref<56x128xi32, #tpu.memory_space<vmem>>) target_semaphore(%run_scoped3A : memref<!tpu.dma_semaphore, #tpu.memory_space<semaphore_mem>>)
        %dma_wait3A_125 = arith.constant 0 : i32
        %dma_wait3A_126 = arith.constant 0 : i32
        %dma_wait3A_127 = tpu.memref_slice %arg7[%dma_wait3A_125, %dma_wait3A_126] : memref<56x128xi32, #tpu.memory_space<vmem>> -> memref<56x128xi32, #tpu.memory_space<vmem>>
        %dma_wait3A_128 = arith.constant 0 : i32
        %dma_wait3A_129 = tpu.memref_slice %arg3[%add3A_32, %dma_wait3A_128] : memref<2560x128xi32, #tpu.memory_space<hbm>> -> memref<56x128xi32, #tpu.memory_space<hbm>>
        %dma_wait3A_130 = arith.constant 0 : i32
        %dma_wait3A_131 = arith.constant 0 : i32
        %dma_wait3A_132 = tpu.memref_slice %arg7[%dma_wait3A_130, %dma_wait3A_131] : memref<56x128xi32, #tpu.memory_space<vmem>> -> memref<56x128xi32, #tpu.memory_space<vmem>>
        %dma_wait3A_133 = arith.constant 0 : i32
        %dma_wait3A_134 = tpu.memref_slice %arg3[%add3A_32, %dma_wait3A_133] : memref<2560x128xi32, #tpu.memory_space<hbm>> -> memref<56x128xi32, #tpu.memory_space<hbm>>
        tpu.wait_dma2 semaphore(%run_scoped3A : memref<!tpu.dma_semaphore, #tpu.memory_space<semaphore_mem>>) src(%dma_wait3A_134 : memref<56x128xi32, #tpu.memory_space<hbm>>) dst(%dma_wait3A_132 : memref<56x128xi32, #tpu.memory_space<vmem>>)
        tpu.yield
      }) : () -> ()
      "tpu.region"() ({
        %run_scoped3A = tpu.sem_alloc : memref<!tpu.dma_semaphore, #tpu.memory_space<semaphore_mem>>
        %dma_start3A_115 = arith.constant 0 : i32
        %dma_start3A_116 = arith.constant 0 : i32
        %dma_start3A_117 = tpu.memref_slice %arg8[%dma_start3A_115, %dma_start3A_116] : memref<56x128xi32, #tpu.memory_space<vmem>> -> memref<56x128xi32, #tpu.memory_space<vmem>>
        %dma_start3A_118 = arith.constant 0 : i32
        %dma_start3A_119 = tpu.memref_slice %arg4[%add3A_32, %dma_start3A_118] : memref<2560x128xi32, #tpu.memory_space<hbm>> -> memref<56x128xi32, #tpu.memory_space<hbm>>
        %dma_start3A_120 = arith.constant 0 : i32
        %dma_start3A_121 = arith.constant 0 : i32
        %dma_start3A_122 = tpu.memref_slice %arg8[%dma_start3A_120, %dma_start3A_121] : memref<56x128xi32, #tpu.memory_space<vmem>> -> memref<56x128xi32, #tpu.memory_space<vmem>>
        %dma_start3A_123 = arith.constant 0 : i32
        %dma_start3A_124 = tpu.memref_slice %arg4[%add3A_32, %dma_start3A_123] : memref<2560x128xi32, #tpu.memory_space<hbm>> -> memref<56x128xi32, #tpu.memory_space<hbm>>
        tpu.enqueue_dma source(%dma_start3A_124 : memref<56x128xi32, #tpu.memory_space<hbm>>) target(%dma_start3A_122 : memref<56x128xi32, #tpu.memory_space<vmem>>) target_semaphore(%run_scoped3A : memref<!tpu.dma_semaphore, #tpu.memory_space<semaphore_mem>>)
        %dma_wait3A_125 = arith.constant 0 : i32
        %dma_wait3A_126 = arith.constant 0 : i32
        %dma_wait3A_127 = tpu.memref_slice %arg8[%dma_wait3A_125, %dma_wait3A_126] : memref<56x128xi32, #tpu.memory_space<vmem>> -> memref<56x128xi32, #tpu.memory_space<vmem>>
        %dma_wait3A_128 = arith.constant 0 : i32
        %dma_wait3A_129 = tpu.memref_slice %arg4[%add3A_32, %dma_wait3A_128] : memref<2560x128xi32, #tpu.memory_space<hbm>> -> memref<56x128xi32, #tpu.memory_space<hbm>>
        %dma_wait3A_130 = arith.constant 0 : i32
        %dma_wait3A_131 = arith.constant 0 : i32
        %dma_wait3A_132 = tpu.memref_slice %arg8[%dma_wait3A_130, %dma_wait3A_131] : memref<56x128xi32, #tpu.memory_space<vmem>> -> memref<56x128xi32, #tpu.memory_space<vmem>>
        %dma_wait3A_133 = arith.constant 0 : i32
        %dma_wait3A_134 = tpu.memref_slice %arg4[%add3A_32, %dma_wait3A_133] : memref<2560x128xi32, #tpu.memory_space<hbm>> -> memref<56x128xi32, #tpu.memory_space<hbm>>
        tpu.wait_dma2 semaphore(%run_scoped3A : memref<!tpu.dma_semaphore, #tpu.memory_space<semaphore_mem>>) src(%dma_wait3A_134 : memref<56x128xi32, #tpu.memory_space<hbm>>) dst(%dma_wait3A_132 : memref<56x128xi32, #tpu.memory_space<vmem>>)
        tpu.yield
      }) : () -> ()
      %dma_start3A = arith.constant 0 : i32
      %dma_start3A_33 = arith.constant 0 : i32
      %dma_start3A_34 = arith.constant 0 : i32
      %dma_start3A_35 = arith.constant 0 : i32
      %dma_start3A_36 = tpu.memref_slice %arg9[%dma_start3A_33, %dma_start3A_34, %dma_start3A_35] : memref<2x128x128xf32, #tpu.memory_space<vmem>> -> memref<1x64x128xf32, #tpu.memory_space<vmem>>
      %dma_start3A_37 = tpu.memref_squeeze %dma_start3A_36 : memref<1x64x128xf32, #tpu.memory_space<vmem>> -> memref<64x128xf32, #tpu.memory_space<vmem>>
      %dma_start3A_38 = arith.constant 0 : i32
      %dma_start3A_39 = tpu.memref_slice %arg7[%dma_start3A, %dma_start3A_38] : memref<56x128xi32, #tpu.memory_space<vmem>> -> memref<1x64xi32, #tpu.memory_space<vmem>>
      %dma_start3A_40 = tpu.memref_squeeze %dma_start3A_39 : memref<1x64xi32, #tpu.memory_space<vmem>> -> memref<64xi32, #tpu.memory_space<vmem>>
      %dma_start3A_41 = arith.constant 0 : i32
      %dma_start3A_42 = arith.constant 0 : i32
      %dma_start3A_43 = tpu.memref_slice %arg2[%dma_start3A_41, %dma_start3A_42] : memref<10000x128xf32, #tpu.memory_space<hbm>> -> memref<10000x128xf32, #tpu.memory_space<hbm>>
      tpu.enqueue_indirect_dma source(%dma_start3A_43 : memref<10000x128xf32, #tpu.memory_space<hbm>>) target(%dma_start3A_37 : memref<64x128xf32, #tpu.memory_space<vmem>>) offsets(%dma_start3A_40 : memref<64xi32, #tpu.memory_space<vmem>>) semaphore(%arg10 : memref<!tpu.dma_semaphore, #tpu.memory_space<semaphore_mem>>)
      %dma_start3A_44 = arith.constant 0 : i32
      %dma_start3A_45 = arith.constant 0 : i32
      %dma_start3A_46 = arith.constant 64 : i32
      %dma_start3A_47 = arith.constant 0 : i32
      %dma_start3A_48 = tpu.memref_slice %arg9[%dma_start3A_45, %dma_start3A_46, %dma_start3A_47] : memref<2x128x128xf32, #tpu.memory_space<vmem>> -> memref<1x64x128xf32, #tpu.memory_space<vmem>>
      %dma_start3A_49 = tpu.memref_squeeze %dma_start3A_48 : memref<1x64x128xf32, #tpu.memory_space<vmem>> -> memref<64x128xf32, #tpu.memory_space<vmem>>
      %dma_start3A_50 = arith.constant 64 : i32
      %dma_start3A_51 = tpu.memref_slice %arg7[%dma_start3A_44, %dma_start3A_50] : memref<56x128xi32, #tpu.memory_space<vmem>> -> memref<1x64xi32, #tpu.memory_space<vmem>>
      %dma_start3A_52 = tpu.memref_squeeze %dma_start3A_51 : memref<1x64xi32, #tpu.memory_space<vmem>> -> memref<64xi32, #tpu.memory_space<vmem>>
      %dma_start3A_53 = arith.constant 0 : i32
      %dma_start3A_54 = arith.constant 0 : i32
      %dma_start3A_55 = tpu.memref_slice %arg2[%dma_start3A_53, %dma_start3A_54] : memref<10000x128xf32, #tpu.memory_space<hbm>> -> memref<10000x128xf32, #tpu.memory_space<hbm>>
      tpu.enqueue_indirect_dma source(%dma_start3A_55 : memref<10000x128xf32, #tpu.memory_space<hbm>>) target(%dma_start3A_49 : memref<64x128xf32, #tpu.memory_space<vmem>>) offsets(%dma_start3A_52 : memref<64xi32, #tpu.memory_space<vmem>>) semaphore(%arg11 : memref<!tpu.dma_semaphore, #tpu.memory_space<semaphore_mem>>)
      %scan3A_56 = arith.constant 0 : i32
      %scan3A_57 = arith.constant 28 : i32
      %scan3A_58 = arith.addi %scan3A_56, %scan3A_57 : i32
      %scan3A_59 = arith.constant 1 : i32
      scf.for %scan3A_115 = %scan3A_56 to %scan3A_58 step %scan3A_59  : i32 {
        %mul3A_116 = arith.constant 1 : i32
        %mul3A_117 = arith.muli %scan3A_115, %mul3A_116 : i32
        %add3A_118 = arith.constant 0 : i32
        %add3A_119 = arith.addi %add3A_118, %mul3A_117 : i32
        %mul3A_120 = arith.constant 2 : i32
        %mul3A_121 = arith.muli %add3A_119, %mul3A_120 : i32
        %add3A_122 = arith.constant 0 : i32
        %add3A_123 = arith.addi %mul3A_121, %add3A_122 : i32
        %dma_wait3A_124 = arith.constant 0 : i32
        %dma_wait3A_125 = arith.constant 0 : i32
        %dma_wait3A_126 = arith.constant 0 : i32
        %dma_wait3A_127 = arith.constant 0 : i32
        %dma_wait3A_128 = tpu.memref_slice %arg9[%dma_wait3A_125, %dma_wait3A_126, %dma_wait3A_127] : memref<2x128x128xf32, #tpu.memory_space<vmem>> -> memref<1x64x128xf32, #tpu.memory_space<vmem>>
        %dma_wait3A_129 = tpu.memref_squeeze %dma_wait3A_128 : memref<1x64x128xf32, #tpu.memory_space<vmem>> -> memref<64x128xf32, #tpu.memory_space<vmem>>
        %dma_wait3A_130 = arith.constant 0 : i32
        %dma_wait3A_131 = tpu.memref_slice %arg7[%dma_wait3A_124, %dma_wait3A_130] : memref<56x128xi32, #tpu.memory_space<vmem>> -> memref<1x64xi32, #tpu.memory_space<vmem>>
        %dma_wait3A_132 = tpu.memref_squeeze %dma_wait3A_131 : memref<1x64xi32, #tpu.memory_space<vmem>> -> memref<64xi32, #tpu.memory_space<vmem>>
        %dma_wait3A_133 = arith.constant 0 : i32
        %dma_wait3A_134 = arith.constant 0 : i32
        %dma_wait3A_135 = tpu.memref_slice %arg2[%dma_wait3A_133, %dma_wait3A_134] : memref<10000x128xf32, #tpu.memory_space<hbm>> -> memref<10000x128xf32, #tpu.memory_space<hbm>>
        tpu.wait_indirect_dma semaphore(%arg10 : memref<!tpu.dma_semaphore, #tpu.memory_space<semaphore_mem>>) src(%dma_wait3A_135 : memref<10000x128xf32, #tpu.memory_space<hbm>>) dst(%dma_wait3A_129 : memref<64x128xf32, #tpu.memory_space<vmem>>)
        %dma_wait3A_136 = arith.constant 0 : i32
        %dma_wait3A_137 = arith.constant 0 : i32
        %dma_wait3A_138 = arith.constant 64 : i32
        %dma_wait3A_139 = arith.constant 0 : i32
        %dma_wait3A_140 = tpu.memref_slice %arg9[%dma_wait3A_137, %dma_wait3A_138, %dma_wait3A_139] : memref<2x128x128xf32, #tpu.memory_space<vmem>> -> memref<1x64x128xf32, #tpu.memory_space<vmem>>
        %dma_wait3A_141 = tpu.memref_squeeze %dma_wait3A_140 : memref<1x64x128xf32, #tpu.memory_space<vmem>> -> memref<64x128xf32, #tpu.memory_space<vmem>>
        %dma_wait3A_142 = arith.constant 0 : i32
        %dma_wait3A_143 = tpu.memref_slice %arg7[%dma_wait3A_136, %dma_wait3A_142] : memref<56x128xi32, #tpu.memory_space<vmem>> -> memref<1x64xi32, #tpu.memory_space<vmem>>
        %dma_wait3A_144 = tpu.memref_squeeze %dma_wait3A_143 : memref<1x64xi32, #tpu.memory_space<vmem>> -> memref<64xi32, #tpu.memory_space<vmem>>
        %dma_wait3A_145 = arith.constant 0 : i32
        %dma_wait3A_146 = arith.constant 0 : i32
        %dma_wait3A_147 = tpu.memref_slice %arg2[%dma_wait3A_145, %dma_wait3A_146] : memref<10000x128xf32, #tpu.memory_space<hbm>> -> memref<10000x128xf32, #tpu.memory_space<hbm>>
        tpu.wait_indirect_dma semaphore(%arg11 : memref<!tpu.dma_semaphore, #tpu.memory_space<semaphore_mem>>) src(%dma_wait3A_147 : memref<10000x128xf32, #tpu.memory_space<hbm>>) dst(%dma_wait3A_141 : memref<64x128xf32, #tpu.memory_space<vmem>>)
        %dma_start3A_148 = arith.constant 0 : i32
        %dma_start3A_149 = arith.constant 0 : i32
        %dma_start3A_150 = arith.constant 0 : i32
        %dma_start3A_151 = tpu.memref_slice %arg9[%dma_start3A_148, %dma_start3A_149, %dma_start3A_150] : memref<2x128x128xf32, #tpu.memory_space<vmem>> -> memref<1x128x128xf32, #tpu.memory_space<vmem>>
        %dma_start3A_152 = tpu.memref_squeeze %dma_start3A_151 : memref<1x128x128xf32, #tpu.memory_space<vmem>> -> memref<128x128xf32, #tpu.memory_space<vmem>>
        %dma_start3A_153 = arith.constant 0 : i32
        %dma_start3A_154 = tpu.memref_slice %arg8[%add3A_123, %dma_start3A_153] : memref<56x128xi32, #tpu.memory_space<vmem>> -> memref<1x128xi32, #tpu.memory_space<vmem>>
        %dma_start3A_155 = tpu.memref_squeeze %dma_start3A_154 : memref<1x128xi32, #tpu.memory_space<vmem>> -> memref<128xi32, #tpu.memory_space<vmem>>
        %dma_start3A_156 = arith.constant 0 : i32
        %dma_start3A_157 = arith.constant 0 : i32
        %dma_start3A_158 = tpu.memref_slice %arg6[%dma_start3A_156, %dma_start3A_157] : memref<10240x128xf32, #tpu.memory_space<vmem_shared>> -> memref<10240x128xf32, #tpu.memory_space<vmem_shared>>
        tpu.enqueue_indirect_dma source(%dma_start3A_152 : memref<128x128xf32, #tpu.memory_space<vmem>>) target(%dma_start3A_158 : memref<10240x128xf32, #tpu.memory_space<vmem_shared>>) offsets(%dma_start3A_155 : memref<128xi32, #tpu.memory_space<vmem>>) semaphore(%arg14 : memref<!tpu.dma_semaphore, #tpu.memory_space<semaphore_mem>>) {add = true}
        %gt3A = arith.constant 0 : i32
        %gt3A_159 = arith.cmpi sgt, %add3A_119, %gt3A : i32
        %convert_element_type3A_160 = arith.extui %gt3A_159 : i1 to i32
        %cond3A_161 = arith.constant 0 : i32
        %cond3A_162 = arith.cmpi ne, %convert_element_type3A_160, %cond3A_161 : i32
        scf.if %cond3A_162 {
          %dma_wait3A_245 = arith.constant 1 : i32
          %dma_wait3A_246 = arith.constant 0 : i32
          %dma_wait3A_247 = arith.constant 0 : i32
          %dma_wait3A_248 = arith.constant 0 : i32
          %dma_wait3A_249 = tpu.memref_slice %arg9[%dma_wait3A_245, %dma_wait3A_247, %dma_wait3A_248] : memref<2x128x128xf32, #tpu.memory_space<vmem>> -> memref<1x128x128xf32, #tpu.memory_space<vmem>>
          %dma_wait3A_250 = tpu.memref_squeeze %dma_wait3A_249 : memref<1x128x128xf32, #tpu.memory_space<vmem>> -> memref<128x128xf32, #tpu.memory_space<vmem>>
          %dma_wait3A_251 = arith.constant 0 : i32
          %dma_wait3A_252 = tpu.memref_slice %arg8[%dma_wait3A_246, %dma_wait3A_251] : memref<56x128xi32, #tpu.memory_space<vmem>> -> memref<1x128xi32, #tpu.memory_space<vmem>>
          %dma_wait3A_253 = tpu.memref_squeeze %dma_wait3A_252 : memref<1x128xi32, #tpu.memory_space<vmem>> -> memref<128xi32, #tpu.memory_space<vmem>>
          %dma_wait3A_254 = arith.constant 0 : i32
          %dma_wait3A_255 = arith.constant 0 : i32
          %dma_wait3A_256 = tpu.memref_slice %arg6[%dma_wait3A_254, %dma_wait3A_255] : memref<10240x128xf32, #tpu.memory_space<vmem_shared>> -> memref<10240x128xf32, #tpu.memory_space<vmem_shared>>
          tpu.wait_indirect_dma semaphore(%arg15 : memref<!tpu.dma_semaphore, #tpu.memory_space<semaphore_mem>>) src(%dma_wait3A_250 : memref<128x128xf32, #tpu.memory_space<vmem>>) dst(%dma_wait3A_256 : memref<10240x128xf32, #tpu.memory_space<vmem_shared>>)
        } else {
        }
        %add3A_163 = arith.constant 1 : i32
        %add3A_164 = arith.addi %add3A_123, %add3A_163 : i32
        %dma_start3A_165 = arith.constant 1 : i32
        %dma_start3A_166 = arith.constant 0 : i32
        %dma_start3A_167 = arith.constant 0 : i32
        %dma_start3A_168 = tpu.memref_slice %arg9[%dma_start3A_165, %dma_start3A_166, %dma_start3A_167] : memref<2x128x128xf32, #tpu.memory_space<vmem>> -> memref<1x64x128xf32, #tpu.memory_space<vmem>>
        %dma_start3A_169 = tpu.memref_squeeze %dma_start3A_168 : memref<1x64x128xf32, #tpu.memory_space<vmem>> -> memref<64x128xf32, #tpu.memory_space<vmem>>
        %dma_start3A_170 = arith.constant 0 : i32
        %dma_start3A_171 = tpu.memref_slice %arg7[%add3A_164, %dma_start3A_170] : memref<56x128xi32, #tpu.memory_space<vmem>> -> memref<1x64xi32, #tpu.memory_space<vmem>>
        %dma_start3A_172 = tpu.memref_squeeze %dma_start3A_171 : memref<1x64xi32, #tpu.memory_space<vmem>> -> memref<64xi32, #tpu.memory_space<vmem>>
        %dma_start3A_173 = arith.constant 0 : i32
        %dma_start3A_174 = arith.constant 0 : i32
        %dma_start3A_175 = tpu.memref_slice %arg2[%dma_start3A_173, %dma_start3A_174] : memref<10000x128xf32, #tpu.memory_space<hbm>> -> memref<10000x128xf32, #tpu.memory_space<hbm>>
        tpu.enqueue_indirect_dma source(%dma_start3A_175 : memref<10000x128xf32, #tpu.memory_space<hbm>>) target(%dma_start3A_169 : memref<64x128xf32, #tpu.memory_space<vmem>>) offsets(%dma_start3A_172 : memref<64xi32, #tpu.memory_space<vmem>>) semaphore(%arg12 : memref<!tpu.dma_semaphore, #tpu.memory_space<semaphore_mem>>)
        %dma_start3A_176 = arith.constant 1 : i32
        %dma_start3A_177 = arith.constant 64 : i32
        %dma_start3A_178 = arith.constant 0 : i32
        %dma_start3A_179 = tpu.memref_slice %arg9[%dma_start3A_176, %dma_start3A_177, %dma_start3A_178] : memref<2x128x128xf32, #tpu.memory_space<vmem>> -> memref<1x64x128xf32, #tpu.memory_space<vmem>>
        %dma_start3A_180 = tpu.memref_squeeze %dma_start3A_179 : memref<1x64x128xf32, #tpu.memory_space<vmem>> -> memref<64x128xf32, #tpu.memory_space<vmem>>
        %dma_start3A_181 = arith.constant 64 : i32
        %dma_start3A_182 = tpu.memref_slice %arg7[%add3A_164, %dma_start3A_181] : memref<56x128xi32, #tpu.memory_space<vmem>> -> memref<1x64xi32, #tpu.memory_space<vmem>>
        %dma_start3A_183 = tpu.memref_squeeze %dma_start3A_182 : memref<1x64xi32, #tpu.memory_space<vmem>> -> memref<64xi32, #tpu.memory_space<vmem>>
        %dma_start3A_184 = arith.constant 0 : i32
        %dma_start3A_185 = arith.constant 0 : i32
        %dma_start3A_186 = tpu.memref_slice %arg2[%dma_start3A_184, %dma_start3A_185] : memref<10000x128xf32, #tpu.memory_space<hbm>> -> memref<10000x128xf32, #tpu.memory_space<hbm>>
        tpu.enqueue_indirect_dma source(%dma_start3A_186 : memref<10000x128xf32, #tpu.memory_space<hbm>>) target(%dma_start3A_180 : memref<64x128xf32, #tpu.memory_space<vmem>>) offsets(%dma_start3A_183 : memref<64xi32, #tpu.memory_space<vmem>>) semaphore(%arg13 : memref<!tpu.dma_semaphore, #tpu.memory_space<semaphore_mem>>)
        %mul3A_187 = arith.constant 2 : i32
        %mul3A_188 = arith.muli %add3A_119, %mul3A_187 : i32
        %add3A_189 = arith.constant 1 : i32
        %add3A_190 = arith.addi %mul3A_188, %add3A_189 : i32
        %dma_wait3A_191 = arith.constant 0 : i32
        %dma_wait3A_192 = arith.constant 1 : i32
        %dma_wait3A_193 = arith.constant 0 : i32
        %dma_wait3A_194 = arith.constant 0 : i32
        %dma_wait3A_195 = tpu.memref_slice %arg9[%dma_wait3A_192, %dma_wait3A_193, %dma_wait3A_194] : memref<2x128x128xf32, #tpu.memory_space<vmem>> -> memref<1x64x128xf32, #tpu.memory_space<vmem>>
        %dma_wait3A_196 = tpu.memref_squeeze %dma_wait3A_195 : memref<1x64x128xf32, #tpu.memory_space<vmem>> -> memref<64x128xf32, #tpu.memory_space<vmem>>
        %dma_wait3A_197 = arith.constant 0 : i32
        %dma_wait3A_198 = tpu.memref_slice %arg7[%dma_wait3A_191, %dma_wait3A_197] : memref<56x128xi32, #tpu.memory_space<vmem>> -> memref<1x64xi32, #tpu.memory_space<vmem>>
        %dma_wait3A_199 = tpu.memref_squeeze %dma_wait3A_198 : memref<1x64xi32, #tpu.memory_space<vmem>> -> memref<64xi32, #tpu.memory_space<vmem>>
        %dma_wait3A_200 = arith.constant 0 : i32
        %dma_wait3A_201 = arith.constant 0 : i32
        %dma_wait3A_202 = tpu.memref_slice %arg2[%dma_wait3A_200, %dma_wait3A_201] : memref<10000x128xf32, #tpu.memory_space<hbm>> -> memref<10000x128xf32, #tpu.memory_space<hbm>>
        tpu.wait_indirect_dma semaphore(%arg12 : memref<!tpu.dma_semaphore, #tpu.memory_space<semaphore_mem>>) src(%dma_wait3A_202 : memref<10000x128xf32, #tpu.memory_space<hbm>>) dst(%dma_wait3A_196 : memref<64x128xf32, #tpu.memory_space<vmem>>)
        %dma_wait3A_203 = arith.constant 0 : i32
        %dma_wait3A_204 = arith.constant 1 : i32
        %dma_wait3A_205 = arith.constant 64 : i32
        %dma_wait3A_206 = arith.constant 0 : i32
        %dma_wait3A_207 = tpu.memref_slice %arg9[%dma_wait3A_204, %dma_wait3A_205, %dma_wait3A_206] : memref<2x128x128xf32, #tpu.memory_space<vmem>> -> memref<1x64x128xf32, #tpu.memory_space<vmem>>
        %dma_wait3A_208 = tpu.memref_squeeze %dma_wait3A_207 : memref<1x64x128xf32, #tpu.memory_space<vmem>> -> memref<64x128xf32, #tpu.memory_space<vmem>>
        %dma_wait3A_209 = arith.constant 0 : i32
        %dma_wait3A_210 = tpu.memref_slice %arg7[%dma_wait3A_203, %dma_wait3A_209] : memref<56x128xi32, #tpu.memory_space<vmem>> -> memref<1x64xi32, #tpu.memory_space<vmem>>
        %dma_wait3A_211 = tpu.memref_squeeze %dma_wait3A_210 : memref<1x64xi32, #tpu.memory_space<vmem>> -> memref<64xi32, #tpu.memory_space<vmem>>
        %dma_wait3A_212 = arith.constant 0 : i32
        %dma_wait3A_213 = arith.constant 0 : i32
        %dma_wait3A_214 = tpu.memref_slice %arg2[%dma_wait3A_212, %dma_wait3A_213] : memref<10000x128xf32, #tpu.memory_space<hbm>> -> memref<10000x128xf32, #tpu.memory_space<hbm>>
        tpu.wait_indirect_dma semaphore(%arg13 : memref<!tpu.dma_semaphore, #tpu.memory_space<semaphore_mem>>) src(%dma_wait3A_214 : memref<10000x128xf32, #tpu.memory_space<hbm>>) dst(%dma_wait3A_208 : memref<64x128xf32, #tpu.memory_space<vmem>>)
        %dma_start3A_215 = arith.constant 1 : i32
        %dma_start3A_216 = arith.constant 0 : i32
        %dma_start3A_217 = arith.constant 0 : i32
        %dma_start3A_218 = tpu.memref_slice %arg9[%dma_start3A_215, %dma_start3A_216, %dma_start3A_217] : memref<2x128x128xf32, #tpu.memory_space<vmem>> -> memref<1x128x128xf32, #tpu.memory_space<vmem>>
        %dma_start3A_219 = tpu.memref_squeeze %dma_start3A_218 : memref<1x128x128xf32, #tpu.memory_space<vmem>> -> memref<128x128xf32, #tpu.memory_space<vmem>>
        %dma_start3A_220 = arith.constant 0 : i32
        %dma_start3A_221 = tpu.memref_slice %arg8[%add3A_190, %dma_start3A_220] : memref<56x128xi32, #tpu.memory_space<vmem>> -> memref<1x128xi32, #tpu.memory_space<vmem>>
        %dma_start3A_222 = tpu.memref_squeeze %dma_start3A_221 : memref<1x128xi32, #tpu.memory_space<vmem>> -> memref<128xi32, #tpu.memory_space<vmem>>
        %dma_start3A_223 = arith.constant 0 : i32
        %dma_start3A_224 = arith.constant 0 : i32
        %dma_start3A_225 = tpu.memref_slice %arg6[%dma_start3A_223, %dma_start3A_224] : memref<10240x128xf32, #tpu.memory_space<vmem_shared>> -> memref<10240x128xf32, #tpu.memory_space<vmem_shared>>
        tpu.enqueue_indirect_dma source(%dma_start3A_219 : memref<128x128xf32, #tpu.memory_space<vmem>>) target(%dma_start3A_225 : memref<10240x128xf32, #tpu.memory_space<vmem_shared>>) offsets(%dma_start3A_222 : memref<128xi32, #tpu.memory_space<vmem>>) semaphore(%arg15 : memref<!tpu.dma_semaphore, #tpu.memory_space<semaphore_mem>>) {add = true}
        %dma_wait3A_226 = arith.constant 0 : i32
        %dma_wait3A_227 = arith.constant 0 : i32
        %dma_wait3A_228 = arith.constant 0 : i32
        %dma_wait3A_229 = arith.constant 0 : i32
        %dma_wait3A_230 = tpu.memref_slice %arg9[%dma_wait3A_226, %dma_wait3A_228, %dma_wait3A_229] : memref<2x128x128xf32, #tpu.memory_space<vmem>> -> memref<1x128x128xf32, #tpu.memory_space<vmem>>
        %dma_wait3A_231 = tpu.memref_squeeze %dma_wait3A_230 : memref<1x128x128xf32, #tpu.memory_space<vmem>> -> memref<128x128xf32, #tpu.memory_space<vmem>>
        %dma_wait3A_232 = arith.constant 0 : i32
        %dma_wait3A_233 = tpu.memref_slice %arg8[%dma_wait3A_227, %dma_wait3A_232] : memref<56x128xi32, #tpu.memory_space<vmem>> -> memref<1x128xi32, #tpu.memory_space<vmem>>
        %dma_wait3A_234 = tpu.memref_squeeze %dma_wait3A_233 : memref<1x128xi32, #tpu.memory_space<vmem>> -> memref<128xi32, #tpu.memory_space<vmem>>
        %dma_wait3A_235 = arith.constant 0 : i32
        %dma_wait3A_236 = arith.constant 0 : i32
        %dma_wait3A_237 = tpu.memref_slice %arg6[%dma_wait3A_235, %dma_wait3A_236] : memref<10240x128xf32, #tpu.memory_space<vmem_shared>> -> memref<10240x128xf32, #tpu.memory_space<vmem_shared>>
        tpu.wait_indirect_dma semaphore(%arg14 : memref<!tpu.dma_semaphore, #tpu.memory_space<semaphore_mem>>) src(%dma_wait3A_231 : memref<128x128xf32, #tpu.memory_space<vmem>>) dst(%dma_wait3A_237 : memref<10240x128xf32, #tpu.memory_space<vmem_shared>>)
        %add3A_238 = arith.constant 1 : i32
        %add3A_239 = arith.addi %add3A_119, %add3A_238 : i32
        %lt3A_240 = arith.constant 28 : i32
        %lt3A_241 = arith.cmpi slt, %add3A_239, %lt3A_240 : i32
        %convert_element_type3A_242 = arith.extui %lt3A_241 : i1 to i32
        %cond3A_243 = arith.constant 0 : i32
        %cond3A_244 = arith.cmpi ne, %convert_element_type3A_242, %cond3A_243 : i32
        scf.if %cond3A_244 {
          %add3A_245 = arith.constant 1 : i32
          %add3A_246 = arith.addi %add3A_190, %add3A_245 : i32
          %dma_start3A_247 = arith.constant 0 : i32
          %dma_start3A_248 = arith.constant 0 : i32
          %dma_start3A_249 = arith.constant 0 : i32
          %dma_start3A_250 = tpu.memref_slice %arg9[%dma_start3A_247, %dma_start3A_248, %dma_start3A_249] : memref<2x128x128xf32, #tpu.memory_space<vmem>> -> memref<1x64x128xf32, #tpu.memory_space<vmem>>
          %dma_start3A_251 = tpu.memref_squeeze %dma_start3A_250 : memref<1x64x128xf32, #tpu.memory_space<vmem>> -> memref<64x128xf32, #tpu.memory_space<vmem>>
          %dma_start3A_252 = arith.constant 0 : i32
          %dma_start3A_253 = tpu.memref_slice %arg7[%add3A_246, %dma_start3A_252] : memref<56x128xi32, #tpu.memory_space<vmem>> -> memref<1x64xi32, #tpu.memory_space<vmem>>
          %dma_start3A_254 = tpu.memref_squeeze %dma_start3A_253 : memref<1x64xi32, #tpu.memory_space<vmem>> -> memref<64xi32, #tpu.memory_space<vmem>>
          %dma_start3A_255 = arith.constant 0 : i32
          %dma_start3A_256 = arith.constant 0 : i32
          %dma_start3A_257 = tpu.memref_slice %arg2[%dma_start3A_255, %dma_start3A_256] : memref<10000x128xf32, #tpu.memory_space<hbm>> -> memref<10000x128xf32, #tpu.memory_space<hbm>>
          tpu.enqueue_indirect_dma source(%dma_start3A_257 : memref<10000x128xf32, #tpu.memory_space<hbm>>) target(%dma_start3A_251 : memref<64x128xf32, #tpu.memory_space<vmem>>) offsets(%dma_start3A_254 : memref<64xi32, #tpu.memory_space<vmem>>) semaphore(%arg10 : memref<!tpu.dma_semaphore, #tpu.memory_space<semaphore_mem>>)
          %dma_start3A_258 = arith.constant 0 : i32
          %dma_start3A_259 = arith.constant 64 : i32
          %dma_start3A_260 = arith.constant 0 : i32
          %dma_start3A_261 = tpu.memref_slice %arg9[%dma_start3A_258, %dma_start3A_259, %dma_start3A_260] : memref<2x128x128xf32, #tpu.memory_space<vmem>> -> memref<1x64x128xf32, #tpu.memory_space<vmem>>
          %dma_start3A_262 = tpu.memref_squeeze %dma_start3A_261 : memref<1x64x128xf32, #tpu.memory_space<vmem>> -> memref<64x128xf32, #tpu.memory_space<vmem>>
          %dma_start3A_263 = arith.constant 64 : i32
          %dma_start3A_264 = tpu.memref_slice %arg7[%add3A_246, %dma_start3A_263] : memref<56x128xi32, #tpu.memory_space<vmem>> -> memref<1x64xi32, #tpu.memory_space<vmem>>
          %dma_start3A_265 = tpu.memref_squeeze %dma_start3A_264 : memref<1x64xi32, #tpu.memory_space<vmem>> -> memref<64xi32, #tpu.memory_space<vmem>>
          %dma_start3A_266 = arith.constant 0 : i32
          %dma_start3A_267 = arith.constant 0 : i32
          %dma_start3A_268 = tpu.memref_slice %arg2[%dma_start3A_266, %dma_start3A_267] : memref<10000x128xf32, #tpu.memory_space<hbm>> -> memref<10000x128xf32, #tpu.memory_space<hbm>>
          tpu.enqueue_indirect_dma source(%dma_start3A_268 : memref<10000x128xf32, #tpu.memory_space<hbm>>) target(%dma_start3A_262 : memref<64x128xf32, #tpu.memory_space<vmem>>) offsets(%dma_start3A_265 : memref<64xi32, #tpu.memory_space<vmem>>) semaphore(%arg11 : memref<!tpu.dma_semaphore, #tpu.memory_space<semaphore_mem>>)
        } else {
        }
      }
      %scan3A_60 = arith.constant 28 : i32
      %dma_wait3A = arith.constant 1 : i32
      %dma_wait3A_61 = arith.constant 0 : i32
      %dma_wait3A_62 = arith.constant 0 : i32
      %dma_wait3A_63 = arith.constant 0 : i32
      %dma_wait3A_64 = tpu.memref_slice %arg9[%dma_wait3A, %dma_wait3A_62, %dma_wait3A_63] : memref<2x128x128xf32, #tpu.memory_space<vmem>> -> memref<1x128x128xf32, #tpu.memory_space<vmem>>
      %dma_wait3A_65 = tpu.memref_squeeze %dma_wait3A_64 : memref<1x128x128xf32, #tpu.memory_space<vmem>> -> memref<128x128xf32, #tpu.memory_space<vmem>>
      %dma_wait3A_66 = arith.constant 0 : i32
      %dma_wait3A_67 = tpu.memref_slice %arg8[%dma_wait3A_61, %dma_wait3A_66] : memref<56x128xi32, #tpu.memory_space<vmem>> -> memref<1x128xi32, #tpu.memory_space<vmem>>
      %dma_wait3A_68 = tpu.memref_squeeze %dma_wait3A_67 : memref<1x128xi32, #tpu.memory_space<vmem>> -> memref<128xi32, #tpu.memory_space<vmem>>
      %dma_wait3A_69 = arith.constant 0 : i32
      %dma_wait3A_70 = arith.constant 0 : i32
      %dma_wait3A_71 = tpu.memref_slice %arg6[%dma_wait3A_69, %dma_wait3A_70] : memref<10240x128xf32, #tpu.memory_space<vmem_shared>> -> memref<10240x128xf32, #tpu.memory_space<vmem_shared>>
      tpu.wait_indirect_dma semaphore(%arg15 : memref<!tpu.dma_semaphore, #tpu.memory_space<semaphore_mem>>) src(%dma_wait3A_65 : memref<128x128xf32, #tpu.memory_space<vmem>>) dst(%dma_wait3A_71 : memref<10240x128xf32, #tpu.memory_space<vmem_shared>>)
      %add3A_72 = arith.constant 56 : i32
      %add3A_73 = arith.addi %mul3A_13, %add3A_72 : i32
      "tpu.region"() ({
        %run_scoped3A = tpu.sem_alloc : memref<!tpu.dma_semaphore, #tpu.memory_space<semaphore_mem>>
        %dma_start3A_115 = arith.constant 0 : i32
        %dma_start3A_116 = arith.constant 0 : i32
        %dma_start3A_117 = tpu.memref_slice %arg7[%dma_start3A_115, %dma_start3A_116] : memref<56x128xi32, #tpu.memory_space<vmem>> -> memref<56x128xi32, #tpu.memory_space<vmem>>
        %dma_start3A_118 = arith.constant 0 : i32
        %dma_start3A_119 = tpu.memref_slice %arg3[%add3A_73, %dma_start3A_118] : memref<2560x128xi32, #tpu.memory_space<hbm>> -> memref<56x128xi32, #tpu.memory_space<hbm>>
        %dma_start3A_120 = arith.constant 0 : i32
        %dma_start3A_121 = arith.constant 0 : i32
        %dma_start3A_122 = tpu.memref_slice %arg7[%dma_start3A_120, %dma_start3A_121] : memref<56x128xi32, #tpu.memory_space<vmem>> -> memref<56x128xi32, #tpu.memory_space<vmem>>
        %dma_start3A_123 = arith.constant 0 : i32
        %dma_start3A_124 = tpu.memref_slice %arg3[%add3A_73, %dma_start3A_123] : memref<2560x128xi32, #tpu.memory_space<hbm>> -> memref<56x128xi32, #tpu.memory_space<hbm>>
        tpu.enqueue_dma source(%dma_start3A_124 : memref<56x128xi32, #tpu.memory_space<hbm>>) target(%dma_start3A_122 : memref<56x128xi32, #tpu.memory_space<vmem>>) target_semaphore(%run_scoped3A : memref<!tpu.dma_semaphore, #tpu.memory_space<semaphore_mem>>)
        %dma_wait3A_125 = arith.constant 0 : i32
        %dma_wait3A_126 = arith.constant 0 : i32
        %dma_wait3A_127 = tpu.memref_slice %arg7[%dma_wait3A_125, %dma_wait3A_126] : memref<56x128xi32, #tpu.memory_space<vmem>> -> memref<56x128xi32, #tpu.memory_space<vmem>>
        %dma_wait3A_128 = arith.constant 0 : i32
        %dma_wait3A_129 = tpu.memref_slice %arg3[%add3A_73, %dma_wait3A_128] : memref<2560x128xi32, #tpu.memory_space<hbm>> -> memref<56x128xi32, #tpu.memory_space<hbm>>
        %dma_wait3A_130 = arith.constant 0 : i32
        %dma_wait3A_131 = arith.constant 0 : i32
        %dma_wait3A_132 = tpu.memref_slice %arg7[%dma_wait3A_130, %dma_wait3A_131] : memref<56x128xi32, #tpu.memory_space<vmem>> -> memref<56x128xi32, #tpu.memory_space<vmem>>
        %dma_wait3A_133 = arith.constant 0 : i32
        %dma_wait3A_134 = tpu.memref_slice %arg3[%add3A_73, %dma_wait3A_133] : memref<2560x128xi32, #tpu.memory_space<hbm>> -> memref<56x128xi32, #tpu.memory_space<hbm>>
        tpu.wait_dma2 semaphore(%run_scoped3A : memref<!tpu.dma_semaphore, #tpu.memory_space<semaphore_mem>>) src(%dma_wait3A_134 : memref<56x128xi32, #tpu.memory_space<hbm>>) dst(%dma_wait3A_132 : memref<56x128xi32, #tpu.memory_space<vmem>>)
        tpu.yield
      }) : () -> ()
      "tpu.region"() ({
        %run_scoped3A = tpu.sem_alloc : memref<!tpu.dma_semaphore, #tpu.memory_space<semaphore_mem>>
        %dma_start3A_115 = arith.constant 0 : i32
        %dma_start3A_116 = arith.constant 0 : i32
        %dma_start3A_117 = tpu.memref_slice %arg8[%dma_start3A_115, %dma_start3A_116] : memref<56x128xi32, #tpu.memory_space<vmem>> -> memref<56x128xi32, #tpu.memory_space<vmem>>
        %dma_start3A_118 = arith.constant 0 : i32
        %dma_start3A_119 = tpu.memref_slice %arg4[%add3A_73, %dma_start3A_118] : memref<2560x128xi32, #tpu.memory_space<hbm>> -> memref<56x128xi32, #tpu.memory_space<hbm>>
        %dma_start3A_120 = arith.constant 0 : i32
        %dma_start3A_121 = arith.constant 0 : i32
        %dma_start3A_122 = tpu.memref_slice %arg8[%dma_start3A_120, %dma_start3A_121] : memref<56x128xi32, #tpu.memory_space<vmem>> -> memref<56x128xi32, #tpu.memory_space<vmem>>
        %dma_start3A_123 = arith.constant 0 : i32
        %dma_start3A_124 = tpu.memref_slice %arg4[%add3A_73, %dma_start3A_123] : memref<2560x128xi32, #tpu.memory_space<hbm>> -> memref<56x128xi32, #tpu.memory_space<hbm>>
        tpu.enqueue_dma source(%dma_start3A_124 : memref<56x128xi32, #tpu.memory_space<hbm>>) target(%dma_start3A_122 : memref<56x128xi32, #tpu.memory_space<vmem>>) target_semaphore(%run_scoped3A : memref<!tpu.dma_semaphore, #tpu.memory_space<semaphore_mem>>)
        %dma_wait3A_125 = arith.constant 0 : i32
        %dma_wait3A_126 = arith.constant 0 : i32
        %dma_wait3A_127 = tpu.memref_slice %arg8[%dma_wait3A_125, %dma_wait3A_126] : memref<56x128xi32, #tpu.memory_space<vmem>> -> memref<56x128xi32, #tpu.memory_space<vmem>>
        %dma_wait3A_128 = arith.constant 0 : i32
        %dma_wait3A_129 = tpu.memref_slice %arg4[%add3A_73, %dma_wait3A_128] : memref<2560x128xi32, #tpu.memory_space<hbm>> -> memref<56x128xi32, #tpu.memory_space<hbm>>
        %dma_wait3A_130 = arith.constant 0 : i32
        %dma_wait3A_131 = arith.constant 0 : i32
        %dma_wait3A_132 = tpu.memref_slice %arg8[%dma_wait3A_130, %dma_wait3A_131] : memref<56x128xi32, #tpu.memory_space<vmem>> -> memref<56x128xi32, #tpu.memory_space<vmem>>
        %dma_wait3A_133 = arith.constant 0 : i32
        %dma_wait3A_134 = tpu.memref_slice %arg4[%add3A_73, %dma_wait3A_133] : memref<2560x128xi32, #tpu.memory_space<hbm>> -> memref<56x128xi32, #tpu.memory_space<hbm>>
        tpu.wait_dma2 semaphore(%run_scoped3A : memref<!tpu.dma_semaphore, #tpu.memory_space<semaphore_mem>>) src(%dma_wait3A_134 : memref<56x128xi32, #tpu.memory_space<hbm>>) dst(%dma_wait3A_132 : memref<56x128xi32, #tpu.memory_space<vmem>>)
        tpu.yield
      }) : () -> ()
      %dma_start3A_74 = arith.constant 0 : i32
      %dma_start3A_75 = arith.constant 0 : i32
      %dma_start3A_76 = arith.constant 0 : i32
      %dma_start3A_77 = arith.constant 0 : i32
      %dma_start3A_78 = tpu.memref_slice %arg9[%dma_start3A_75, %dma_start3A_76, %dma_start3A_77] : memref<2x128x128xf32, #tpu.memory_space<vmem>> -> memref<1x64x128xf32, #tpu.memory_space<vmem>>
      %dma_start3A_79 = tpu.memref_squeeze %dma_start3A_78 : memref<1x64x128xf32, #tpu.memory_space<vmem>> -> memref<64x128xf32, #tpu.memory_space<vmem>>
      %dma_start3A_80 = arith.constant 0 : i32
      %dma_start3A_81 = tpu.memref_slice %arg7[%dma_start3A_74, %dma_start3A_80] : memref<56x128xi32, #tpu.memory_space<vmem>> -> memref<1x64xi32, #tpu.memory_space<vmem>>
      %dma_start3A_82 = tpu.memref_squeeze %dma_start3A_81 : memref<1x64xi32, #tpu.memory_space<vmem>> -> memref<64xi32, #tpu.memory_space<vmem>>
      %dma_start3A_83 = arith.constant 0 : i32
      %dma_start3A_84 = arith.constant 0 : i32
      %dma_start3A_85 = tpu.memref_slice %arg2[%dma_start3A_83, %dma_start3A_84] : memref<10000x128xf32, #tpu.memory_space<hbm>> -> memref<10000x128xf32, #tpu.memory_space<hbm>>
      tpu.enqueue_indirect_dma source(%dma_start3A_85 : memref<10000x128xf32, #tpu.memory_space<hbm>>) target(%dma_start3A_79 : memref<64x128xf32, #tpu.memory_space<vmem>>) offsets(%dma_start3A_82 : memref<64xi32, #tpu.memory_space<vmem>>) semaphore(%arg10 : memref<!tpu.dma_semaphore, #tpu.memory_space<semaphore_mem>>)
      %dma_start3A_86 = arith.constant 0 : i32
      %dma_start3A_87 = arith.constant 0 : i32
      %dma_start3A_88 = arith.constant 64 : i32
      %dma_start3A_89 = arith.constant 0 : i32
      %dma_start3A_90 = tpu.memref_slice %arg9[%dma_start3A_87, %dma_start3A_88, %dma_start3A_89] : memref<2x128x128xf32, #tpu.memory_space<vmem>> -> memref<1x64x128xf32, #tpu.memory_space<vmem>>
      %dma_start3A_91 = tpu.memref_squeeze %dma_start3A_90 : memref<1x64x128xf32, #tpu.memory_space<vmem>> -> memref<64x128xf32, #tpu.memory_space<vmem>>
      %dma_start3A_92 = arith.constant 64 : i32
      %dma_start3A_93 = tpu.memref_slice %arg7[%dma_start3A_86, %dma_start3A_92] : memref<56x128xi32, #tpu.memory_space<vmem>> -> memref<1x64xi32, #tpu.memory_space<vmem>>
      %dma_start3A_94 = tpu.memref_squeeze %dma_start3A_93 : memref<1x64xi32, #tpu.memory_space<vmem>> -> memref<64xi32, #tpu.memory_space<vmem>>
      %dma_start3A_95 = arith.constant 0 : i32
      %dma_start3A_96 = arith.constant 0 : i32
      %dma_start3A_97 = tpu.memref_slice %arg2[%dma_start3A_95, %dma_start3A_96] : memref<10000x128xf32, #tpu.memory_space<hbm>> -> memref<10000x128xf32, #tpu.memory_space<hbm>>
      tpu.enqueue_indirect_dma source(%dma_start3A_97 : memref<10000x128xf32, #tpu.memory_space<hbm>>) target(%dma_start3A_91 : memref<64x128xf32, #tpu.memory_space<vmem>>) offsets(%dma_start3A_94 : memref<64xi32, #tpu.memory_space<vmem>>) semaphore(%arg11 : memref<!tpu.dma_semaphore, #tpu.memory_space<semaphore_mem>>)
      %scan3A_98 = arith.constant 0 : i32
      %scan3A_99 = arith.constant 28 : i32
      %scan3A_100 = arith.addi %scan3A_98, %scan3A_99 : i32
      %scan3A_101 = arith.constant 1 : i32
      scf.for %scan3A_115 = %scan3A_98 to %scan3A_100 step %scan3A_101  : i32 {
        %mul3A_116 = arith.constant 1 : i32
        %mul3A_117 = arith.muli %scan3A_115, %mul3A_116 : i32
        %add3A_118 = arith.constant 0 : i32
        %add3A_119 = arith.addi %add3A_118, %mul3A_117 : i32
        %mul3A_120 = arith.constant 2 : i32
        %mul3A_121 = arith.muli %add3A_119, %mul3A_120 : i32
        %add3A_122 = arith.constant 0 : i32
        %add3A_123 = arith.addi %mul3A_121, %add3A_122 : i32
        %dma_wait3A_124 = arith.constant 0 : i32
        %dma_wait3A_125 = arith.constant 0 : i32
        %dma_wait3A_126 = arith.constant 0 : i32
        %dma_wait3A_127 = arith.constant 0 : i32
        %dma_wait3A_128 = tpu.memref_slice %arg9[%dma_wait3A_125, %dma_wait3A_126, %dma_wait3A_127] : memref<2x128x128xf32, #tpu.memory_space<vmem>> -> memref<1x64x128xf32, #tpu.memory_space<vmem>>
        %dma_wait3A_129 = tpu.memref_squeeze %dma_wait3A_128 : memref<1x64x128xf32, #tpu.memory_space<vmem>> -> memref<64x128xf32, #tpu.memory_space<vmem>>
        %dma_wait3A_130 = arith.constant 0 : i32
        %dma_wait3A_131 = tpu.memref_slice %arg7[%dma_wait3A_124, %dma_wait3A_130] : memref<56x128xi32, #tpu.memory_space<vmem>> -> memref<1x64xi32, #tpu.memory_space<vmem>>
        %dma_wait3A_132 = tpu.memref_squeeze %dma_wait3A_131 : memref<1x64xi32, #tpu.memory_space<vmem>> -> memref<64xi32, #tpu.memory_space<vmem>>
        %dma_wait3A_133 = arith.constant 0 : i32
        %dma_wait3A_134 = arith.constant 0 : i32
        %dma_wait3A_135 = tpu.memref_slice %arg2[%dma_wait3A_133, %dma_wait3A_134] : memref<10000x128xf32, #tpu.memory_space<hbm>> -> memref<10000x128xf32, #tpu.memory_space<hbm>>
        tpu.wait_indirect_dma semaphore(%arg10 : memref<!tpu.dma_semaphore, #tpu.memory_space<semaphore_mem>>) src(%dma_wait3A_135 : memref<10000x128xf32, #tpu.memory_space<hbm>>) dst(%dma_wait3A_129 : memref<64x128xf32, #tpu.memory_space<vmem>>)
        %dma_wait3A_136 = arith.constant 0 : i32
        %dma_wait3A_137 = arith.constant 0 : i32
        %dma_wait3A_138 = arith.constant 64 : i32
        %dma_wait3A_139 = arith.constant 0 : i32
        %dma_wait3A_140 = tpu.memref_slice %arg9[%dma_wait3A_137, %dma_wait3A_138, %dma_wait3A_139] : memref<2x128x128xf32, #tpu.memory_space<vmem>> -> memref<1x64x128xf32, #tpu.memory_space<vmem>>
        %dma_wait3A_141 = tpu.memref_squeeze %dma_wait3A_140 : memref<1x64x128xf32, #tpu.memory_space<vmem>> -> memref<64x128xf32, #tpu.memory_space<vmem>>
        %dma_wait3A_142 = arith.constant 0 : i32
        %dma_wait3A_143 = tpu.memref_slice %arg7[%dma_wait3A_136, %dma_wait3A_142] : memref<56x128xi32, #tpu.memory_space<vmem>> -> memref<1x64xi32, #tpu.memory_space<vmem>>
        %dma_wait3A_144 = tpu.memref_squeeze %dma_wait3A_143 : memref<1x64xi32, #tpu.memory_space<vmem>> -> memref<64xi32, #tpu.memory_space<vmem>>
        %dma_wait3A_145 = arith.constant 0 : i32
        %dma_wait3A_146 = arith.constant 0 : i32
        %dma_wait3A_147 = tpu.memref_slice %arg2[%dma_wait3A_145, %dma_wait3A_146] : memref<10000x128xf32, #tpu.memory_space<hbm>> -> memref<10000x128xf32, #tpu.memory_space<hbm>>
        tpu.wait_indirect_dma semaphore(%arg11 : memref<!tpu.dma_semaphore, #tpu.memory_space<semaphore_mem>>) src(%dma_wait3A_147 : memref<10000x128xf32, #tpu.memory_space<hbm>>) dst(%dma_wait3A_141 : memref<64x128xf32, #tpu.memory_space<vmem>>)
        %dma_start3A_148 = arith.constant 0 : i32
        %dma_start3A_149 = arith.constant 0 : i32
        %dma_start3A_150 = arith.constant 0 : i32
        %dma_start3A_151 = tpu.memref_slice %arg9[%dma_start3A_148, %dma_start3A_149, %dma_start3A_150] : memref<2x128x128xf32, #tpu.memory_space<vmem>> -> memref<1x128x128xf32, #tpu.memory_space<vmem>>
        %dma_start3A_152 = tpu.memref_squeeze %dma_start3A_151 : memref<1x128x128xf32, #tpu.memory_space<vmem>> -> memref<128x128xf32, #tpu.memory_space<vmem>>
        %dma_start3A_153 = arith.constant 0 : i32
        %dma_start3A_154 = tpu.memref_slice %arg8[%add3A_123, %dma_start3A_153] : memref<56x128xi32, #tpu.memory_space<vmem>> -> memref<1x128xi32, #tpu.memory_space<vmem>>
        %dma_start3A_155 = tpu.memref_squeeze %dma_start3A_154 : memref<1x128xi32, #tpu.memory_space<vmem>> -> memref<128xi32, #tpu.memory_space<vmem>>
        %dma_start3A_156 = arith.constant 0 : i32
        %dma_start3A_157 = arith.constant 0 : i32
        %dma_start3A_158 = tpu.memref_slice %arg6[%dma_start3A_156, %dma_start3A_157] : memref<10240x128xf32, #tpu.memory_space<vmem_shared>> -> memref<10240x128xf32, #tpu.memory_space<vmem_shared>>
        tpu.enqueue_indirect_dma source(%dma_start3A_152 : memref<128x128xf32, #tpu.memory_space<vmem>>) target(%dma_start3A_158 : memref<10240x128xf32, #tpu.memory_space<vmem_shared>>) offsets(%dma_start3A_155 : memref<128xi32, #tpu.memory_space<vmem>>) semaphore(%arg14 : memref<!tpu.dma_semaphore, #tpu.memory_space<semaphore_mem>>) {add = true}
        %gt3A = arith.constant 0 : i32
        %gt3A_159 = arith.cmpi sgt, %add3A_119, %gt3A : i32
        %convert_element_type3A_160 = arith.extui %gt3A_159 : i1 to i32
        %cond3A_161 = arith.constant 0 : i32
        %cond3A_162 = arith.cmpi ne, %convert_element_type3A_160, %cond3A_161 : i32
        scf.if %cond3A_162 {
          %dma_wait3A_245 = arith.constant 1 : i32
          %dma_wait3A_246 = arith.constant 0 : i32
          %dma_wait3A_247 = arith.constant 0 : i32
          %dma_wait3A_248 = arith.constant 0 : i32
          %dma_wait3A_249 = tpu.memref_slice %arg9[%dma_wait3A_245, %dma_wait3A_247, %dma_wait3A_248] : memref<2x128x128xf32, #tpu.memory_space<vmem>> -> memref<1x128x128xf32, #tpu.memory_space<vmem>>
          %dma_wait3A_250 = tpu.memref_squeeze %dma_wait3A_249 : memref<1x128x128xf32, #tpu.memory_space<vmem>> -> memref<128x128xf32, #tpu.memory_space<vmem>>
          %dma_wait3A_251 = arith.constant 0 : i32
          %dma_wait3A_252 = tpu.memref_slice %arg8[%dma_wait3A_246, %dma_wait3A_251] : memref<56x128xi32, #tpu.memory_space<vmem>> -> memref<1x128xi32, #tpu.memory_space<vmem>>
          %dma_wait3A_253 = tpu.memref_squeeze %dma_wait3A_252 : memref<1x128xi32, #tpu.memory_space<vmem>> -> memref<128xi32, #tpu.memory_space<vmem>>
          %dma_wait3A_254 = arith.constant 0 : i32
          %dma_wait3A_255 = arith.constant 0 : i32
          %dma_wait3A_256 = tpu.memref_slice %arg6[%dma_wait3A_254, %dma_wait3A_255] : memref<10240x128xf32, #tpu.memory_space<vmem_shared>> -> memref<10240x128xf32, #tpu.memory_space<vmem_shared>>
          tpu.wait_indirect_dma semaphore(%arg15 : memref<!tpu.dma_semaphore, #tpu.memory_space<semaphore_mem>>) src(%dma_wait3A_250 : memref<128x128xf32, #tpu.memory_space<vmem>>) dst(%dma_wait3A_256 : memref<10240x128xf32, #tpu.memory_space<vmem_shared>>)
        } else {
        }
        %add3A_163 = arith.constant 1 : i32
        %add3A_164 = arith.addi %add3A_123, %add3A_163 : i32
        %dma_start3A_165 = arith.constant 1 : i32
        %dma_start3A_166 = arith.constant 0 : i32
        %dma_start3A_167 = arith.constant 0 : i32
        %dma_start3A_168 = tpu.memref_slice %arg9[%dma_start3A_165, %dma_start3A_166, %dma_start3A_167] : memref<2x128x128xf32, #tpu.memory_space<vmem>> -> memref<1x64x128xf32, #tpu.memory_space<vmem>>
        %dma_start3A_169 = tpu.memref_squeeze %dma_start3A_168 : memref<1x64x128xf32, #tpu.memory_space<vmem>> -> memref<64x128xf32, #tpu.memory_space<vmem>>
        %dma_start3A_170 = arith.constant 0 : i32
        %dma_start3A_171 = tpu.memref_slice %arg7[%add3A_164, %dma_start3A_170] : memref<56x128xi32, #tpu.memory_space<vmem>> -> memref<1x64xi32, #tpu.memory_space<vmem>>
        %dma_start3A_172 = tpu.memref_squeeze %dma_start3A_171 : memref<1x64xi32, #tpu.memory_space<vmem>> -> memref<64xi32, #tpu.memory_space<vmem>>
        %dma_start3A_173 = arith.constant 0 : i32
        %dma_start3A_174 = arith.constant 0 : i32
        %dma_start3A_175 = tpu.memref_slice %arg2[%dma_start3A_173, %dma_start3A_174] : memref<10000x128xf32, #tpu.memory_space<hbm>> -> memref<10000x128xf32, #tpu.memory_space<hbm>>
        tpu.enqueue_indirect_dma source(%dma_start3A_175 : memref<10000x128xf32, #tpu.memory_space<hbm>>) target(%dma_start3A_169 : memref<64x128xf32, #tpu.memory_space<vmem>>) offsets(%dma_start3A_172 : memref<64xi32, #tpu.memory_space<vmem>>) semaphore(%arg12 : memref<!tpu.dma_semaphore, #tpu.memory_space<semaphore_mem>>)
        %dma_start3A_176 = arith.constant 1 : i32
        %dma_start3A_177 = arith.constant 64 : i32
        %dma_start3A_178 = arith.constant 0 : i32
        %dma_start3A_179 = tpu.memref_slice %arg9[%dma_start3A_176, %dma_start3A_177, %dma_start3A_178] : memref<2x128x128xf32, #tpu.memory_space<vmem>> -> memref<1x64x128xf32, #tpu.memory_space<vmem>>
        %dma_start3A_180 = tpu.memref_squeeze %dma_start3A_179 : memref<1x64x128xf32, #tpu.memory_space<vmem>> -> memref<64x128xf32, #tpu.memory_space<vmem>>
        %dma_start3A_181 = arith.constant 64 : i32
        %dma_start3A_182 = tpu.memref_slice %arg7[%add3A_164, %dma_start3A_181] : memref<56x128xi32, #tpu.memory_space<vmem>> -> memref<1x64xi32, #tpu.memory_space<vmem>>
        %dma_start3A_183 = tpu.memref_squeeze %dma_start3A_182 : memref<1x64xi32, #tpu.memory_space<vmem>> -> memref<64xi32, #tpu.memory_space<vmem>>
        %dma_start3A_184 = arith.constant 0 : i32
        %dma_start3A_185 = arith.constant 0 : i32
        %dma_start3A_186 = tpu.memref_slice %arg2[%dma_start3A_184, %dma_start3A_185] : memref<10000x128xf32, #tpu.memory_space<hbm>> -> memref<10000x128xf32, #tpu.memory_space<hbm>>
        tpu.enqueue_indirect_dma source(%dma_start3A_186 : memref<10000x128xf32, #tpu.memory_space<hbm>>) target(%dma_start3A_180 : memref<64x128xf32, #tpu.memory_space<vmem>>) offsets(%dma_start3A_183 : memref<64xi32, #tpu.memory_space<vmem>>) semaphore(%arg13 : memref<!tpu.dma_semaphore, #tpu.memory_space<semaphore_mem>>)
        %mul3A_187 = arith.constant 2 : i32
        %mul3A_188 = arith.muli %add3A_119, %mul3A_187 : i32
        %add3A_189 = arith.constant 1 : i32
        %add3A_190 = arith.addi %mul3A_188, %add3A_189 : i32
        %dma_wait3A_191 = arith.constant 0 : i32
        %dma_wait3A_192 = arith.constant 1 : i32
        %dma_wait3A_193 = arith.constant 0 : i32
        %dma_wait3A_194 = arith.constant 0 : i32
        %dma_wait3A_195 = tpu.memref_slice %arg9[%dma_wait3A_192, %dma_wait3A_193, %dma_wait3A_194] : memref<2x128x128xf32, #tpu.memory_space<vmem>> -> memref<1x64x128xf32, #tpu.memory_space<vmem>>
        %dma_wait3A_196 = tpu.memref_squeeze %dma_wait3A_195 : memref<1x64x128xf32, #tpu.memory_space<vmem>> -> memref<64x128xf32, #tpu.memory_space<vmem>>
        %dma_wait3A_197 = arith.constant 0 : i32
        %dma_wait3A_198 = tpu.memref_slice %arg7[%dma_wait3A_191, %dma_wait3A_197] : memref<56x128xi32, #tpu.memory_space<vmem>> -> memref<1x64xi32, #tpu.memory_space<vmem>>
        %dma_wait3A_199 = tpu.memref_squeeze %dma_wait3A_198 : memref<1x64xi32, #tpu.memory_space<vmem>> -> memref<64xi32, #tpu.memory_space<vmem>>
        %dma_wait3A_200 = arith.constant 0 : i32
        %dma_wait3A_201 = arith.constant 0 : i32
        %dma_wait3A_202 = tpu.memref_slice %arg2[%dma_wait3A_200, %dma_wait3A_201] : memref<10000x128xf32, #tpu.memory_space<hbm>> -> memref<10000x128xf32, #tpu.memory_space<hbm>>
        tpu.wait_indirect_dma semaphore(%arg12 : memref<!tpu.dma_semaphore, #tpu.memory_space<semaphore_mem>>) src(%dma_wait3A_202 : memref<10000x128xf32, #tpu.memory_space<hbm>>) dst(%dma_wait3A_196 : memref<64x128xf32, #tpu.memory_space<vmem>>)
        %dma_wait3A_203 = arith.constant 0 : i32
        %dma_wait3A_204 = arith.constant 1 : i32
        %dma_wait3A_205 = arith.constant 64 : i32
        %dma_wait3A_206 = arith.constant 0 : i32
        %dma_wait3A_207 = tpu.memref_slice %arg9[%dma_wait3A_204, %dma_wait3A_205, %dma_wait3A_206] : memref<2x128x128xf32, #tpu.memory_space<vmem>> -> memref<1x64x128xf32, #tpu.memory_space<vmem>>
        %dma_wait3A_208 = tpu.memref_squeeze %dma_wait3A_207 : memref<1x64x128xf32, #tpu.memory_space<vmem>> -> memref<64x128xf32, #tpu.memory_space<vmem>>
        %dma_wait3A_209 = arith.constant 0 : i32
        %dma_wait3A_210 = tpu.memref_slice %arg7[%dma_wait3A_203, %dma_wait3A_209] : memref<56x128xi32, #tpu.memory_space<vmem>> -> memref<1x64xi32, #tpu.memory_space<vmem>>
        %dma_wait3A_211 = tpu.memref_squeeze %dma_wait3A_210 : memref<1x64xi32, #tpu.memory_space<vmem>> -> memref<64xi32, #tpu.memory_space<vmem>>
        %dma_wait3A_212 = arith.constant 0 : i32
        %dma_wait3A_213 = arith.constant 0 : i32
        %dma_wait3A_214 = tpu.memref_slice %arg2[%dma_wait3A_212, %dma_wait3A_213] : memref<10000x128xf32, #tpu.memory_space<hbm>> -> memref<10000x128xf32, #tpu.memory_space<hbm>>
        tpu.wait_indirect_dma semaphore(%arg13 : memref<!tpu.dma_semaphore, #tpu.memory_space<semaphore_mem>>) src(%dma_wait3A_214 : memref<10000x128xf32, #tpu.memory_space<hbm>>) dst(%dma_wait3A_208 : memref<64x128xf32, #tpu.memory_space<vmem>>)
        %dma_start3A_215 = arith.constant 1 : i32
        %dma_start3A_216 = arith.constant 0 : i32
        %dma_start3A_217 = arith.constant 0 : i32
        %dma_start3A_218 = tpu.memref_slice %arg9[%dma_start3A_215, %dma_start3A_216, %dma_start3A_217] : memref<2x128x128xf32, #tpu.memory_space<vmem>> -> memref<1x128x128xf32, #tpu.memory_space<vmem>>
        %dma_start3A_219 = tpu.memref_squeeze %dma_start3A_218 : memref<1x128x128xf32, #tpu.memory_space<vmem>> -> memref<128x128xf32, #tpu.memory_space<vmem>>
        %dma_start3A_220 = arith.constant 0 : i32
        %dma_start3A_221 = tpu.memref_slice %arg8[%add3A_190, %dma_start3A_220] : memref<56x128xi32, #tpu.memory_space<vmem>> -> memref<1x128xi32, #tpu.memory_space<vmem>>
        %dma_start3A_222 = tpu.memref_squeeze %dma_start3A_221 : memref<1x128xi32, #tpu.memory_space<vmem>> -> memref<128xi32, #tpu.memory_space<vmem>>
        %dma_start3A_223 = arith.constant 0 : i32
        %dma_start3A_224 = arith.constant 0 : i32
        %dma_start3A_225 = tpu.memref_slice %arg6[%dma_start3A_223, %dma_start3A_224] : memref<10240x128xf32, #tpu.memory_space<vmem_shared>> -> memref<10240x128xf32, #tpu.memory_space<vmem_shared>>
        tpu.enqueue_indirect_dma source(%dma_start3A_219 : memref<128x128xf32, #tpu.memory_space<vmem>>) target(%dma_start3A_225 : memref<10240x128xf32, #tpu.memory_space<vmem_shared>>) offsets(%dma_start3A_222 : memref<128xi32, #tpu.memory_space<vmem>>) semaphore(%arg15 : memref<!tpu.dma_semaphore, #tpu.memory_space<semaphore_mem>>) {add = true}
        %dma_wait3A_226 = arith.constant 0 : i32
        %dma_wait3A_227 = arith.constant 0 : i32
        %dma_wait3A_228 = arith.constant 0 : i32
        %dma_wait3A_229 = arith.constant 0 : i32
        %dma_wait3A_230 = tpu.memref_slice %arg9[%dma_wait3A_226, %dma_wait3A_228, %dma_wait3A_229] : memref<2x128x128xf32, #tpu.memory_space<vmem>> -> memref<1x128x128xf32, #tpu.memory_space<vmem>>
        %dma_wait3A_231 = tpu.memref_squeeze %dma_wait3A_230 : memref<1x128x128xf32, #tpu.memory_space<vmem>> -> memref<128x128xf32, #tpu.memory_space<vmem>>
        %dma_wait3A_232 = arith.constant 0 : i32
        %dma_wait3A_233 = tpu.memref_slice %arg8[%dma_wait3A_227, %dma_wait3A_232] : memref<56x128xi32, #tpu.memory_space<vmem>> -> memref<1x128xi32, #tpu.memory_space<vmem>>
        %dma_wait3A_234 = tpu.memref_squeeze %dma_wait3A_233 : memref<1x128xi32, #tpu.memory_space<vmem>> -> memref<128xi32, #tpu.memory_space<vmem>>
        %dma_wait3A_235 = arith.constant 0 : i32
        %dma_wait3A_236 = arith.constant 0 : i32
        %dma_wait3A_237 = tpu.memref_slice %arg6[%dma_wait3A_235, %dma_wait3A_236] : memref<10240x128xf32, #tpu.memory_space<vmem_shared>> -> memref<10240x128xf32, #tpu.memory_space<vmem_shared>>
        tpu.wait_indirect_dma semaphore(%arg14 : memref<!tpu.dma_semaphore, #tpu.memory_space<semaphore_mem>>) src(%dma_wait3A_231 : memref<128x128xf32, #tpu.memory_space<vmem>>) dst(%dma_wait3A_237 : memref<10240x128xf32, #tpu.memory_space<vmem_shared>>)
        %add3A_238 = arith.constant 1 : i32
        %add3A_239 = arith.addi %add3A_119, %add3A_238 : i32
        %lt3A_240 = arith.constant 28 : i32
        %lt3A_241 = arith.cmpi slt, %add3A_239, %lt3A_240 : i32
        %convert_element_type3A_242 = arith.extui %lt3A_241 : i1 to i32
        %cond3A_243 = arith.constant 0 : i32
        %cond3A_244 = arith.cmpi ne, %convert_element_type3A_242, %cond3A_243 : i32
        scf.if %cond3A_244 {
          %add3A_245 = arith.constant 1 : i32
          %add3A_246 = arith.addi %add3A_190, %add3A_245 : i32
          %dma_start3A_247 = arith.constant 0 : i32
          %dma_start3A_248 = arith.constant 0 : i32
          %dma_start3A_249 = arith.constant 0 : i32
          %dma_start3A_250 = tpu.memref_slice %arg9[%dma_start3A_247, %dma_start3A_248, %dma_start3A_249] : memref<2x128x128xf32, #tpu.memory_space<vmem>> -> memref<1x64x128xf32, #tpu.memory_space<vmem>>
          %dma_start3A_251 = tpu.memref_squeeze %dma_start3A_250 : memref<1x64x128xf32, #tpu.memory_space<vmem>> -> memref<64x128xf32, #tpu.memory_space<vmem>>
          %dma_start3A_252 = arith.constant 0 : i32
          %dma_start3A_253 = tpu.memref_slice %arg7[%add3A_246, %dma_start3A_252] : memref<56x128xi32, #tpu.memory_space<vmem>> -> memref<1x64xi32, #tpu.memory_space<vmem>>
          %dma_start3A_254 = tpu.memref_squeeze %dma_start3A_253 : memref<1x64xi32, #tpu.memory_space<vmem>> -> memref<64xi32, #tpu.memory_space<vmem>>
          %dma_start3A_255 = arith.constant 0 : i32
          %dma_start3A_256 = arith.constant 0 : i32
          %dma_start3A_257 = tpu.memref_slice %arg2[%dma_start3A_255, %dma_start3A_256] : memref<10000x128xf32, #tpu.memory_space<hbm>> -> memref<10000x128xf32, #tpu.memory_space<hbm>>
          tpu.enqueue_indirect_dma source(%dma_start3A_257 : memref<10000x128xf32, #tpu.memory_space<hbm>>) target(%dma_start3A_251 : memref<64x128xf32, #tpu.memory_space<vmem>>) offsets(%dma_start3A_254 : memref<64xi32, #tpu.memory_space<vmem>>) semaphore(%arg10 : memref<!tpu.dma_semaphore, #tpu.memory_space<semaphore_mem>>)
          %dma_start3A_258 = arith.constant 0 : i32
          %dma_start3A_259 = arith.constant 64 : i32
          %dma_start3A_260 = arith.constant 0 : i32
          %dma_start3A_261 = tpu.memref_slice %arg9[%dma_start3A_258, %dma_start3A_259, %dma_start3A_260] : memref<2x128x128xf32, #tpu.memory_space<vmem>> -> memref<1x64x128xf32, #tpu.memory_space<vmem>>
          %dma_start3A_262 = tpu.memref_squeeze %dma_start3A_261 : memref<1x64x128xf32, #tpu.memory_space<vmem>> -> memref<64x128xf32, #tpu.memory_space<vmem>>
          %dma_start3A_263 = arith.constant 64 : i32
          %dma_start3A_264 = tpu.memref_slice %arg7[%add3A_246, %dma_start3A_263] : memref<56x128xi32, #tpu.memory_space<vmem>> -> memref<1x64xi32, #tpu.memory_space<vmem>>
          %dma_start3A_265 = tpu.memref_squeeze %dma_start3A_264 : memref<1x64xi32, #tpu.memory_space<vmem>> -> memref<64xi32, #tpu.memory_space<vmem>>
          %dma_start3A_266 = arith.constant 0 : i32
          %dma_start3A_267 = arith.constant 0 : i32
          %dma_start3A_268 = tpu.memref_slice %arg2[%dma_start3A_266, %dma_start3A_267] : memref<10000x128xf32, #tpu.memory_space<hbm>> -> memref<10000x128xf32, #tpu.memory_space<hbm>>
          tpu.enqueue_indirect_dma source(%dma_start3A_268 : memref<10000x128xf32, #tpu.memory_space<hbm>>) target(%dma_start3A_262 : memref<64x128xf32, #tpu.memory_space<vmem>>) offsets(%dma_start3A_265 : memref<64xi32, #tpu.memory_space<vmem>>) semaphore(%arg11 : memref<!tpu.dma_semaphore, #tpu.memory_space<semaphore_mem>>)
        } else {
        }
      }
      %scan3A_102 = arith.constant 28 : i32
      %dma_wait3A_103 = arith.constant 1 : i32
      %dma_wait3A_104 = arith.constant 0 : i32
      %dma_wait3A_105 = arith.constant 0 : i32
      %dma_wait3A_106 = arith.constant 0 : i32
      %dma_wait3A_107 = tpu.memref_slice %arg9[%dma_wait3A_103, %dma_wait3A_105, %dma_wait3A_106] : memref<2x128x128xf32, #tpu.memory_space<vmem>> -> memref<1x128x128xf32, #tpu.memory_space<vmem>>
      %dma_wait3A_108 = tpu.memref_squeeze %dma_wait3A_107 : memref<1x128x128xf32, #tpu.memory_space<vmem>> -> memref<128x128xf32, #tpu.memory_space<vmem>>
      %dma_wait3A_109 = arith.constant 0 : i32
      %dma_wait3A_110 = tpu.memref_slice %arg8[%dma_wait3A_104, %dma_wait3A_109] : memref<56x128xi32, #tpu.memory_space<vmem>> -> memref<1x128xi32, #tpu.memory_space<vmem>>
      %dma_wait3A_111 = tpu.memref_squeeze %dma_wait3A_110 : memref<1x128xi32, #tpu.memory_space<vmem>> -> memref<128xi32, #tpu.memory_space<vmem>>
      %dma_wait3A_112 = arith.constant 0 : i32
      %dma_wait3A_113 = arith.constant 0 : i32
      %dma_wait3A_114 = tpu.memref_slice %arg6[%dma_wait3A_112, %dma_wait3A_113] : memref<10240x128xf32, #tpu.memory_space<vmem_shared>> -> memref<10240x128xf32, #tpu.memory_space<vmem_shared>>
      tpu.wait_indirect_dma semaphore(%arg15 : memref<!tpu.dma_semaphore, #tpu.memory_space<semaphore_mem>>) src(%dma_wait3A_108 : memref<128x128xf32, #tpu.memory_space<vmem>>) dst(%dma_wait3A_114 : memref<10240x128xf32, #tpu.memory_space<vmem_shared>>)
    } else {
    }
    %eq3A_16 = arith.constant 1 : i32
    %eq3A_17 = arith.cmpi eq, %arg0, %eq3A_16 : i32
    %convert_element_type3A_18 = arith.extui %eq3A_17 : i1 to i32
    %cond3A_19 = arith.constant 0 : i32
    %cond3A_20 = arith.cmpi ne, %convert_element_type3A_18, %cond3A_19 : i32
    scf.if %cond3A_20 {
      %add3A_31 = arith.constant 112 : i32
      %add3A_32 = arith.addi %mul3A_13, %add3A_31 : i32
      %add3A_33 = arith.constant 0 : i32
      %add3A_34 = arith.addi %add3A_32, %add3A_33 : i32
      "tpu.region"() ({
        %run_scoped3A = tpu.sem_alloc : memref<!tpu.dma_semaphore, #tpu.memory_space<semaphore_mem>>
        %dma_start3A_117 = arith.constant 0 : i32
        %dma_start3A_118 = arith.constant 0 : i32
        %dma_start3A_119 = tpu.memref_slice %arg7[%dma_start3A_117, %dma_start3A_118] : memref<56x128xi32, #tpu.memory_space<vmem>> -> memref<24x128xi32, #tpu.memory_space<vmem>>
        %dma_start3A_120 = arith.constant 0 : i32
        %dma_start3A_121 = tpu.memref_slice %arg3[%add3A_34, %dma_start3A_120] : memref<2560x128xi32, #tpu.memory_space<hbm>> -> memref<24x128xi32, #tpu.memory_space<hbm>>
        %dma_start3A_122 = arith.constant 0 : i32
        %dma_start3A_123 = arith.constant 0 : i32
        %dma_start3A_124 = tpu.memref_slice %arg7[%dma_start3A_122, %dma_start3A_123] : memref<56x128xi32, #tpu.memory_space<vmem>> -> memref<24x128xi32, #tpu.memory_space<vmem>>
        %dma_start3A_125 = arith.constant 0 : i32
        %dma_start3A_126 = tpu.memref_slice %arg3[%add3A_34, %dma_start3A_125] : memref<2560x128xi32, #tpu.memory_space<hbm>> -> memref<24x128xi32, #tpu.memory_space<hbm>>
        tpu.enqueue_dma source(%dma_start3A_126 : memref<24x128xi32, #tpu.memory_space<hbm>>) target(%dma_start3A_124 : memref<24x128xi32, #tpu.memory_space<vmem>>) target_semaphore(%run_scoped3A : memref<!tpu.dma_semaphore, #tpu.memory_space<semaphore_mem>>)
        %dma_wait3A_127 = arith.constant 0 : i32
        %dma_wait3A_128 = arith.constant 0 : i32
        %dma_wait3A_129 = tpu.memref_slice %arg7[%dma_wait3A_127, %dma_wait3A_128] : memref<56x128xi32, #tpu.memory_space<vmem>> -> memref<24x128xi32, #tpu.memory_space<vmem>>
        %dma_wait3A_130 = arith.constant 0 : i32
        %dma_wait3A_131 = tpu.memref_slice %arg3[%add3A_34, %dma_wait3A_130] : memref<2560x128xi32, #tpu.memory_space<hbm>> -> memref<24x128xi32, #tpu.memory_space<hbm>>
        %dma_wait3A_132 = arith.constant 0 : i32
        %dma_wait3A_133 = arith.constant 0 : i32
        %dma_wait3A_134 = tpu.memref_slice %arg7[%dma_wait3A_132, %dma_wait3A_133] : memref<56x128xi32, #tpu.memory_space<vmem>> -> memref<24x128xi32, #tpu.memory_space<vmem>>
        %dma_wait3A_135 = arith.constant 0 : i32
        %dma_wait3A_136 = tpu.memref_slice %arg3[%add3A_34, %dma_wait3A_135] : memref<2560x128xi32, #tpu.memory_space<hbm>> -> memref<24x128xi32, #tpu.memory_space<hbm>>
        tpu.wait_dma2 semaphore(%run_scoped3A : memref<!tpu.dma_semaphore, #tpu.memory_space<semaphore_mem>>) src(%dma_wait3A_136 : memref<24x128xi32, #tpu.memory_space<hbm>>) dst(%dma_wait3A_134 : memref<24x128xi32, #tpu.memory_space<vmem>>)
        tpu.yield
      }) : () -> ()
      "tpu.region"() ({
        %run_scoped3A = tpu.sem_alloc : memref<!tpu.dma_semaphore, #tpu.memory_space<semaphore_mem>>
        %dma_start3A_117 = arith.constant 0 : i32
        %dma_start3A_118 = arith.constant 0 : i32
        %dma_start3A_119 = tpu.memref_slice %arg8[%dma_start3A_117, %dma_start3A_118] : memref<56x128xi32, #tpu.memory_space<vmem>> -> memref<24x128xi32, #tpu.memory_space<vmem>>
        %dma_start3A_120 = arith.constant 0 : i32
        %dma_start3A_121 = tpu.memref_slice %arg4[%add3A_34, %dma_start3A_120] : memref<2560x128xi32, #tpu.memory_space<hbm>> -> memref<24x128xi32, #tpu.memory_space<hbm>>
        %dma_start3A_122 = arith.constant 0 : i32
        %dma_start3A_123 = arith.constant 0 : i32
        %dma_start3A_124 = tpu.memref_slice %arg8[%dma_start3A_122, %dma_start3A_123] : memref<56x128xi32, #tpu.memory_space<vmem>> -> memref<24x128xi32, #tpu.memory_space<vmem>>
        %dma_start3A_125 = arith.constant 0 : i32
        %dma_start3A_126 = tpu.memref_slice %arg4[%add3A_34, %dma_start3A_125] : memref<2560x128xi32, #tpu.memory_space<hbm>> -> memref<24x128xi32, #tpu.memory_space<hbm>>
        tpu.enqueue_dma source(%dma_start3A_126 : memref<24x128xi32, #tpu.memory_space<hbm>>) target(%dma_start3A_124 : memref<24x128xi32, #tpu.memory_space<vmem>>) target_semaphore(%run_scoped3A : memref<!tpu.dma_semaphore, #tpu.memory_space<semaphore_mem>>)
        %dma_wait3A_127 = arith.constant 0 : i32
        %dma_wait3A_128 = arith.constant 0 : i32
        %dma_wait3A_129 = tpu.memref_slice %arg8[%dma_wait3A_127, %dma_wait3A_128] : memref<56x128xi32, #tpu.memory_space<vmem>> -> memref<24x128xi32, #tpu.memory_space<vmem>>
        %dma_wait3A_130 = arith.constant 0 : i32
        %dma_wait3A_131 = tpu.memref_slice %arg4[%add3A_34, %dma_wait3A_130] : memref<2560x128xi32, #tpu.memory_space<hbm>> -> memref<24x128xi32, #tpu.memory_space<hbm>>
        %dma_wait3A_132 = arith.constant 0 : i32
        %dma_wait3A_133 = arith.constant 0 : i32
        %dma_wait3A_134 = tpu.memref_slice %arg8[%dma_wait3A_132, %dma_wait3A_133] : memref<56x128xi32, #tpu.memory_space<vmem>> -> memref<24x128xi32, #tpu.memory_space<vmem>>
        %dma_wait3A_135 = arith.constant 0 : i32
        %dma_wait3A_136 = tpu.memref_slice %arg4[%add3A_34, %dma_wait3A_135] : memref<2560x128xi32, #tpu.memory_space<hbm>> -> memref<24x128xi32, #tpu.memory_space<hbm>>
        tpu.wait_dma2 semaphore(%run_scoped3A : memref<!tpu.dma_semaphore, #tpu.memory_space<semaphore_mem>>) src(%dma_wait3A_136 : memref<24x128xi32, #tpu.memory_space<hbm>>) dst(%dma_wait3A_134 : memref<24x128xi32, #tpu.memory_space<vmem>>)
        tpu.yield
      }) : () -> ()
      %dma_start3A = arith.constant 0 : i32
      %dma_start3A_35 = arith.constant 0 : i32
      %dma_start3A_36 = arith.constant 0 : i32
      %dma_start3A_37 = arith.constant 0 : i32
      %dma_start3A_38 = tpu.memref_slice %arg9[%dma_start3A_35, %dma_start3A_36, %dma_start3A_37] : memref<2x128x128xf32, #tpu.memory_space<vmem>> -> memref<1x64x128xf32, #tpu.memory_space<vmem>>
      %dma_start3A_39 = tpu.memref_squeeze %dma_start3A_38 : memref<1x64x128xf32, #tpu.memory_space<vmem>> -> memref<64x128xf32, #tpu.memory_space<vmem>>
      %dma_start3A_40 = arith.constant 0 : i32
      %dma_start3A_41 = tpu.memref_slice %arg7[%dma_start3A, %dma_start3A_40] : memref<56x128xi32, #tpu.memory_space<vmem>> -> memref<1x64xi32, #tpu.memory_space<vmem>>
      %dma_start3A_42 = tpu.memref_squeeze %dma_start3A_41 : memref<1x64xi32, #tpu.memory_space<vmem>> -> memref<64xi32, #tpu.memory_space<vmem>>
      %dma_start3A_43 = arith.constant 0 : i32
      %dma_start3A_44 = arith.constant 0 : i32
      %dma_start3A_45 = tpu.memref_slice %arg2[%dma_start3A_43, %dma_start3A_44] : memref<10000x128xf32, #tpu.memory_space<hbm>> -> memref<10000x128xf32, #tpu.memory_space<hbm>>
      tpu.enqueue_indirect_dma source(%dma_start3A_45 : memref<10000x128xf32, #tpu.memory_space<hbm>>) target(%dma_start3A_39 : memref<64x128xf32, #tpu.memory_space<vmem>>) offsets(%dma_start3A_42 : memref<64xi32, #tpu.memory_space<vmem>>) semaphore(%arg10 : memref<!tpu.dma_semaphore, #tpu.memory_space<semaphore_mem>>)
      %dma_start3A_46 = arith.constant 0 : i32
      %dma_start3A_47 = arith.constant 0 : i32
      %dma_start3A_48 = arith.constant 64 : i32
      %dma_start3A_49 = arith.constant 0 : i32
      %dma_start3A_50 = tpu.memref_slice %arg9[%dma_start3A_47, %dma_start3A_48, %dma_start3A_49] : memref<2x128x128xf32, #tpu.memory_space<vmem>> -> memref<1x64x128xf32, #tpu.memory_space<vmem>>
      %dma_start3A_51 = tpu.memref_squeeze %dma_start3A_50 : memref<1x64x128xf32, #tpu.memory_space<vmem>> -> memref<64x128xf32, #tpu.memory_space<vmem>>
      %dma_start3A_52 = arith.constant 64 : i32
      %dma_start3A_53 = tpu.memref_slice %arg7[%dma_start3A_46, %dma_start3A_52] : memref<56x128xi32, #tpu.memory_space<vmem>> -> memref<1x64xi32, #tpu.memory_space<vmem>>
      %dma_start3A_54 = tpu.memref_squeeze %dma_start3A_53 : memref<1x64xi32, #tpu.memory_space<vmem>> -> memref<64xi32, #tpu.memory_space<vmem>>
      %dma_start3A_55 = arith.constant 0 : i32
      %dma_start3A_56 = arith.constant 0 : i32
      %dma_start3A_57 = tpu.memref_slice %arg2[%dma_start3A_55, %dma_start3A_56] : memref<10000x128xf32, #tpu.memory_space<hbm>> -> memref<10000x128xf32, #tpu.memory_space<hbm>>
      tpu.enqueue_indirect_dma source(%dma_start3A_57 : memref<10000x128xf32, #tpu.memory_space<hbm>>) target(%dma_start3A_51 : memref<64x128xf32, #tpu.memory_space<vmem>>) offsets(%dma_start3A_54 : memref<64xi32, #tpu.memory_space<vmem>>) semaphore(%arg11 : memref<!tpu.dma_semaphore, #tpu.memory_space<semaphore_mem>>)
      %scan3A_58 = arith.constant 0 : i32
      %scan3A_59 = arith.constant 12 : i32
      %scan3A_60 = arith.addi %scan3A_58, %scan3A_59 : i32
      %scan3A_61 = arith.constant 1 : i32
      scf.for %scan3A_117 = %scan3A_58 to %scan3A_60 step %scan3A_61  : i32 {
        %mul3A_118 = arith.constant 1 : i32
        %mul3A_119 = arith.muli %scan3A_117, %mul3A_118 : i32
        %add3A_120 = arith.constant 0 : i32
        %add3A_121 = arith.addi %add3A_120, %mul3A_119 : i32
        %mul3A_122 = arith.constant 2 : i32
        %mul3A_123 = arith.muli %add3A_121, %mul3A_122 : i32
        %add3A_124 = arith.constant 0 : i32
        %add3A_125 = arith.addi %mul3A_123, %add3A_124 : i32
        %dma_wait3A_126 = arith.constant 0 : i32
        %dma_wait3A_127 = arith.constant 0 : i32
        %dma_wait3A_128 = arith.constant 0 : i32
        %dma_wait3A_129 = arith.constant 0 : i32
        %dma_wait3A_130 = tpu.memref_slice %arg9[%dma_wait3A_127, %dma_wait3A_128, %dma_wait3A_129] : memref<2x128x128xf32, #tpu.memory_space<vmem>> -> memref<1x64x128xf32, #tpu.memory_space<vmem>>
        %dma_wait3A_131 = tpu.memref_squeeze %dma_wait3A_130 : memref<1x64x128xf32, #tpu.memory_space<vmem>> -> memref<64x128xf32, #tpu.memory_space<vmem>>
        %dma_wait3A_132 = arith.constant 0 : i32
        %dma_wait3A_133 = tpu.memref_slice %arg7[%dma_wait3A_126, %dma_wait3A_132] : memref<56x128xi32, #tpu.memory_space<vmem>> -> memref<1x64xi32, #tpu.memory_space<vmem>>
        %dma_wait3A_134 = tpu.memref_squeeze %dma_wait3A_133 : memref<1x64xi32, #tpu.memory_space<vmem>> -> memref<64xi32, #tpu.memory_space<vmem>>
        %dma_wait3A_135 = arith.constant 0 : i32
        %dma_wait3A_136 = arith.constant 0 : i32
        %dma_wait3A_137 = tpu.memref_slice %arg2[%dma_wait3A_135, %dma_wait3A_136] : memref<10000x128xf32, #tpu.memory_space<hbm>> -> memref<10000x128xf32, #tpu.memory_space<hbm>>
        tpu.wait_indirect_dma semaphore(%arg10 : memref<!tpu.dma_semaphore, #tpu.memory_space<semaphore_mem>>) src(%dma_wait3A_137 : memref<10000x128xf32, #tpu.memory_space<hbm>>) dst(%dma_wait3A_131 : memref<64x128xf32, #tpu.memory_space<vmem>>)
        %dma_wait3A_138 = arith.constant 0 : i32
        %dma_wait3A_139 = arith.constant 0 : i32
        %dma_wait3A_140 = arith.constant 64 : i32
        %dma_wait3A_141 = arith.constant 0 : i32
        %dma_wait3A_142 = tpu.memref_slice %arg9[%dma_wait3A_139, %dma_wait3A_140, %dma_wait3A_141] : memref<2x128x128xf32, #tpu.memory_space<vmem>> -> memref<1x64x128xf32, #tpu.memory_space<vmem>>
        %dma_wait3A_143 = tpu.memref_squeeze %dma_wait3A_142 : memref<1x64x128xf32, #tpu.memory_space<vmem>> -> memref<64x128xf32, #tpu.memory_space<vmem>>
        %dma_wait3A_144 = arith.constant 0 : i32
        %dma_wait3A_145 = tpu.memref_slice %arg7[%dma_wait3A_138, %dma_wait3A_144] : memref<56x128xi32, #tpu.memory_space<vmem>> -> memref<1x64xi32, #tpu.memory_space<vmem>>
        %dma_wait3A_146 = tpu.memref_squeeze %dma_wait3A_145 : memref<1x64xi32, #tpu.memory_space<vmem>> -> memref<64xi32, #tpu.memory_space<vmem>>
        %dma_wait3A_147 = arith.constant 0 : i32
        %dma_wait3A_148 = arith.constant 0 : i32
        %dma_wait3A_149 = tpu.memref_slice %arg2[%dma_wait3A_147, %dma_wait3A_148] : memref<10000x128xf32, #tpu.memory_space<hbm>> -> memref<10000x128xf32, #tpu.memory_space<hbm>>
        tpu.wait_indirect_dma semaphore(%arg11 : memref<!tpu.dma_semaphore, #tpu.memory_space<semaphore_mem>>) src(%dma_wait3A_149 : memref<10000x128xf32, #tpu.memory_space<hbm>>) dst(%dma_wait3A_143 : memref<64x128xf32, #tpu.memory_space<vmem>>)
        %dma_start3A_150 = arith.constant 0 : i32
        %dma_start3A_151 = arith.constant 0 : i32
        %dma_start3A_152 = arith.constant 0 : i32
        %dma_start3A_153 = tpu.memref_slice %arg9[%dma_start3A_150, %dma_start3A_151, %dma_start3A_152] : memref<2x128x128xf32, #tpu.memory_space<vmem>> -> memref<1x128x128xf32, #tpu.memory_space<vmem>>
        %dma_start3A_154 = tpu.memref_squeeze %dma_start3A_153 : memref<1x128x128xf32, #tpu.memory_space<vmem>> -> memref<128x128xf32, #tpu.memory_space<vmem>>
        %dma_start3A_155 = arith.constant 0 : i32
        %dma_start3A_156 = tpu.memref_slice %arg8[%add3A_125, %dma_start3A_155] : memref<56x128xi32, #tpu.memory_space<vmem>> -> memref<1x128xi32, #tpu.memory_space<vmem>>
        %dma_start3A_157 = tpu.memref_squeeze %dma_start3A_156 : memref<1x128xi32, #tpu.memory_space<vmem>> -> memref<128xi32, #tpu.memory_space<vmem>>
        %dma_start3A_158 = arith.constant 0 : i32
        %dma_start3A_159 = arith.constant 0 : i32
        %dma_start3A_160 = tpu.memref_slice %arg6[%dma_start3A_158, %dma_start3A_159] : memref<10240x128xf32, #tpu.memory_space<vmem_shared>> -> memref<10240x128xf32, #tpu.memory_space<vmem_shared>>
        tpu.enqueue_indirect_dma source(%dma_start3A_154 : memref<128x128xf32, #tpu.memory_space<vmem>>) target(%dma_start3A_160 : memref<10240x128xf32, #tpu.memory_space<vmem_shared>>) offsets(%dma_start3A_157 : memref<128xi32, #tpu.memory_space<vmem>>) semaphore(%arg14 : memref<!tpu.dma_semaphore, #tpu.memory_space<semaphore_mem>>) {add = true}
        %gt3A = arith.constant 0 : i32
        %gt3A_161 = arith.cmpi sgt, %add3A_121, %gt3A : i32
        %convert_element_type3A_162 = arith.extui %gt3A_161 : i1 to i32
        %cond3A_163 = arith.constant 0 : i32
        %cond3A_164 = arith.cmpi ne, %convert_element_type3A_162, %cond3A_163 : i32
        scf.if %cond3A_164 {
          %dma_wait3A_247 = arith.constant 1 : i32
          %dma_wait3A_248 = arith.constant 0 : i32
          %dma_wait3A_249 = arith.constant 0 : i32
          %dma_wait3A_250 = arith.constant 0 : i32
          %dma_wait3A_251 = tpu.memref_slice %arg9[%dma_wait3A_247, %dma_wait3A_249, %dma_wait3A_250] : memref<2x128x128xf32, #tpu.memory_space<vmem>> -> memref<1x128x128xf32, #tpu.memory_space<vmem>>
          %dma_wait3A_252 = tpu.memref_squeeze %dma_wait3A_251 : memref<1x128x128xf32, #tpu.memory_space<vmem>> -> memref<128x128xf32, #tpu.memory_space<vmem>>
          %dma_wait3A_253 = arith.constant 0 : i32
          %dma_wait3A_254 = tpu.memref_slice %arg8[%dma_wait3A_248, %dma_wait3A_253] : memref<56x128xi32, #tpu.memory_space<vmem>> -> memref<1x128xi32, #tpu.memory_space<vmem>>
          %dma_wait3A_255 = tpu.memref_squeeze %dma_wait3A_254 : memref<1x128xi32, #tpu.memory_space<vmem>> -> memref<128xi32, #tpu.memory_space<vmem>>
          %dma_wait3A_256 = arith.constant 0 : i32
          %dma_wait3A_257 = arith.constant 0 : i32
          %dma_wait3A_258 = tpu.memref_slice %arg6[%dma_wait3A_256, %dma_wait3A_257] : memref<10240x128xf32, #tpu.memory_space<vmem_shared>> -> memref<10240x128xf32, #tpu.memory_space<vmem_shared>>
          tpu.wait_indirect_dma semaphore(%arg15 : memref<!tpu.dma_semaphore, #tpu.memory_space<semaphore_mem>>) src(%dma_wait3A_252 : memref<128x128xf32, #tpu.memory_space<vmem>>) dst(%dma_wait3A_258 : memref<10240x128xf32, #tpu.memory_space<vmem_shared>>)
        } else {
        }
        %add3A_165 = arith.constant 1 : i32
        %add3A_166 = arith.addi %add3A_125, %add3A_165 : i32
        %dma_start3A_167 = arith.constant 1 : i32
        %dma_start3A_168 = arith.constant 0 : i32
        %dma_start3A_169 = arith.constant 0 : i32
        %dma_start3A_170 = tpu.memref_slice %arg9[%dma_start3A_167, %dma_start3A_168, %dma_start3A_169] : memref<2x128x128xf32, #tpu.memory_space<vmem>> -> memref<1x64x128xf32, #tpu.memory_space<vmem>>
        %dma_start3A_171 = tpu.memref_squeeze %dma_start3A_170 : memref<1x64x128xf32, #tpu.memory_space<vmem>> -> memref<64x128xf32, #tpu.memory_space<vmem>>
        %dma_start3A_172 = arith.constant 0 : i32
        %dma_start3A_173 = tpu.memref_slice %arg7[%add3A_166, %dma_start3A_172] : memref<56x128xi32, #tpu.memory_space<vmem>> -> memref<1x64xi32, #tpu.memory_space<vmem>>
        %dma_start3A_174 = tpu.memref_squeeze %dma_start3A_173 : memref<1x64xi32, #tpu.memory_space<vmem>> -> memref<64xi32, #tpu.memory_space<vmem>>
        %dma_start3A_175 = arith.constant 0 : i32
        %dma_start3A_176 = arith.constant 0 : i32
        %dma_start3A_177 = tpu.memref_slice %arg2[%dma_start3A_175, %dma_start3A_176] : memref<10000x128xf32, #tpu.memory_space<hbm>> -> memref<10000x128xf32, #tpu.memory_space<hbm>>
        tpu.enqueue_indirect_dma source(%dma_start3A_177 : memref<10000x128xf32, #tpu.memory_space<hbm>>) target(%dma_start3A_171 : memref<64x128xf32, #tpu.memory_space<vmem>>) offsets(%dma_start3A_174 : memref<64xi32, #tpu.memory_space<vmem>>) semaphore(%arg12 : memref<!tpu.dma_semaphore, #tpu.memory_space<semaphore_mem>>)
        %dma_start3A_178 = arith.constant 1 : i32
        %dma_start3A_179 = arith.constant 64 : i32
        %dma_start3A_180 = arith.constant 0 : i32
        %dma_start3A_181 = tpu.memref_slice %arg9[%dma_start3A_178, %dma_start3A_179, %dma_start3A_180] : memref<2x128x128xf32, #tpu.memory_space<vmem>> -> memref<1x64x128xf32, #tpu.memory_space<vmem>>
        %dma_start3A_182 = tpu.memref_squeeze %dma_start3A_181 : memref<1x64x128xf32, #tpu.memory_space<vmem>> -> memref<64x128xf32, #tpu.memory_space<vmem>>
        %dma_start3A_183 = arith.constant 64 : i32
        %dma_start3A_184 = tpu.memref_slice %arg7[%add3A_166, %dma_start3A_183] : memref<56x128xi32, #tpu.memory_space<vmem>> -> memref<1x64xi32, #tpu.memory_space<vmem>>
        %dma_start3A_185 = tpu.memref_squeeze %dma_start3A_184 : memref<1x64xi32, #tpu.memory_space<vmem>> -> memref<64xi32, #tpu.memory_space<vmem>>
        %dma_start3A_186 = arith.constant 0 : i32
        %dma_start3A_187 = arith.constant 0 : i32
        %dma_start3A_188 = tpu.memref_slice %arg2[%dma_start3A_186, %dma_start3A_187] : memref<10000x128xf32, #tpu.memory_space<hbm>> -> memref<10000x128xf32, #tpu.memory_space<hbm>>
        tpu.enqueue_indirect_dma source(%dma_start3A_188 : memref<10000x128xf32, #tpu.memory_space<hbm>>) target(%dma_start3A_182 : memref<64x128xf32, #tpu.memory_space<vmem>>) offsets(%dma_start3A_185 : memref<64xi32, #tpu.memory_space<vmem>>) semaphore(%arg13 : memref<!tpu.dma_semaphore, #tpu.memory_space<semaphore_mem>>)
        %mul3A_189 = arith.constant 2 : i32
        %mul3A_190 = arith.muli %add3A_121, %mul3A_189 : i32
        %add3A_191 = arith.constant 1 : i32
        %add3A_192 = arith.addi %mul3A_190, %add3A_191 : i32
        %dma_wait3A_193 = arith.constant 0 : i32
        %dma_wait3A_194 = arith.constant 1 : i32
        %dma_wait3A_195 = arith.constant 0 : i32
        %dma_wait3A_196 = arith.constant 0 : i32
        %dma_wait3A_197 = tpu.memref_slice %arg9[%dma_wait3A_194, %dma_wait3A_195, %dma_wait3A_196] : memref<2x128x128xf32, #tpu.memory_space<vmem>> -> memref<1x64x128xf32, #tpu.memory_space<vmem>>
        %dma_wait3A_198 = tpu.memref_squeeze %dma_wait3A_197 : memref<1x64x128xf32, #tpu.memory_space<vmem>> -> memref<64x128xf32, #tpu.memory_space<vmem>>
        %dma_wait3A_199 = arith.constant 0 : i32
        %dma_wait3A_200 = tpu.memref_slice %arg7[%dma_wait3A_193, %dma_wait3A_199] : memref<56x128xi32, #tpu.memory_space<vmem>> -> memref<1x64xi32, #tpu.memory_space<vmem>>
        %dma_wait3A_201 = tpu.memref_squeeze %dma_wait3A_200 : memref<1x64xi32, #tpu.memory_space<vmem>> -> memref<64xi32, #tpu.memory_space<vmem>>
        %dma_wait3A_202 = arith.constant 0 : i32
        %dma_wait3A_203 = arith.constant 0 : i32
        %dma_wait3A_204 = tpu.memref_slice %arg2[%dma_wait3A_202, %dma_wait3A_203] : memref<10000x128xf32, #tpu.memory_space<hbm>> -> memref<10000x128xf32, #tpu.memory_space<hbm>>
        tpu.wait_indirect_dma semaphore(%arg12 : memref<!tpu.dma_semaphore, #tpu.memory_space<semaphore_mem>>) src(%dma_wait3A_204 : memref<10000x128xf32, #tpu.memory_space<hbm>>) dst(%dma_wait3A_198 : memref<64x128xf32, #tpu.memory_space<vmem>>)
        %dma_wait3A_205 = arith.constant 0 : i32
        %dma_wait3A_206 = arith.constant 1 : i32
        %dma_wait3A_207 = arith.constant 64 : i32
        %dma_wait3A_208 = arith.constant 0 : i32
        %dma_wait3A_209 = tpu.memref_slice %arg9[%dma_wait3A_206, %dma_wait3A_207, %dma_wait3A_208] : memref<2x128x128xf32, #tpu.memory_space<vmem>> -> memref<1x64x128xf32, #tpu.memory_space<vmem>>
        %dma_wait3A_210 = tpu.memref_squeeze %dma_wait3A_209 : memref<1x64x128xf32, #tpu.memory_space<vmem>> -> memref<64x128xf32, #tpu.memory_space<vmem>>
        %dma_wait3A_211 = arith.constant 0 : i32
        %dma_wait3A_212 = tpu.memref_slice %arg7[%dma_wait3A_205, %dma_wait3A_211] : memref<56x128xi32, #tpu.memory_space<vmem>> -> memref<1x64xi32, #tpu.memory_space<vmem>>
        %dma_wait3A_213 = tpu.memref_squeeze %dma_wait3A_212 : memref<1x64xi32, #tpu.memory_space<vmem>> -> memref<64xi32, #tpu.memory_space<vmem>>
        %dma_wait3A_214 = arith.constant 0 : i32
        %dma_wait3A_215 = arith.constant 0 : i32
        %dma_wait3A_216 = tpu.memref_slice %arg2[%dma_wait3A_214, %dma_wait3A_215] : memref<10000x128xf32, #tpu.memory_space<hbm>> -> memref<10000x128xf32, #tpu.memory_space<hbm>>
        tpu.wait_indirect_dma semaphore(%arg13 : memref<!tpu.dma_semaphore, #tpu.memory_space<semaphore_mem>>) src(%dma_wait3A_216 : memref<10000x128xf32, #tpu.memory_space<hbm>>) dst(%dma_wait3A_210 : memref<64x128xf32, #tpu.memory_space<vmem>>)
        %dma_start3A_217 = arith.constant 1 : i32
        %dma_start3A_218 = arith.constant 0 : i32
        %dma_start3A_219 = arith.constant 0 : i32
        %dma_start3A_220 = tpu.memref_slice %arg9[%dma_start3A_217, %dma_start3A_218, %dma_start3A_219] : memref<2x128x128xf32, #tpu.memory_space<vmem>> -> memref<1x128x128xf32, #tpu.memory_space<vmem>>
        %dma_start3A_221 = tpu.memref_squeeze %dma_start3A_220 : memref<1x128x128xf32, #tpu.memory_space<vmem>> -> memref<128x128xf32, #tpu.memory_space<vmem>>
        %dma_start3A_222 = arith.constant 0 : i32
        %dma_start3A_223 = tpu.memref_slice %arg8[%add3A_192, %dma_start3A_222] : memref<56x128xi32, #tpu.memory_space<vmem>> -> memref<1x128xi32, #tpu.memory_space<vmem>>
        %dma_start3A_224 = tpu.memref_squeeze %dma_start3A_223 : memref<1x128xi32, #tpu.memory_space<vmem>> -> memref<128xi32, #tpu.memory_space<vmem>>
        %dma_start3A_225 = arith.constant 0 : i32
        %dma_start3A_226 = arith.constant 0 : i32
        %dma_start3A_227 = tpu.memref_slice %arg6[%dma_start3A_225, %dma_start3A_226] : memref<10240x128xf32, #tpu.memory_space<vmem_shared>> -> memref<10240x128xf32, #tpu.memory_space<vmem_shared>>
        tpu.enqueue_indirect_dma source(%dma_start3A_221 : memref<128x128xf32, #tpu.memory_space<vmem>>) target(%dma_start3A_227 : memref<10240x128xf32, #tpu.memory_space<vmem_shared>>) offsets(%dma_start3A_224 : memref<128xi32, #tpu.memory_space<vmem>>) semaphore(%arg15 : memref<!tpu.dma_semaphore, #tpu.memory_space<semaphore_mem>>) {add = true}
        %dma_wait3A_228 = arith.constant 0 : i32
        %dma_wait3A_229 = arith.constant 0 : i32
        %dma_wait3A_230 = arith.constant 0 : i32
        %dma_wait3A_231 = arith.constant 0 : i32
        %dma_wait3A_232 = tpu.memref_slice %arg9[%dma_wait3A_228, %dma_wait3A_230, %dma_wait3A_231] : memref<2x128x128xf32, #tpu.memory_space<vmem>> -> memref<1x128x128xf32, #tpu.memory_space<vmem>>
        %dma_wait3A_233 = tpu.memref_squeeze %dma_wait3A_232 : memref<1x128x128xf32, #tpu.memory_space<vmem>> -> memref<128x128xf32, #tpu.memory_space<vmem>>
        %dma_wait3A_234 = arith.constant 0 : i32
        %dma_wait3A_235 = tpu.memref_slice %arg8[%dma_wait3A_229, %dma_wait3A_234] : memref<56x128xi32, #tpu.memory_space<vmem>> -> memref<1x128xi32, #tpu.memory_space<vmem>>
        %dma_wait3A_236 = tpu.memref_squeeze %dma_wait3A_235 : memref<1x128xi32, #tpu.memory_space<vmem>> -> memref<128xi32, #tpu.memory_space<vmem>>
        %dma_wait3A_237 = arith.constant 0 : i32
        %dma_wait3A_238 = arith.constant 0 : i32
        %dma_wait3A_239 = tpu.memref_slice %arg6[%dma_wait3A_237, %dma_wait3A_238] : memref<10240x128xf32, #tpu.memory_space<vmem_shared>> -> memref<10240x128xf32, #tpu.memory_space<vmem_shared>>
        tpu.wait_indirect_dma semaphore(%arg14 : memref<!tpu.dma_semaphore, #tpu.memory_space<semaphore_mem>>) src(%dma_wait3A_233 : memref<128x128xf32, #tpu.memory_space<vmem>>) dst(%dma_wait3A_239 : memref<10240x128xf32, #tpu.memory_space<vmem_shared>>)
        %add3A_240 = arith.constant 1 : i32
        %add3A_241 = arith.addi %add3A_121, %add3A_240 : i32
        %lt3A_242 = arith.constant 12 : i32
        %lt3A_243 = arith.cmpi slt, %add3A_241, %lt3A_242 : i32
        %convert_element_type3A_244 = arith.extui %lt3A_243 : i1 to i32
        %cond3A_245 = arith.constant 0 : i32
        %cond3A_246 = arith.cmpi ne, %convert_element_type3A_244, %cond3A_245 : i32
        scf.if %cond3A_246 {
          %add3A_247 = arith.constant 1 : i32
          %add3A_248 = arith.addi %add3A_192, %add3A_247 : i32
          %dma_start3A_249 = arith.constant 0 : i32
          %dma_start3A_250 = arith.constant 0 : i32
          %dma_start3A_251 = arith.constant 0 : i32
          %dma_start3A_252 = tpu.memref_slice %arg9[%dma_start3A_249, %dma_start3A_250, %dma_start3A_251] : memref<2x128x128xf32, #tpu.memory_space<vmem>> -> memref<1x64x128xf32, #tpu.memory_space<vmem>>
          %dma_start3A_253 = tpu.memref_squeeze %dma_start3A_252 : memref<1x64x128xf32, #tpu.memory_space<vmem>> -> memref<64x128xf32, #tpu.memory_space<vmem>>
          %dma_start3A_254 = arith.constant 0 : i32
          %dma_start3A_255 = tpu.memref_slice %arg7[%add3A_248, %dma_start3A_254] : memref<56x128xi32, #tpu.memory_space<vmem>> -> memref<1x64xi32, #tpu.memory_space<vmem>>
          %dma_start3A_256 = tpu.memref_squeeze %dma_start3A_255 : memref<1x64xi32, #tpu.memory_space<vmem>> -> memref<64xi32, #tpu.memory_space<vmem>>
          %dma_start3A_257 = arith.constant 0 : i32
          %dma_start3A_258 = arith.constant 0 : i32
          %dma_start3A_259 = tpu.memref_slice %arg2[%dma_start3A_257, %dma_start3A_258] : memref<10000x128xf32, #tpu.memory_space<hbm>> -> memref<10000x128xf32, #tpu.memory_space<hbm>>
          tpu.enqueue_indirect_dma source(%dma_start3A_259 : memref<10000x128xf32, #tpu.memory_space<hbm>>) target(%dma_start3A_253 : memref<64x128xf32, #tpu.memory_space<vmem>>) offsets(%dma_start3A_256 : memref<64xi32, #tpu.memory_space<vmem>>) semaphore(%arg10 : memref<!tpu.dma_semaphore, #tpu.memory_space<semaphore_mem>>)
          %dma_start3A_260 = arith.constant 0 : i32
          %dma_start3A_261 = arith.constant 64 : i32
          %dma_start3A_262 = arith.constant 0 : i32
          %dma_start3A_263 = tpu.memref_slice %arg9[%dma_start3A_260, %dma_start3A_261, %dma_start3A_262] : memref<2x128x128xf32, #tpu.memory_space<vmem>> -> memref<1x64x128xf32, #tpu.memory_space<vmem>>
          %dma_start3A_264 = tpu.memref_squeeze %dma_start3A_263 : memref<1x64x128xf32, #tpu.memory_space<vmem>> -> memref<64x128xf32, #tpu.memory_space<vmem>>
          %dma_start3A_265 = arith.constant 64 : i32
          %dma_start3A_266 = tpu.memref_slice %arg7[%add3A_248, %dma_start3A_265] : memref<56x128xi32, #tpu.memory_space<vmem>> -> memref<1x64xi32, #tpu.memory_space<vmem>>
          %dma_start3A_267 = tpu.memref_squeeze %dma_start3A_266 : memref<1x64xi32, #tpu.memory_space<vmem>> -> memref<64xi32, #tpu.memory_space<vmem>>
          %dma_start3A_268 = arith.constant 0 : i32
          %dma_start3A_269 = arith.constant 0 : i32
          %dma_start3A_270 = tpu.memref_slice %arg2[%dma_start3A_268, %dma_start3A_269] : memref<10000x128xf32, #tpu.memory_space<hbm>> -> memref<10000x128xf32, #tpu.memory_space<hbm>>
          tpu.enqueue_indirect_dma source(%dma_start3A_270 : memref<10000x128xf32, #tpu.memory_space<hbm>>) target(%dma_start3A_264 : memref<64x128xf32, #tpu.memory_space<vmem>>) offsets(%dma_start3A_267 : memref<64xi32, #tpu.memory_space<vmem>>) semaphore(%arg11 : memref<!tpu.dma_semaphore, #tpu.memory_space<semaphore_mem>>)
        } else {
        }
      }
      %scan3A_62 = arith.constant 12 : i32
      %dma_wait3A = arith.constant 1 : i32
      %dma_wait3A_63 = arith.constant 0 : i32
      %dma_wait3A_64 = arith.constant 0 : i32
      %dma_wait3A_65 = arith.constant 0 : i32
      %dma_wait3A_66 = tpu.memref_slice %arg9[%dma_wait3A, %dma_wait3A_64, %dma_wait3A_65] : memref<2x128x128xf32, #tpu.memory_space<vmem>> -> memref<1x128x128xf32, #tpu.memory_space<vmem>>
      %dma_wait3A_67 = tpu.memref_squeeze %dma_wait3A_66 : memref<1x128x128xf32, #tpu.memory_space<vmem>> -> memref<128x128xf32, #tpu.memory_space<vmem>>
      %dma_wait3A_68 = arith.constant 0 : i32
      %dma_wait3A_69 = tpu.memref_slice %arg8[%dma_wait3A_63, %dma_wait3A_68] : memref<56x128xi32, #tpu.memory_space<vmem>> -> memref<1x128xi32, #tpu.memory_space<vmem>>
      %dma_wait3A_70 = tpu.memref_squeeze %dma_wait3A_69 : memref<1x128xi32, #tpu.memory_space<vmem>> -> memref<128xi32, #tpu.memory_space<vmem>>
      %dma_wait3A_71 = arith.constant 0 : i32
      %dma_wait3A_72 = arith.constant 0 : i32
      %dma_wait3A_73 = tpu.memref_slice %arg6[%dma_wait3A_71, %dma_wait3A_72] : memref<10240x128xf32, #tpu.memory_space<vmem_shared>> -> memref<10240x128xf32, #tpu.memory_space<vmem_shared>>
      tpu.wait_indirect_dma semaphore(%arg15 : memref<!tpu.dma_semaphore, #tpu.memory_space<semaphore_mem>>) src(%dma_wait3A_67 : memref<128x128xf32, #tpu.memory_space<vmem>>) dst(%dma_wait3A_73 : memref<10240x128xf32, #tpu.memory_space<vmem_shared>>)
      %add3A_74 = arith.constant 24 : i32
      %add3A_75 = arith.addi %add3A_32, %add3A_74 : i32
      "tpu.region"() ({
        %run_scoped3A = tpu.sem_alloc : memref<!tpu.dma_semaphore, #tpu.memory_space<semaphore_mem>>
        %dma_start3A_117 = arith.constant 0 : i32
        %dma_start3A_118 = arith.constant 0 : i32
        %dma_start3A_119 = tpu.memref_slice %arg7[%dma_start3A_117, %dma_start3A_118] : memref<56x128xi32, #tpu.memory_space<vmem>> -> memref<24x128xi32, #tpu.memory_space<vmem>>
        %dma_start3A_120 = arith.constant 0 : i32
        %dma_start3A_121 = tpu.memref_slice %arg3[%add3A_75, %dma_start3A_120] : memref<2560x128xi32, #tpu.memory_space<hbm>> -> memref<24x128xi32, #tpu.memory_space<hbm>>
        %dma_start3A_122 = arith.constant 0 : i32
        %dma_start3A_123 = arith.constant 0 : i32
        %dma_start3A_124 = tpu.memref_slice %arg7[%dma_start3A_122, %dma_start3A_123] : memref<56x128xi32, #tpu.memory_space<vmem>> -> memref<24x128xi32, #tpu.memory_space<vmem>>
        %dma_start3A_125 = arith.constant 0 : i32
        %dma_start3A_126 = tpu.memref_slice %arg3[%add3A_75, %dma_start3A_125] : memref<2560x128xi32, #tpu.memory_space<hbm>> -> memref<24x128xi32, #tpu.memory_space<hbm>>
        tpu.enqueue_dma source(%dma_start3A_126 : memref<24x128xi32, #tpu.memory_space<hbm>>) target(%dma_start3A_124 : memref<24x128xi32, #tpu.memory_space<vmem>>) target_semaphore(%run_scoped3A : memref<!tpu.dma_semaphore, #tpu.memory_space<semaphore_mem>>)
        %dma_wait3A_127 = arith.constant 0 : i32
        %dma_wait3A_128 = arith.constant 0 : i32
        %dma_wait3A_129 = tpu.memref_slice %arg7[%dma_wait3A_127, %dma_wait3A_128] : memref<56x128xi32, #tpu.memory_space<vmem>> -> memref<24x128xi32, #tpu.memory_space<vmem>>
        %dma_wait3A_130 = arith.constant 0 : i32
        %dma_wait3A_131 = tpu.memref_slice %arg3[%add3A_75, %dma_wait3A_130] : memref<2560x128xi32, #tpu.memory_space<hbm>> -> memref<24x128xi32, #tpu.memory_space<hbm>>
        %dma_wait3A_132 = arith.constant 0 : i32
        %dma_wait3A_133 = arith.constant 0 : i32
        %dma_wait3A_134 = tpu.memref_slice %arg7[%dma_wait3A_132, %dma_wait3A_133] : memref<56x128xi32, #tpu.memory_space<vmem>> -> memref<24x128xi32, #tpu.memory_space<vmem>>
        %dma_wait3A_135 = arith.constant 0 : i32
        %dma_wait3A_136 = tpu.memref_slice %arg3[%add3A_75, %dma_wait3A_135] : memref<2560x128xi32, #tpu.memory_space<hbm>> -> memref<24x128xi32, #tpu.memory_space<hbm>>
        tpu.wait_dma2 semaphore(%run_scoped3A : memref<!tpu.dma_semaphore, #tpu.memory_space<semaphore_mem>>) src(%dma_wait3A_136 : memref<24x128xi32, #tpu.memory_space<hbm>>) dst(%dma_wait3A_134 : memref<24x128xi32, #tpu.memory_space<vmem>>)
        tpu.yield
      }) : () -> ()
      "tpu.region"() ({
        %run_scoped3A = tpu.sem_alloc : memref<!tpu.dma_semaphore, #tpu.memory_space<semaphore_mem>>
        %dma_start3A_117 = arith.constant 0 : i32
        %dma_start3A_118 = arith.constant 0 : i32
        %dma_start3A_119 = tpu.memref_slice %arg8[%dma_start3A_117, %dma_start3A_118] : memref<56x128xi32, #tpu.memory_space<vmem>> -> memref<24x128xi32, #tpu.memory_space<vmem>>
        %dma_start3A_120 = arith.constant 0 : i32
        %dma_start3A_121 = tpu.memref_slice %arg4[%add3A_75, %dma_start3A_120] : memref<2560x128xi32, #tpu.memory_space<hbm>> -> memref<24x128xi32, #tpu.memory_space<hbm>>
        %dma_start3A_122 = arith.constant 0 : i32
        %dma_start3A_123 = arith.constant 0 : i32
        %dma_start3A_124 = tpu.memref_slice %arg8[%dma_start3A_122, %dma_start3A_123] : memref<56x128xi32, #tpu.memory_space<vmem>> -> memref<24x128xi32, #tpu.memory_space<vmem>>
        %dma_start3A_125 = arith.constant 0 : i32
        %dma_start3A_126 = tpu.memref_slice %arg4[%add3A_75, %dma_start3A_125] : memref<2560x128xi32, #tpu.memory_space<hbm>> -> memref<24x128xi32, #tpu.memory_space<hbm>>
        tpu.enqueue_dma source(%dma_start3A_126 : memref<24x128xi32, #tpu.memory_space<hbm>>) target(%dma_start3A_124 : memref<24x128xi32, #tpu.memory_space<vmem>>) target_semaphore(%run_scoped3A : memref<!tpu.dma_semaphore, #tpu.memory_space<semaphore_mem>>)
        %dma_wait3A_127 = arith.constant 0 : i32
        %dma_wait3A_128 = arith.constant 0 : i32
        %dma_wait3A_129 = tpu.memref_slice %arg8[%dma_wait3A_127, %dma_wait3A_128] : memref<56x128xi32, #tpu.memory_space<vmem>> -> memref<24x128xi32, #tpu.memory_space<vmem>>
        %dma_wait3A_130 = arith.constant 0 : i32
        %dma_wait3A_131 = tpu.memref_slice %arg4[%add3A_75, %dma_wait3A_130] : memref<2560x128xi32, #tpu.memory_space<hbm>> -> memref<24x128xi32, #tpu.memory_space<hbm>>
        %dma_wait3A_132 = arith.constant 0 : i32
        %dma_wait3A_133 = arith.constant 0 : i32
        %dma_wait3A_134 = tpu.memref_slice %arg8[%dma_wait3A_132, %dma_wait3A_133] : memref<56x128xi32, #tpu.memory_space<vmem>> -> memref<24x128xi32, #tpu.memory_space<vmem>>
        %dma_wait3A_135 = arith.constant 0 : i32
        %dma_wait3A_136 = tpu.memref_slice %arg4[%add3A_75, %dma_wait3A_135] : memref<2560x128xi32, #tpu.memory_space<hbm>> -> memref<24x128xi32, #tpu.memory_space<hbm>>
        tpu.wait_dma2 semaphore(%run_scoped3A : memref<!tpu.dma_semaphore, #tpu.memory_space<semaphore_mem>>) src(%dma_wait3A_136 : memref<24x128xi32, #tpu.memory_space<hbm>>) dst(%dma_wait3A_134 : memref<24x128xi32, #tpu.memory_space<vmem>>)
        tpu.yield
      }) : () -> ()
      %dma_start3A_76 = arith.constant 0 : i32
      %dma_start3A_77 = arith.constant 0 : i32
      %dma_start3A_78 = arith.constant 0 : i32
      %dma_start3A_79 = arith.constant 0 : i32
      %dma_start3A_80 = tpu.memref_slice %arg9[%dma_start3A_77, %dma_start3A_78, %dma_start3A_79] : memref<2x128x128xf32, #tpu.memory_space<vmem>> -> memref<1x64x128xf32, #tpu.memory_space<vmem>>
      %dma_start3A_81 = tpu.memref_squeeze %dma_start3A_80 : memref<1x64x128xf32, #tpu.memory_space<vmem>> -> memref<64x128xf32, #tpu.memory_space<vmem>>
      %dma_start3A_82 = arith.constant 0 : i32
      %dma_start3A_83 = tpu.memref_slice %arg7[%dma_start3A_76, %dma_start3A_82] : memref<56x128xi32, #tpu.memory_space<vmem>> -> memref<1x64xi32, #tpu.memory_space<vmem>>
      %dma_start3A_84 = tpu.memref_squeeze %dma_start3A_83 : memref<1x64xi32, #tpu.memory_space<vmem>> -> memref<64xi32, #tpu.memory_space<vmem>>
      %dma_start3A_85 = arith.constant 0 : i32
      %dma_start3A_86 = arith.constant 0 : i32
      %dma_start3A_87 = tpu.memref_slice %arg2[%dma_start3A_85, %dma_start3A_86] : memref<10000x128xf32, #tpu.memory_space<hbm>> -> memref<10000x128xf32, #tpu.memory_space<hbm>>
      tpu.enqueue_indirect_dma source(%dma_start3A_87 : memref<10000x128xf32, #tpu.memory_space<hbm>>) target(%dma_start3A_81 : memref<64x128xf32, #tpu.memory_space<vmem>>) offsets(%dma_start3A_84 : memref<64xi32, #tpu.memory_space<vmem>>) semaphore(%arg10 : memref<!tpu.dma_semaphore, #tpu.memory_space<semaphore_mem>>)
      %dma_start3A_88 = arith.constant 0 : i32
      %dma_start3A_89 = arith.constant 0 : i32
      %dma_start3A_90 = arith.constant 64 : i32
      %dma_start3A_91 = arith.constant 0 : i32
      %dma_start3A_92 = tpu.memref_slice %arg9[%dma_start3A_89, %dma_start3A_90, %dma_start3A_91] : memref<2x128x128xf32, #tpu.memory_space<vmem>> -> memref<1x64x128xf32, #tpu.memory_space<vmem>>
      %dma_start3A_93 = tpu.memref_squeeze %dma_start3A_92 : memref<1x64x128xf32, #tpu.memory_space<vmem>> -> memref<64x128xf32, #tpu.memory_space<vmem>>
      %dma_start3A_94 = arith.constant 64 : i32
      %dma_start3A_95 = tpu.memref_slice %arg7[%dma_start3A_88, %dma_start3A_94] : memref<56x128xi32, #tpu.memory_space<vmem>> -> memref<1x64xi32, #tpu.memory_space<vmem>>
      %dma_start3A_96 = tpu.memref_squeeze %dma_start3A_95 : memref<1x64xi32, #tpu.memory_space<vmem>> -> memref<64xi32, #tpu.memory_space<vmem>>
      %dma_start3A_97 = arith.constant 0 : i32
      %dma_start3A_98 = arith.constant 0 : i32
      %dma_start3A_99 = tpu.memref_slice %arg2[%dma_start3A_97, %dma_start3A_98] : memref<10000x128xf32, #tpu.memory_space<hbm>> -> memref<10000x128xf32, #tpu.memory_space<hbm>>
      tpu.enqueue_indirect_dma source(%dma_start3A_99 : memref<10000x128xf32, #tpu.memory_space<hbm>>) target(%dma_start3A_93 : memref<64x128xf32, #tpu.memory_space<vmem>>) offsets(%dma_start3A_96 : memref<64xi32, #tpu.memory_space<vmem>>) semaphore(%arg11 : memref<!tpu.dma_semaphore, #tpu.memory_space<semaphore_mem>>)
      %scan3A_100 = arith.constant 0 : i32
      %scan3A_101 = arith.constant 12 : i32
      %scan3A_102 = arith.addi %scan3A_100, %scan3A_101 : i32
      %scan3A_103 = arith.constant 1 : i32
      scf.for %scan3A_117 = %scan3A_100 to %scan3A_102 step %scan3A_103  : i32 {
        %mul3A_118 = arith.constant 1 : i32
        %mul3A_119 = arith.muli %scan3A_117, %mul3A_118 : i32
        %add3A_120 = arith.constant 0 : i32
        %add3A_121 = arith.addi %add3A_120, %mul3A_119 : i32
        %mul3A_122 = arith.constant 2 : i32
        %mul3A_123 = arith.muli %add3A_121, %mul3A_122 : i32
        %add3A_124 = arith.constant 0 : i32
        %add3A_125 = arith.addi %mul3A_123, %add3A_124 : i32
        %dma_wait3A_126 = arith.constant 0 : i32
        %dma_wait3A_127 = arith.constant 0 : i32
        %dma_wait3A_128 = arith.constant 0 : i32
        %dma_wait3A_129 = arith.constant 0 : i32
        %dma_wait3A_130 = tpu.memref_slice %arg9[%dma_wait3A_127, %dma_wait3A_128, %dma_wait3A_129] : memref<2x128x128xf32, #tpu.memory_space<vmem>> -> memref<1x64x128xf32, #tpu.memory_space<vmem>>
        %dma_wait3A_131 = tpu.memref_squeeze %dma_wait3A_130 : memref<1x64x128xf32, #tpu.memory_space<vmem>> -> memref<64x128xf32, #tpu.memory_space<vmem>>
        %dma_wait3A_132 = arith.constant 0 : i32
        %dma_wait3A_133 = tpu.memref_slice %arg7[%dma_wait3A_126, %dma_wait3A_132] : memref<56x128xi32, #tpu.memory_space<vmem>> -> memref<1x64xi32, #tpu.memory_space<vmem>>
        %dma_wait3A_134 = tpu.memref_squeeze %dma_wait3A_133 : memref<1x64xi32, #tpu.memory_space<vmem>> -> memref<64xi32, #tpu.memory_space<vmem>>
        %dma_wait3A_135 = arith.constant 0 : i32
        %dma_wait3A_136 = arith.constant 0 : i32
        %dma_wait3A_137 = tpu.memref_slice %arg2[%dma_wait3A_135, %dma_wait3A_136] : memref<10000x128xf32, #tpu.memory_space<hbm>> -> memref<10000x128xf32, #tpu.memory_space<hbm>>
        tpu.wait_indirect_dma semaphore(%arg10 : memref<!tpu.dma_semaphore, #tpu.memory_space<semaphore_mem>>) src(%dma_wait3A_137 : memref<10000x128xf32, #tpu.memory_space<hbm>>) dst(%dma_wait3A_131 : memref<64x128xf32, #tpu.memory_space<vmem>>)
        %dma_wait3A_138 = arith.constant 0 : i32
        %dma_wait3A_139 = arith.constant 0 : i32
        %dma_wait3A_140 = arith.constant 64 : i32
        %dma_wait3A_141 = arith.constant 0 : i32
        %dma_wait3A_142 = tpu.memref_slice %arg9[%dma_wait3A_139, %dma_wait3A_140, %dma_wait3A_141] : memref<2x128x128xf32, #tpu.memory_space<vmem>> -> memref<1x64x128xf32, #tpu.memory_space<vmem>>
        %dma_wait3A_143 = tpu.memref_squeeze %dma_wait3A_142 : memref<1x64x128xf32, #tpu.memory_space<vmem>> -> memref<64x128xf32, #tpu.memory_space<vmem>>
        %dma_wait3A_144 = arith.constant 0 : i32
        %dma_wait3A_145 = tpu.memref_slice %arg7[%dma_wait3A_138, %dma_wait3A_144] : memref<56x128xi32, #tpu.memory_space<vmem>> -> memref<1x64xi32, #tpu.memory_space<vmem>>
        %dma_wait3A_146 = tpu.memref_squeeze %dma_wait3A_145 : memref<1x64xi32, #tpu.memory_space<vmem>> -> memref<64xi32, #tpu.memory_space<vmem>>
        %dma_wait3A_147 = arith.constant 0 : i32
        %dma_wait3A_148 = arith.constant 0 : i32
        %dma_wait3A_149 = tpu.memref_slice %arg2[%dma_wait3A_147, %dma_wait3A_148] : memref<10000x128xf32, #tpu.memory_space<hbm>> -> memref<10000x128xf32, #tpu.memory_space<hbm>>
        tpu.wait_indirect_dma semaphore(%arg11 : memref<!tpu.dma_semaphore, #tpu.memory_space<semaphore_mem>>) src(%dma_wait3A_149 : memref<10000x128xf32, #tpu.memory_space<hbm>>) dst(%dma_wait3A_143 : memref<64x128xf32, #tpu.memory_space<vmem>>)
        %dma_start3A_150 = arith.constant 0 : i32
        %dma_start3A_151 = arith.constant 0 : i32
        %dma_start3A_152 = arith.constant 0 : i32
        %dma_start3A_153 = tpu.memref_slice %arg9[%dma_start3A_150, %dma_start3A_151, %dma_start3A_152] : memref<2x128x128xf32, #tpu.memory_space<vmem>> -> memref<1x128x128xf32, #tpu.memory_space<vmem>>
        %dma_start3A_154 = tpu.memref_squeeze %dma_start3A_153 : memref<1x128x128xf32, #tpu.memory_space<vmem>> -> memref<128x128xf32, #tpu.memory_space<vmem>>
        %dma_start3A_155 = arith.constant 0 : i32
        %dma_start3A_156 = tpu.memref_slice %arg8[%add3A_125, %dma_start3A_155] : memref<56x128xi32, #tpu.memory_space<vmem>> -> memref<1x128xi32, #tpu.memory_space<vmem>>
        %dma_start3A_157 = tpu.memref_squeeze %dma_start3A_156 : memref<1x128xi32, #tpu.memory_space<vmem>> -> memref<128xi32, #tpu.memory_space<vmem>>
        %dma_start3A_158 = arith.constant 0 : i32
        %dma_start3A_159 = arith.constant 0 : i32
        %dma_start3A_160 = tpu.memref_slice %arg6[%dma_start3A_158, %dma_start3A_159] : memref<10240x128xf32, #tpu.memory_space<vmem_shared>> -> memref<10240x128xf32, #tpu.memory_space<vmem_shared>>
        tpu.enqueue_indirect_dma source(%dma_start3A_154 : memref<128x128xf32, #tpu.memory_space<vmem>>) target(%dma_start3A_160 : memref<10240x128xf32, #tpu.memory_space<vmem_shared>>) offsets(%dma_start3A_157 : memref<128xi32, #tpu.memory_space<vmem>>) semaphore(%arg14 : memref<!tpu.dma_semaphore, #tpu.memory_space<semaphore_mem>>) {add = true}
        %gt3A = arith.constant 0 : i32
        %gt3A_161 = arith.cmpi sgt, %add3A_121, %gt3A : i32
        %convert_element_type3A_162 = arith.extui %gt3A_161 : i1 to i32
        %cond3A_163 = arith.constant 0 : i32
        %cond3A_164 = arith.cmpi ne, %convert_element_type3A_162, %cond3A_163 : i32
        scf.if %cond3A_164 {
          %dma_wait3A_247 = arith.constant 1 : i32
          %dma_wait3A_248 = arith.constant 0 : i32
          %dma_wait3A_249 = arith.constant 0 : i32
          %dma_wait3A_250 = arith.constant 0 : i32
          %dma_wait3A_251 = tpu.memref_slice %arg9[%dma_wait3A_247, %dma_wait3A_249, %dma_wait3A_250] : memref<2x128x128xf32, #tpu.memory_space<vmem>> -> memref<1x128x128xf32, #tpu.memory_space<vmem>>
          %dma_wait3A_252 = tpu.memref_squeeze %dma_wait3A_251 : memref<1x128x128xf32, #tpu.memory_space<vmem>> -> memref<128x128xf32, #tpu.memory_space<vmem>>
          %dma_wait3A_253 = arith.constant 0 : i32
          %dma_wait3A_254 = tpu.memref_slice %arg8[%dma_wait3A_248, %dma_wait3A_253] : memref<56x128xi32, #tpu.memory_space<vmem>> -> memref<1x128xi32, #tpu.memory_space<vmem>>
          %dma_wait3A_255 = tpu.memref_squeeze %dma_wait3A_254 : memref<1x128xi32, #tpu.memory_space<vmem>> -> memref<128xi32, #tpu.memory_space<vmem>>
          %dma_wait3A_256 = arith.constant 0 : i32
          %dma_wait3A_257 = arith.constant 0 : i32
          %dma_wait3A_258 = tpu.memref_slice %arg6[%dma_wait3A_256, %dma_wait3A_257] : memref<10240x128xf32, #tpu.memory_space<vmem_shared>> -> memref<10240x128xf32, #tpu.memory_space<vmem_shared>>
          tpu.wait_indirect_dma semaphore(%arg15 : memref<!tpu.dma_semaphore, #tpu.memory_space<semaphore_mem>>) src(%dma_wait3A_252 : memref<128x128xf32, #tpu.memory_space<vmem>>) dst(%dma_wait3A_258 : memref<10240x128xf32, #tpu.memory_space<vmem_shared>>)
        } else {
        }
        %add3A_165 = arith.constant 1 : i32
        %add3A_166 = arith.addi %add3A_125, %add3A_165 : i32
        %dma_start3A_167 = arith.constant 1 : i32
        %dma_start3A_168 = arith.constant 0 : i32
        %dma_start3A_169 = arith.constant 0 : i32
        %dma_start3A_170 = tpu.memref_slice %arg9[%dma_start3A_167, %dma_start3A_168, %dma_start3A_169] : memref<2x128x128xf32, #tpu.memory_space<vmem>> -> memref<1x64x128xf32, #tpu.memory_space<vmem>>
        %dma_start3A_171 = tpu.memref_squeeze %dma_start3A_170 : memref<1x64x128xf32, #tpu.memory_space<vmem>> -> memref<64x128xf32, #tpu.memory_space<vmem>>
        %dma_start3A_172 = arith.constant 0 : i32
        %dma_start3A_173 = tpu.memref_slice %arg7[%add3A_166, %dma_start3A_172] : memref<56x128xi32, #tpu.memory_space<vmem>> -> memref<1x64xi32, #tpu.memory_space<vmem>>
        %dma_start3A_174 = tpu.memref_squeeze %dma_start3A_173 : memref<1x64xi32, #tpu.memory_space<vmem>> -> memref<64xi32, #tpu.memory_space<vmem>>
        %dma_start3A_175 = arith.constant 0 : i32
        %dma_start3A_176 = arith.constant 0 : i32
        %dma_start3A_177 = tpu.memref_slice %arg2[%dma_start3A_175, %dma_start3A_176] : memref<10000x128xf32, #tpu.memory_space<hbm>> -> memref<10000x128xf32, #tpu.memory_space<hbm>>
        tpu.enqueue_indirect_dma source(%dma_start3A_177 : memref<10000x128xf32, #tpu.memory_space<hbm>>) target(%dma_start3A_171 : memref<64x128xf32, #tpu.memory_space<vmem>>) offsets(%dma_start3A_174 : memref<64xi32, #tpu.memory_space<vmem>>) semaphore(%arg12 : memref<!tpu.dma_semaphore, #tpu.memory_space<semaphore_mem>>)
        %dma_start3A_178 = arith.constant 1 : i32
        %dma_start3A_179 = arith.constant 64 : i32
        %dma_start3A_180 = arith.constant 0 : i32
        %dma_start3A_181 = tpu.memref_slice %arg9[%dma_start3A_178, %dma_start3A_179, %dma_start3A_180] : memref<2x128x128xf32, #tpu.memory_space<vmem>> -> memref<1x64x128xf32, #tpu.memory_space<vmem>>
        %dma_start3A_182 = tpu.memref_squeeze %dma_start3A_181 : memref<1x64x128xf32, #tpu.memory_space<vmem>> -> memref<64x128xf32, #tpu.memory_space<vmem>>
        %dma_start3A_183 = arith.constant 64 : i32
        %dma_start3A_184 = tpu.memref_slice %arg7[%add3A_166, %dma_start3A_183] : memref<56x128xi32, #tpu.memory_space<vmem>> -> memref<1x64xi32, #tpu.memory_space<vmem>>
        %dma_start3A_185 = tpu.memref_squeeze %dma_start3A_184 : memref<1x64xi32, #tpu.memory_space<vmem>> -> memref<64xi32, #tpu.memory_space<vmem>>
        %dma_start3A_186 = arith.constant 0 : i32
        %dma_start3A_187 = arith.constant 0 : i32
        %dma_start3A_188 = tpu.memref_slice %arg2[%dma_start3A_186, %dma_start3A_187] : memref<10000x128xf32, #tpu.memory_space<hbm>> -> memref<10000x128xf32, #tpu.memory_space<hbm>>
        tpu.enqueue_indirect_dma source(%dma_start3A_188 : memref<10000x128xf32, #tpu.memory_space<hbm>>) target(%dma_start3A_182 : memref<64x128xf32, #tpu.memory_space<vmem>>) offsets(%dma_start3A_185 : memref<64xi32, #tpu.memory_space<vmem>>) semaphore(%arg13 : memref<!tpu.dma_semaphore, #tpu.memory_space<semaphore_mem>>)
        %mul3A_189 = arith.constant 2 : i32
        %mul3A_190 = arith.muli %add3A_121, %mul3A_189 : i32
        %add3A_191 = arith.constant 1 : i32
        %add3A_192 = arith.addi %mul3A_190, %add3A_191 : i32
        %dma_wait3A_193 = arith.constant 0 : i32
        %dma_wait3A_194 = arith.constant 1 : i32
        %dma_wait3A_195 = arith.constant 0 : i32
        %dma_wait3A_196 = arith.constant 0 : i32
        %dma_wait3A_197 = tpu.memref_slice %arg9[%dma_wait3A_194, %dma_wait3A_195, %dma_wait3A_196] : memref<2x128x128xf32, #tpu.memory_space<vmem>> -> memref<1x64x128xf32, #tpu.memory_space<vmem>>
        %dma_wait3A_198 = tpu.memref_squeeze %dma_wait3A_197 : memref<1x64x128xf32, #tpu.memory_space<vmem>> -> memref<64x128xf32, #tpu.memory_space<vmem>>
        %dma_wait3A_199 = arith.constant 0 : i32
        %dma_wait3A_200 = tpu.memref_slice %arg7[%dma_wait3A_193, %dma_wait3A_199] : memref<56x128xi32, #tpu.memory_space<vmem>> -> memref<1x64xi32, #tpu.memory_space<vmem>>
        %dma_wait3A_201 = tpu.memref_squeeze %dma_wait3A_200 : memref<1x64xi32, #tpu.memory_space<vmem>> -> memref<64xi32, #tpu.memory_space<vmem>>
        %dma_wait3A_202 = arith.constant 0 : i32
        %dma_wait3A_203 = arith.constant 0 : i32
        %dma_wait3A_204 = tpu.memref_slice %arg2[%dma_wait3A_202, %dma_wait3A_203] : memref<10000x128xf32, #tpu.memory_space<hbm>> -> memref<10000x128xf32, #tpu.memory_space<hbm>>
        tpu.wait_indirect_dma semaphore(%arg12 : memref<!tpu.dma_semaphore, #tpu.memory_space<semaphore_mem>>) src(%dma_wait3A_204 : memref<10000x128xf32, #tpu.memory_space<hbm>>) dst(%dma_wait3A_198 : memref<64x128xf32, #tpu.memory_space<vmem>>)
        %dma_wait3A_205 = arith.constant 0 : i32
        %dma_wait3A_206 = arith.constant 1 : i32
        %dma_wait3A_207 = arith.constant 64 : i32
        %dma_wait3A_208 = arith.constant 0 : i32
        %dma_wait3A_209 = tpu.memref_slice %arg9[%dma_wait3A_206, %dma_wait3A_207, %dma_wait3A_208] : memref<2x128x128xf32, #tpu.memory_space<vmem>> -> memref<1x64x128xf32, #tpu.memory_space<vmem>>
        %dma_wait3A_210 = tpu.memref_squeeze %dma_wait3A_209 : memref<1x64x128xf32, #tpu.memory_space<vmem>> -> memref<64x128xf32, #tpu.memory_space<vmem>>
        %dma_wait3A_211 = arith.constant 0 : i32
        %dma_wait3A_212 = tpu.memref_slice %arg7[%dma_wait3A_205, %dma_wait3A_211] : memref<56x128xi32, #tpu.memory_space<vmem>> -> memref<1x64xi32, #tpu.memory_space<vmem>>
        %dma_wait3A_213 = tpu.memref_squeeze %dma_wait3A_212 : memref<1x64xi32, #tpu.memory_space<vmem>> -> memref<64xi32, #tpu.memory_space<vmem>>
        %dma_wait3A_214 = arith.constant 0 : i32
        %dma_wait3A_215 = arith.constant 0 : i32
        %dma_wait3A_216 = tpu.memref_slice %arg2[%dma_wait3A_214, %dma_wait3A_215] : memref<10000x128xf32, #tpu.memory_space<hbm>> -> memref<10000x128xf32, #tpu.memory_space<hbm>>
        tpu.wait_indirect_dma semaphore(%arg13 : memref<!tpu.dma_semaphore, #tpu.memory_space<semaphore_mem>>) src(%dma_wait3A_216 : memref<10000x128xf32, #tpu.memory_space<hbm>>) dst(%dma_wait3A_210 : memref<64x128xf32, #tpu.memory_space<vmem>>)
        %dma_start3A_217 = arith.constant 1 : i32
        %dma_start3A_218 = arith.constant 0 : i32
        %dma_start3A_219 = arith.constant 0 : i32
        %dma_start3A_220 = tpu.memref_slice %arg9[%dma_start3A_217, %dma_start3A_218, %dma_start3A_219] : memref<2x128x128xf32, #tpu.memory_space<vmem>> -> memref<1x128x128xf32, #tpu.memory_space<vmem>>
        %dma_start3A_221 = tpu.memref_squeeze %dma_start3A_220 : memref<1x128x128xf32, #tpu.memory_space<vmem>> -> memref<128x128xf32, #tpu.memory_space<vmem>>
        %dma_start3A_222 = arith.constant 0 : i32
        %dma_start3A_223 = tpu.memref_slice %arg8[%add3A_192, %dma_start3A_222] : memref<56x128xi32, #tpu.memory_space<vmem>> -> memref<1x128xi32, #tpu.memory_space<vmem>>
        %dma_start3A_224 = tpu.memref_squeeze %dma_start3A_223 : memref<1x128xi32, #tpu.memory_space<vmem>> -> memref<128xi32, #tpu.memory_space<vmem>>
        %dma_start3A_225 = arith.constant 0 : i32
        %dma_start3A_226 = arith.constant 0 : i32
        %dma_start3A_227 = tpu.memref_slice %arg6[%dma_start3A_225, %dma_start3A_226] : memref<10240x128xf32, #tpu.memory_space<vmem_shared>> -> memref<10240x128xf32, #tpu.memory_space<vmem_shared>>
        tpu.enqueue_indirect_dma source(%dma_start3A_221 : memref<128x128xf32, #tpu.memory_space<vmem>>) target(%dma_start3A_227 : memref<10240x128xf32, #tpu.memory_space<vmem_shared>>) offsets(%dma_start3A_224 : memref<128xi32, #tpu.memory_space<vmem>>) semaphore(%arg15 : memref<!tpu.dma_semaphore, #tpu.memory_space<semaphore_mem>>) {add = true}
        %dma_wait3A_228 = arith.constant 0 : i32
        %dma_wait3A_229 = arith.constant 0 : i32
        %dma_wait3A_230 = arith.constant 0 : i32
        %dma_wait3A_231 = arith.constant 0 : i32
        %dma_wait3A_232 = tpu.memref_slice %arg9[%dma_wait3A_228, %dma_wait3A_230, %dma_wait3A_231] : memref<2x128x128xf32, #tpu.memory_space<vmem>> -> memref<1x128x128xf32, #tpu.memory_space<vmem>>
        %dma_wait3A_233 = tpu.memref_squeeze %dma_wait3A_232 : memref<1x128x128xf32, #tpu.memory_space<vmem>> -> memref<128x128xf32, #tpu.memory_space<vmem>>
        %dma_wait3A_234 = arith.constant 0 : i32
        %dma_wait3A_235 = tpu.memref_slice %arg8[%dma_wait3A_229, %dma_wait3A_234] : memref<56x128xi32, #tpu.memory_space<vmem>> -> memref<1x128xi32, #tpu.memory_space<vmem>>
        %dma_wait3A_236 = tpu.memref_squeeze %dma_wait3A_235 : memref<1x128xi32, #tpu.memory_space<vmem>> -> memref<128xi32, #tpu.memory_space<vmem>>
        %dma_wait3A_237 = arith.constant 0 : i32
        %dma_wait3A_238 = arith.constant 0 : i32
        %dma_wait3A_239 = tpu.memref_slice %arg6[%dma_wait3A_237, %dma_wait3A_238] : memref<10240x128xf32, #tpu.memory_space<vmem_shared>> -> memref<10240x128xf32, #tpu.memory_space<vmem_shared>>
        tpu.wait_indirect_dma semaphore(%arg14 : memref<!tpu.dma_semaphore, #tpu.memory_space<semaphore_mem>>) src(%dma_wait3A_233 : memref<128x128xf32, #tpu.memory_space<vmem>>) dst(%dma_wait3A_239 : memref<10240x128xf32, #tpu.memory_space<vmem_shared>>)
        %add3A_240 = arith.constant 1 : i32
        %add3A_241 = arith.addi %add3A_121, %add3A_240 : i32
        %lt3A_242 = arith.constant 12 : i32
        %lt3A_243 = arith.cmpi slt, %add3A_241, %lt3A_242 : i32
        %convert_element_type3A_244 = arith.extui %lt3A_243 : i1 to i32
        %cond3A_245 = arith.constant 0 : i32
        %cond3A_246 = arith.cmpi ne, %convert_element_type3A_244, %cond3A_245 : i32
        scf.if %cond3A_246 {
          %add3A_247 = arith.constant 1 : i32
          %add3A_248 = arith.addi %add3A_192, %add3A_247 : i32
          %dma_start3A_249 = arith.constant 0 : i32
          %dma_start3A_250 = arith.constant 0 : i32
          %dma_start3A_251 = arith.constant 0 : i32
          %dma_start3A_252 = tpu.memref_slice %arg9[%dma_start3A_249, %dma_start3A_250, %dma_start3A_251] : memref<2x128x128xf32, #tpu.memory_space<vmem>> -> memref<1x64x128xf32, #tpu.memory_space<vmem>>
          %dma_start3A_253 = tpu.memref_squeeze %dma_start3A_252 : memref<1x64x128xf32, #tpu.memory_space<vmem>> -> memref<64x128xf32, #tpu.memory_space<vmem>>
          %dma_start3A_254 = arith.constant 0 : i32
          %dma_start3A_255 = tpu.memref_slice %arg7[%add3A_248, %dma_start3A_254] : memref<56x128xi32, #tpu.memory_space<vmem>> -> memref<1x64xi32, #tpu.memory_space<vmem>>
          %dma_start3A_256 = tpu.memref_squeeze %dma_start3A_255 : memref<1x64xi32, #tpu.memory_space<vmem>> -> memref<64xi32, #tpu.memory_space<vmem>>
          %dma_start3A_257 = arith.constant 0 : i32
          %dma_start3A_258 = arith.constant 0 : i32
          %dma_start3A_259 = tpu.memref_slice %arg2[%dma_start3A_257, %dma_start3A_258] : memref<10000x128xf32, #tpu.memory_space<hbm>> -> memref<10000x128xf32, #tpu.memory_space<hbm>>
          tpu.enqueue_indirect_dma source(%dma_start3A_259 : memref<10000x128xf32, #tpu.memory_space<hbm>>) target(%dma_start3A_253 : memref<64x128xf32, #tpu.memory_space<vmem>>) offsets(%dma_start3A_256 : memref<64xi32, #tpu.memory_space<vmem>>) semaphore(%arg10 : memref<!tpu.dma_semaphore, #tpu.memory_space<semaphore_mem>>)
          %dma_start3A_260 = arith.constant 0 : i32
          %dma_start3A_261 = arith.constant 64 : i32
          %dma_start3A_262 = arith.constant 0 : i32
          %dma_start3A_263 = tpu.memref_slice %arg9[%dma_start3A_260, %dma_start3A_261, %dma_start3A_262] : memref<2x128x128xf32, #tpu.memory_space<vmem>> -> memref<1x64x128xf32, #tpu.memory_space<vmem>>
          %dma_start3A_264 = tpu.memref_squeeze %dma_start3A_263 : memref<1x64x128xf32, #tpu.memory_space<vmem>> -> memref<64x128xf32, #tpu.memory_space<vmem>>
          %dma_start3A_265 = arith.constant 64 : i32
          %dma_start3A_266 = tpu.memref_slice %arg7[%add3A_248, %dma_start3A_265] : memref<56x128xi32, #tpu.memory_space<vmem>> -> memref<1x64xi32, #tpu.memory_space<vmem>>
          %dma_start3A_267 = tpu.memref_squeeze %dma_start3A_266 : memref<1x64xi32, #tpu.memory_space<vmem>> -> memref<64xi32, #tpu.memory_space<vmem>>
          %dma_start3A_268 = arith.constant 0 : i32
          %dma_start3A_269 = arith.constant 0 : i32
          %dma_start3A_270 = tpu.memref_slice %arg2[%dma_start3A_268, %dma_start3A_269] : memref<10000x128xf32, #tpu.memory_space<hbm>> -> memref<10000x128xf32, #tpu.memory_space<hbm>>
          tpu.enqueue_indirect_dma source(%dma_start3A_270 : memref<10000x128xf32, #tpu.memory_space<hbm>>) target(%dma_start3A_264 : memref<64x128xf32, #tpu.memory_space<vmem>>) offsets(%dma_start3A_267 : memref<64xi32, #tpu.memory_space<vmem>>) semaphore(%arg11 : memref<!tpu.dma_semaphore, #tpu.memory_space<semaphore_mem>>)
        } else {
        }
      }
      %scan3A_104 = arith.constant 12 : i32
      %dma_wait3A_105 = arith.constant 1 : i32
      %dma_wait3A_106 = arith.constant 0 : i32
      %dma_wait3A_107 = arith.constant 0 : i32
      %dma_wait3A_108 = arith.constant 0 : i32
      %dma_wait3A_109 = tpu.memref_slice %arg9[%dma_wait3A_105, %dma_wait3A_107, %dma_wait3A_108] : memref<2x128x128xf32, #tpu.memory_space<vmem>> -> memref<1x128x128xf32, #tpu.memory_space<vmem>>
      %dma_wait3A_110 = tpu.memref_squeeze %dma_wait3A_109 : memref<1x128x128xf32, #tpu.memory_space<vmem>> -> memref<128x128xf32, #tpu.memory_space<vmem>>
      %dma_wait3A_111 = arith.constant 0 : i32
      %dma_wait3A_112 = tpu.memref_slice %arg8[%dma_wait3A_106, %dma_wait3A_111] : memref<56x128xi32, #tpu.memory_space<vmem>> -> memref<1x128xi32, #tpu.memory_space<vmem>>
      %dma_wait3A_113 = tpu.memref_squeeze %dma_wait3A_112 : memref<1x128xi32, #tpu.memory_space<vmem>> -> memref<128xi32, #tpu.memory_space<vmem>>
      %dma_wait3A_114 = arith.constant 0 : i32
      %dma_wait3A_115 = arith.constant 0 : i32
      %dma_wait3A_116 = tpu.memref_slice %arg6[%dma_wait3A_114, %dma_wait3A_115] : memref<10240x128xf32, #tpu.memory_space<vmem_shared>> -> memref<10240x128xf32, #tpu.memory_space<vmem_shared>>
      tpu.wait_indirect_dma semaphore(%arg15 : memref<!tpu.dma_semaphore, #tpu.memory_space<semaphore_mem>>) src(%dma_wait3A_110 : memref<128x128xf32, #tpu.memory_space<vmem>>) dst(%dma_wait3A_116 : memref<10240x128xf32, #tpu.memory_space<vmem_shared>>)
    } else {
    }
    %barrier3A_21 = arith.constant 0 : index
    tpu.barrier barrier_id(%barrier3A_21)
    %lt3A = arith.constant 15 : i32
    %lt3A_22 = arith.cmpi slt, %arg1, %lt3A : i32
    %convert_element_type3A_23 = arith.extui %lt3A_22 : i1 to i32
    %cond3A_24 = arith.constant 0 : i32
    %cond3A_25 = arith.cmpi ne, %convert_element_type3A_23, %cond3A_24 : i32
    scf.if %cond3A_25 {
      %mul3A_31 = arith.constant 640 : i32
      %mul3A_32 = arith.muli %arg1, %mul3A_31 : i32
      %mul3A_33 = arith.constant 640 : i32
      %mul3A_34 = arith.muli %arg1, %mul3A_33 : i32
      "tpu.region"() ({
        %run_scoped3A = tpu.sem_alloc : memref<!tpu.dma_semaphore, #tpu.memory_space<semaphore_mem>>
        %dma_start3A = arith.constant 0 : i32
        %dma_start3A_35 = tpu.memref_slice %arg5[%arg0, %mul3A_34, %dma_start3A] : memref<2x10000x128xf32, #tpu.memory_space<hbm>> -> memref<1x640x128xf32, #tpu.memory_space<hbm>>
        %dma_start3A_36 = tpu.memref_squeeze %dma_start3A_35 : memref<1x640x128xf32, #tpu.memory_space<hbm>> -> memref<640x128xf32, #tpu.memory_space<hbm>>
        %dma_start3A_37 = arith.constant 0 : i32
        %dma_start3A_38 = tpu.memref_slice %arg6[%mul3A_32, %dma_start3A_37] : memref<10240x128xf32, #tpu.memory_space<vmem_shared>> -> memref<640x128xf32, #tpu.memory_space<vmem_shared>>
        tpu.enqueue_dma source(%dma_start3A_38 : memref<640x128xf32, #tpu.memory_space<vmem_shared>>) target(%dma_start3A_36 : memref<640x128xf32, #tpu.memory_space<hbm>>) target_semaphore(%run_scoped3A : memref<!tpu.dma_semaphore, #tpu.memory_space<semaphore_mem>>)
        %dma_wait3A = arith.constant 0 : i32
        %dma_wait3A_39 = tpu.memref_slice %arg5[%arg0, %mul3A_34, %dma_wait3A] : memref<2x10000x128xf32, #tpu.memory_space<hbm>> -> memref<1x640x128xf32, #tpu.memory_space<hbm>>
        %dma_wait3A_40 = tpu.memref_squeeze %dma_wait3A_39 : memref<1x640x128xf32, #tpu.memory_space<hbm>> -> memref<640x128xf32, #tpu.memory_space<hbm>>
        %dma_wait3A_41 = arith.constant 0 : i32
        %dma_wait3A_42 = tpu.memref_slice %arg6[%mul3A_32, %dma_wait3A_41] : memref<10240x128xf32, #tpu.memory_space<vmem_shared>> -> memref<640x128xf32, #tpu.memory_space<vmem_shared>>
        tpu.wait_dma2 semaphore(%run_scoped3A : memref<!tpu.dma_semaphore, #tpu.memory_space<semaphore_mem>>) src(%dma_wait3A_42 : memref<640x128xf32, #tpu.memory_space<vmem_shared>>) dst(%dma_wait3A_40 : memref<640x128xf32, #tpu.memory_space<hbm>>)
        tpu.yield
      }) : () -> ()
    } else {
    }
    %eq3A_26 = arith.constant 15 : i32
    %eq3A_27 = arith.cmpi eq, %arg1, %eq3A_26 : i32
    %convert_element_type3A_28 = arith.extui %eq3A_27 : i1 to i32
    %cond3A_29 = arith.constant 0 : i32
    %cond3A_30 = arith.cmpi ne, %convert_element_type3A_28, %cond3A_29 : i32
    scf.if %cond3A_30 {
      "tpu.region"() ({
        %run_scoped3A = tpu.sem_alloc : memref<!tpu.dma_semaphore, #tpu.memory_space<semaphore_mem>>
        %dma_start3A = arith.constant 9600 : i32
        %dma_start3A_31 = arith.constant 0 : i32
        %dma_start3A_32 = tpu.memref_slice %arg5[%arg0, %dma_start3A, %dma_start3A_31] : memref<2x10000x128xf32, #tpu.memory_space<hbm>> -> memref<1x400x128xf32, #tpu.memory_space<hbm>>
        %dma_start3A_33 = tpu.memref_squeeze %dma_start3A_32 : memref<1x400x128xf32, #tpu.memory_space<hbm>> -> memref<400x128xf32, #tpu.memory_space<hbm>>
        %dma_start3A_34 = arith.constant 9600 : i32
        %dma_start3A_35 = arith.constant 0 : i32
        %dma_start3A_36 = tpu.memref_slice %arg6[%dma_start3A_34, %dma_start3A_35] : memref<10240x128xf32, #tpu.memory_space<vmem_shared>> -> memref<400x128xf32, #tpu.memory_space<vmem_shared>>
        tpu.enqueue_dma source(%dma_start3A_36 : memref<400x128xf32, #tpu.memory_space<vmem_shared>>) target(%dma_start3A_33 : memref<400x128xf32, #tpu.memory_space<hbm>>) target_semaphore(%run_scoped3A : memref<!tpu.dma_semaphore, #tpu.memory_space<semaphore_mem>>)
        %dma_wait3A = arith.constant 9600 : i32
        %dma_wait3A_37 = arith.constant 0 : i32
        %dma_wait3A_38 = tpu.memref_slice %arg5[%arg0, %dma_wait3A, %dma_wait3A_37] : memref<2x10000x128xf32, #tpu.memory_space<hbm>> -> memref<1x400x128xf32, #tpu.memory_space<hbm>>
        %dma_wait3A_39 = tpu.memref_squeeze %dma_wait3A_38 : memref<1x400x128xf32, #tpu.memory_space<hbm>> -> memref<400x128xf32, #tpu.memory_space<hbm>>
        %dma_wait3A_40 = arith.constant 9600 : i32
        %dma_wait3A_41 = arith.constant 0 : i32
        %dma_wait3A_42 = tpu.memref_slice %arg6[%dma_wait3A_40, %dma_wait3A_41] : memref<10240x128xf32, #tpu.memory_space<vmem_shared>> -> memref<400x128xf32, #tpu.memory_space<vmem_shared>>
        tpu.wait_dma2 semaphore(%run_scoped3A : memref<!tpu.dma_semaphore, #tpu.memory_space<semaphore_mem>>) src(%dma_wait3A_42 : memref<400x128xf32, #tpu.memory_space<vmem_shared>>) dst(%dma_wait3A_39 : memref<400x128xf32, #tpu.memory_space<hbm>>)
        tpu.yield
      }) : () -> ()
    } else {
    }
    return
  }
}

#map = affine_map<(d0, d1) -> (0, 0)>
#map1 = affine_map<(d0, d1) -> (0, 0, 0)>
module attributes {stable_mosaic.version = 14 : i64} {
  func.func @_agg_body(%arg0: i32, %arg1: i32, %arg2: memref<10000x128xf32, #tpu.memory_space<hbm>>, %arg3: memref<2560x128xi32, #tpu.memory_space<hbm>>, %arg4: memref<2560x128xi32, #tpu.memory_space<hbm>>, %arg5: memref<2x10000x128xf32, #tpu.memory_space<hbm>>, %arg6: memref<10240x128xf32, #tpu.memory_space<vmem_shared>>, %arg7: memref<56x128xi32, #tpu.memory_space<vmem>>, %arg8: memref<56x128xi32, #tpu.memory_space<vmem>>, %arg9: memref<2x128x128xf32, #tpu.memory_space<vmem>>, %arg10: memref<!tpu.dma_semaphore, #tpu.memory_space<semaphore_mem>>, %arg11: memref<!tpu.dma_semaphore, #tpu.memory_space<semaphore_mem>>, %arg12: memref<!tpu.dma_semaphore, #tpu.memory_space<semaphore_mem>>, %arg13: memref<!tpu.dma_semaphore, #tpu.memory_space<semaphore_mem>>, %arg14: memref<!tpu.dma_semaphore, #tpu.memory_space<semaphore_mem>>, %arg15: memref<!tpu.dma_semaphore, #tpu.memory_space<semaphore_mem>>) attributes {dimension_semantics = [#tpu.dimension_semantics<core_parallel>, #tpu.dimension_semantics<subcore_parallel>], iteration_bounds = array<i64: 2, 16>, scalar_prefetch = 0 : i64, scratch_operands = 10 : i64, tpu.core_type = #tpu.core_type<sc_vector_subcore>, window_params = [{transform_indices = #map}, {transform_indices = #map}, {transform_indices = #map}, {transform_indices = #map1}]} {
    %mul3A = arith.constant 2 : i32
    %mul3A_0 = arith.muli %arg1, %mul3A : i32
    %add3A = arith.addi %mul3A_0, %arg0 : i32
    %scan3A = arith.constant 0 : i32
    %scan3A_1 = arith.constant 128 : i32
    %scan3A_2 = arith.addi %scan3A, %scan3A_1 : i32
    %scan3A_3 = arith.constant 1 : i32
    scf.for %scan3A_31 = %scan3A to %scan3A_2 step %scan3A_3  : i32 {
      %mul3A_32 = arith.constant 1 : i32
      %mul3A_33 = arith.muli %scan3A_31, %mul3A_32 : i32
      %add3A_34 = arith.constant 0 : i32
      %add3A_35 = arith.addi %add3A_34, %mul3A_33 : i32
      %broadcast_in_dim3A = arith.constant 0.000000e+00 : f32
      %broadcast_in_dim3A_36 = vector.broadcast %broadcast_in_dim3A : f32 to vector<16xf32>
      %swap3A = arith.constant 0 : i32
      %swap3A_37 = arith.index_cast %swap3A : i32 to index
      %swap3A_38 = arith.index_cast %add3A_35 : i32 to index
      %swap3A_39 = arith.constant 0 : index
      %swap3A_40 = tpu.vector_load %arg9[%swap3A_37, %swap3A_38, %swap3A_39] {strides = array<i32>} : memref<2x128x128xf32, #tpu.memory_space<vmem>>, vector<1x1x16xf32>,
      %swap3A_41 = vector.shape_cast %swap3A_40 : vector<1x1x16xf32> to vector<16xf32>
      %swap3A_42 = vector.shape_cast %broadcast_in_dim3A_36 : vector<16xf32> to vector<1x1x16xf32>
      tpu.vector_store %arg9[%swap3A_37, %swap3A_38, %swap3A_39], %swap3A_42 {strides = array<i32>} : memref<2x128x128xf32, #tpu.memory_space<vmem>>, vector<1x1x16xf32>,
      %broadcast_in_dim3A_43 = arith.constant 0.000000e+00 : f32
      %broadcast_in_dim3A_44 = vector.broadcast %broadcast_in_dim3A_43 : f32 to vector<16xf32>
      %swap3A_45 = arith.constant 0 : i32
      %swap3A_46 = arith.index_cast %swap3A_45 : i32 to index
      %swap3A_47 = arith.index_cast %add3A_35 : i32 to index
      %swap3A_48 = arith.constant 16 : index
      %swap3A_49 = tpu.vector_load %arg9[%swap3A_46, %swap3A_47, %swap3A_48] {strides = array<i32>} : memref<2x128x128xf32, #tpu.memory_space<vmem>>, vector<1x1x16xf32>,
      %swap3A_50 = vector.shape_cast %swap3A_49 : vector<1x1x16xf32> to vector<16xf32>
      %swap3A_51 = vector.shape_cast %broadcast_in_dim3A_44 : vector<16xf32> to vector<1x1x16xf32>
      tpu.vector_store %arg9[%swap3A_46, %swap3A_47, %swap3A_48], %swap3A_51 {strides = array<i32>} : memref<2x128x128xf32, #tpu.memory_space<vmem>>, vector<1x1x16xf32>,
      %broadcast_in_dim3A_52 = arith.constant 0.000000e+00 : f32
      %broadcast_in_dim3A_53 = vector.broadcast %broadcast_in_dim3A_52 : f32 to vector<16xf32>
      %swap3A_54 = arith.constant 0 : i32
      %swap3A_55 = arith.index_cast %swap3A_54 : i32 to index
      %swap3A_56 = arith.index_cast %add3A_35 : i32 to index
      %swap3A_57 = arith.constant 32 : index
      %swap3A_58 = tpu.vector_load %arg9[%swap3A_55, %swap3A_56, %swap3A_57] {strides = array<i32>} : memref<2x128x128xf32, #tpu.memory_space<vmem>>, vector<1x1x16xf32>,
      %swap3A_59 = vector.shape_cast %swap3A_58 : vector<1x1x16xf32> to vector<16xf32>
      %swap3A_60 = vector.shape_cast %broadcast_in_dim3A_53 : vector<16xf32> to vector<1x1x16xf32>
      tpu.vector_store %arg9[%swap3A_55, %swap3A_56, %swap3A_57], %swap3A_60 {strides = array<i32>} : memref<2x128x128xf32, #tpu.memory_space<vmem>>, vector<1x1x16xf32>,
      %broadcast_in_dim3A_61 = arith.constant 0.000000e+00 : f32
      %broadcast_in_dim3A_62 = vector.broadcast %broadcast_in_dim3A_61 : f32 to vector<16xf32>
      %swap3A_63 = arith.constant 0 : i32
      %swap3A_64 = arith.index_cast %swap3A_63 : i32 to index
      %swap3A_65 = arith.index_cast %add3A_35 : i32 to index
      %swap3A_66 = arith.constant 48 : index
      %swap3A_67 = tpu.vector_load %arg9[%swap3A_64, %swap3A_65, %swap3A_66] {strides = array<i32>} : memref<2x128x128xf32, #tpu.memory_space<vmem>>, vector<1x1x16xf32>,
      %swap3A_68 = vector.shape_cast %swap3A_67 : vector<1x1x16xf32> to vector<16xf32>
      %swap3A_69 = vector.shape_cast %broadcast_in_dim3A_62 : vector<16xf32> to vector<1x1x16xf32>
      tpu.vector_store %arg9[%swap3A_64, %swap3A_65, %swap3A_66], %swap3A_69 {strides = array<i32>} : memref<2x128x128xf32, #tpu.memory_space<vmem>>, vector<1x1x16xf32>,
      %broadcast_in_dim3A_70 = arith.constant 0.000000e+00 : f32
      %broadcast_in_dim3A_71 = vector.broadcast %broadcast_in_dim3A_70 : f32 to vector<16xf32>
      %swap3A_72 = arith.constant 0 : i32
      %swap3A_73 = arith.index_cast %swap3A_72 : i32 to index
      %swap3A_74 = arith.index_cast %add3A_35 : i32 to index
      %swap3A_75 = arith.constant 64 : index
      %swap3A_76 = tpu.vector_load %arg9[%swap3A_73, %swap3A_74, %swap3A_75] {strides = array<i32>} : memref<2x128x128xf32, #tpu.memory_space<vmem>>, vector<1x1x16xf32>,
      %swap3A_77 = vector.shape_cast %swap3A_76 : vector<1x1x16xf32> to vector<16xf32>
      %swap3A_78 = vector.shape_cast %broadcast_in_dim3A_71 : vector<16xf32> to vector<1x1x16xf32>
      tpu.vector_store %arg9[%swap3A_73, %swap3A_74, %swap3A_75], %swap3A_78 {strides = array<i32>} : memref<2x128x128xf32, #tpu.memory_space<vmem>>, vector<1x1x16xf32>,
      %broadcast_in_dim3A_79 = arith.constant 0.000000e+00 : f32
      %broadcast_in_dim3A_80 = vector.broadcast %broadcast_in_dim3A_79 : f32 to vector<16xf32>
      %swap3A_81 = arith.constant 0 : i32
      %swap3A_82 = arith.index_cast %swap3A_81 : i32 to index
      %swap3A_83 = arith.index_cast %add3A_35 : i32 to index
      %swap3A_84 = arith.constant 80 : index
      %swap3A_85 = tpu.vector_load %arg9[%swap3A_82, %swap3A_83, %swap3A_84] {strides = array<i32>} : memref<2x128x128xf32, #tpu.memory_space<vmem>>, vector<1x1x16xf32>,
      %swap3A_86 = vector.shape_cast %swap3A_85 : vector<1x1x16xf32> to vector<16xf32>
      %swap3A_87 = vector.shape_cast %broadcast_in_dim3A_80 : vector<16xf32> to vector<1x1x16xf32>
      tpu.vector_store %arg9[%swap3A_82, %swap3A_83, %swap3A_84], %swap3A_87 {strides = array<i32>} : memref<2x128x128xf32, #tpu.memory_space<vmem>>, vector<1x1x16xf32>,
      %broadcast_in_dim3A_88 = arith.constant 0.000000e+00 : f32
      %broadcast_in_dim3A_89 = vector.broadcast %broadcast_in_dim3A_88 : f32 to vector<16xf32>
      %swap3A_90 = arith.constant 0 : i32
      %swap3A_91 = arith.index_cast %swap3A_90 : i32 to index
      %swap3A_92 = arith.index_cast %add3A_35 : i32 to index
      %swap3A_93 = arith.constant 96 : index
      %swap3A_94 = tpu.vector_load %arg9[%swap3A_91, %swap3A_92, %swap3A_93] {strides = array<i32>} : memref<2x128x128xf32, #tpu.memory_space<vmem>>, vector<1x1x16xf32>,
      %swap3A_95 = vector.shape_cast %swap3A_94 : vector<1x1x16xf32> to vector<16xf32>
      %swap3A_96 = vector.shape_cast %broadcast_in_dim3A_89 : vector<16xf32> to vector<1x1x16xf32>
      tpu.vector_store %arg9[%swap3A_91, %swap3A_92, %swap3A_93], %swap3A_96 {strides = array<i32>} : memref<2x128x128xf32, #tpu.memory_space<vmem>>, vector<1x1x16xf32>,
      %broadcast_in_dim3A_97 = arith.constant 0.000000e+00 : f32
      %broadcast_in_dim3A_98 = vector.broadcast %broadcast_in_dim3A_97 : f32 to vector<16xf32>
      %swap3A_99 = arith.constant 0 : i32
      %swap3A_100 = arith.index_cast %swap3A_99 : i32 to index
      %swap3A_101 = arith.index_cast %add3A_35 : i32 to index
      %swap3A_102 = arith.constant 112 : index
      %swap3A_103 = tpu.vector_load %arg9[%swap3A_100, %swap3A_101, %swap3A_102] {strides = array<i32>} : memref<2x128x128xf32, #tpu.memory_space<vmem>>, vector<1x1x16xf32>,
      %swap3A_104 = vector.shape_cast %swap3A_103 : vector<1x1x16xf32> to vector<16xf32>
      %swap3A_105 = vector.shape_cast %broadcast_in_dim3A_98 : vector<16xf32> to vector<1x1x16xf32>
      tpu.vector_store %arg9[%swap3A_100, %swap3A_101, %swap3A_102], %swap3A_105 {strides = array<i32>} : memref<2x128x128xf32, #tpu.memory_space<vmem>>, vector<1x1x16xf32>,
    }
    %scan3A_4 = arith.constant 128 : i32
    %scan3A_5 = arith.constant 0 : i32
    %scan3A_6 = arith.constant 5 : i32
    %scan3A_7 = arith.addi %scan3A_5, %scan3A_6 : i32
    %scan3A_8 = arith.constant 1 : i32
    scf.for %scan3A_31 = %scan3A_5 to %scan3A_7 step %scan3A_8  : i32 {
      %mul3A_32 = arith.constant 1 : i32
      %mul3A_33 = arith.muli %scan3A_31, %mul3A_32 : i32
      %add3A_34 = arith.constant 0 : i32
      %add3A_35 = arith.addi %add3A_34, %mul3A_33 : i32
      %mul3A_36 = arith.constant 640 : i32
      %mul3A_37 = arith.muli %arg1, %mul3A_36 : i32
      %mul3A_38 = arith.constant 128 : i32
      %mul3A_39 = arith.muli %add3A_35, %mul3A_38 : i32
      %add3A_40 = arith.addi %mul3A_37, %mul3A_39 : i32
      %run_scoped3A = arith.constant 0 : i32
      "tpu.region"() ({
        %run_scoped3A_41 = tpu.sem_alloc : memref<!tpu.dma_semaphore, #tpu.memory_space<semaphore_mem>>
        %dma_start3A = arith.constant 0 : i32
        %dma_start3A_42 = arith.constant 0 : i32
        %dma_start3A_43 = tpu.memref_slice %arg9[%run_scoped3A, %dma_start3A, %dma_start3A_42] : memref<2x128x128xf32, #tpu.memory_space<vmem>> -> memref<1x128x128xf32, #tpu.memory_space<vmem>>
        %dma_start3A_44 = tpu.memref_squeeze %dma_start3A_43 : memref<1x128x128xf32, #tpu.memory_space<vmem>> -> memref<128x128xf32, #tpu.memory_space<vmem>>
        %dma_start3A_45 = arith.constant 0 : i32
        %dma_start3A_46 = tpu.memref_slice %arg6[%add3A_40, %dma_start3A_45] : memref<10240x128xf32, #tpu.memory_space<vmem_shared>> -> memref<128x128xf32, #tpu.memory_space<vmem_shared>>
        %dma_start3A_47 = arith.constant 0 : i32
        %dma_start3A_48 = tpu.memref_slice %arg6[%add3A_40, %dma_start3A_47] : memref<10240x128xf32, #tpu.memory_space<vmem_shared>> -> memref<128x128xf32, #tpu.memory_space<vmem_shared>>
        %dma_start3A_49 = arith.constant 0 : i32
        %dma_start3A_50 = arith.constant 0 : i32
        %dma_start3A_51 = tpu.memref_slice %arg9[%run_scoped3A, %dma_start3A_49, %dma_start3A_50] : memref<2x128x128xf32, #tpu.memory_space<vmem>> -> memref<1x128x128xf32, #tpu.memory_space<vmem>>
        %dma_start3A_52 = tpu.memref_squeeze %dma_start3A_51 : memref<1x128x128xf32, #tpu.memory_space<vmem>> -> memref<128x128xf32, #tpu.memory_space<vmem>>
        tpu.enqueue_dma source(%dma_start3A_52 : memref<128x128xf32, #tpu.memory_space<vmem>>) target(%dma_start3A_48 : memref<128x128xf32, #tpu.memory_space<vmem_shared>>) target_semaphore(%run_scoped3A_41 : memref<!tpu.dma_semaphore, #tpu.memory_space<semaphore_mem>>)
        %dma_wait3A = arith.constant 0 : i32
        %dma_wait3A_53 = arith.constant 0 : i32
        %dma_wait3A_54 = tpu.memref_slice %arg9[%run_scoped3A, %dma_wait3A, %dma_wait3A_53] : memref<2x128x128xf32, #tpu.memory_space<vmem>> -> memref<1x128x128xf32, #tpu.memory_space<vmem>>
        %dma_wait3A_55 = tpu.memref_squeeze %dma_wait3A_54 : memref<1x128x128xf32, #tpu.memory_space<vmem>> -> memref<128x128xf32, #tpu.memory_space<vmem>>
        %dma_wait3A_56 = arith.constant 0 : i32
        %dma_wait3A_57 = tpu.memref_slice %arg6[%add3A_40, %dma_wait3A_56] : memref<10240x128xf32, #tpu.memory_space<vmem_shared>> -> memref<128x128xf32, #tpu.memory_space<vmem_shared>>
        %dma_wait3A_58 = arith.constant 0 : i32
        %dma_wait3A_59 = tpu.memref_slice %arg6[%add3A_40, %dma_wait3A_58] : memref<10240x128xf32, #tpu.memory_space<vmem_shared>> -> memref<128x128xf32, #tpu.memory_space<vmem_shared>>
        %dma_wait3A_60 = arith.constant 0 : i32
        %dma_wait3A_61 = arith.constant 0 : i32
        %dma_wait3A_62 = tpu.memref_slice %arg9[%run_scoped3A, %dma_wait3A_60, %dma_wait3A_61] : memref<2x128x128xf32, #tpu.memory_space<vmem>> -> memref<1x128x128xf32, #tpu.memory_space<vmem>>
        %dma_wait3A_63 = tpu.memref_squeeze %dma_wait3A_62 : memref<1x128x128xf32, #tpu.memory_space<vmem>> -> memref<128x128xf32, #tpu.memory_space<vmem>>
        tpu.wait_dma2 semaphore(%run_scoped3A_41 : memref<!tpu.dma_semaphore, #tpu.memory_space<semaphore_mem>>) src(%dma_wait3A_63 : memref<128x128xf32, #tpu.memory_space<vmem>>) dst(%dma_wait3A_59 : memref<128x128xf32, #tpu.memory_space<vmem_shared>>)
        tpu.yield
      }) : () -> ()
    }
    %scan3A_9 = arith.constant 5 : i32
    %barrier3A = arith.constant 0 : index
    tpu.barrier barrier_id(%barrier3A)
    %mul3A_10 = arith.constant 2 : i32
    %mul3A_11 = arith.muli %arg1, %mul3A_10 : i32
    %mul3A_12 = arith.constant 80 : i32
    %mul3A_13 = arith.muli %mul3A_11, %mul3A_12 : i32
    %eq3A = arith.constant 0 : i32
    %eq3A_14 = arith.cmpi eq, %arg0, %eq3A : i32
    %convert_element_type3A = arith.extui %eq3A_14 : i1 to i32
    %cond3A = arith.constant 0 : i32
    %cond3A_15 = arith.cmpi ne, %convert_element_type3A, %cond3A : i32
    scf.if %cond3A_15 {
      %add3A_31 = arith.constant 0 : i32
      %add3A_32 = arith.addi %mul3A_13, %add3A_31 : i32
      "tpu.region"() ({
        %run_scoped3A = tpu.sem_alloc : memref<!tpu.dma_semaphore, #tpu.memory_space<semaphore_mem>>
        %dma_start3A_115 = arith.constant 0 : i32
        %dma_start3A_116 = arith.constant 0 : i32
        %dma_start3A_117 = tpu.memref_slice %arg7[%dma_start3A_115, %dma_start3A_116] : memref<56x128xi32, #tpu.memory_space<vmem>> -> memref<56x128xi32, #tpu.memory_space<vmem>>
        %dma_start3A_118 = arith.constant 0 : i32
        %dma_start3A_119 = tpu.memref_slice %arg3[%add3A_32, %dma_start3A_118] : memref<2560x128xi32, #tpu.memory_space<hbm>> -> memref<56x128xi32, #tpu.memory_space<hbm>>
        %dma_start3A_120 = arith.constant 0 : i32
        %dma_start3A_121 = arith.constant 0 : i32
        %dma_start3A_122 = tpu.memref_slice %arg7[%dma_start3A_120, %dma_start3A_121] : memref<56x128xi32, #tpu.memory_space<vmem>> -> memref<56x128xi32, #tpu.memory_space<vmem>>
        %dma_start3A_123 = arith.constant 0 : i32
        %dma_start3A_124 = tpu.memref_slice %arg3[%add3A_32, %dma_start3A_123] : memref<2560x128xi32, #tpu.memory_space<hbm>> -> memref<56x128xi32, #tpu.memory_space<hbm>>
        tpu.enqueue_dma source(%dma_start3A_124 : memref<56x128xi32, #tpu.memory_space<hbm>>) target(%dma_start3A_122 : memref<56x128xi32, #tpu.memory_space<vmem>>) target_semaphore(%run_scoped3A : memref<!tpu.dma_semaphore, #tpu.memory_space<semaphore_mem>>)
        %dma_wait3A_125 = arith.constant 0 : i32
        %dma_wait3A_126 = arith.constant 0 : i32
        %dma_wait3A_127 = tpu.memref_slice %arg7[%dma_wait3A_125, %dma_wait3A_126] : memref<56x128xi32, #tpu.memory_space<vmem>> -> memref<56x128xi32, #tpu.memory_space<vmem>>
        %dma_wait3A_128 = arith.constant 0 : i32
        %dma_wait3A_129 = tpu.memref_slice %arg3[%add3A_32, %dma_wait3A_128] : memref<2560x128xi32, #tpu.memory_space<hbm>> -> memref<56x128xi32, #tpu.memory_space<hbm>>
        %dma_wait3A_130 = arith.constant 0 : i32
        %dma_wait3A_131 = arith.constant 0 : i32
        %dma_wait3A_132 = tpu.memref_slice %arg7[%dma_wait3A_130, %dma_wait3A_131] : memref<56x128xi32, #tpu.memory_space<vmem>> -> memref<56x128xi32, #tpu.memory_space<vmem>>
        %dma_wait3A_133 = arith.constant 0 : i32
        %dma_wait3A_134 = tpu.memref_slice %arg3[%add3A_32, %dma_wait3A_133] : memref<2560x128xi32, #tpu.memory_space<hbm>> -> memref<56x128xi32, #tpu.memory_space<hbm>>
        tpu.wait_dma2 semaphore(%run_scoped3A : memref<!tpu.dma_semaphore, #tpu.memory_space<semaphore_mem>>) src(%dma_wait3A_134 : memref<56x128xi32, #tpu.memory_space<hbm>>) dst(%dma_wait3A_132 : memref<56x128xi32, #tpu.memory_space<vmem>>)
        tpu.yield
      }) : () -> ()
      "tpu.region"() ({
        %run_scoped3A = tpu.sem_alloc : memref<!tpu.dma_semaphore, #tpu.memory_space<semaphore_mem>>
        %dma_start3A_115 = arith.constant 0 : i32
        %dma_start3A_116 = arith.constant 0 : i32
        %dma_start3A_117 = tpu.memref_slice %arg8[%dma_start3A_115, %dma_start3A_116] : memref<56x128xi32, #tpu.memory_space<vmem>> -> memref<56x128xi32, #tpu.memory_space<vmem>>
        %dma_start3A_118 = arith.constant 0 : i32
        %dma_start3A_119 = tpu.memref_slice %arg4[%add3A_32, %dma_start3A_118] : memref<2560x128xi32, #tpu.memory_space<hbm>> -> memref<56x128xi32, #tpu.memory_space<hbm>>
        %dma_start3A_120 = arith.constant 0 : i32
        %dma_start3A_121 = arith.constant 0 : i32
        %dma_start3A_122 = tpu.memref_slice %arg8[%dma_start3A_120, %dma_start3A_121] : memref<56x128xi32, #tpu.memory_space<vmem>> -> memref<56x128xi32, #tpu.memory_space<vmem>>
        %dma_start3A_123 = arith.constant 0 : i32
        %dma_start3A_124 = tpu.memref_slice %arg4[%add3A_32, %dma_start3A_123] : memref<2560x128xi32, #tpu.memory_space<hbm>> -> memref<56x128xi32, #tpu.memory_space<hbm>>
        tpu.enqueue_dma source(%dma_start3A_124 : memref<56x128xi32, #tpu.memory_space<hbm>>) target(%dma_start3A_122 : memref<56x128xi32, #tpu.memory_space<vmem>>) target_semaphore(%run_scoped3A : memref<!tpu.dma_semaphore, #tpu.memory_space<semaphore_mem>>)
        %dma_wait3A_125 = arith.constant 0 : i32
        %dma_wait3A_126 = arith.constant 0 : i32
        %dma_wait3A_127 = tpu.memref_slice %arg8[%dma_wait3A_125, %dma_wait3A_126] : memref<56x128xi32, #tpu.memory_space<vmem>> -> memref<56x128xi32, #tpu.memory_space<vmem>>
        %dma_wait3A_128 = arith.constant 0 : i32
        %dma_wait3A_129 = tpu.memref_slice %arg4[%add3A_32, %dma_wait3A_128] : memref<2560x128xi32, #tpu.memory_space<hbm>> -> memref<56x128xi32, #tpu.memory_space<hbm>>
        %dma_wait3A_130 = arith.constant 0 : i32
        %dma_wait3A_131 = arith.constant 0 : i32
        %dma_wait3A_132 = tpu.memref_slice %arg8[%dma_wait3A_130, %dma_wait3A_131] : memref<56x128xi32, #tpu.memory_space<vmem>> -> memref<56x128xi32, #tpu.memory_space<vmem>>
        %dma_wait3A_133 = arith.constant 0 : i32
        %dma_wait3A_134 = tpu.memref_slice %arg4[%add3A_32, %dma_wait3A_133] : memref<2560x128xi32, #tpu.memory_space<hbm>> -> memref<56x128xi32, #tpu.memory_space<hbm>>
        tpu.wait_dma2 semaphore(%run_scoped3A : memref<!tpu.dma_semaphore, #tpu.memory_space<semaphore_mem>>) src(%dma_wait3A_134 : memref<56x128xi32, #tpu.memory_space<hbm>>) dst(%dma_wait3A_132 : memref<56x128xi32, #tpu.memory_space<vmem>>)
        tpu.yield
      }) : () -> ()
      %dma_start3A = arith.constant 0 : i32
      %dma_start3A_33 = arith.constant 0 : i32
      %dma_start3A_34 = arith.constant 0 : i32
      %dma_start3A_35 = arith.constant 0 : i32
      %dma_start3A_36 = tpu.memref_slice %arg9[%dma_start3A_33, %dma_start3A_34, %dma_start3A_35] : memref<2x128x128xf32, #tpu.memory_space<vmem>> -> memref<1x64x128xf32, #tpu.memory_space<vmem>>
      %dma_start3A_37 = tpu.memref_squeeze %dma_start3A_36 : memref<1x64x128xf32, #tpu.memory_space<vmem>> -> memref<64x128xf32, #tpu.memory_space<vmem>>
      %dma_start3A_38 = arith.constant 0 : i32
      %dma_start3A_39 = tpu.memref_slice %arg7[%dma_start3A, %dma_start3A_38] : memref<56x128xi32, #tpu.memory_space<vmem>> -> memref<1x64xi32, #tpu.memory_space<vmem>>
      %dma_start3A_40 = tpu.memref_squeeze %dma_start3A_39 : memref<1x64xi32, #tpu.memory_space<vmem>> -> memref<64xi32, #tpu.memory_space<vmem>>
      %dma_start3A_41 = arith.constant 0 : i32
      %dma_start3A_42 = arith.constant 0 : i32
      %dma_start3A_43 = tpu.memref_slice %arg2[%dma_start3A_41, %dma_start3A_42] : memref<10000x128xf32, #tpu.memory_space<hbm>> -> memref<10000x128xf32, #tpu.memory_space<hbm>>
      tpu.enqueue_indirect_dma source(%dma_start3A_43 : memref<10000x128xf32, #tpu.memory_space<hbm>>) target(%dma_start3A_37 : memref<64x128xf32, #tpu.memory_space<vmem>>) offsets(%dma_start3A_40 : memref<64xi32, #tpu.memory_space<vmem>>) semaphore(%arg10 : memref<!tpu.dma_semaphore, #tpu.memory_space<semaphore_mem>>)
      %dma_start3A_44 = arith.constant 0 : i32
      %dma_start3A_45 = arith.constant 0 : i32
      %dma_start3A_46 = arith.constant 64 : i32
      %dma_start3A_47 = arith.constant 0 : i32
      %dma_start3A_48 = tpu.memref_slice %arg9[%dma_start3A_45, %dma_start3A_46, %dma_start3A_47] : memref<2x128x128xf32, #tpu.memory_space<vmem>> -> memref<1x64x128xf32, #tpu.memory_space<vmem>>
      %dma_start3A_49 = tpu.memref_squeeze %dma_start3A_48 : memref<1x64x128xf32, #tpu.memory_space<vmem>> -> memref<64x128xf32, #tpu.memory_space<vmem>>
      %dma_start3A_50 = arith.constant 64 : i32
      %dma_start3A_51 = tpu.memref_slice %arg7[%dma_start3A_44, %dma_start3A_50] : memref<56x128xi32, #tpu.memory_space<vmem>> -> memref<1x64xi32, #tpu.memory_space<vmem>>
      %dma_start3A_52 = tpu.memref_squeeze %dma_start3A_51 : memref<1x64xi32, #tpu.memory_space<vmem>> -> memref<64xi32, #tpu.memory_space<vmem>>
      %dma_start3A_53 = arith.constant 0 : i32
      %dma_start3A_54 = arith.constant 0 : i32
      %dma_start3A_55 = tpu.memref_slice %arg2[%dma_start3A_53, %dma_start3A_54] : memref<10000x128xf32, #tpu.memory_space<hbm>> -> memref<10000x128xf32, #tpu.memory_space<hbm>>
      tpu.enqueue_indirect_dma source(%dma_start3A_55 : memref<10000x128xf32, #tpu.memory_space<hbm>>) target(%dma_start3A_49 : memref<64x128xf32, #tpu.memory_space<vmem>>) offsets(%dma_start3A_52 : memref<64xi32, #tpu.memory_space<vmem>>) semaphore(%arg11 : memref<!tpu.dma_semaphore, #tpu.memory_space<semaphore_mem>>)
      %scan3A_56 = arith.constant 0 : i32
      %scan3A_57 = arith.constant 28 : i32
      %scan3A_58 = arith.addi %scan3A_56, %scan3A_57 : i32
      %scan3A_59 = arith.constant 1 : i32
      scf.for %scan3A_115 = %scan3A_56 to %scan3A_58 step %scan3A_59  : i32 {
        %mul3A_116 = arith.constant 1 : i32
        %mul3A_117 = arith.muli %scan3A_115, %mul3A_116 : i32
        %add3A_118 = arith.constant 0 : i32
        %add3A_119 = arith.addi %add3A_118, %mul3A_117 : i32
        %mul3A_120 = arith.constant 2 : i32
        %mul3A_121 = arith.muli %add3A_119, %mul3A_120 : i32
        %add3A_122 = arith.constant 0 : i32
        %add3A_123 = arith.addi %mul3A_121, %add3A_122 : i32
        %dma_wait3A_124 = arith.constant 0 : i32
        %dma_wait3A_125 = arith.constant 0 : i32
        %dma_wait3A_126 = arith.constant 0 : i32
        %dma_wait3A_127 = arith.constant 0 : i32
        %dma_wait3A_128 = tpu.memref_slice %arg9[%dma_wait3A_125, %dma_wait3A_126, %dma_wait3A_127] : memref<2x128x128xf32, #tpu.memory_space<vmem>> -> memref<1x64x128xf32, #tpu.memory_space<vmem>>
        %dma_wait3A_129 = tpu.memref_squeeze %dma_wait3A_128 : memref<1x64x128xf32, #tpu.memory_space<vmem>> -> memref<64x128xf32, #tpu.memory_space<vmem>>
        %dma_wait3A_130 = arith.constant 0 : i32
        %dma_wait3A_131 = tpu.memref_slice %arg7[%dma_wait3A_124, %dma_wait3A_130] : memref<56x128xi32, #tpu.memory_space<vmem>> -> memref<1x64xi32, #tpu.memory_space<vmem>>
        %dma_wait3A_132 = tpu.memref_squeeze %dma_wait3A_131 : memref<1x64xi32, #tpu.memory_space<vmem>> -> memref<64xi32, #tpu.memory_space<vmem>>
        %dma_wait3A_133 = arith.constant 0 : i32
        %dma_wait3A_134 = arith.constant 0 : i32
        %dma_wait3A_135 = tpu.memref_slice %arg2[%dma_wait3A_133, %dma_wait3A_134] : memref<10000x128xf32, #tpu.memory_space<hbm>> -> memref<10000x128xf32, #tpu.memory_space<hbm>>
        tpu.wait_indirect_dma semaphore(%arg10 : memref<!tpu.dma_semaphore, #tpu.memory_space<semaphore_mem>>) src(%dma_wait3A_135 : memref<10000x128xf32, #tpu.memory_space<hbm>>) dst(%dma_wait3A_129 : memref<64x128xf32, #tpu.memory_space<vmem>>)
        %dma_wait3A_136 = arith.constant 0 : i32
        %dma_wait3A_137 = arith.constant 0 : i32
        %dma_wait3A_138 = arith.constant 64 : i32
        %dma_wait3A_139 = arith.constant 0 : i32
        %dma_wait3A_140 = tpu.memref_slice %arg9[%dma_wait3A_137, %dma_wait3A_138, %dma_wait3A_139] : memref<2x128x128xf32, #tpu.memory_space<vmem>> -> memref<1x64x128xf32, #tpu.memory_space<vmem>>
        %dma_wait3A_141 = tpu.memref_squeeze %dma_wait3A_140 : memref<1x64x128xf32, #tpu.memory_space<vmem>> -> memref<64x128xf32, #tpu.memory_space<vmem>>
        %dma_wait3A_142 = arith.constant 0 : i32
        %dma_wait3A_143 = tpu.memref_slice %arg7[%dma_wait3A_136, %dma_wait3A_142] : memref<56x128xi32, #tpu.memory_space<vmem>> -> memref<1x64xi32, #tpu.memory_space<vmem>>
        %dma_wait3A_144 = tpu.memref_squeeze %dma_wait3A_143 : memref<1x64xi32, #tpu.memory_space<vmem>> -> memref<64xi32, #tpu.memory_space<vmem>>
        %dma_wait3A_145 = arith.constant 0 : i32
        %dma_wait3A_146 = arith.constant 0 : i32
        %dma_wait3A_147 = tpu.memref_slice %arg2[%dma_wait3A_145, %dma_wait3A_146] : memref<10000x128xf32, #tpu.memory_space<hbm>> -> memref<10000x128xf32, #tpu.memory_space<hbm>>
        tpu.wait_indirect_dma semaphore(%arg11 : memref<!tpu.dma_semaphore, #tpu.memory_space<semaphore_mem>>) src(%dma_wait3A_147 : memref<10000x128xf32, #tpu.memory_space<hbm>>) dst(%dma_wait3A_141 : memref<64x128xf32, #tpu.memory_space<vmem>>)
        %dma_start3A_148 = arith.constant 0 : i32
        %dma_start3A_149 = arith.constant 0 : i32
        %dma_start3A_150 = arith.constant 0 : i32
        %dma_start3A_151 = tpu.memref_slice %arg9[%dma_start3A_148, %dma_start3A_149, %dma_start3A_150] : memref<2x128x128xf32, #tpu.memory_space<vmem>> -> memref<1x128x128xf32, #tpu.memory_space<vmem>>
        %dma_start3A_152 = tpu.memref_squeeze %dma_start3A_151 : memref<1x128x128xf32, #tpu.memory_space<vmem>> -> memref<128x128xf32, #tpu.memory_space<vmem>>
        %dma_start3A_153 = arith.constant 0 : i32
        %dma_start3A_154 = tpu.memref_slice %arg8[%add3A_123, %dma_start3A_153] : memref<56x128xi32, #tpu.memory_space<vmem>> -> memref<1x128xi32, #tpu.memory_space<vmem>>
        %dma_start3A_155 = tpu.memref_squeeze %dma_start3A_154 : memref<1x128xi32, #tpu.memory_space<vmem>> -> memref<128xi32, #tpu.memory_space<vmem>>
        %dma_start3A_156 = arith.constant 0 : i32
        %dma_start3A_157 = arith.constant 0 : i32
        %dma_start3A_158 = tpu.memref_slice %arg6[%dma_start3A_156, %dma_start3A_157] : memref<10240x128xf32, #tpu.memory_space<vmem_shared>> -> memref<10240x128xf32, #tpu.memory_space<vmem_shared>>
        tpu.enqueue_indirect_dma source(%dma_start3A_152 : memref<128x128xf32, #tpu.memory_space<vmem>>) target(%dma_start3A_158 : memref<10240x128xf32, #tpu.memory_space<vmem_shared>>) offsets(%dma_start3A_155 : memref<128xi32, #tpu.memory_space<vmem>>) semaphore(%arg14 : memref<!tpu.dma_semaphore, #tpu.memory_space<semaphore_mem>>) {add = true}
        %gt3A = arith.constant 0 : i32
        %gt3A_159 = arith.cmpi sgt, %add3A_119, %gt3A : i32
        %convert_element_type3A_160 = arith.extui %gt3A_159 : i1 to i32
        %cond3A_161 = arith.constant 0 : i32
        %cond3A_162 = arith.cmpi ne, %convert_element_type3A_160, %cond3A_161 : i32
        scf.if %cond3A_162 {
          %dma_wait3A_245 = arith.constant 1 : i32
          %dma_wait3A_246 = arith.constant 0 : i32
          %dma_wait3A_247 = arith.constant 0 : i32
          %dma_wait3A_248 = arith.constant 0 : i32
          %dma_wait3A_249 = tpu.memref_slice %arg9[%dma_wait3A_245, %dma_wait3A_247, %dma_wait3A_248] : memref<2x128x128xf32, #tpu.memory_space<vmem>> -> memref<1x128x128xf32, #tpu.memory_space<vmem>>
          %dma_wait3A_250 = tpu.memref_squeeze %dma_wait3A_249 : memref<1x128x128xf32, #tpu.memory_space<vmem>> -> memref<128x128xf32, #tpu.memory_space<vmem>>
          %dma_wait3A_251 = arith.constant 0 : i32
          %dma_wait3A_252 = tpu.memref_slice %arg8[%dma_wait3A_246, %dma_wait3A_251] : memref<56x128xi32, #tpu.memory_space<vmem>> -> memref<1x128xi32, #tpu.memory_space<vmem>>
          %dma_wait3A_253 = tpu.memref_squeeze %dma_wait3A_252 : memref<1x128xi32, #tpu.memory_space<vmem>> -> memref<128xi32, #tpu.memory_space<vmem>>
          %dma_wait3A_254 = arith.constant 0 : i32
          %dma_wait3A_255 = arith.constant 0 : i32
          %dma_wait3A_256 = tpu.memref_slice %arg6[%dma_wait3A_254, %dma_wait3A_255] : memref<10240x128xf32, #tpu.memory_space<vmem_shared>> -> memref<10240x128xf32, #tpu.memory_space<vmem_shared>>
          tpu.wait_indirect_dma semaphore(%arg15 : memref<!tpu.dma_semaphore, #tpu.memory_space<semaphore_mem>>) src(%dma_wait3A_250 : memref<128x128xf32, #tpu.memory_space<vmem>>) dst(%dma_wait3A_256 : memref<10240x128xf32, #tpu.memory_space<vmem_shared>>)
        } else {
        }
        %add3A_163 = arith.constant 1 : i32
        %add3A_164 = arith.addi %add3A_123, %add3A_163 : i32
        %dma_start3A_165 = arith.constant 1 : i32
        %dma_start3A_166 = arith.constant 0 : i32
        %dma_start3A_167 = arith.constant 0 : i32
        %dma_start3A_168 = tpu.memref_slice %arg9[%dma_start3A_165, %dma_start3A_166, %dma_start3A_167] : memref<2x128x128xf32, #tpu.memory_space<vmem>> -> memref<1x64x128xf32, #tpu.memory_space<vmem>>
        %dma_start3A_169 = tpu.memref_squeeze %dma_start3A_168 : memref<1x64x128xf32, #tpu.memory_space<vmem>> -> memref<64x128xf32, #tpu.memory_space<vmem>>
        %dma_start3A_170 = arith.constant 0 : i32
        %dma_start3A_171 = tpu.memref_slice %arg7[%add3A_164, %dma_start3A_170] : memref<56x128xi32, #tpu.memory_space<vmem>> -> memref<1x64xi32, #tpu.memory_space<vmem>>
        %dma_start3A_172 = tpu.memref_squeeze %dma_start3A_171 : memref<1x64xi32, #tpu.memory_space<vmem>> -> memref<64xi32, #tpu.memory_space<vmem>>
        %dma_start3A_173 = arith.constant 0 : i32
        %dma_start3A_174 = arith.constant 0 : i32
        %dma_start3A_175 = tpu.memref_slice %arg2[%dma_start3A_173, %dma_start3A_174] : memref<10000x128xf32, #tpu.memory_space<hbm>> -> memref<10000x128xf32, #tpu.memory_space<hbm>>
        tpu.enqueue_indirect_dma source(%dma_start3A_175 : memref<10000x128xf32, #tpu.memory_space<hbm>>) target(%dma_start3A_169 : memref<64x128xf32, #tpu.memory_space<vmem>>) offsets(%dma_start3A_172 : memref<64xi32, #tpu.memory_space<vmem>>) semaphore(%arg12 : memref<!tpu.dma_semaphore, #tpu.memory_space<semaphore_mem>>)
        %dma_start3A_176 = arith.constant 1 : i32
        %dma_start3A_177 = arith.constant 64 : i32
        %dma_start3A_178 = arith.constant 0 : i32
        %dma_start3A_179 = tpu.memref_slice %arg9[%dma_start3A_176, %dma_start3A_177, %dma_start3A_178] : memref<2x128x128xf32, #tpu.memory_space<vmem>> -> memref<1x64x128xf32, #tpu.memory_space<vmem>>
        %dma_start3A_180 = tpu.memref_squeeze %dma_start3A_179 : memref<1x64x128xf32, #tpu.memory_space<vmem>> -> memref<64x128xf32, #tpu.memory_space<vmem>>
        %dma_start3A_181 = arith.constant 64 : i32
        %dma_start3A_182 = tpu.memref_slice %arg7[%add3A_164, %dma_start3A_181] : memref<56x128xi32, #tpu.memory_space<vmem>> -> memref<1x64xi32, #tpu.memory_space<vmem>>
        %dma_start3A_183 = tpu.memref_squeeze %dma_start3A_182 : memref<1x64xi32, #tpu.memory_space<vmem>> -> memref<64xi32, #tpu.memory_space<vmem>>
        %dma_start3A_184 = arith.constant 0 : i32
        %dma_start3A_185 = arith.constant 0 : i32
        %dma_start3A_186 = tpu.memref_slice %arg2[%dma_start3A_184, %dma_start3A_185] : memref<10000x128xf32, #tpu.memory_space<hbm>> -> memref<10000x128xf32, #tpu.memory_space<hbm>>
        tpu.enqueue_indirect_dma source(%dma_start3A_186 : memref<10000x128xf32, #tpu.memory_space<hbm>>) target(%dma_start3A_180 : memref<64x128xf32, #tpu.memory_space<vmem>>) offsets(%dma_start3A_183 : memref<64xi32, #tpu.memory_space<vmem>>) semaphore(%arg13 : memref<!tpu.dma_semaphore, #tpu.memory_space<semaphore_mem>>)
        %mul3A_187 = arith.constant 2 : i32
        %mul3A_188 = arith.muli %add3A_119, %mul3A_187 : i32
        %add3A_189 = arith.constant 1 : i32
        %add3A_190 = arith.addi %mul3A_188, %add3A_189 : i32
        %dma_wait3A_191 = arith.constant 0 : i32
        %dma_wait3A_192 = arith.constant 1 : i32
        %dma_wait3A_193 = arith.constant 0 : i32
        %dma_wait3A_194 = arith.constant 0 : i32
        %dma_wait3A_195 = tpu.memref_slice %arg9[%dma_wait3A_192, %dma_wait3A_193, %dma_wait3A_194] : memref<2x128x128xf32, #tpu.memory_space<vmem>> -> memref<1x64x128xf32, #tpu.memory_space<vmem>>
        %dma_wait3A_196 = tpu.memref_squeeze %dma_wait3A_195 : memref<1x64x128xf32, #tpu.memory_space<vmem>> -> memref<64x128xf32, #tpu.memory_space<vmem>>
        %dma_wait3A_197 = arith.constant 0 : i32
        %dma_wait3A_198 = tpu.memref_slice %arg7[%dma_wait3A_191, %dma_wait3A_197] : memref<56x128xi32, #tpu.memory_space<vmem>> -> memref<1x64xi32, #tpu.memory_space<vmem>>
        %dma_wait3A_199 = tpu.memref_squeeze %dma_wait3A_198 : memref<1x64xi32, #tpu.memory_space<vmem>> -> memref<64xi32, #tpu.memory_space<vmem>>
        %dma_wait3A_200 = arith.constant 0 : i32
        %dma_wait3A_201 = arith.constant 0 : i32
        %dma_wait3A_202 = tpu.memref_slice %arg2[%dma_wait3A_200, %dma_wait3A_201] : memref<10000x128xf32, #tpu.memory_space<hbm>> -> memref<10000x128xf32, #tpu.memory_space<hbm>>
        tpu.wait_indirect_dma semaphore(%arg12 : memref<!tpu.dma_semaphore, #tpu.memory_space<semaphore_mem>>) src(%dma_wait3A_202 : memref<10000x128xf32, #tpu.memory_space<hbm>>) dst(%dma_wait3A_196 : memref<64x128xf32, #tpu.memory_space<vmem>>)
        %dma_wait3A_203 = arith.constant 0 : i32
        %dma_wait3A_204 = arith.constant 1 : i32
        %dma_wait3A_205 = arith.constant 64 : i32
        %dma_wait3A_206 = arith.constant 0 : i32
        %dma_wait3A_207 = tpu.memref_slice %arg9[%dma_wait3A_204, %dma_wait3A_205, %dma_wait3A_206] : memref<2x128x128xf32, #tpu.memory_space<vmem>> -> memref<1x64x128xf32, #tpu.memory_space<vmem>>
        %dma_wait3A_208 = tpu.memref_squeeze %dma_wait3A_207 : memref<1x64x128xf32, #tpu.memory_space<vmem>> -> memref<64x128xf32, #tpu.memory_space<vmem>>
        %dma_wait3A_209 = arith.constant 0 : i32
        %dma_wait3A_210 = tpu.memref_slice %arg7[%dma_wait3A_203, %dma_wait3A_209] : memref<56x128xi32, #tpu.memory_space<vmem>> -> memref<1x64xi32, #tpu.memory_space<vmem>>
        %dma_wait3A_211 = tpu.memref_squeeze %dma_wait3A_210 : memref<1x64xi32, #tpu.memory_space<vmem>> -> memref<64xi32, #tpu.memory_space<vmem>>
        %dma_wait3A_212 = arith.constant 0 : i32
        %dma_wait3A_213 = arith.constant 0 : i32
        %dma_wait3A_214 = tpu.memref_slice %arg2[%dma_wait3A_212, %dma_wait3A_213] : memref<10000x128xf32, #tpu.memory_space<hbm>> -> memref<10000x128xf32, #tpu.memory_space<hbm>>
        tpu.wait_indirect_dma semaphore(%arg13 : memref<!tpu.dma_semaphore, #tpu.memory_space<semaphore_mem>>) src(%dma_wait3A_214 : memref<10000x128xf32, #tpu.memory_space<hbm>>) dst(%dma_wait3A_208 : memref<64x128xf32, #tpu.memory_space<vmem>>)
        %dma_start3A_215 = arith.constant 1 : i32
        %dma_start3A_216 = arith.constant 0 : i32
        %dma_start3A_217 = arith.constant 0 : i32
        %dma_start3A_218 = tpu.memref_slice %arg9[%dma_start3A_215, %dma_start3A_216, %dma_start3A_217] : memref<2x128x128xf32, #tpu.memory_space<vmem>> -> memref<1x128x128xf32, #tpu.memory_space<vmem>>
        %dma_start3A_219 = tpu.memref_squeeze %dma_start3A_218 : memref<1x128x128xf32, #tpu.memory_space<vmem>> -> memref<128x128xf32, #tpu.memory_space<vmem>>
        %dma_start3A_220 = arith.constant 0 : i32
        %dma_start3A_221 = tpu.memref_slice %arg8[%add3A_190, %dma_start3A_220] : memref<56x128xi32, #tpu.memory_space<vmem>> -> memref<1x128xi32, #tpu.memory_space<vmem>>
        %dma_start3A_222 = tpu.memref_squeeze %dma_start3A_221 : memref<1x128xi32, #tpu.memory_space<vmem>> -> memref<128xi32, #tpu.memory_space<vmem>>
        %dma_start3A_223 = arith.constant 0 : i32
        %dma_start3A_224 = arith.constant 0 : i32
        %dma_start3A_225 = tpu.memref_slice %arg6[%dma_start3A_223, %dma_start3A_224] : memref<10240x128xf32, #tpu.memory_space<vmem_shared>> -> memref<10240x128xf32, #tpu.memory_space<vmem_shared>>
        tpu.enqueue_indirect_dma source(%dma_start3A_219 : memref<128x128xf32, #tpu.memory_space<vmem>>) target(%dma_start3A_225 : memref<10240x128xf32, #tpu.memory_space<vmem_shared>>) offsets(%dma_start3A_222 : memref<128xi32, #tpu.memory_space<vmem>>) semaphore(%arg15 : memref<!tpu.dma_semaphore, #tpu.memory_space<semaphore_mem>>) {add = true}
        %dma_wait3A_226 = arith.constant 0 : i32
        %dma_wait3A_227 = arith.constant 0 : i32
        %dma_wait3A_228 = arith.constant 0 : i32
        %dma_wait3A_229 = arith.constant 0 : i32
        %dma_wait3A_230 = tpu.memref_slice %arg9[%dma_wait3A_226, %dma_wait3A_228, %dma_wait3A_229] : memref<2x128x128xf32, #tpu.memory_space<vmem>> -> memref<1x128x128xf32, #tpu.memory_space<vmem>>
        %dma_wait3A_231 = tpu.memref_squeeze %dma_wait3A_230 : memref<1x128x128xf32, #tpu.memory_space<vmem>> -> memref<128x128xf32, #tpu.memory_space<vmem>>
        %dma_wait3A_232 = arith.constant 0 : i32
        %dma_wait3A_233 = tpu.memref_slice %arg8[%dma_wait3A_227, %dma_wait3A_232] : memref<56x128xi32, #tpu.memory_space<vmem>> -> memref<1x128xi32, #tpu.memory_space<vmem>>
        %dma_wait3A_234 = tpu.memref_squeeze %dma_wait3A_233 : memref<1x128xi32, #tpu.memory_space<vmem>> -> memref<128xi32, #tpu.memory_space<vmem>>
        %dma_wait3A_235 = arith.constant 0 : i32
        %dma_wait3A_236 = arith.constant 0 : i32
        %dma_wait3A_237 = tpu.memref_slice %arg6[%dma_wait3A_235, %dma_wait3A_236] : memref<10240x128xf32, #tpu.memory_space<vmem_shared>> -> memref<10240x128xf32, #tpu.memory_space<vmem_shared>>
        tpu.wait_indirect_dma semaphore(%arg14 : memref<!tpu.dma_semaphore, #tpu.memory_space<semaphore_mem>>) src(%dma_wait3A_231 : memref<128x128xf32, #tpu.memory_space<vmem>>) dst(%dma_wait3A_237 : memref<10240x128xf32, #tpu.memory_space<vmem_shared>>)
        %add3A_238 = arith.constant 1 : i32
        %add3A_239 = arith.addi %add3A_119, %add3A_238 : i32
        %lt3A_240 = arith.constant 28 : i32
        %lt3A_241 = arith.cmpi slt, %add3A_239, %lt3A_240 : i32
        %convert_element_type3A_242 = arith.extui %lt3A_241 : i1 to i32
        %cond3A_243 = arith.constant 0 : i32
        %cond3A_244 = arith.cmpi ne, %convert_element_type3A_242, %cond3A_243 : i32
        scf.if %cond3A_244 {
          %add3A_245 = arith.constant 1 : i32
          %add3A_246 = arith.addi %add3A_190, %add3A_245 : i32
          %dma_start3A_247 = arith.constant 0 : i32
          %dma_start3A_248 = arith.constant 0 : i32
          %dma_start3A_249 = arith.constant 0 : i32
          %dma_start3A_250 = tpu.memref_slice %arg9[%dma_start3A_247, %dma_start3A_248, %dma_start3A_249] : memref<2x128x128xf32, #tpu.memory_space<vmem>> -> memref<1x64x128xf32, #tpu.memory_space<vmem>>
          %dma_start3A_251 = tpu.memref_squeeze %dma_start3A_250 : memref<1x64x128xf32, #tpu.memory_space<vmem>> -> memref<64x128xf32, #tpu.memory_space<vmem>>
          %dma_start3A_252 = arith.constant 0 : i32
          %dma_start3A_253 = tpu.memref_slice %arg7[%add3A_246, %dma_start3A_252] : memref<56x128xi32, #tpu.memory_space<vmem>> -> memref<1x64xi32, #tpu.memory_space<vmem>>
          %dma_start3A_254 = tpu.memref_squeeze %dma_start3A_253 : memref<1x64xi32, #tpu.memory_space<vmem>> -> memref<64xi32, #tpu.memory_space<vmem>>
          %dma_start3A_255 = arith.constant 0 : i32
          %dma_start3A_256 = arith.constant 0 : i32
          %dma_start3A_257 = tpu.memref_slice %arg2[%dma_start3A_255, %dma_start3A_256] : memref<10000x128xf32, #tpu.memory_space<hbm>> -> memref<10000x128xf32, #tpu.memory_space<hbm>>
          tpu.enqueue_indirect_dma source(%dma_start3A_257 : memref<10000x128xf32, #tpu.memory_space<hbm>>) target(%dma_start3A_251 : memref<64x128xf32, #tpu.memory_space<vmem>>) offsets(%dma_start3A_254 : memref<64xi32, #tpu.memory_space<vmem>>) semaphore(%arg10 : memref<!tpu.dma_semaphore, #tpu.memory_space<semaphore_mem>>)
          %dma_start3A_258 = arith.constant 0 : i32
          %dma_start3A_259 = arith.constant 64 : i32
          %dma_start3A_260 = arith.constant 0 : i32
          %dma_start3A_261 = tpu.memref_slice %arg9[%dma_start3A_258, %dma_start3A_259, %dma_start3A_260] : memref<2x128x128xf32, #tpu.memory_space<vmem>> -> memref<1x64x128xf32, #tpu.memory_space<vmem>>
          %dma_start3A_262 = tpu.memref_squeeze %dma_start3A_261 : memref<1x64x128xf32, #tpu.memory_space<vmem>> -> memref<64x128xf32, #tpu.memory_space<vmem>>
          %dma_start3A_263 = arith.constant 64 : i32
          %dma_start3A_264 = tpu.memref_slice %arg7[%add3A_246, %dma_start3A_263] : memref<56x128xi32, #tpu.memory_space<vmem>> -> memref<1x64xi32, #tpu.memory_space<vmem>>
          %dma_start3A_265 = tpu.memref_squeeze %dma_start3A_264 : memref<1x64xi32, #tpu.memory_space<vmem>> -> memref<64xi32, #tpu.memory_space<vmem>>
          %dma_start3A_266 = arith.constant 0 : i32
          %dma_start3A_267 = arith.constant 0 : i32
          %dma_start3A_268 = tpu.memref_slice %arg2[%dma_start3A_266, %dma_start3A_267] : memref<10000x128xf32, #tpu.memory_space<hbm>> -> memref<10000x128xf32, #tpu.memory_space<hbm>>
          tpu.enqueue_indirect_dma source(%dma_start3A_268 : memref<10000x128xf32, #tpu.memory_space<hbm>>) target(%dma_start3A_262 : memref<64x128xf32, #tpu.memory_space<vmem>>) offsets(%dma_start3A_265 : memref<64xi32, #tpu.memory_space<vmem>>) semaphore(%arg11 : memref<!tpu.dma_semaphore, #tpu.memory_space<semaphore_mem>>)
        } else {
        }
      }
      %scan3A_60 = arith.constant 28 : i32
      %dma_wait3A = arith.constant 1 : i32
      %dma_wait3A_61 = arith.constant 0 : i32
      %dma_wait3A_62 = arith.constant 0 : i32
      %dma_wait3A_63 = arith.constant 0 : i32
      %dma_wait3A_64 = tpu.memref_slice %arg9[%dma_wait3A, %dma_wait3A_62, %dma_wait3A_63] : memref<2x128x128xf32, #tpu.memory_space<vmem>> -> memref<1x128x128xf32, #tpu.memory_space<vmem>>
      %dma_wait3A_65 = tpu.memref_squeeze %dma_wait3A_64 : memref<1x128x128xf32, #tpu.memory_space<vmem>> -> memref<128x128xf32, #tpu.memory_space<vmem>>
      %dma_wait3A_66 = arith.constant 0 : i32
      %dma_wait3A_67 = tpu.memref_slice %arg8[%dma_wait3A_61, %dma_wait3A_66] : memref<56x128xi32, #tpu.memory_space<vmem>> -> memref<1x128xi32, #tpu.memory_space<vmem>>
      %dma_wait3A_68 = tpu.memref_squeeze %dma_wait3A_67 : memref<1x128xi32, #tpu.memory_space<vmem>> -> memref<128xi32, #tpu.memory_space<vmem>>
      %dma_wait3A_69 = arith.constant 0 : i32
      %dma_wait3A_70 = arith.constant 0 : i32
      %dma_wait3A_71 = tpu.memref_slice %arg6[%dma_wait3A_69, %dma_wait3A_70] : memref<10240x128xf32, #tpu.memory_space<vmem_shared>> -> memref<10240x128xf32, #tpu.memory_space<vmem_shared>>
      tpu.wait_indirect_dma semaphore(%arg15 : memref<!tpu.dma_semaphore, #tpu.memory_space<semaphore_mem>>) src(%dma_wait3A_65 : memref<128x128xf32, #tpu.memory_space<vmem>>) dst(%dma_wait3A_71 : memref<10240x128xf32, #tpu.memory_space<vmem_shared>>)
      %add3A_72 = arith.constant 56 : i32
      %add3A_73 = arith.addi %mul3A_13, %add3A_72 : i32
      "tpu.region"() ({
        %run_scoped3A = tpu.sem_alloc : memref<!tpu.dma_semaphore, #tpu.memory_space<semaphore_mem>>
        %dma_start3A_115 = arith.constant 0 : i32
        %dma_start3A_116 = arith.constant 0 : i32
        %dma_start3A_117 = tpu.memref_slice %arg7[%dma_start3A_115, %dma_start3A_116] : memref<56x128xi32, #tpu.memory_space<vmem>> -> memref<56x128xi32, #tpu.memory_space<vmem>>
        %dma_start3A_118 = arith.constant 0 : i32
        %dma_start3A_119 = tpu.memref_slice %arg3[%add3A_73, %dma_start3A_118] : memref<2560x128xi32, #tpu.memory_space<hbm>> -> memref<56x128xi32, #tpu.memory_space<hbm>>
        %dma_start3A_120 = arith.constant 0 : i32
        %dma_start3A_121 = arith.constant 0 : i32
        %dma_start3A_122 = tpu.memref_slice %arg7[%dma_start3A_120, %dma_start3A_121] : memref<56x128xi32, #tpu.memory_space<vmem>> -> memref<56x128xi32, #tpu.memory_space<vmem>>
        %dma_start3A_123 = arith.constant 0 : i32
        %dma_start3A_124 = tpu.memref_slice %arg3[%add3A_73, %dma_start3A_123] : memref<2560x128xi32, #tpu.memory_space<hbm>> -> memref<56x128xi32, #tpu.memory_space<hbm>>
        tpu.enqueue_dma source(%dma_start3A_124 : memref<56x128xi32, #tpu.memory_space<hbm>>) target(%dma_start3A_122 : memref<56x128xi32, #tpu.memory_space<vmem>>) target_semaphore(%run_scoped3A : memref<!tpu.dma_semaphore, #tpu.memory_space<semaphore_mem>>)
        %dma_wait3A_125 = arith.constant 0 : i32
        %dma_wait3A_126 = arith.constant 0 : i32
        %dma_wait3A_127 = tpu.memref_slice %arg7[%dma_wait3A_125, %dma_wait3A_126] : memref<56x128xi32, #tpu.memory_space<vmem>> -> memref<56x128xi32, #tpu.memory_space<vmem>>
        %dma_wait3A_128 = arith.constant 0 : i32
        %dma_wait3A_129 = tpu.memref_slice %arg3[%add3A_73, %dma_wait3A_128] : memref<2560x128xi32, #tpu.memory_space<hbm>> -> memref<56x128xi32, #tpu.memory_space<hbm>>
        %dma_wait3A_130 = arith.constant 0 : i32
        %dma_wait3A_131 = arith.constant 0 : i32
        %dma_wait3A_132 = tpu.memref_slice %arg7[%dma_wait3A_130, %dma_wait3A_131] : memref<56x128xi32, #tpu.memory_space<vmem>> -> memref<56x128xi32, #tpu.memory_space<vmem>>
        %dma_wait3A_133 = arith.constant 0 : i32
        %dma_wait3A_134 = tpu.memref_slice %arg3[%add3A_73, %dma_wait3A_133] : memref<2560x128xi32, #tpu.memory_space<hbm>> -> memref<56x128xi32, #tpu.memory_space<hbm>>
        tpu.wait_dma2 semaphore(%run_scoped3A : memref<!tpu.dma_semaphore, #tpu.memory_space<semaphore_mem>>) src(%dma_wait3A_134 : memref<56x128xi32, #tpu.memory_space<hbm>>) dst(%dma_wait3A_132 : memref<56x128xi32, #tpu.memory_space<vmem>>)
        tpu.yield
      }) : () -> ()
      "tpu.region"() ({
        %run_scoped3A = tpu.sem_alloc : memref<!tpu.dma_semaphore, #tpu.memory_space<semaphore_mem>>
        %dma_start3A_115 = arith.constant 0 : i32
        %dma_start3A_116 = arith.constant 0 : i32
        %dma_start3A_117 = tpu.memref_slice %arg8[%dma_start3A_115, %dma_start3A_116] : memref<56x128xi32, #tpu.memory_space<vmem>> -> memref<56x128xi32, #tpu.memory_space<vmem>>
        %dma_start3A_118 = arith.constant 0 : i32
        %dma_start3A_119 = tpu.memref_slice %arg4[%add3A_73, %dma_start3A_118] : memref<2560x128xi32, #tpu.memory_space<hbm>> -> memref<56x128xi32, #tpu.memory_space<hbm>>
        %dma_start3A_120 = arith.constant 0 : i32
        %dma_start3A_121 = arith.constant 0 : i32
        %dma_start3A_122 = tpu.memref_slice %arg8[%dma_start3A_120, %dma_start3A_121] : memref<56x128xi32, #tpu.memory_space<vmem>> -> memref<56x128xi32, #tpu.memory_space<vmem>>
        %dma_start3A_123 = arith.constant 0 : i32
        %dma_start3A_124 = tpu.memref_slice %arg4[%add3A_73, %dma_start3A_123] : memref<2560x128xi32, #tpu.memory_space<hbm>> -> memref<56x128xi32, #tpu.memory_space<hbm>>
        tpu.enqueue_dma source(%dma_start3A_124 : memref<56x128xi32, #tpu.memory_space<hbm>>) target(%dma_start3A_122 : memref<56x128xi32, #tpu.memory_space<vmem>>) target_semaphore(%run_scoped3A : memref<!tpu.dma_semaphore, #tpu.memory_space<semaphore_mem>>)
        %dma_wait3A_125 = arith.constant 0 : i32
        %dma_wait3A_126 = arith.constant 0 : i32
        %dma_wait3A_127 = tpu.memref_slice %arg8[%dma_wait3A_125, %dma_wait3A_126] : memref<56x128xi32, #tpu.memory_space<vmem>> -> memref<56x128xi32, #tpu.memory_space<vmem>>
        %dma_wait3A_128 = arith.constant 0 : i32
        %dma_wait3A_129 = tpu.memref_slice %arg4[%add3A_73, %dma_wait3A_128] : memref<2560x128xi32, #tpu.memory_space<hbm>> -> memref<56x128xi32, #tpu.memory_space<hbm>>
        %dma_wait3A_130 = arith.constant 0 : i32
        %dma_wait3A_131 = arith.constant 0 : i32
        %dma_wait3A_132 = tpu.memref_slice %arg8[%dma_wait3A_130, %dma_wait3A_131] : memref<56x128xi32, #tpu.memory_space<vmem>> -> memref<56x128xi32, #tpu.memory_space<vmem>>
        %dma_wait3A_133 = arith.constant 0 : i32
        %dma_wait3A_134 = tpu.memref_slice %arg4[%add3A_73, %dma_wait3A_133] : memref<2560x128xi32, #tpu.memory_space<hbm>> -> memref<56x128xi32, #tpu.memory_space<hbm>>
        tpu.wait_dma2 semaphore(%run_scoped3A : memref<!tpu.dma_semaphore, #tpu.memory_space<semaphore_mem>>) src(%dma_wait3A_134 : memref<56x128xi32, #tpu.memory_space<hbm>>) dst(%dma_wait3A_132 : memref<56x128xi32, #tpu.memory_space<vmem>>)
        tpu.yield
      }) : () -> ()
      %dma_start3A_74 = arith.constant 0 : i32
      %dma_start3A_75 = arith.constant 0 : i32
      %dma_start3A_76 = arith.constant 0 : i32
      %dma_start3A_77 = arith.constant 0 : i32
      %dma_start3A_78 = tpu.memref_slice %arg9[%dma_start3A_75, %dma_start3A_76, %dma_start3A_77] : memref<2x128x128xf32, #tpu.memory_space<vmem>> -> memref<1x64x128xf32, #tpu.memory_space<vmem>>
      %dma_start3A_79 = tpu.memref_squeeze %dma_start3A_78 : memref<1x64x128xf32, #tpu.memory_space<vmem>> -> memref<64x128xf32, #tpu.memory_space<vmem>>
      %dma_start3A_80 = arith.constant 0 : i32
      %dma_start3A_81 = tpu.memref_slice %arg7[%dma_start3A_74, %dma_start3A_80] : memref<56x128xi32, #tpu.memory_space<vmem>> -> memref<1x64xi32, #tpu.memory_space<vmem>>
      %dma_start3A_82 = tpu.memref_squeeze %dma_start3A_81 : memref<1x64xi32, #tpu.memory_space<vmem>> -> memref<64xi32, #tpu.memory_space<vmem>>
      %dma_start3A_83 = arith.constant 0 : i32
      %dma_start3A_84 = arith.constant 0 : i32
      %dma_start3A_85 = tpu.memref_slice %arg2[%dma_start3A_83, %dma_start3A_84] : memref<10000x128xf32, #tpu.memory_space<hbm>> -> memref<10000x128xf32, #tpu.memory_space<hbm>>
      tpu.enqueue_indirect_dma source(%dma_start3A_85 : memref<10000x128xf32, #tpu.memory_space<hbm>>) target(%dma_start3A_79 : memref<64x128xf32, #tpu.memory_space<vmem>>) offsets(%dma_start3A_82 : memref<64xi32, #tpu.memory_space<vmem>>) semaphore(%arg10 : memref<!tpu.dma_semaphore, #tpu.memory_space<semaphore_mem>>)
      %dma_start3A_86 = arith.constant 0 : i32
      %dma_start3A_87 = arith.constant 0 : i32
      %dma_start3A_88 = arith.constant 64 : i32
      %dma_start3A_89 = arith.constant 0 : i32
      %dma_start3A_90 = tpu.memref_slice %arg9[%dma_start3A_87, %dma_start3A_88, %dma_start3A_89] : memref<2x128x128xf32, #tpu.memory_space<vmem>> -> memref<1x64x128xf32, #tpu.memory_space<vmem>>
      %dma_start3A_91 = tpu.memref_squeeze %dma_start3A_90 : memref<1x64x128xf32, #tpu.memory_space<vmem>> -> memref<64x128xf32, #tpu.memory_space<vmem>>
      %dma_start3A_92 = arith.constant 64 : i32
      %dma_start3A_93 = tpu.memref_slice %arg7[%dma_start3A_86, %dma_start3A_92] : memref<56x128xi32, #tpu.memory_space<vmem>> -> memref<1x64xi32, #tpu.memory_space<vmem>>
      %dma_start3A_94 = tpu.memref_squeeze %dma_start3A_93 : memref<1x64xi32, #tpu.memory_space<vmem>> -> memref<64xi32, #tpu.memory_space<vmem>>
      %dma_start3A_95 = arith.constant 0 : i32
      %dma_start3A_96 = arith.constant 0 : i32
      %dma_start3A_97 = tpu.memref_slice %arg2[%dma_start3A_95, %dma_start3A_96] : memref<10000x128xf32, #tpu.memory_space<hbm>> -> memref<10000x128xf32, #tpu.memory_space<hbm>>
      tpu.enqueue_indirect_dma source(%dma_start3A_97 : memref<10000x128xf32, #tpu.memory_space<hbm>>) target(%dma_start3A_91 : memref<64x128xf32, #tpu.memory_space<vmem>>) offsets(%dma_start3A_94 : memref<64xi32, #tpu.memory_space<vmem>>) semaphore(%arg11 : memref<!tpu.dma_semaphore, #tpu.memory_space<semaphore_mem>>)
      %scan3A_98 = arith.constant 0 : i32
      %scan3A_99 = arith.constant 28 : i32
      %scan3A_100 = arith.addi %scan3A_98, %scan3A_99 : i32
      %scan3A_101 = arith.constant 1 : i32
      scf.for %scan3A_115 = %scan3A_98 to %scan3A_100 step %scan3A_101  : i32 {
        %mul3A_116 = arith.constant 1 : i32
        %mul3A_117 = arith.muli %scan3A_115, %mul3A_116 : i32
        %add3A_118 = arith.constant 0 : i32
        %add3A_119 = arith.addi %add3A_118, %mul3A_117 : i32
        %mul3A_120 = arith.constant 2 : i32
        %mul3A_121 = arith.muli %add3A_119, %mul3A_120 : i32
        %add3A_122 = arith.constant 0 : i32
        %add3A_123 = arith.addi %mul3A_121, %add3A_122 : i32
        %dma_wait3A_124 = arith.constant 0 : i32
        %dma_wait3A_125 = arith.constant 0 : i32
        %dma_wait3A_126 = arith.constant 0 : i32
        %dma_wait3A_127 = arith.constant 0 : i32
        %dma_wait3A_128 = tpu.memref_slice %arg9[%dma_wait3A_125, %dma_wait3A_126, %dma_wait3A_127] : memref<2x128x128xf32, #tpu.memory_space<vmem>> -> memref<1x64x128xf32, #tpu.memory_space<vmem>>
        %dma_wait3A_129 = tpu.memref_squeeze %dma_wait3A_128 : memref<1x64x128xf32, #tpu.memory_space<vmem>> -> memref<64x128xf32, #tpu.memory_space<vmem>>
        %dma_wait3A_130 = arith.constant 0 : i32
        %dma_wait3A_131 = tpu.memref_slice %arg7[%dma_wait3A_124, %dma_wait3A_130] : memref<56x128xi32, #tpu.memory_space<vmem>> -> memref<1x64xi32, #tpu.memory_space<vmem>>
        %dma_wait3A_132 = tpu.memref_squeeze %dma_wait3A_131 : memref<1x64xi32, #tpu.memory_space<vmem>> -> memref<64xi32, #tpu.memory_space<vmem>>
        %dma_wait3A_133 = arith.constant 0 : i32
        %dma_wait3A_134 = arith.constant 0 : i32
        %dma_wait3A_135 = tpu.memref_slice %arg2[%dma_wait3A_133, %dma_wait3A_134] : memref<10000x128xf32, #tpu.memory_space<hbm>> -> memref<10000x128xf32, #tpu.memory_space<hbm>>
        tpu.wait_indirect_dma semaphore(%arg10 : memref<!tpu.dma_semaphore, #tpu.memory_space<semaphore_mem>>) src(%dma_wait3A_135 : memref<10000x128xf32, #tpu.memory_space<hbm>>) dst(%dma_wait3A_129 : memref<64x128xf32, #tpu.memory_space<vmem>>)
        %dma_wait3A_136 = arith.constant 0 : i32
        %dma_wait3A_137 = arith.constant 0 : i32
        %dma_wait3A_138 = arith.constant 64 : i32
        %dma_wait3A_139 = arith.constant 0 : i32
        %dma_wait3A_140 = tpu.memref_slice %arg9[%dma_wait3A_137, %dma_wait3A_138, %dma_wait3A_139] : memref<2x128x128xf32, #tpu.memory_space<vmem>> -> memref<1x64x128xf32, #tpu.memory_space<vmem>>
        %dma_wait3A_141 = tpu.memref_squeeze %dma_wait3A_140 : memref<1x64x128xf32, #tpu.memory_space<vmem>> -> memref<64x128xf32, #tpu.memory_space<vmem>>
        %dma_wait3A_142 = arith.constant 0 : i32
        %dma_wait3A_143 = tpu.memref_slice %arg7[%dma_wait3A_136, %dma_wait3A_142] : memref<56x128xi32, #tpu.memory_space<vmem>> -> memref<1x64xi32, #tpu.memory_space<vmem>>
        %dma_wait3A_144 = tpu.memref_squeeze %dma_wait3A_143 : memref<1x64xi32, #tpu.memory_space<vmem>> -> memref<64xi32, #tpu.memory_space<vmem>>
        %dma_wait3A_145 = arith.constant 0 : i32
        %dma_wait3A_146 = arith.constant 0 : i32
        %dma_wait3A_147 = tpu.memref_slice %arg2[%dma_wait3A_145, %dma_wait3A_146] : memref<10000x128xf32, #tpu.memory_space<hbm>> -> memref<10000x128xf32, #tpu.memory_space<hbm>>
        tpu.wait_indirect_dma semaphore(%arg11 : memref<!tpu.dma_semaphore, #tpu.memory_space<semaphore_mem>>) src(%dma_wait3A_147 : memref<10000x128xf32, #tpu.memory_space<hbm>>) dst(%dma_wait3A_141 : memref<64x128xf32, #tpu.memory_space<vmem>>)
        %dma_start3A_148 = arith.constant 0 : i32
        %dma_start3A_149 = arith.constant 0 : i32
        %dma_start3A_150 = arith.constant 0 : i32
        %dma_start3A_151 = tpu.memref_slice %arg9[%dma_start3A_148, %dma_start3A_149, %dma_start3A_150] : memref<2x128x128xf32, #tpu.memory_space<vmem>> -> memref<1x128x128xf32, #tpu.memory_space<vmem>>
        %dma_start3A_152 = tpu.memref_squeeze %dma_start3A_151 : memref<1x128x128xf32, #tpu.memory_space<vmem>> -> memref<128x128xf32, #tpu.memory_space<vmem>>
        %dma_start3A_153 = arith.constant 0 : i32
        %dma_start3A_154 = tpu.memref_slice %arg8[%add3A_123, %dma_start3A_153] : memref<56x128xi32, #tpu.memory_space<vmem>> -> memref<1x128xi32, #tpu.memory_space<vmem>>
        %dma_start3A_155 = tpu.memref_squeeze %dma_start3A_154 : memref<1x128xi32, #tpu.memory_space<vmem>> -> memref<128xi32, #tpu.memory_space<vmem>>
        %dma_start3A_156 = arith.constant 0 : i32
        %dma_start3A_157 = arith.constant 0 : i32
        %dma_start3A_158 = tpu.memref_slice %arg6[%dma_start3A_156, %dma_start3A_157] : memref<10240x128xf32, #tpu.memory_space<vmem_shared>> -> memref<10240x128xf32, #tpu.memory_space<vmem_shared>>
        tpu.enqueue_indirect_dma source(%dma_start3A_152 : memref<128x128xf32, #tpu.memory_space<vmem>>) target(%dma_start3A_158 : memref<10240x128xf32, #tpu.memory_space<vmem_shared>>) offsets(%dma_start3A_155 : memref<128xi32, #tpu.memory_space<vmem>>) semaphore(%arg14 : memref<!tpu.dma_semaphore, #tpu.memory_space<semaphore_mem>>) {add = true}
        %gt3A = arith.constant 0 : i32
        %gt3A_159 = arith.cmpi sgt, %add3A_119, %gt3A : i32
        %convert_element_type3A_160 = arith.extui %gt3A_159 : i1 to i32
        %cond3A_161 = arith.constant 0 : i32
        %cond3A_162 = arith.cmpi ne, %convert_element_type3A_160, %cond3A_161 : i32
        scf.if %cond3A_162 {
          %dma_wait3A_245 = arith.constant 1 : i32
          %dma_wait3A_246 = arith.constant 0 : i32
          %dma_wait3A_247 = arith.constant 0 : i32
          %dma_wait3A_248 = arith.constant 0 : i32
          %dma_wait3A_249 = tpu.memref_slice %arg9[%dma_wait3A_245, %dma_wait3A_247, %dma_wait3A_248] : memref<2x128x128xf32, #tpu.memory_space<vmem>> -> memref<1x128x128xf32, #tpu.memory_space<vmem>>
          %dma_wait3A_250 = tpu.memref_squeeze %dma_wait3A_249 : memref<1x128x128xf32, #tpu.memory_space<vmem>> -> memref<128x128xf32, #tpu.memory_space<vmem>>
          %dma_wait3A_251 = arith.constant 0 : i32
          %dma_wait3A_252 = tpu.memref_slice %arg8[%dma_wait3A_246, %dma_wait3A_251] : memref<56x128xi32, #tpu.memory_space<vmem>> -> memref<1x128xi32, #tpu.memory_space<vmem>>
          %dma_wait3A_253 = tpu.memref_squeeze %dma_wait3A_252 : memref<1x128xi32, #tpu.memory_space<vmem>> -> memref<128xi32, #tpu.memory_space<vmem>>
          %dma_wait3A_254 = arith.constant 0 : i32
          %dma_wait3A_255 = arith.constant 0 : i32
          %dma_wait3A_256 = tpu.memref_slice %arg6[%dma_wait3A_254, %dma_wait3A_255] : memref<10240x128xf32, #tpu.memory_space<vmem_shared>> -> memref<10240x128xf32, #tpu.memory_space<vmem_shared>>
          tpu.wait_indirect_dma semaphore(%arg15 : memref<!tpu.dma_semaphore, #tpu.memory_space<semaphore_mem>>) src(%dma_wait3A_250 : memref<128x128xf32, #tpu.memory_space<vmem>>) dst(%dma_wait3A_256 : memref<10240x128xf32, #tpu.memory_space<vmem_shared>>)
        } else {
        }
        %add3A_163 = arith.constant 1 : i32
        %add3A_164 = arith.addi %add3A_123, %add3A_163 : i32
        %dma_start3A_165 = arith.constant 1 : i32
        %dma_start3A_166 = arith.constant 0 : i32
        %dma_start3A_167 = arith.constant 0 : i32
        %dma_start3A_168 = tpu.memref_slice %arg9[%dma_start3A_165, %dma_start3A_166, %dma_start3A_167] : memref<2x128x128xf32, #tpu.memory_space<vmem>> -> memref<1x64x128xf32, #tpu.memory_space<vmem>>
        %dma_start3A_169 = tpu.memref_squeeze %dma_start3A_168 : memref<1x64x128xf32, #tpu.memory_space<vmem>> -> memref<64x128xf32, #tpu.memory_space<vmem>>
        %dma_start3A_170 = arith.constant 0 : i32
        %dma_start3A_171 = tpu.memref_slice %arg7[%add3A_164, %dma_start3A_170] : memref<56x128xi32, #tpu.memory_space<vmem>> -> memref<1x64xi32, #tpu.memory_space<vmem>>
        %dma_start3A_172 = tpu.memref_squeeze %dma_start3A_171 : memref<1x64xi32, #tpu.memory_space<vmem>> -> memref<64xi32, #tpu.memory_space<vmem>>
        %dma_start3A_173 = arith.constant 0 : i32
        %dma_start3A_174 = arith.constant 0 : i32
        %dma_start3A_175 = tpu.memref_slice %arg2[%dma_start3A_173, %dma_start3A_174] : memref<10000x128xf32, #tpu.memory_space<hbm>> -> memref<10000x128xf32, #tpu.memory_space<hbm>>
        tpu.enqueue_indirect_dma source(%dma_start3A_175 : memref<10000x128xf32, #tpu.memory_space<hbm>>) target(%dma_start3A_169 : memref<64x128xf32, #tpu.memory_space<vmem>>) offsets(%dma_start3A_172 : memref<64xi32, #tpu.memory_space<vmem>>) semaphore(%arg12 : memref<!tpu.dma_semaphore, #tpu.memory_space<semaphore_mem>>)
        %dma_start3A_176 = arith.constant 1 : i32
        %dma_start3A_177 = arith.constant 64 : i32
        %dma_start3A_178 = arith.constant 0 : i32
        %dma_start3A_179 = tpu.memref_slice %arg9[%dma_start3A_176, %dma_start3A_177, %dma_start3A_178] : memref<2x128x128xf32, #tpu.memory_space<vmem>> -> memref<1x64x128xf32, #tpu.memory_space<vmem>>
        %dma_start3A_180 = tpu.memref_squeeze %dma_start3A_179 : memref<1x64x128xf32, #tpu.memory_space<vmem>> -> memref<64x128xf32, #tpu.memory_space<vmem>>
        %dma_start3A_181 = arith.constant 64 : i32
        %dma_start3A_182 = tpu.memref_slice %arg7[%add3A_164, %dma_start3A_181] : memref<56x128xi32, #tpu.memory_space<vmem>> -> memref<1x64xi32, #tpu.memory_space<vmem>>
        %dma_start3A_183 = tpu.memref_squeeze %dma_start3A_182 : memref<1x64xi32, #tpu.memory_space<vmem>> -> memref<64xi32, #tpu.memory_space<vmem>>
        %dma_start3A_184 = arith.constant 0 : i32
        %dma_start3A_185 = arith.constant 0 : i32
        %dma_start3A_186 = tpu.memref_slice %arg2[%dma_start3A_184, %dma_start3A_185] : memref<10000x128xf32, #tpu.memory_space<hbm>> -> memref<10000x128xf32, #tpu.memory_space<hbm>>
        tpu.enqueue_indirect_dma source(%dma_start3A_186 : memref<10000x128xf32, #tpu.memory_space<hbm>>) target(%dma_start3A_180 : memref<64x128xf32, #tpu.memory_space<vmem>>) offsets(%dma_start3A_183 : memref<64xi32, #tpu.memory_space<vmem>>) semaphore(%arg13 : memref<!tpu.dma_semaphore, #tpu.memory_space<semaphore_mem>>)
        %mul3A_187 = arith.constant 2 : i32
        %mul3A_188 = arith.muli %add3A_119, %mul3A_187 : i32
        %add3A_189 = arith.constant 1 : i32
        %add3A_190 = arith.addi %mul3A_188, %add3A_189 : i32
        %dma_wait3A_191 = arith.constant 0 : i32
        %dma_wait3A_192 = arith.constant 1 : i32
        %dma_wait3A_193 = arith.constant 0 : i32
        %dma_wait3A_194 = arith.constant 0 : i32
        %dma_wait3A_195 = tpu.memref_slice %arg9[%dma_wait3A_192, %dma_wait3A_193, %dma_wait3A_194] : memref<2x128x128xf32, #tpu.memory_space<vmem>> -> memref<1x64x128xf32, #tpu.memory_space<vmem>>
        %dma_wait3A_196 = tpu.memref_squeeze %dma_wait3A_195 : memref<1x64x128xf32, #tpu.memory_space<vmem>> -> memref<64x128xf32, #tpu.memory_space<vmem>>
        %dma_wait3A_197 = arith.constant 0 : i32
        %dma_wait3A_198 = tpu.memref_slice %arg7[%dma_wait3A_191, %dma_wait3A_197] : memref<56x128xi32, #tpu.memory_space<vmem>> -> memref<1x64xi32, #tpu.memory_space<vmem>>
        %dma_wait3A_199 = tpu.memref_squeeze %dma_wait3A_198 : memref<1x64xi32, #tpu.memory_space<vmem>> -> memref<64xi32, #tpu.memory_space<vmem>>
        %dma_wait3A_200 = arith.constant 0 : i32
        %dma_wait3A_201 = arith.constant 0 : i32
        %dma_wait3A_202 = tpu.memref_slice %arg2[%dma_wait3A_200, %dma_wait3A_201] : memref<10000x128xf32, #tpu.memory_space<hbm>> -> memref<10000x128xf32, #tpu.memory_space<hbm>>
        tpu.wait_indirect_dma semaphore(%arg12 : memref<!tpu.dma_semaphore, #tpu.memory_space<semaphore_mem>>) src(%dma_wait3A_202 : memref<10000x128xf32, #tpu.memory_space<hbm>>) dst(%dma_wait3A_196 : memref<64x128xf32, #tpu.memory_space<vmem>>)
        %dma_wait3A_203 = arith.constant 0 : i32
        %dma_wait3A_204 = arith.constant 1 : i32
        %dma_wait3A_205 = arith.constant 64 : i32
        %dma_wait3A_206 = arith.constant 0 : i32
        %dma_wait3A_207 = tpu.memref_slice %arg9[%dma_wait3A_204, %dma_wait3A_205, %dma_wait3A_206] : memref<2x128x128xf32, #tpu.memory_space<vmem>> -> memref<1x64x128xf32, #tpu.memory_space<vmem>>
        %dma_wait3A_208 = tpu.memref_squeeze %dma_wait3A_207 : memref<1x64x128xf32, #tpu.memory_space<vmem>> -> memref<64x128xf32, #tpu.memory_space<vmem>>
        %dma_wait3A_209 = arith.constant 0 : i32
        %dma_wait3A_210 = tpu.memref_slice %arg7[%dma_wait3A_203, %dma_wait3A_209] : memref<56x128xi32, #tpu.memory_space<vmem>> -> memref<1x64xi32, #tpu.memory_space<vmem>>
        %dma_wait3A_211 = tpu.memref_squeeze %dma_wait3A_210 : memref<1x64xi32, #tpu.memory_space<vmem>> -> memref<64xi32, #tpu.memory_space<vmem>>
        %dma_wait3A_212 = arith.constant 0 : i32
        %dma_wait3A_213 = arith.constant 0 : i32
        %dma_wait3A_214 = tpu.memref_slice %arg2[%dma_wait3A_212, %dma_wait3A_213] : memref<10000x128xf32, #tpu.memory_space<hbm>> -> memref<10000x128xf32, #tpu.memory_space<hbm>>
        tpu.wait_indirect_dma semaphore(%arg13 : memref<!tpu.dma_semaphore, #tpu.memory_space<semaphore_mem>>) src(%dma_wait3A_214 : memref<10000x128xf32, #tpu.memory_space<hbm>>) dst(%dma_wait3A_208 : memref<64x128xf32, #tpu.memory_space<vmem>>)
        %dma_start3A_215 = arith.constant 1 : i32
        %dma_start3A_216 = arith.constant 0 : i32
        %dma_start3A_217 = arith.constant 0 : i32
        %dma_start3A_218 = tpu.memref_slice %arg9[%dma_start3A_215, %dma_start3A_216, %dma_start3A_217] : memref<2x128x128xf32, #tpu.memory_space<vmem>> -> memref<1x128x128xf32, #tpu.memory_space<vmem>>
        %dma_start3A_219 = tpu.memref_squeeze %dma_start3A_218 : memref<1x128x128xf32, #tpu.memory_space<vmem>> -> memref<128x128xf32, #tpu.memory_space<vmem>>
        %dma_start3A_220 = arith.constant 0 : i32
        %dma_start3A_221 = tpu.memref_slice %arg8[%add3A_190, %dma_start3A_220] : memref<56x128xi32, #tpu.memory_space<vmem>> -> memref<1x128xi32, #tpu.memory_space<vmem>>
        %dma_start3A_222 = tpu.memref_squeeze %dma_start3A_221 : memref<1x128xi32, #tpu.memory_space<vmem>> -> memref<128xi32, #tpu.memory_space<vmem>>
        %dma_start3A_223 = arith.constant 0 : i32
        %dma_start3A_224 = arith.constant 0 : i32
        %dma_start3A_225 = tpu.memref_slice %arg6[%dma_start3A_223, %dma_start3A_224] : memref<10240x128xf32, #tpu.memory_space<vmem_shared>> -> memref<10240x128xf32, #tpu.memory_space<vmem_shared>>
        tpu.enqueue_indirect_dma source(%dma_start3A_219 : memref<128x128xf32, #tpu.memory_space<vmem>>) target(%dma_start3A_225 : memref<10240x128xf32, #tpu.memory_space<vmem_shared>>) offsets(%dma_start3A_222 : memref<128xi32, #tpu.memory_space<vmem>>) semaphore(%arg15 : memref<!tpu.dma_semaphore, #tpu.memory_space<semaphore_mem>>) {add = true}
        %dma_wait3A_226 = arith.constant 0 : i32
        %dma_wait3A_227 = arith.constant 0 : i32
        %dma_wait3A_228 = arith.constant 0 : i32
        %dma_wait3A_229 = arith.constant 0 : i32
        %dma_wait3A_230 = tpu.memref_slice %arg9[%dma_wait3A_226, %dma_wait3A_228, %dma_wait3A_229] : memref<2x128x128xf32, #tpu.memory_space<vmem>> -> memref<1x128x128xf32, #tpu.memory_space<vmem>>
        %dma_wait3A_231 = tpu.memref_squeeze %dma_wait3A_230 : memref<1x128x128xf32, #tpu.memory_space<vmem>> -> memref<128x128xf32, #tpu.memory_space<vmem>>
        %dma_wait3A_232 = arith.constant 0 : i32
        %dma_wait3A_233 = tpu.memref_slice %arg8[%dma_wait3A_227, %dma_wait3A_232] : memref<56x128xi32, #tpu.memory_space<vmem>> -> memref<1x128xi32, #tpu.memory_space<vmem>>
        %dma_wait3A_234 = tpu.memref_squeeze %dma_wait3A_233 : memref<1x128xi32, #tpu.memory_space<vmem>> -> memref<128xi32, #tpu.memory_space<vmem>>
        %dma_wait3A_235 = arith.constant 0 : i32
        %dma_wait3A_236 = arith.constant 0 : i32
        %dma_wait3A_237 = tpu.memref_slice %arg6[%dma_wait3A_235, %dma_wait3A_236] : memref<10240x128xf32, #tpu.memory_space<vmem_shared>> -> memref<10240x128xf32, #tpu.memory_space<vmem_shared>>
        tpu.wait_indirect_dma semaphore(%arg14 : memref<!tpu.dma_semaphore, #tpu.memory_space<semaphore_mem>>) src(%dma_wait3A_231 : memref<128x128xf32, #tpu.memory_space<vmem>>) dst(%dma_wait3A_237 : memref<10240x128xf32, #tpu.memory_space<vmem_shared>>)
        %add3A_238 = arith.constant 1 : i32
        %add3A_239 = arith.addi %add3A_119, %add3A_238 : i32
        %lt3A_240 = arith.constant 28 : i32
        %lt3A_241 = arith.cmpi slt, %add3A_239, %lt3A_240 : i32
        %convert_element_type3A_242 = arith.extui %lt3A_241 : i1 to i32
        %cond3A_243 = arith.constant 0 : i32
        %cond3A_244 = arith.cmpi ne, %convert_element_type3A_242, %cond3A_243 : i32
        scf.if %cond3A_244 {
          %add3A_245 = arith.constant 1 : i32
          %add3A_246 = arith.addi %add3A_190, %add3A_245 : i32
          %dma_start3A_247 = arith.constant 0 : i32
          %dma_start3A_248 = arith.constant 0 : i32
          %dma_start3A_249 = arith.constant 0 : i32
          %dma_start3A_250 = tpu.memref_slice %arg9[%dma_start3A_247, %dma_start3A_248, %dma_start3A_249] : memref<2x128x128xf32, #tpu.memory_space<vmem>> -> memref<1x64x128xf32, #tpu.memory_space<vmem>>
          %dma_start3A_251 = tpu.memref_squeeze %dma_start3A_250 : memref<1x64x128xf32, #tpu.memory_space<vmem>> -> memref<64x128xf32, #tpu.memory_space<vmem>>
          %dma_start3A_252 = arith.constant 0 : i32
          %dma_start3A_253 = tpu.memref_slice %arg7[%add3A_246, %dma_start3A_252] : memref<56x128xi32, #tpu.memory_space<vmem>> -> memref<1x64xi32, #tpu.memory_space<vmem>>
          %dma_start3A_254 = tpu.memref_squeeze %dma_start3A_253 : memref<1x64xi32, #tpu.memory_space<vmem>> -> memref<64xi32, #tpu.memory_space<vmem>>
          %dma_start3A_255 = arith.constant 0 : i32
          %dma_start3A_256 = arith.constant 0 : i32
          %dma_start3A_257 = tpu.memref_slice %arg2[%dma_start3A_255, %dma_start3A_256] : memref<10000x128xf32, #tpu.memory_space<hbm>> -> memref<10000x128xf32, #tpu.memory_space<hbm>>
          tpu.enqueue_indirect_dma source(%dma_start3A_257 : memref<10000x128xf32, #tpu.memory_space<hbm>>) target(%dma_start3A_251 : memref<64x128xf32, #tpu.memory_space<vmem>>) offsets(%dma_start3A_254 : memref<64xi32, #tpu.memory_space<vmem>>) semaphore(%arg10 : memref<!tpu.dma_semaphore, #tpu.memory_space<semaphore_mem>>)
          %dma_start3A_258 = arith.constant 0 : i32
          %dma_start3A_259 = arith.constant 64 : i32
          %dma_start3A_260 = arith.constant 0 : i32
          %dma_start3A_261 = tpu.memref_slice %arg9[%dma_start3A_258, %dma_start3A_259, %dma_start3A_260] : memref<2x128x128xf32, #tpu.memory_space<vmem>> -> memref<1x64x128xf32, #tpu.memory_space<vmem>>
          %dma_start3A_262 = tpu.memref_squeeze %dma_start3A_261 : memref<1x64x128xf32, #tpu.memory_space<vmem>> -> memref<64x128xf32, #tpu.memory_space<vmem>>
          %dma_start3A_263 = arith.constant 64 : i32
          %dma_start3A_264 = tpu.memref_slice %arg7[%add3A_246, %dma_start3A_263] : memref<56x128xi32, #tpu.memory_space<vmem>> -> memref<1x64xi32, #tpu.memory_space<vmem>>
          %dma_start3A_265 = tpu.memref_squeeze %dma_start3A_264 : memref<1x64xi32, #tpu.memory_space<vmem>> -> memref<64xi32, #tpu.memory_space<vmem>>
          %dma_start3A_266 = arith.constant 0 : i32
          %dma_start3A_267 = arith.constant 0 : i32
          %dma_start3A_268 = tpu.memref_slice %arg2[%dma_start3A_266, %dma_start3A_267] : memref<10000x128xf32, #tpu.memory_space<hbm>> -> memref<10000x128xf32, #tpu.memory_space<hbm>>
          tpu.enqueue_indirect_dma source(%dma_start3A_268 : memref<10000x128xf32, #tpu.memory_space<hbm>>) target(%dma_start3A_262 : memref<64x128xf32, #tpu.memory_space<vmem>>) offsets(%dma_start3A_265 : memref<64xi32, #tpu.memory_space<vmem>>) semaphore(%arg11 : memref<!tpu.dma_semaphore, #tpu.memory_space<semaphore_mem>>)
        } else {
        }
      }
      %scan3A_102 = arith.constant 28 : i32
      %dma_wait3A_103 = arith.constant 1 : i32
      %dma_wait3A_104 = arith.constant 0 : i32
      %dma_wait3A_105 = arith.constant 0 : i32
      %dma_wait3A_106 = arith.constant 0 : i32
      %dma_wait3A_107 = tpu.memref_slice %arg9[%dma_wait3A_103, %dma_wait3A_105, %dma_wait3A_106] : memref<2x128x128xf32, #tpu.memory_space<vmem>> -> memref<1x128x128xf32, #tpu.memory_space<vmem>>
      %dma_wait3A_108 = tpu.memref_squeeze %dma_wait3A_107 : memref<1x128x128xf32, #tpu.memory_space<vmem>> -> memref<128x128xf32, #tpu.memory_space<vmem>>
      %dma_wait3A_109 = arith.constant 0 : i32
      %dma_wait3A_110 = tpu.memref_slice %arg8[%dma_wait3A_104, %dma_wait3A_109] : memref<56x128xi32, #tpu.memory_space<vmem>> -> memref<1x128xi32, #tpu.memory_space<vmem>>
      %dma_wait3A_111 = tpu.memref_squeeze %dma_wait3A_110 : memref<1x128xi32, #tpu.memory_space<vmem>> -> memref<128xi32, #tpu.memory_space<vmem>>
      %dma_wait3A_112 = arith.constant 0 : i32
      %dma_wait3A_113 = arith.constant 0 : i32
      %dma_wait3A_114 = tpu.memref_slice %arg6[%dma_wait3A_112, %dma_wait3A_113] : memref<10240x128xf32, #tpu.memory_space<vmem_shared>> -> memref<10240x128xf32, #tpu.memory_space<vmem_shared>>
      tpu.wait_indirect_dma semaphore(%arg15 : memref<!tpu.dma_semaphore, #tpu.memory_space<semaphore_mem>>) src(%dma_wait3A_108 : memref<128x128xf32, #tpu.memory_space<vmem>>) dst(%dma_wait3A_114 : memref<10240x128xf32, #tpu.memory_space<vmem_shared>>)
    } else {
    }
    %eq3A_16 = arith.constant 1 : i32
    %eq3A_17 = arith.cmpi eq, %arg0, %eq3A_16 : i32
    %convert_element_type3A_18 = arith.extui %eq3A_17 : i1 to i32
    %cond3A_19 = arith.constant 0 : i32
    %cond3A_20 = arith.cmpi ne, %convert_element_type3A_18, %cond3A_19 : i32
    scf.if %cond3A_20 {
      %add3A_31 = arith.constant 112 : i32
      %add3A_32 = arith.addi %mul3A_13, %add3A_31 : i32
      %add3A_33 = arith.constant 0 : i32
      %add3A_34 = arith.addi %add3A_32, %add3A_33 : i32
      "tpu.region"() ({
        %run_scoped3A = tpu.sem_alloc : memref<!tpu.dma_semaphore, #tpu.memory_space<semaphore_mem>>
        %dma_start3A_117 = arith.constant 0 : i32
        %dma_start3A_118 = arith.constant 0 : i32
        %dma_start3A_119 = tpu.memref_slice %arg7[%dma_start3A_117, %dma_start3A_118] : memref<56x128xi32, #tpu.memory_space<vmem>> -> memref<24x128xi32, #tpu.memory_space<vmem>>
        %dma_start3A_120 = arith.constant 0 : i32
        %dma_start3A_121 = tpu.memref_slice %arg3[%add3A_34, %dma_start3A_120] : memref<2560x128xi32, #tpu.memory_space<hbm>> -> memref<24x128xi32, #tpu.memory_space<hbm>>
        %dma_start3A_122 = arith.constant 0 : i32
        %dma_start3A_123 = arith.constant 0 : i32
        %dma_start3A_124 = tpu.memref_slice %arg7[%dma_start3A_122, %dma_start3A_123] : memref<56x128xi32, #tpu.memory_space<vmem>> -> memref<24x128xi32, #tpu.memory_space<vmem>>
        %dma_start3A_125 = arith.constant 0 : i32
        %dma_start3A_126 = tpu.memref_slice %arg3[%add3A_34, %dma_start3A_125] : memref<2560x128xi32, #tpu.memory_space<hbm>> -> memref<24x128xi32, #tpu.memory_space<hbm>>
        tpu.enqueue_dma source(%dma_start3A_126 : memref<24x128xi32, #tpu.memory_space<hbm>>) target(%dma_start3A_124 : memref<24x128xi32, #tpu.memory_space<vmem>>) target_semaphore(%run_scoped3A : memref<!tpu.dma_semaphore, #tpu.memory_space<semaphore_mem>>)
        %dma_wait3A_127 = arith.constant 0 : i32
        %dma_wait3A_128 = arith.constant 0 : i32
        %dma_wait3A_129 = tpu.memref_slice %arg7[%dma_wait3A_127, %dma_wait3A_128] : memref<56x128xi32, #tpu.memory_space<vmem>> -> memref<24x128xi32, #tpu.memory_space<vmem>>
        %dma_wait3A_130 = arith.constant 0 : i32
        %dma_wait3A_131 = tpu.memref_slice %arg3[%add3A_34, %dma_wait3A_130] : memref<2560x128xi32, #tpu.memory_space<hbm>> -> memref<24x128xi32, #tpu.memory_space<hbm>>
        %dma_wait3A_132 = arith.constant 0 : i32
        %dma_wait3A_133 = arith.constant 0 : i32
        %dma_wait3A_134 = tpu.memref_slice %arg7[%dma_wait3A_132, %dma_wait3A_133] : memref<56x128xi32, #tpu.memory_space<vmem>> -> memref<24x128xi32, #tpu.memory_space<vmem>>
        %dma_wait3A_135 = arith.constant 0 : i32
        %dma_wait3A_136 = tpu.memref_slice %arg3[%add3A_34, %dma_wait3A_135] : memref<2560x128xi32, #tpu.memory_space<hbm>> -> memref<24x128xi32, #tpu.memory_space<hbm>>
        tpu.wait_dma2 semaphore(%run_scoped3A : memref<!tpu.dma_semaphore, #tpu.memory_space<semaphore_mem>>) src(%dma_wait3A_136 : memref<24x128xi32, #tpu.memory_space<hbm>>) dst(%dma_wait3A_134 : memref<24x128xi32, #tpu.memory_space<vmem>>)
        tpu.yield
      }) : () -> ()
      "tpu.region"() ({
        %run_scoped3A = tpu.sem_alloc : memref<!tpu.dma_semaphore, #tpu.memory_space<semaphore_mem>>
        %dma_start3A_117 = arith.constant 0 : i32
        %dma_start3A_118 = arith.constant 0 : i32
        %dma_start3A_119 = tpu.memref_slice %arg8[%dma_start3A_117, %dma_start3A_118] : memref<56x128xi32, #tpu.memory_space<vmem>> -> memref<24x128xi32, #tpu.memory_space<vmem>>
        %dma_start3A_120 = arith.constant 0 : i32
        %dma_start3A_121 = tpu.memref_slice %arg4[%add3A_34, %dma_start3A_120] : memref<2560x128xi32, #tpu.memory_space<hbm>> -> memref<24x128xi32, #tpu.memory_space<hbm>>
        %dma_start3A_122 = arith.constant 0 : i32
        %dma_start3A_123 = arith.constant 0 : i32
        %dma_start3A_124 = tpu.memref_slice %arg8[%dma_start3A_122, %dma_start3A_123] : memref<56x128xi32, #tpu.memory_space<vmem>> -> memref<24x128xi32, #tpu.memory_space<vmem>>
        %dma_start3A_125 = arith.constant 0 : i32
        %dma_start3A_126 = tpu.memref_slice %arg4[%add3A_34, %dma_start3A_125] : memref<2560x128xi32, #tpu.memory_space<hbm>> -> memref<24x128xi32, #tpu.memory_space<hbm>>
        tpu.enqueue_dma source(%dma_start3A_126 : memref<24x128xi32, #tpu.memory_space<hbm>>) target(%dma_start3A_124 : memref<24x128xi32, #tpu.memory_space<vmem>>) target_semaphore(%run_scoped3A : memref<!tpu.dma_semaphore, #tpu.memory_space<semaphore_mem>>)
        %dma_wait3A_127 = arith.constant 0 : i32
        %dma_wait3A_128 = arith.constant 0 : i32
        %dma_wait3A_129 = tpu.memref_slice %arg8[%dma_wait3A_127, %dma_wait3A_128] : memref<56x128xi32, #tpu.memory_space<vmem>> -> memref<24x128xi32, #tpu.memory_space<vmem>>
        %dma_wait3A_130 = arith.constant 0 : i32
        %dma_wait3A_131 = tpu.memref_slice %arg4[%add3A_34, %dma_wait3A_130] : memref<2560x128xi32, #tpu.memory_space<hbm>> -> memref<24x128xi32, #tpu.memory_space<hbm>>
        %dma_wait3A_132 = arith.constant 0 : i32
        %dma_wait3A_133 = arith.constant 0 : i32
        %dma_wait3A_134 = tpu.memref_slice %arg8[%dma_wait3A_132, %dma_wait3A_133] : memref<56x128xi32, #tpu.memory_space<vmem>> -> memref<24x128xi32, #tpu.memory_space<vmem>>
        %dma_wait3A_135 = arith.constant 0 : i32
        %dma_wait3A_136 = tpu.memref_slice %arg4[%add3A_34, %dma_wait3A_135] : memref<2560x128xi32, #tpu.memory_space<hbm>> -> memref<24x128xi32, #tpu.memory_space<hbm>>
        tpu.wait_dma2 semaphore(%run_scoped3A : memref<!tpu.dma_semaphore, #tpu.memory_space<semaphore_mem>>) src(%dma_wait3A_136 : memref<24x128xi32, #tpu.memory_space<hbm>>) dst(%dma_wait3A_134 : memref<24x128xi32, #tpu.memory_space<vmem>>)
        tpu.yield
      }) : () -> ()
      %dma_start3A = arith.constant 0 : i32
      %dma_start3A_35 = arith.constant 0 : i32
      %dma_start3A_36 = arith.constant 0 : i32
      %dma_start3A_37 = arith.constant 0 : i32
      %dma_start3A_38 = tpu.memref_slice %arg9[%dma_start3A_35, %dma_start3A_36, %dma_start3A_37] : memref<2x128x128xf32, #tpu.memory_space<vmem>> -> memref<1x64x128xf32, #tpu.memory_space<vmem>>
      %dma_start3A_39 = tpu.memref_squeeze %dma_start3A_38 : memref<1x64x128xf32, #tpu.memory_space<vmem>> -> memref<64x128xf32, #tpu.memory_space<vmem>>
      %dma_start3A_40 = arith.constant 0 : i32
      %dma_start3A_41 = tpu.memref_slice %arg7[%dma_start3A, %dma_start3A_40] : memref<56x128xi32, #tpu.memory_space<vmem>> -> memref<1x64xi32, #tpu.memory_space<vmem>>
      %dma_start3A_42 = tpu.memref_squeeze %dma_start3A_41 : memref<1x64xi32, #tpu.memory_space<vmem>> -> memref<64xi32, #tpu.memory_space<vmem>>
      %dma_start3A_43 = arith.constant 0 : i32
      %dma_start3A_44 = arith.constant 0 : i32
      %dma_start3A_45 = tpu.memref_slice %arg2[%dma_start3A_43, %dma_start3A_44] : memref<10000x128xf32, #tpu.memory_space<hbm>> -> memref<10000x128xf32, #tpu.memory_space<hbm>>
      tpu.enqueue_indirect_dma source(%dma_start3A_45 : memref<10000x128xf32, #tpu.memory_space<hbm>>) target(%dma_start3A_39 : memref<64x128xf32, #tpu.memory_space<vmem>>) offsets(%dma_start3A_42 : memref<64xi32, #tpu.memory_space<vmem>>) semaphore(%arg10 : memref<!tpu.dma_semaphore, #tpu.memory_space<semaphore_mem>>)
      %dma_start3A_46 = arith.constant 0 : i32
      %dma_start3A_47 = arith.constant 0 : i32
      %dma_start3A_48 = arith.constant 64 : i32
      %dma_start3A_49 = arith.constant 0 : i32
      %dma_start3A_50 = tpu.memref_slice %arg9[%dma_start3A_47, %dma_start3A_48, %dma_start3A_49] : memref<2x128x128xf32, #tpu.memory_space<vmem>> -> memref<1x64x128xf32, #tpu.memory_space<vmem>>
      %dma_start3A_51 = tpu.memref_squeeze %dma_start3A_50 : memref<1x64x128xf32, #tpu.memory_space<vmem>> -> memref<64x128xf32, #tpu.memory_space<vmem>>
      %dma_start3A_52 = arith.constant 64 : i32
      %dma_start3A_53 = tpu.memref_slice %arg7[%dma_start3A_46, %dma_start3A_52] : memref<56x128xi32, #tpu.memory_space<vmem>> -> memref<1x64xi32, #tpu.memory_space<vmem>>
      %dma_start3A_54 = tpu.memref_squeeze %dma_start3A_53 : memref<1x64xi32, #tpu.memory_space<vmem>> -> memref<64xi32, #tpu.memory_space<vmem>>
      %dma_start3A_55 = arith.constant 0 : i32
      %dma_start3A_56 = arith.constant 0 : i32
      %dma_start3A_57 = tpu.memref_slice %arg2[%dma_start3A_55, %dma_start3A_56] : memref<10000x128xf32, #tpu.memory_space<hbm>> -> memref<10000x128xf32, #tpu.memory_space<hbm>>
      tpu.enqueue_indirect_dma source(%dma_start3A_57 : memref<10000x128xf32, #tpu.memory_space<hbm>>) target(%dma_start3A_51 : memref<64x128xf32, #tpu.memory_space<vmem>>) offsets(%dma_start3A_54 : memref<64xi32, #tpu.memory_space<vmem>>) semaphore(%arg11 : memref<!tpu.dma_semaphore, #tpu.memory_space<semaphore_mem>>)
      %scan3A_58 = arith.constant 0 : i32
      %scan3A_59 = arith.constant 12 : i32
      %scan3A_60 = arith.addi %scan3A_58, %scan3A_59 : i32
      %scan3A_61 = arith.constant 1 : i32
      scf.for %scan3A_117 = %scan3A_58 to %scan3A_60 step %scan3A_61  : i32 {
        %mul3A_118 = arith.constant 1 : i32
        %mul3A_119 = arith.muli %scan3A_117, %mul3A_118 : i32
        %add3A_120 = arith.constant 0 : i32
        %add3A_121 = arith.addi %add3A_120, %mul3A_119 : i32
        %mul3A_122 = arith.constant 2 : i32
        %mul3A_123 = arith.muli %add3A_121, %mul3A_122 : i32
        %add3A_124 = arith.constant 0 : i32
        %add3A_125 = arith.addi %mul3A_123, %add3A_124 : i32
        %dma_wait3A_126 = arith.constant 0 : i32
        %dma_wait3A_127 = arith.constant 0 : i32
        %dma_wait3A_128 = arith.constant 0 : i32
        %dma_wait3A_129 = arith.constant 0 : i32
        %dma_wait3A_130 = tpu.memref_slice %arg9[%dma_wait3A_127, %dma_wait3A_128, %dma_wait3A_129] : memref<2x128x128xf32, #tpu.memory_space<vmem>> -> memref<1x64x128xf32, #tpu.memory_space<vmem>>
        %dma_wait3A_131 = tpu.memref_squeeze %dma_wait3A_130 : memref<1x64x128xf32, #tpu.memory_space<vmem>> -> memref<64x128xf32, #tpu.memory_space<vmem>>
        %dma_wait3A_132 = arith.constant 0 : i32
        %dma_wait3A_133 = tpu.memref_slice %arg7[%dma_wait3A_126, %dma_wait3A_132] : memref<56x128xi32, #tpu.memory_space<vmem>> -> memref<1x64xi32, #tpu.memory_space<vmem>>
        %dma_wait3A_134 = tpu.memref_squeeze %dma_wait3A_133 : memref<1x64xi32, #tpu.memory_space<vmem>> -> memref<64xi32, #tpu.memory_space<vmem>>
        %dma_wait3A_135 = arith.constant 0 : i32
        %dma_wait3A_136 = arith.constant 0 : i32
        %dma_wait3A_137 = tpu.memref_slice %arg2[%dma_wait3A_135, %dma_wait3A_136] : memref<10000x128xf32, #tpu.memory_space<hbm>> -> memref<10000x128xf32, #tpu.memory_space<hbm>>
        tpu.wait_indirect_dma semaphore(%arg10 : memref<!tpu.dma_semaphore, #tpu.memory_space<semaphore_mem>>) src(%dma_wait3A_137 : memref<10000x128xf32, #tpu.memory_space<hbm>>) dst(%dma_wait3A_131 : memref<64x128xf32, #tpu.memory_space<vmem>>)
        %dma_wait3A_138 = arith.constant 0 : i32
        %dma_wait3A_139 = arith.constant 0 : i32
        %dma_wait3A_140 = arith.constant 64 : i32
        %dma_wait3A_141 = arith.constant 0 : i32
        %dma_wait3A_142 = tpu.memref_slice %arg9[%dma_wait3A_139, %dma_wait3A_140, %dma_wait3A_141] : memref<2x128x128xf32, #tpu.memory_space<vmem>> -> memref<1x64x128xf32, #tpu.memory_space<vmem>>
        %dma_wait3A_143 = tpu.memref_squeeze %dma_wait3A_142 : memref<1x64x128xf32, #tpu.memory_space<vmem>> -> memref<64x128xf32, #tpu.memory_space<vmem>>
        %dma_wait3A_144 = arith.constant 0 : i32
        %dma_wait3A_145 = tpu.memref_slice %arg7[%dma_wait3A_138, %dma_wait3A_144] : memref<56x128xi32, #tpu.memory_space<vmem>> -> memref<1x64xi32, #tpu.memory_space<vmem>>
        %dma_wait3A_146 = tpu.memref_squeeze %dma_wait3A_145 : memref<1x64xi32, #tpu.memory_space<vmem>> -> memref<64xi32, #tpu.memory_space<vmem>>
        %dma_wait3A_147 = arith.constant 0 : i32
        %dma_wait3A_148 = arith.constant 0 : i32
        %dma_wait3A_149 = tpu.memref_slice %arg2[%dma_wait3A_147, %dma_wait3A_148] : memref<10000x128xf32, #tpu.memory_space<hbm>> -> memref<10000x128xf32, #tpu.memory_space<hbm>>
        tpu.wait_indirect_dma semaphore(%arg11 : memref<!tpu.dma_semaphore, #tpu.memory_space<semaphore_mem>>) src(%dma_wait3A_149 : memref<10000x128xf32, #tpu.memory_space<hbm>>) dst(%dma_wait3A_143 : memref<64x128xf32, #tpu.memory_space<vmem>>)
        %dma_start3A_150 = arith.constant 0 : i32
        %dma_start3A_151 = arith.constant 0 : i32
        %dma_start3A_152 = arith.constant 0 : i32
        %dma_start3A_153 = tpu.memref_slice %arg9[%dma_start3A_150, %dma_start3A_151, %dma_start3A_152] : memref<2x128x128xf32, #tpu.memory_space<vmem>> -> memref<1x128x128xf32, #tpu.memory_space<vmem>>
        %dma_start3A_154 = tpu.memref_squeeze %dma_start3A_153 : memref<1x128x128xf32, #tpu.memory_space<vmem>> -> memref<128x128xf32, #tpu.memory_space<vmem>>
        %dma_start3A_155 = arith.constant 0 : i32
        %dma_start3A_156 = tpu.memref_slice %arg8[%add3A_125, %dma_start3A_155] : memref<56x128xi32, #tpu.memory_space<vmem>> -> memref<1x128xi32, #tpu.memory_space<vmem>>
        %dma_start3A_157 = tpu.memref_squeeze %dma_start3A_156 : memref<1x128xi32, #tpu.memory_space<vmem>> -> memref<128xi32, #tpu.memory_space<vmem>>
        %dma_start3A_158 = arith.constant 0 : i32
        %dma_start3A_159 = arith.constant 0 : i32
        %dma_start3A_160 = tpu.memref_slice %arg6[%dma_start3A_158, %dma_start3A_159] : memref<10240x128xf32, #tpu.memory_space<vmem_shared>> -> memref<10240x128xf32, #tpu.memory_space<vmem_shared>>
        tpu.enqueue_indirect_dma source(%dma_start3A_154 : memref<128x128xf32, #tpu.memory_space<vmem>>) target(%dma_start3A_160 : memref<10240x128xf32, #tpu.memory_space<vmem_shared>>) offsets(%dma_start3A_157 : memref<128xi32, #tpu.memory_space<vmem>>) semaphore(%arg14 : memref<!tpu.dma_semaphore, #tpu.memory_space<semaphore_mem>>) {add = true}
        %gt3A = arith.constant 0 : i32
        %gt3A_161 = arith.cmpi sgt, %add3A_121, %gt3A : i32
        %convert_element_type3A_162 = arith.extui %gt3A_161 : i1 to i32
        %cond3A_163 = arith.constant 0 : i32
        %cond3A_164 = arith.cmpi ne, %convert_element_type3A_162, %cond3A_163 : i32
        scf.if %cond3A_164 {
          %dma_wait3A_247 = arith.constant 1 : i32
          %dma_wait3A_248 = arith.constant 0 : i32
          %dma_wait3A_249 = arith.constant 0 : i32
          %dma_wait3A_250 = arith.constant 0 : i32
          %dma_wait3A_251 = tpu.memref_slice %arg9[%dma_wait3A_247, %dma_wait3A_249, %dma_wait3A_250] : memref<2x128x128xf32, #tpu.memory_space<vmem>> -> memref<1x128x128xf32, #tpu.memory_space<vmem>>
          %dma_wait3A_252 = tpu.memref_squeeze %dma_wait3A_251 : memref<1x128x128xf32, #tpu.memory_space<vmem>> -> memref<128x128xf32, #tpu.memory_space<vmem>>
          %dma_wait3A_253 = arith.constant 0 : i32
          %dma_wait3A_254 = tpu.memref_slice %arg8[%dma_wait3A_248, %dma_wait3A_253] : memref<56x128xi32, #tpu.memory_space<vmem>> -> memref<1x128xi32, #tpu.memory_space<vmem>>
          %dma_wait3A_255 = tpu.memref_squeeze %dma_wait3A_254 : memref<1x128xi32, #tpu.memory_space<vmem>> -> memref<128xi32, #tpu.memory_space<vmem>>
          %dma_wait3A_256 = arith.constant 0 : i32
          %dma_wait3A_257 = arith.constant 0 : i32
          %dma_wait3A_258 = tpu.memref_slice %arg6[%dma_wait3A_256, %dma_wait3A_257] : memref<10240x128xf32, #tpu.memory_space<vmem_shared>> -> memref<10240x128xf32, #tpu.memory_space<vmem_shared>>
          tpu.wait_indirect_dma semaphore(%arg15 : memref<!tpu.dma_semaphore, #tpu.memory_space<semaphore_mem>>) src(%dma_wait3A_252 : memref<128x128xf32, #tpu.memory_space<vmem>>) dst(%dma_wait3A_258 : memref<10240x128xf32, #tpu.memory_space<vmem_shared>>)
        } else {
        }
        %add3A_165 = arith.constant 1 : i32
        %add3A_166 = arith.addi %add3A_125, %add3A_165 : i32
        %dma_start3A_167 = arith.constant 1 : i32
        %dma_start3A_168 = arith.constant 0 : i32
        %dma_start3A_169 = arith.constant 0 : i32
        %dma_start3A_170 = tpu.memref_slice %arg9[%dma_start3A_167, %dma_start3A_168, %dma_start3A_169] : memref<2x128x128xf32, #tpu.memory_space<vmem>> -> memref<1x64x128xf32, #tpu.memory_space<vmem>>
        %dma_start3A_171 = tpu.memref_squeeze %dma_start3A_170 : memref<1x64x128xf32, #tpu.memory_space<vmem>> -> memref<64x128xf32, #tpu.memory_space<vmem>>
        %dma_start3A_172 = arith.constant 0 : i32
        %dma_start3A_173 = tpu.memref_slice %arg7[%add3A_166, %dma_start3A_172] : memref<56x128xi32, #tpu.memory_space<vmem>> -> memref<1x64xi32, #tpu.memory_space<vmem>>
        %dma_start3A_174 = tpu.memref_squeeze %dma_start3A_173 : memref<1x64xi32, #tpu.memory_space<vmem>> -> memref<64xi32, #tpu.memory_space<vmem>>
        %dma_start3A_175 = arith.constant 0 : i32
        %dma_start3A_176 = arith.constant 0 : i32
        %dma_start3A_177 = tpu.memref_slice %arg2[%dma_start3A_175, %dma_start3A_176] : memref<10000x128xf32, #tpu.memory_space<hbm>> -> memref<10000x128xf32, #tpu.memory_space<hbm>>
        tpu.enqueue_indirect_dma source(%dma_start3A_177 : memref<10000x128xf32, #tpu.memory_space<hbm>>) target(%dma_start3A_171 : memref<64x128xf32, #tpu.memory_space<vmem>>) offsets(%dma_start3A_174 : memref<64xi32, #tpu.memory_space<vmem>>) semaphore(%arg12 : memref<!tpu.dma_semaphore, #tpu.memory_space<semaphore_mem>>)
        %dma_start3A_178 = arith.constant 1 : i32
        %dma_start3A_179 = arith.constant 64 : i32
        %dma_start3A_180 = arith.constant 0 : i32
        %dma_start3A_181 = tpu.memref_slice %arg9[%dma_start3A_178, %dma_start3A_179, %dma_start3A_180] : memref<2x128x128xf32, #tpu.memory_space<vmem>> -> memref<1x64x128xf32, #tpu.memory_space<vmem>>
        %dma_start3A_182 = tpu.memref_squeeze %dma_start3A_181 : memref<1x64x128xf32, #tpu.memory_space<vmem>> -> memref<64x128xf32, #tpu.memory_space<vmem>>
        %dma_start3A_183 = arith.constant 64 : i32
        %dma_start3A_184 = tpu.memref_slice %arg7[%add3A_166, %dma_start3A_183] : memref<56x128xi32, #tpu.memory_space<vmem>> -> memref<1x64xi32, #tpu.memory_space<vmem>>
        %dma_start3A_185 = tpu.memref_squeeze %dma_start3A_184 : memref<1x64xi32, #tpu.memory_space<vmem>> -> memref<64xi32, #tpu.memory_space<vmem>>
        %dma_start3A_186 = arith.constant 0 : i32
        %dma_start3A_187 = arith.constant 0 : i32
        %dma_start3A_188 = tpu.memref_slice %arg2[%dma_start3A_186, %dma_start3A_187] : memref<10000x128xf32, #tpu.memory_space<hbm>> -> memref<10000x128xf32, #tpu.memory_space<hbm>>
        tpu.enqueue_indirect_dma source(%dma_start3A_188 : memref<10000x128xf32, #tpu.memory_space<hbm>>) target(%dma_start3A_182 : memref<64x128xf32, #tpu.memory_space<vmem>>) offsets(%dma_start3A_185 : memref<64xi32, #tpu.memory_space<vmem>>) semaphore(%arg13 : memref<!tpu.dma_semaphore, #tpu.memory_space<semaphore_mem>>)
        %mul3A_189 = arith.constant 2 : i32
        %mul3A_190 = arith.muli %add3A_121, %mul3A_189 : i32
        %add3A_191 = arith.constant 1 : i32
        %add3A_192 = arith.addi %mul3A_190, %add3A_191 : i32
        %dma_wait3A_193 = arith.constant 0 : i32
        %dma_wait3A_194 = arith.constant 1 : i32
        %dma_wait3A_195 = arith.constant 0 : i32
        %dma_wait3A_196 = arith.constant 0 : i32
        %dma_wait3A_197 = tpu.memref_slice %arg9[%dma_wait3A_194, %dma_wait3A_195, %dma_wait3A_196] : memref<2x128x128xf32, #tpu.memory_space<vmem>> -> memref<1x64x128xf32, #tpu.memory_space<vmem>>
        %dma_wait3A_198 = tpu.memref_squeeze %dma_wait3A_197 : memref<1x64x128xf32, #tpu.memory_space<vmem>> -> memref<64x128xf32, #tpu.memory_space<vmem>>
        %dma_wait3A_199 = arith.constant 0 : i32
        %dma_wait3A_200 = tpu.memref_slice %arg7[%dma_wait3A_193, %dma_wait3A_199] : memref<56x128xi32, #tpu.memory_space<vmem>> -> memref<1x64xi32, #tpu.memory_space<vmem>>
        %dma_wait3A_201 = tpu.memref_squeeze %dma_wait3A_200 : memref<1x64xi32, #tpu.memory_space<vmem>> -> memref<64xi32, #tpu.memory_space<vmem>>
        %dma_wait3A_202 = arith.constant 0 : i32
        %dma_wait3A_203 = arith.constant 0 : i32
        %dma_wait3A_204 = tpu.memref_slice %arg2[%dma_wait3A_202, %dma_wait3A_203] : memref<10000x128xf32, #tpu.memory_space<hbm>> -> memref<10000x128xf32, #tpu.memory_space<hbm>>
        tpu.wait_indirect_dma semaphore(%arg12 : memref<!tpu.dma_semaphore, #tpu.memory_space<semaphore_mem>>) src(%dma_wait3A_204 : memref<10000x128xf32, #tpu.memory_space<hbm>>) dst(%dma_wait3A_198 : memref<64x128xf32, #tpu.memory_space<vmem>>)
        %dma_wait3A_205 = arith.constant 0 : i32
        %dma_wait3A_206 = arith.constant 1 : i32
        %dma_wait3A_207 = arith.constant 64 : i32
        %dma_wait3A_208 = arith.constant 0 : i32
        %dma_wait3A_209 = tpu.memref_slice %arg9[%dma_wait3A_206, %dma_wait3A_207, %dma_wait3A_208] : memref<2x128x128xf32, #tpu.memory_space<vmem>> -> memref<1x64x128xf32, #tpu.memory_space<vmem>>
        %dma_wait3A_210 = tpu.memref_squeeze %dma_wait3A_209 : memref<1x64x128xf32, #tpu.memory_space<vmem>> -> memref<64x128xf32, #tpu.memory_space<vmem>>
        %dma_wait3A_211 = arith.constant 0 : i32
        %dma_wait3A_212 = tpu.memref_slice %arg7[%dma_wait3A_205, %dma_wait3A_211] : memref<56x128xi32, #tpu.memory_space<vmem>> -> memref<1x64xi32, #tpu.memory_space<vmem>>
        %dma_wait3A_213 = tpu.memref_squeeze %dma_wait3A_212 : memref<1x64xi32, #tpu.memory_space<vmem>> -> memref<64xi32, #tpu.memory_space<vmem>>
        %dma_wait3A_214 = arith.constant 0 : i32
        %dma_wait3A_215 = arith.constant 0 : i32
        %dma_wait3A_216 = tpu.memref_slice %arg2[%dma_wait3A_214, %dma_wait3A_215] : memref<10000x128xf32, #tpu.memory_space<hbm>> -> memref<10000x128xf32, #tpu.memory_space<hbm>>
        tpu.wait_indirect_dma semaphore(%arg13 : memref<!tpu.dma_semaphore, #tpu.memory_space<semaphore_mem>>) src(%dma_wait3A_216 : memref<10000x128xf32, #tpu.memory_space<hbm>>) dst(%dma_wait3A_210 : memref<64x128xf32, #tpu.memory_space<vmem>>)
        %dma_start3A_217 = arith.constant 1 : i32
        %dma_start3A_218 = arith.constant 0 : i32
        %dma_start3A_219 = arith.constant 0 : i32
        %dma_start3A_220 = tpu.memref_slice %arg9[%dma_start3A_217, %dma_start3A_218, %dma_start3A_219] : memref<2x128x128xf32, #tpu.memory_space<vmem>> -> memref<1x128x128xf32, #tpu.memory_space<vmem>>
        %dma_start3A_221 = tpu.memref_squeeze %dma_start3A_220 : memref<1x128x128xf32, #tpu.memory_space<vmem>> -> memref<128x128xf32, #tpu.memory_space<vmem>>
        %dma_start3A_222 = arith.constant 0 : i32
        %dma_start3A_223 = tpu.memref_slice %arg8[%add3A_192, %dma_start3A_222] : memref<56x128xi32, #tpu.memory_space<vmem>> -> memref<1x128xi32, #tpu.memory_space<vmem>>
        %dma_start3A_224 = tpu.memref_squeeze %dma_start3A_223 : memref<1x128xi32, #tpu.memory_space<vmem>> -> memref<128xi32, #tpu.memory_space<vmem>>
        %dma_start3A_225 = arith.constant 0 : i32
        %dma_start3A_226 = arith.constant 0 : i32
        %dma_start3A_227 = tpu.memref_slice %arg6[%dma_start3A_225, %dma_start3A_226] : memref<10240x128xf32, #tpu.memory_space<vmem_shared>> -> memref<10240x128xf32, #tpu.memory_space<vmem_shared>>
        tpu.enqueue_indirect_dma source(%dma_start3A_221 : memref<128x128xf32, #tpu.memory_space<vmem>>) target(%dma_start3A_227 : memref<10240x128xf32, #tpu.memory_space<vmem_shared>>) offsets(%dma_start3A_224 : memref<128xi32, #tpu.memory_space<vmem>>) semaphore(%arg15 : memref<!tpu.dma_semaphore, #tpu.memory_space<semaphore_mem>>) {add = true}
        %dma_wait3A_228 = arith.constant 0 : i32
        %dma_wait3A_229 = arith.constant 0 : i32
        %dma_wait3A_230 = arith.constant 0 : i32
        %dma_wait3A_231 = arith.constant 0 : i32
        %dma_wait3A_232 = tpu.memref_slice %arg9[%dma_wait3A_228, %dma_wait3A_230, %dma_wait3A_231] : memref<2x128x128xf32, #tpu.memory_space<vmem>> -> memref<1x128x128xf32, #tpu.memory_space<vmem>>
        %dma_wait3A_233 = tpu.memref_squeeze %dma_wait3A_232 : memref<1x128x128xf32, #tpu.memory_space<vmem>> -> memref<128x128xf32, #tpu.memory_space<vmem>>
        %dma_wait3A_234 = arith.constant 0 : i32
        %dma_wait3A_235 = tpu.memref_slice %arg8[%dma_wait3A_229, %dma_wait3A_234] : memref<56x128xi32, #tpu.memory_space<vmem>> -> memref<1x128xi32, #tpu.memory_space<vmem>>
        %dma_wait3A_236 = tpu.memref_squeeze %dma_wait3A_235 : memref<1x128xi32, #tpu.memory_space<vmem>> -> memref<128xi32, #tpu.memory_space<vmem>>
        %dma_wait3A_237 = arith.constant 0 : i32
        %dma_wait3A_238 = arith.constant 0 : i32
        %dma_wait3A_239 = tpu.memref_slice %arg6[%dma_wait3A_237, %dma_wait3A_238] : memref<10240x128xf32, #tpu.memory_space<vmem_shared>> -> memref<10240x128xf32, #tpu.memory_space<vmem_shared>>
        tpu.wait_indirect_dma semaphore(%arg14 : memref<!tpu.dma_semaphore, #tpu.memory_space<semaphore_mem>>) src(%dma_wait3A_233 : memref<128x128xf32, #tpu.memory_space<vmem>>) dst(%dma_wait3A_239 : memref<10240x128xf32, #tpu.memory_space<vmem_shared>>)
        %add3A_240 = arith.constant 1 : i32
        %add3A_241 = arith.addi %add3A_121, %add3A_240 : i32
        %lt3A_242 = arith.constant 12 : i32
        %lt3A_243 = arith.cmpi slt, %add3A_241, %lt3A_242 : i32
        %convert_element_type3A_244 = arith.extui %lt3A_243 : i1 to i32
        %cond3A_245 = arith.constant 0 : i32
        %cond3A_246 = arith.cmpi ne, %convert_element_type3A_244, %cond3A_245 : i32
        scf.if %cond3A_246 {
          %add3A_247 = arith.constant 1 : i32
          %add3A_248 = arith.addi %add3A_192, %add3A_247 : i32
          %dma_start3A_249 = arith.constant 0 : i32
          %dma_start3A_250 = arith.constant 0 : i32
          %dma_start3A_251 = arith.constant 0 : i32
          %dma_start3A_252 = tpu.memref_slice %arg9[%dma_start3A_249, %dma_start3A_250, %dma_start3A_251] : memref<2x128x128xf32, #tpu.memory_space<vmem>> -> memref<1x64x128xf32, #tpu.memory_space<vmem>>
          %dma_start3A_253 = tpu.memref_squeeze %dma_start3A_252 : memref<1x64x128xf32, #tpu.memory_space<vmem>> -> memref<64x128xf32, #tpu.memory_space<vmem>>
          %dma_start3A_254 = arith.constant 0 : i32
          %dma_start3A_255 = tpu.memref_slice %arg7[%add3A_248, %dma_start3A_254] : memref<56x128xi32, #tpu.memory_space<vmem>> -> memref<1x64xi32, #tpu.memory_space<vmem>>
          %dma_start3A_256 = tpu.memref_squeeze %dma_start3A_255 : memref<1x64xi32, #tpu.memory_space<vmem>> -> memref<64xi32, #tpu.memory_space<vmem>>
          %dma_start3A_257 = arith.constant 0 : i32
          %dma_start3A_258 = arith.constant 0 : i32
          %dma_start3A_259 = tpu.memref_slice %arg2[%dma_start3A_257, %dma_start3A_258] : memref<10000x128xf32, #tpu.memory_space<hbm>> -> memref<10000x128xf32, #tpu.memory_space<hbm>>
          tpu.enqueue_indirect_dma source(%dma_start3A_259 : memref<10000x128xf32, #tpu.memory_space<hbm>>) target(%dma_start3A_253 : memref<64x128xf32, #tpu.memory_space<vmem>>) offsets(%dma_start3A_256 : memref<64xi32, #tpu.memory_space<vmem>>) semaphore(%arg10 : memref<!tpu.dma_semaphore, #tpu.memory_space<semaphore_mem>>)
          %dma_start3A_260 = arith.constant 0 : i32
          %dma_start3A_261 = arith.constant 64 : i32
          %dma_start3A_262 = arith.constant 0 : i32
          %dma_start3A_263 = tpu.memref_slice %arg9[%dma_start3A_260, %dma_start3A_261, %dma_start3A_262] : memref<2x128x128xf32, #tpu.memory_space<vmem>> -> memref<1x64x128xf32, #tpu.memory_space<vmem>>
          %dma_start3A_264 = tpu.memref_squeeze %dma_start3A_263 : memref<1x64x128xf32, #tpu.memory_space<vmem>> -> memref<64x128xf32, #tpu.memory_space<vmem>>
          %dma_start3A_265 = arith.constant 64 : i32
          %dma_start3A_266 = tpu.memref_slice %arg7[%add3A_248, %dma_start3A_265] : memref<56x128xi32, #tpu.memory_space<vmem>> -> memref<1x64xi32, #tpu.memory_space<vmem>>
          %dma_start3A_267 = tpu.memref_squeeze %dma_start3A_266 : memref<1x64xi32, #tpu.memory_space<vmem>> -> memref<64xi32, #tpu.memory_space<vmem>>
          %dma_start3A_268 = arith.constant 0 : i32
          %dma_start3A_269 = arith.constant 0 : i32
          %dma_start3A_270 = tpu.memref_slice %arg2[%dma_start3A_268, %dma_start3A_269] : memref<10000x128xf32, #tpu.memory_space<hbm>> -> memref<10000x128xf32, #tpu.memory_space<hbm>>
          tpu.enqueue_indirect_dma source(%dma_start3A_270 : memref<10000x128xf32, #tpu.memory_space<hbm>>) target(%dma_start3A_264 : memref<64x128xf32, #tpu.memory_space<vmem>>) offsets(%dma_start3A_267 : memref<64xi32, #tpu.memory_space<vmem>>) semaphore(%arg11 : memref<!tpu.dma_semaphore, #tpu.memory_space<semaphore_mem>>)
        } else {
        }
      }
      %scan3A_62 = arith.constant 12 : i32
      %dma_wait3A = arith.constant 1 : i32
      %dma_wait3A_63 = arith.constant 0 : i32
      %dma_wait3A_64 = arith.constant 0 : i32
      %dma_wait3A_65 = arith.constant 0 : i32
      %dma_wait3A_66 = tpu.memref_slice %arg9[%dma_wait3A, %dma_wait3A_64, %dma_wait3A_65] : memref<2x128x128xf32, #tpu.memory_space<vmem>> -> memref<1x128x128xf32, #tpu.memory_space<vmem>>
      %dma_wait3A_67 = tpu.memref_squeeze %dma_wait3A_66 : memref<1x128x128xf32, #tpu.memory_space<vmem>> -> memref<128x128xf32, #tpu.memory_space<vmem>>
      %dma_wait3A_68 = arith.constant 0 : i32
      %dma_wait3A_69 = tpu.memref_slice %arg8[%dma_wait3A_63, %dma_wait3A_68] : memref<56x128xi32, #tpu.memory_space<vmem>> -> memref<1x128xi32, #tpu.memory_space<vmem>>
      %dma_wait3A_70 = tpu.memref_squeeze %dma_wait3A_69 : memref<1x128xi32, #tpu.memory_space<vmem>> -> memref<128xi32, #tpu.memory_space<vmem>>
      %dma_wait3A_71 = arith.constant 0 : i32
      %dma_wait3A_72 = arith.constant 0 : i32
      %dma_wait3A_73 = tpu.memref_slice %arg6[%dma_wait3A_71, %dma_wait3A_72] : memref<10240x128xf32, #tpu.memory_space<vmem_shared>> -> memref<10240x128xf32, #tpu.memory_space<vmem_shared>>
      tpu.wait_indirect_dma semaphore(%arg15 : memref<!tpu.dma_semaphore, #tpu.memory_space<semaphore_mem>>) src(%dma_wait3A_67 : memref<128x128xf32, #tpu.memory_space<vmem>>) dst(%dma_wait3A_73 : memref<10240x128xf32, #tpu.memory_space<vmem_shared>>)
      %add3A_74 = arith.constant 24 : i32
      %add3A_75 = arith.addi %add3A_32, %add3A_74 : i32
      "tpu.region"() ({
        %run_scoped3A = tpu.sem_alloc : memref<!tpu.dma_semaphore, #tpu.memory_space<semaphore_mem>>
        %dma_start3A_117 = arith.constant 0 : i32
        %dma_start3A_118 = arith.constant 0 : i32
        %dma_start3A_119 = tpu.memref_slice %arg7[%dma_start3A_117, %dma_start3A_118] : memref<56x128xi32, #tpu.memory_space<vmem>> -> memref<24x128xi32, #tpu.memory_space<vmem>>
        %dma_start3A_120 = arith.constant 0 : i32
        %dma_start3A_121 = tpu.memref_slice %arg3[%add3A_75, %dma_start3A_120] : memref<2560x128xi32, #tpu.memory_space<hbm>> -> memref<24x128xi32, #tpu.memory_space<hbm>>
        %dma_start3A_122 = arith.constant 0 : i32
        %dma_start3A_123 = arith.constant 0 : i32
        %dma_start3A_124 = tpu.memref_slice %arg7[%dma_start3A_122, %dma_start3A_123] : memref<56x128xi32, #tpu.memory_space<vmem>> -> memref<24x128xi32, #tpu.memory_space<vmem>>
        %dma_start3A_125 = arith.constant 0 : i32
        %dma_start3A_126 = tpu.memref_slice %arg3[%add3A_75, %dma_start3A_125] : memref<2560x128xi32, #tpu.memory_space<hbm>> -> memref<24x128xi32, #tpu.memory_space<hbm>>
        tpu.enqueue_dma source(%dma_start3A_126 : memref<24x128xi32, #tpu.memory_space<hbm>>) target(%dma_start3A_124 : memref<24x128xi32, #tpu.memory_space<vmem>>) target_semaphore(%run_scoped3A : memref<!tpu.dma_semaphore, #tpu.memory_space<semaphore_mem>>)
        %dma_wait3A_127 = arith.constant 0 : i32
        %dma_wait3A_128 = arith.constant 0 : i32
        %dma_wait3A_129 = tpu.memref_slice %arg7[%dma_wait3A_127, %dma_wait3A_128] : memref<56x128xi32, #tpu.memory_space<vmem>> -> memref<24x128xi32, #tpu.memory_space<vmem>>
        %dma_wait3A_130 = arith.constant 0 : i32
        %dma_wait3A_131 = tpu.memref_slice %arg3[%add3A_75, %dma_wait3A_130] : memref<2560x128xi32, #tpu.memory_space<hbm>> -> memref<24x128xi32, #tpu.memory_space<hbm>>
        %dma_wait3A_132 = arith.constant 0 : i32
        %dma_wait3A_133 = arith.constant 0 : i32
        %dma_wait3A_134 = tpu.memref_slice %arg7[%dma_wait3A_132, %dma_wait3A_133] : memref<56x128xi32, #tpu.memory_space<vmem>> -> memref<24x128xi32, #tpu.memory_space<vmem>>
        %dma_wait3A_135 = arith.constant 0 : i32
        %dma_wait3A_136 = tpu.memref_slice %arg3[%add3A_75, %dma_wait3A_135] : memref<2560x128xi32, #tpu.memory_space<hbm>> -> memref<24x128xi32, #tpu.memory_space<hbm>>
        tpu.wait_dma2 semaphore(%run_scoped3A : memref<!tpu.dma_semaphore, #tpu.memory_space<semaphore_mem>>) src(%dma_wait3A_136 : memref<24x128xi32, #tpu.memory_space<hbm>>) dst(%dma_wait3A_134 : memref<24x128xi32, #tpu.memory_space<vmem>>)
        tpu.yield
      }) : () -> ()
      "tpu.region"() ({
        %run_scoped3A = tpu.sem_alloc : memref<!tpu.dma_semaphore, #tpu.memory_space<semaphore_mem>>
        %dma_start3A_117 = arith.constant 0 : i32
        %dma_start3A_118 = arith.constant 0 : i32
        %dma_start3A_119 = tpu.memref_slice %arg8[%dma_start3A_117, %dma_start3A_118] : memref<56x128xi32, #tpu.memory_space<vmem>> -> memref<24x128xi32, #tpu.memory_space<vmem>>
        %dma_start3A_120 = arith.constant 0 : i32
        %dma_start3A_121 = tpu.memref_slice %arg4[%add3A_75, %dma_start3A_120] : memref<2560x128xi32, #tpu.memory_space<hbm>> -> memref<24x128xi32, #tpu.memory_space<hbm>>
        %dma_start3A_122 = arith.constant 0 : i32
        %dma_start3A_123 = arith.constant 0 : i32
        %dma_start3A_124 = tpu.memref_slice %arg8[%dma_start3A_122, %dma_start3A_123] : memref<56x128xi32, #tpu.memory_space<vmem>> -> memref<24x128xi32, #tpu.memory_space<vmem>>
        %dma_start3A_125 = arith.constant 0 : i32
        %dma_start3A_126 = tpu.memref_slice %arg4[%add3A_75, %dma_start3A_125] : memref<2560x128xi32, #tpu.memory_space<hbm>> -> memref<24x128xi32, #tpu.memory_space<hbm>>
        tpu.enqueue_dma source(%dma_start3A_126 : memref<24x128xi32, #tpu.memory_space<hbm>>) target(%dma_start3A_124 : memref<24x128xi32, #tpu.memory_space<vmem>>) target_semaphore(%run_scoped3A : memref<!tpu.dma_semaphore, #tpu.memory_space<semaphore_mem>>)
        %dma_wait3A_127 = arith.constant 0 : i32
        %dma_wait3A_128 = arith.constant 0 : i32
        %dma_wait3A_129 = tpu.memref_slice %arg8[%dma_wait3A_127, %dma_wait3A_128] : memref<56x128xi32, #tpu.memory_space<vmem>> -> memref<24x128xi32, #tpu.memory_space<vmem>>
        %dma_wait3A_130 = arith.constant 0 : i32
        %dma_wait3A_131 = tpu.memref_slice %arg4[%add3A_75, %dma_wait3A_130] : memref<2560x128xi32, #tpu.memory_space<hbm>> -> memref<24x128xi32, #tpu.memory_space<hbm>>
        %dma_wait3A_132 = arith.constant 0 : i32
        %dma_wait3A_133 = arith.constant 0 : i32
        %dma_wait3A_134 = tpu.memref_slice %arg8[%dma_wait3A_132, %dma_wait3A_133] : memref<56x128xi32, #tpu.memory_space<vmem>> -> memref<24x128xi32, #tpu.memory_space<vmem>>
        %dma_wait3A_135 = arith.constant 0 : i32
        %dma_wait3A_136 = tpu.memref_slice %arg4[%add3A_75, %dma_wait3A_135] : memref<2560x128xi32, #tpu.memory_space<hbm>> -> memref<24x128xi32, #tpu.memory_space<hbm>>
        tpu.wait_dma2 semaphore(%run_scoped3A : memref<!tpu.dma_semaphore, #tpu.memory_space<semaphore_mem>>) src(%dma_wait3A_136 : memref<24x128xi32, #tpu.memory_space<hbm>>) dst(%dma_wait3A_134 : memref<24x128xi32, #tpu.memory_space<vmem>>)
        tpu.yield
      }) : () -> ()
      %dma_start3A_76 = arith.constant 0 : i32
      %dma_start3A_77 = arith.constant 0 : i32
      %dma_start3A_78 = arith.constant 0 : i32
      %dma_start3A_79 = arith.constant 0 : i32
      %dma_start3A_80 = tpu.memref_slice %arg9[%dma_start3A_77, %dma_start3A_78, %dma_start3A_79] : memref<2x128x128xf32, #tpu.memory_space<vmem>> -> memref<1x64x128xf32, #tpu.memory_space<vmem>>
      %dma_start3A_81 = tpu.memref_squeeze %dma_start3A_80 : memref<1x64x128xf32, #tpu.memory_space<vmem>> -> memref<64x128xf32, #tpu.memory_space<vmem>>
      %dma_start3A_82 = arith.constant 0 : i32
      %dma_start3A_83 = tpu.memref_slice %arg7[%dma_start3A_76, %dma_start3A_82] : memref<56x128xi32, #tpu.memory_space<vmem>> -> memref<1x64xi32, #tpu.memory_space<vmem>>
      %dma_start3A_84 = tpu.memref_squeeze %dma_start3A_83 : memref<1x64xi32, #tpu.memory_space<vmem>> -> memref<64xi32, #tpu.memory_space<vmem>>
      %dma_start3A_85 = arith.constant 0 : i32
      %dma_start3A_86 = arith.constant 0 : i32
      %dma_start3A_87 = tpu.memref_slice %arg2[%dma_start3A_85, %dma_start3A_86] : memref<10000x128xf32, #tpu.memory_space<hbm>> -> memref<10000x128xf32, #tpu.memory_space<hbm>>
      tpu.enqueue_indirect_dma source(%dma_start3A_87 : memref<10000x128xf32, #tpu.memory_space<hbm>>) target(%dma_start3A_81 : memref<64x128xf32, #tpu.memory_space<vmem>>) offsets(%dma_start3A_84 : memref<64xi32, #tpu.memory_space<vmem>>) semaphore(%arg10 : memref<!tpu.dma_semaphore, #tpu.memory_space<semaphore_mem>>)
      %dma_start3A_88 = arith.constant 0 : i32
      %dma_start3A_89 = arith.constant 0 : i32
      %dma_start3A_90 = arith.constant 64 : i32
      %dma_start3A_91 = arith.constant 0 : i32
      %dma_start3A_92 = tpu.memref_slice %arg9[%dma_start3A_89, %dma_start3A_90, %dma_start3A_91] : memref<2x128x128xf32, #tpu.memory_space<vmem>> -> memref<1x64x128xf32, #tpu.memory_space<vmem>>
      %dma_start3A_93 = tpu.memref_squeeze %dma_start3A_92 : memref<1x64x128xf32, #tpu.memory_space<vmem>> -> memref<64x128xf32, #tpu.memory_space<vmem>>
      %dma_start3A_94 = arith.constant 64 : i32
      %dma_start3A_95 = tpu.memref_slice %arg7[%dma_start3A_88, %dma_start3A_94] : memref<56x128xi32, #tpu.memory_space<vmem>> -> memref<1x64xi32, #tpu.memory_space<vmem>>
      %dma_start3A_96 = tpu.memref_squeeze %dma_start3A_95 : memref<1x64xi32, #tpu.memory_space<vmem>> -> memref<64xi32, #tpu.memory_space<vmem>>
      %dma_start3A_97 = arith.constant 0 : i32
      %dma_start3A_98 = arith.constant 0 : i32
      %dma_start3A_99 = tpu.memref_slice %arg2[%dma_start3A_97, %dma_start3A_98] : memref<10000x128xf32, #tpu.memory_space<hbm>> -> memref<10000x128xf32, #tpu.memory_space<hbm>>
      tpu.enqueue_indirect_dma source(%dma_start3A_99 : memref<10000x128xf32, #tpu.memory_space<hbm>>) target(%dma_start3A_93 : memref<64x128xf32, #tpu.memory_space<vmem>>) offsets(%dma_start3A_96 : memref<64xi32, #tpu.memory_space<vmem>>) semaphore(%arg11 : memref<!tpu.dma_semaphore, #tpu.memory_space<semaphore_mem>>)
      %scan3A_100 = arith.constant 0 : i32
      %scan3A_101 = arith.constant 12 : i32
      %scan3A_102 = arith.addi %scan3A_100, %scan3A_101 : i32
      %scan3A_103 = arith.constant 1 : i32
      scf.for %scan3A_117 = %scan3A_100 to %scan3A_102 step %scan3A_103  : i32 {
        %mul3A_118 = arith.constant 1 : i32
        %mul3A_119 = arith.muli %scan3A_117, %mul3A_118 : i32
        %add3A_120 = arith.constant 0 : i32
        %add3A_121 = arith.addi %add3A_120, %mul3A_119 : i32
        %mul3A_122 = arith.constant 2 : i32
        %mul3A_123 = arith.muli %add3A_121, %mul3A_122 : i32
        %add3A_124 = arith.constant 0 : i32
        %add3A_125 = arith.addi %mul3A_123, %add3A_124 : i32
        %dma_wait3A_126 = arith.constant 0 : i32
        %dma_wait3A_127 = arith.constant 0 : i32
        %dma_wait3A_128 = arith.constant 0 : i32
        %dma_wait3A_129 = arith.constant 0 : i32
        %dma_wait3A_130 = tpu.memref_slice %arg9[%dma_wait3A_127, %dma_wait3A_128, %dma_wait3A_129] : memref<2x128x128xf32, #tpu.memory_space<vmem>> -> memref<1x64x128xf32, #tpu.memory_space<vmem>>
        %dma_wait3A_131 = tpu.memref_squeeze %dma_wait3A_130 : memref<1x64x128xf32, #tpu.memory_space<vmem>> -> memref<64x128xf32, #tpu.memory_space<vmem>>
        %dma_wait3A_132 = arith.constant 0 : i32
        %dma_wait3A_133 = tpu.memref_slice %arg7[%dma_wait3A_126, %dma_wait3A_132] : memref<56x128xi32, #tpu.memory_space<vmem>> -> memref<1x64xi32, #tpu.memory_space<vmem>>
        %dma_wait3A_134 = tpu.memref_squeeze %dma_wait3A_133 : memref<1x64xi32, #tpu.memory_space<vmem>> -> memref<64xi32, #tpu.memory_space<vmem>>
        %dma_wait3A_135 = arith.constant 0 : i32
        %dma_wait3A_136 = arith.constant 0 : i32
        %dma_wait3A_137 = tpu.memref_slice %arg2[%dma_wait3A_135, %dma_wait3A_136] : memref<10000x128xf32, #tpu.memory_space<hbm>> -> memref<10000x128xf32, #tpu.memory_space<hbm>>
        tpu.wait_indirect_dma semaphore(%arg10 : memref<!tpu.dma_semaphore, #tpu.memory_space<semaphore_mem>>) src(%dma_wait3A_137 : memref<10000x128xf32, #tpu.memory_space<hbm>>) dst(%dma_wait3A_131 : memref<64x128xf32, #tpu.memory_space<vmem>>)
        %dma_wait3A_138 = arith.constant 0 : i32
        %dma_wait3A_139 = arith.constant 0 : i32
        %dma_wait3A_140 = arith.constant 64 : i32
        %dma_wait3A_141 = arith.constant 0 : i32
        %dma_wait3A_142 = tpu.memref_slice %arg9[%dma_wait3A_139, %dma_wait3A_140, %dma_wait3A_141] : memref<2x128x128xf32, #tpu.memory_space<vmem>> -> memref<1x64x128xf32, #tpu.memory_space<vmem>>
        %dma_wait3A_143 = tpu.memref_squeeze %dma_wait3A_142 : memref<1x64x128xf32, #tpu.memory_space<vmem>> -> memref<64x128xf32, #tpu.memory_space<vmem>>
        %dma_wait3A_144 = arith.constant 0 : i32
        %dma_wait3A_145 = tpu.memref_slice %arg7[%dma_wait3A_138, %dma_wait3A_144] : memref<56x128xi32, #tpu.memory_space<vmem>> -> memref<1x64xi32, #tpu.memory_space<vmem>>
        %dma_wait3A_146 = tpu.memref_squeeze %dma_wait3A_145 : memref<1x64xi32, #tpu.memory_space<vmem>> -> memref<64xi32, #tpu.memory_space<vmem>>
        %dma_wait3A_147 = arith.constant 0 : i32
        %dma_wait3A_148 = arith.constant 0 : i32
        %dma_wait3A_149 = tpu.memref_slice %arg2[%dma_wait3A_147, %dma_wait3A_148] : memref<10000x128xf32, #tpu.memory_space<hbm>> -> memref<10000x128xf32, #tpu.memory_space<hbm>>
        tpu.wait_indirect_dma semaphore(%arg11 : memref<!tpu.dma_semaphore, #tpu.memory_space<semaphore_mem>>) src(%dma_wait3A_149 : memref<10000x128xf32, #tpu.memory_space<hbm>>) dst(%dma_wait3A_143 : memref<64x128xf32, #tpu.memory_space<vmem>>)
        %dma_start3A_150 = arith.constant 0 : i32
        %dma_start3A_151 = arith.constant 0 : i32
        %dma_start3A_152 = arith.constant 0 : i32
        %dma_start3A_153 = tpu.memref_slice %arg9[%dma_start3A_150, %dma_start3A_151, %dma_start3A_152] : memref<2x128x128xf32, #tpu.memory_space<vmem>> -> memref<1x128x128xf32, #tpu.memory_space<vmem>>
        %dma_start3A_154 = tpu.memref_squeeze %dma_start3A_153 : memref<1x128x128xf32, #tpu.memory_space<vmem>> -> memref<128x128xf32, #tpu.memory_space<vmem>>
        %dma_start3A_155 = arith.constant 0 : i32
        %dma_start3A_156 = tpu.memref_slice %arg8[%add3A_125, %dma_start3A_155] : memref<56x128xi32, #tpu.memory_space<vmem>> -> memref<1x128xi32, #tpu.memory_space<vmem>>
        %dma_start3A_157 = tpu.memref_squeeze %dma_start3A_156 : memref<1x128xi32, #tpu.memory_space<vmem>> -> memref<128xi32, #tpu.memory_space<vmem>>
        %dma_start3A_158 = arith.constant 0 : i32
        %dma_start3A_159 = arith.constant 0 : i32
        %dma_start3A_160 = tpu.memref_slice %arg6[%dma_start3A_158, %dma_start3A_159] : memref<10240x128xf32, #tpu.memory_space<vmem_shared>> -> memref<10240x128xf32, #tpu.memory_space<vmem_shared>>
        tpu.enqueue_indirect_dma source(%dma_start3A_154 : memref<128x128xf32, #tpu.memory_space<vmem>>) target(%dma_start3A_160 : memref<10240x128xf32, #tpu.memory_space<vmem_shared>>) offsets(%dma_start3A_157 : memref<128xi32, #tpu.memory_space<vmem>>) semaphore(%arg14 : memref<!tpu.dma_semaphore, #tpu.memory_space<semaphore_mem>>) {add = true}
        %gt3A = arith.constant 0 : i32
        %gt3A_161 = arith.cmpi sgt, %add3A_121, %gt3A : i32
        %convert_element_type3A_162 = arith.extui %gt3A_161 : i1 to i32
        %cond3A_163 = arith.constant 0 : i32
        %cond3A_164 = arith.cmpi ne, %convert_element_type3A_162, %cond3A_163 : i32
        scf.if %cond3A_164 {
          %dma_wait3A_247 = arith.constant 1 : i32
          %dma_wait3A_248 = arith.constant 0 : i32
          %dma_wait3A_249 = arith.constant 0 : i32
          %dma_wait3A_250 = arith.constant 0 : i32
          %dma_wait3A_251 = tpu.memref_slice %arg9[%dma_wait3A_247, %dma_wait3A_249, %dma_wait3A_250] : memref<2x128x128xf32, #tpu.memory_space<vmem>> -> memref<1x128x128xf32, #tpu.memory_space<vmem>>
          %dma_wait3A_252 = tpu.memref_squeeze %dma_wait3A_251 : memref<1x128x128xf32, #tpu.memory_space<vmem>> -> memref<128x128xf32, #tpu.memory_space<vmem>>
          %dma_wait3A_253 = arith.constant 0 : i32
          %dma_wait3A_254 = tpu.memref_slice %arg8[%dma_wait3A_248, %dma_wait3A_253] : memref<56x128xi32, #tpu.memory_space<vmem>> -> memref<1x128xi32, #tpu.memory_space<vmem>>
          %dma_wait3A_255 = tpu.memref_squeeze %dma_wait3A_254 : memref<1x128xi32, #tpu.memory_space<vmem>> -> memref<128xi32, #tpu.memory_space<vmem>>
          %dma_wait3A_256 = arith.constant 0 : i32
          %dma_wait3A_257 = arith.constant 0 : i32
          %dma_wait3A_258 = tpu.memref_slice %arg6[%dma_wait3A_256, %dma_wait3A_257] : memref<10240x128xf32, #tpu.memory_space<vmem_shared>> -> memref<10240x128xf32, #tpu.memory_space<vmem_shared>>
          tpu.wait_indirect_dma semaphore(%arg15 : memref<!tpu.dma_semaphore, #tpu.memory_space<semaphore_mem>>) src(%dma_wait3A_252 : memref<128x128xf32, #tpu.memory_space<vmem>>) dst(%dma_wait3A_258 : memref<10240x128xf32, #tpu.memory_space<vmem_shared>>)
        } else {
        }
        %add3A_165 = arith.constant 1 : i32
        %add3A_166 = arith.addi %add3A_125, %add3A_165 : i32
        %dma_start3A_167 = arith.constant 1 : i32
        %dma_start3A_168 = arith.constant 0 : i32
        %dma_start3A_169 = arith.constant 0 : i32
        %dma_start3A_170 = tpu.memref_slice %arg9[%dma_start3A_167, %dma_start3A_168, %dma_start3A_169] : memref<2x128x128xf32, #tpu.memory_space<vmem>> -> memref<1x64x128xf32, #tpu.memory_space<vmem>>
        %dma_start3A_171 = tpu.memref_squeeze %dma_start3A_170 : memref<1x64x128xf32, #tpu.memory_space<vmem>> -> memref<64x128xf32, #tpu.memory_space<vmem>>
        %dma_start3A_172 = arith.constant 0 : i32
        %dma_start3A_173 = tpu.memref_slice %arg7[%add3A_166, %dma_start3A_172] : memref<56x128xi32, #tpu.memory_space<vmem>> -> memref<1x64xi32, #tpu.memory_space<vmem>>
        %dma_start3A_174 = tpu.memref_squeeze %dma_start3A_173 : memref<1x64xi32, #tpu.memory_space<vmem>> -> memref<64xi32, #tpu.memory_space<vmem>>
        %dma_start3A_175 = arith.constant 0 : i32
        %dma_start3A_176 = arith.constant 0 : i32
        %dma_start3A_177 = tpu.memref_slice %arg2[%dma_start3A_175, %dma_start3A_176] : memref<10000x128xf32, #tpu.memory_space<hbm>> -> memref<10000x128xf32, #tpu.memory_space<hbm>>
        tpu.enqueue_indirect_dma source(%dma_start3A_177 : memref<10000x128xf32, #tpu.memory_space<hbm>>) target(%dma_start3A_171 : memref<64x128xf32, #tpu.memory_space<vmem>>) offsets(%dma_start3A_174 : memref<64xi32, #tpu.memory_space<vmem>>) semaphore(%arg12 : memref<!tpu.dma_semaphore, #tpu.memory_space<semaphore_mem>>)
        %dma_start3A_178 = arith.constant 1 : i32
        %dma_start3A_179 = arith.constant 64 : i32
        %dma_start3A_180 = arith.constant 0 : i32
        %dma_start3A_181 = tpu.memref_slice %arg9[%dma_start3A_178, %dma_start3A_179, %dma_start3A_180] : memref<2x128x128xf32, #tpu.memory_space<vmem>> -> memref<1x64x128xf32, #tpu.memory_space<vmem>>
        %dma_start3A_182 = tpu.memref_squeeze %dma_start3A_181 : memref<1x64x128xf32, #tpu.memory_space<vmem>> -> memref<64x128xf32, #tpu.memory_space<vmem>>
        %dma_start3A_183 = arith.constant 64 : i32
        %dma_start3A_184 = tpu.memref_slice %arg7[%add3A_166, %dma_start3A_183] : memref<56x128xi32, #tpu.memory_space<vmem>> -> memref<1x64xi32, #tpu.memory_space<vmem>>
        %dma_start3A_185 = tpu.memref_squeeze %dma_start3A_184 : memref<1x64xi32, #tpu.memory_space<vmem>> -> memref<64xi32, #tpu.memory_space<vmem>>
        %dma_start3A_186 = arith.constant 0 : i32
        %dma_start3A_187 = arith.constant 0 : i32
        %dma_start3A_188 = tpu.memref_slice %arg2[%dma_start3A_186, %dma_start3A_187] : memref<10000x128xf32, #tpu.memory_space<hbm>> -> memref<10000x128xf32, #tpu.memory_space<hbm>>
        tpu.enqueue_indirect_dma source(%dma_start3A_188 : memref<10000x128xf32, #tpu.memory_space<hbm>>) target(%dma_start3A_182 : memref<64x128xf32, #tpu.memory_space<vmem>>) offsets(%dma_start3A_185 : memref<64xi32, #tpu.memory_space<vmem>>) semaphore(%arg13 : memref<!tpu.dma_semaphore, #tpu.memory_space<semaphore_mem>>)
        %mul3A_189 = arith.constant 2 : i32
        %mul3A_190 = arith.muli %add3A_121, %mul3A_189 : i32
        %add3A_191 = arith.constant 1 : i32
        %add3A_192 = arith.addi %mul3A_190, %add3A_191 : i32
        %dma_wait3A_193 = arith.constant 0 : i32
        %dma_wait3A_194 = arith.constant 1 : i32
        %dma_wait3A_195 = arith.constant 0 : i32
        %dma_wait3A_196 = arith.constant 0 : i32
        %dma_wait3A_197 = tpu.memref_slice %arg9[%dma_wait3A_194, %dma_wait3A_195, %dma_wait3A_196] : memref<2x128x128xf32, #tpu.memory_space<vmem>> -> memref<1x64x128xf32, #tpu.memory_space<vmem>>
        %dma_wait3A_198 = tpu.memref_squeeze %dma_wait3A_197 : memref<1x64x128xf32, #tpu.memory_space<vmem>> -> memref<64x128xf32, #tpu.memory_space<vmem>>
        %dma_wait3A_199 = arith.constant 0 : i32
        %dma_wait3A_200 = tpu.memref_slice %arg7[%dma_wait3A_193, %dma_wait3A_199] : memref<56x128xi32, #tpu.memory_space<vmem>> -> memref<1x64xi32, #tpu.memory_space<vmem>>
        %dma_wait3A_201 = tpu.memref_squeeze %dma_wait3A_200 : memref<1x64xi32, #tpu.memory_space<vmem>> -> memref<64xi32, #tpu.memory_space<vmem>>
        %dma_wait3A_202 = arith.constant 0 : i32
        %dma_wait3A_203 = arith.constant 0 : i32
        %dma_wait3A_204 = tpu.memref_slice %arg2[%dma_wait3A_202, %dma_wait3A_203] : memref<10000x128xf32, #tpu.memory_space<hbm>> -> memref<10000x128xf32, #tpu.memory_space<hbm>>
        tpu.wait_indirect_dma semaphore(%arg12 : memref<!tpu.dma_semaphore, #tpu.memory_space<semaphore_mem>>) src(%dma_wait3A_204 : memref<10000x128xf32, #tpu.memory_space<hbm>>) dst(%dma_wait3A_198 : memref<64x128xf32, #tpu.memory_space<vmem>>)
        %dma_wait3A_205 = arith.constant 0 : i32
        %dma_wait3A_206 = arith.constant 1 : i32
        %dma_wait3A_207 = arith.constant 64 : i32
        %dma_wait3A_208 = arith.constant 0 : i32
        %dma_wait3A_209 = tpu.memref_slice %arg9[%dma_wait3A_206, %dma_wait3A_207, %dma_wait3A_208] : memref<2x128x128xf32, #tpu.memory_space<vmem>> -> memref<1x64x128xf32, #tpu.memory_space<vmem>>
        %dma_wait3A_210 = tpu.memref_squeeze %dma_wait3A_209 : memref<1x64x128xf32, #tpu.memory_space<vmem>> -> memref<64x128xf32, #tpu.memory_space<vmem>>
        %dma_wait3A_211 = arith.constant 0 : i32
        %dma_wait3A_212 = tpu.memref_slice %arg7[%dma_wait3A_205, %dma_wait3A_211] : memref<56x128xi32, #tpu.memory_space<vmem>> -> memref<1x64xi32, #tpu.memory_space<vmem>>
        %dma_wait3A_213 = tpu.memref_squeeze %dma_wait3A_212 : memref<1x64xi32, #tpu.memory_space<vmem>> -> memref<64xi32, #tpu.memory_space<vmem>>
        %dma_wait3A_214 = arith.constant 0 : i32
        %dma_wait3A_215 = arith.constant 0 : i32
        %dma_wait3A_216 = tpu.memref_slice %arg2[%dma_wait3A_214, %dma_wait3A_215] : memref<10000x128xf32, #tpu.memory_space<hbm>> -> memref<10000x128xf32, #tpu.memory_space<hbm>>
        tpu.wait_indirect_dma semaphore(%arg13 : memref<!tpu.dma_semaphore, #tpu.memory_space<semaphore_mem>>) src(%dma_wait3A_216 : memref<10000x128xf32, #tpu.memory_space<hbm>>) dst(%dma_wait3A_210 : memref<64x128xf32, #tpu.memory_space<vmem>>)
        %dma_start3A_217 = arith.constant 1 : i32
        %dma_start3A_218 = arith.constant 0 : i32
        %dma_start3A_219 = arith.constant 0 : i32
        %dma_start3A_220 = tpu.memref_slice %arg9[%dma_start3A_217, %dma_start3A_218, %dma_start3A_219] : memref<2x128x128xf32, #tpu.memory_space<vmem>> -> memref<1x128x128xf32, #tpu.memory_space<vmem>>
        %dma_start3A_221 = tpu.memref_squeeze %dma_start3A_220 : memref<1x128x128xf32, #tpu.memory_space<vmem>> -> memref<128x128xf32, #tpu.memory_space<vmem>>
        %dma_start3A_222 = arith.constant 0 : i32
        %dma_start3A_223 = tpu.memref_slice %arg8[%add3A_192, %dma_start3A_222] : memref<56x128xi32, #tpu.memory_space<vmem>> -> memref<1x128xi32, #tpu.memory_space<vmem>>
        %dma_start3A_224 = tpu.memref_squeeze %dma_start3A_223 : memref<1x128xi32, #tpu.memory_space<vmem>> -> memref<128xi32, #tpu.memory_space<vmem>>
        %dma_start3A_225 = arith.constant 0 : i32
        %dma_start3A_226 = arith.constant 0 : i32
        %dma_start3A_227 = tpu.memref_slice %arg6[%dma_start3A_225, %dma_start3A_226] : memref<10240x128xf32, #tpu.memory_space<vmem_shared>> -> memref<10240x128xf32, #tpu.memory_space<vmem_shared>>
        tpu.enqueue_indirect_dma source(%dma_start3A_221 : memref<128x128xf32, #tpu.memory_space<vmem>>) target(%dma_start3A_227 : memref<10240x128xf32, #tpu.memory_space<vmem_shared>>) offsets(%dma_start3A_224 : memref<128xi32, #tpu.memory_space<vmem>>) semaphore(%arg15 : memref<!tpu.dma_semaphore, #tpu.memory_space<semaphore_mem>>) {add = true}
        %dma_wait3A_228 = arith.constant 0 : i32
        %dma_wait3A_229 = arith.constant 0 : i32
        %dma_wait3A_230 = arith.constant 0 : i32
        %dma_wait3A_231 = arith.constant 0 : i32
        %dma_wait3A_232 = tpu.memref_slice %arg9[%dma_wait3A_228, %dma_wait3A_230, %dma_wait3A_231] : memref<2x128x128xf32, #tpu.memory_space<vmem>> -> memref<1x128x128xf32, #tpu.memory_space<vmem>>
        %dma_wait3A_233 = tpu.memref_squeeze %dma_wait3A_232 : memref<1x128x128xf32, #tpu.memory_space<vmem>> -> memref<128x128xf32, #tpu.memory_space<vmem>>
        %dma_wait3A_234 = arith.constant 0 : i32
        %dma_wait3A_235 = tpu.memref_slice %arg8[%dma_wait3A_229, %dma_wait3A_234] : memref<56x128xi32, #tpu.memory_space<vmem>> -> memref<1x128xi32, #tpu.memory_space<vmem>>
        %dma_wait3A_236 = tpu.memref_squeeze %dma_wait3A_235 : memref<1x128xi32, #tpu.memory_space<vmem>> -> memref<128xi32, #tpu.memory_space<vmem>>
        %dma_wait3A_237 = arith.constant 0 : i32
        %dma_wait3A_238 = arith.constant 0 : i32
        %dma_wait3A_239 = tpu.memref_slice %arg6[%dma_wait3A_237, %dma_wait3A_238] : memref<10240x128xf32, #tpu.memory_space<vmem_shared>> -> memref<10240x128xf32, #tpu.memory_space<vmem_shared>>
        tpu.wait_indirect_dma semaphore(%arg14 : memref<!tpu.dma_semaphore, #tpu.memory_space<semaphore_mem>>) src(%dma_wait3A_233 : memref<128x128xf32, #tpu.memory_space<vmem>>) dst(%dma_wait3A_239 : memref<10240x128xf32, #tpu.memory_space<vmem_shared>>)
        %add3A_240 = arith.constant 1 : i32
        %add3A_241 = arith.addi %add3A_121, %add3A_240 : i32
        %lt3A_242 = arith.constant 12 : i32
        %lt3A_243 = arith.cmpi slt, %add3A_241, %lt3A_242 : i32
        %convert_element_type3A_244 = arith.extui %lt3A_243 : i1 to i32
        %cond3A_245 = arith.constant 0 : i32
        %cond3A_246 = arith.cmpi ne, %convert_element_type3A_244, %cond3A_245 : i32
        scf.if %cond3A_246 {
          %add3A_247 = arith.constant 1 : i32
          %add3A_248 = arith.addi %add3A_192, %add3A_247 : i32
          %dma_start3A_249 = arith.constant 0 : i32
          %dma_start3A_250 = arith.constant 0 : i32
          %dma_start3A_251 = arith.constant 0 : i32
          %dma_start3A_252 = tpu.memref_slice %arg9[%dma_start3A_249, %dma_start3A_250, %dma_start3A_251] : memref<2x128x128xf32, #tpu.memory_space<vmem>> -> memref<1x64x128xf32, #tpu.memory_space<vmem>>
          %dma_start3A_253 = tpu.memref_squeeze %dma_start3A_252 : memref<1x64x128xf32, #tpu.memory_space<vmem>> -> memref<64x128xf32, #tpu.memory_space<vmem>>
          %dma_start3A_254 = arith.constant 0 : i32
          %dma_start3A_255 = tpu.memref_slice %arg7[%add3A_248, %dma_start3A_254] : memref<56x128xi32, #tpu.memory_space<vmem>> -> memref<1x64xi32, #tpu.memory_space<vmem>>
          %dma_start3A_256 = tpu.memref_squeeze %dma_start3A_255 : memref<1x64xi32, #tpu.memory_space<vmem>> -> memref<64xi32, #tpu.memory_space<vmem>>
          %dma_start3A_257 = arith.constant 0 : i32
          %dma_start3A_258 = arith.constant 0 : i32
          %dma_start3A_259 = tpu.memref_slice %arg2[%dma_start3A_257, %dma_start3A_258] : memref<10000x128xf32, #tpu.memory_space<hbm>> -> memref<10000x128xf32, #tpu.memory_space<hbm>>
          tpu.enqueue_indirect_dma source(%dma_start3A_259 : memref<10000x128xf32, #tpu.memory_space<hbm>>) target(%dma_start3A_253 : memref<64x128xf32, #tpu.memory_space<vmem>>) offsets(%dma_start3A_256 : memref<64xi32, #tpu.memory_space<vmem>>) semaphore(%arg10 : memref<!tpu.dma_semaphore, #tpu.memory_space<semaphore_mem>>)
          %dma_start3A_260 = arith.constant 0 : i32
          %dma_start3A_261 = arith.constant 64 : i32
          %dma_start3A_262 = arith.constant 0 : i32
          %dma_start3A_263 = tpu.memref_slice %arg9[%dma_start3A_260, %dma_start3A_261, %dma_start3A_262] : memref<2x128x128xf32, #tpu.memory_space<vmem>> -> memref<1x64x128xf32, #tpu.memory_space<vmem>>
          %dma_start3A_264 = tpu.memref_squeeze %dma_start3A_263 : memref<1x64x128xf32, #tpu.memory_space<vmem>> -> memref<64x128xf32, #tpu.memory_space<vmem>>
          %dma_start3A_265 = arith.constant 64 : i32
          %dma_start3A_266 = tpu.memref_slice %arg7[%add3A_248, %dma_start3A_265] : memref<56x128xi32, #tpu.memory_space<vmem>> -> memref<1x64xi32, #tpu.memory_space<vmem>>
          %dma_start3A_267 = tpu.memref_squeeze %dma_start3A_266 : memref<1x64xi32, #tpu.memory_space<vmem>> -> memref<64xi32, #tpu.memory_space<vmem>>
          %dma_start3A_268 = arith.constant 0 : i32
          %dma_start3A_269 = arith.constant 0 : i32
          %dma_start3A_270 = tpu.memref_slice %arg2[%dma_start3A_268, %dma_start3A_269] : memref<10000x128xf32, #tpu.memory_space<hbm>> -> memref<10000x128xf32, #tpu.memory_space<hbm>>
          tpu.enqueue_indirect_dma source(%dma_start3A_270 : memref<10000x128xf32, #tpu.memory_space<hbm>>) target(%dma_start3A_264 : memref<64x128xf32, #tpu.memory_space<vmem>>) offsets(%dma_start3A_267 : memref<64xi32, #tpu.memory_space<vmem>>) semaphore(%arg11 : memref<!tpu.dma_semaphore, #tpu.memory_space<semaphore_mem>>)
        } else {
        }
      }
      %scan3A_104 = arith.constant 12 : i32
      %dma_wait3A_105 = arith.constant 1 : i32
      %dma_wait3A_106 = arith.constant 0 : i32
      %dma_wait3A_107 = arith.constant 0 : i32
      %dma_wait3A_108 = arith.constant 0 : i32
      %dma_wait3A_109 = tpu.memref_slice %arg9[%dma_wait3A_105, %dma_wait3A_107, %dma_wait3A_108] : memref<2x128x128xf32, #tpu.memory_space<vmem>> -> memref<1x128x128xf32, #tpu.memory_space<vmem>>
      %dma_wait3A_110 = tpu.memref_squeeze %dma_wait3A_109 : memref<1x128x128xf32, #tpu.memory_space<vmem>> -> memref<128x128xf32, #tpu.memory_space<vmem>>
      %dma_wait3A_111 = arith.constant 0 : i32
      %dma_wait3A_112 = tpu.memref_slice %arg8[%dma_wait3A_106, %dma_wait3A_111] : memref<56x128xi32, #tpu.memory_space<vmem>> -> memref<1x128xi32, #tpu.memory_space<vmem>>
      %dma_wait3A_113 = tpu.memref_squeeze %dma_wait3A_112 : memref<1x128xi32, #tpu.memory_space<vmem>> -> memref<128xi32, #tpu.memory_space<vmem>>
      %dma_wait3A_114 = arith.constant 0 : i32
      %dma_wait3A_115 = arith.constant 0 : i32
      %dma_wait3A_116 = tpu.memref_slice %arg6[%dma_wait3A_114, %dma_wait3A_115] : memref<10240x128xf32, #tpu.memory_space<vmem_shared>> -> memref<10240x128xf32, #tpu.memory_space<vmem_shared>>
      tpu.wait_indirect_dma semaphore(%arg15 : memref<!tpu.dma_semaphore, #tpu.memory_space<semaphore_mem>>) src(%dma_wait3A_110 : memref<128x128xf32, #tpu.memory_space<vmem>>) dst(%dma_wait3A_116 : memref<10240x128xf32, #tpu.memory_space<vmem_shared>>)
    } else {
    }
    %barrier3A_21 = arith.constant 0 : index
    tpu.barrier barrier_id(%barrier3A_21)
    %lt3A = arith.constant 15 : i32
    %lt3A_22 = arith.cmpi slt, %arg1, %lt3A : i32
    %convert_element_type3A_23 = arith.extui %lt3A_22 : i1 to i32
    %cond3A_24 = arith.constant 0 : i32
    %cond3A_25 = arith.cmpi ne, %convert_element_type3A_23, %cond3A_24 : i32
    scf.if %cond3A_25 {
      %mul3A_31 = arith.constant 640 : i32
      %mul3A_32 = arith.muli %arg1, %mul3A_31 : i32
      %mul3A_33 = arith.constant 640 : i32
      %mul3A_34 = arith.muli %arg1, %mul3A_33 : i32
      "tpu.region"() ({
        %run_scoped3A = tpu.sem_alloc : memref<!tpu.dma_semaphore, #tpu.memory_space<semaphore_mem>>
        %dma_start3A = arith.constant 0 : i32
        %dma_start3A_35 = tpu.memref_slice %arg5[%arg0, %mul3A_34, %dma_start3A] : memref<2x10000x128xf32, #tpu.memory_space<hbm>> -> memref<1x640x128xf32, #tpu.memory_space<hbm>>
        %dma_start3A_36 = tpu.memref_squeeze %dma_start3A_35 : memref<1x640x128xf32, #tpu.memory_space<hbm>> -> memref<640x128xf32, #tpu.memory_space<hbm>>
        %dma_start3A_37 = arith.constant 0 : i32
        %dma_start3A_38 = tpu.memref_slice %arg6[%mul3A_32, %dma_start3A_37] : memref<10240x128xf32, #tpu.memory_space<vmem_shared>> -> memref<640x128xf32, #tpu.memory_space<vmem_shared>>
        tpu.enqueue_dma source(%dma_start3A_38 : memref<640x128xf32, #tpu.memory_space<vmem_shared>>) target(%dma_start3A_36 : memref<640x128xf32, #tpu.memory_space<hbm>>) target_semaphore(%run_scoped3A : memref<!tpu.dma_semaphore, #tpu.memory_space<semaphore_mem>>)
        %dma_wait3A = arith.constant 0 : i32
        %dma_wait3A_39 = tpu.memref_slice %arg5[%arg0, %mul3A_34, %dma_wait3A] : memref<2x10000x128xf32, #tpu.memory_space<hbm>> -> memref<1x640x128xf32, #tpu.memory_space<hbm>>
        %dma_wait3A_40 = tpu.memref_squeeze %dma_wait3A_39 : memref<1x640x128xf32, #tpu.memory_space<hbm>> -> memref<640x128xf32, #tpu.memory_space<hbm>>
        %dma_wait3A_41 = arith.constant 0 : i32
        %dma_wait3A_42 = tpu.memref_slice %arg6[%mul3A_32, %dma_wait3A_41] : memref<10240x128xf32, #tpu.memory_space<vmem_shared>> -> memref<640x128xf32, #tpu.memory_space<vmem_shared>>
        tpu.wait_dma2 semaphore(%run_scoped3A : memref<!tpu.dma_semaphore, #tpu.memory_space<semaphore_mem>>) src(%dma_wait3A_42 : memref<640x128xf32, #tpu.memory_space<vmem_shared>>) dst(%dma_wait3A_40 : memref<640x128xf32, #tpu.memory_space<hbm>>)
        tpu.yield
      }) : () -> ()
    } else {
    }
    %eq3A_26 = arith.constant 15 : i32
    %eq3A_27 = arith.cmpi eq, %arg1, %eq3A_26 : i32
    %convert_element_type3A_28 = arith.extui %eq3A_27 : i1 to i32
    %cond3A_29 = arith.constant 0 : i32
    %cond3A_30 = arith.cmpi ne, %convert_element_type3A_28, %cond3A_29 : i32
    scf.if %cond3A_30 {
      "tpu.region"() ({
        %run_scoped3A = tpu.sem_alloc : memref<!tpu.dma_semaphore, #tpu.memory_space<semaphore_mem>>
        %dma_start3A = arith.constant 9600 : i32
        %dma_start3A_31 = arith.constant 0 : i32
        %dma_start3A_32 = tpu.memref_slice %arg5[%arg0, %dma_start3A, %dma_start3A_31] : memref<2x10000x128xf32, #tpu.memory_space<hbm>> -> memref<1x400x128xf32, #tpu.memory_space<hbm>>
        %dma_start3A_33 = tpu.memref_squeeze %dma_start3A_32 : memref<1x400x128xf32, #tpu.memory_space<hbm>> -> memref<400x128xf32, #tpu.memory_space<hbm>>
        %dma_start3A_34 = arith.constant 9600 : i32
        %dma_start3A_35 = arith.constant 0 : i32
        %dma_start3A_36 = tpu.memref_slice %arg6[%dma_start3A_34, %dma_start3A_35] : memref<10240x128xf32, #tpu.memory_space<vmem_shared>> -> memref<400x128xf32, #tpu.memory_space<vmem_shared>>
        tpu.enqueue_dma source(%dma_start3A_36 : memref<400x128xf32, #tpu.memory_space<vmem_shared>>) target(%dma_start3A_33 : memref<400x128xf32, #tpu.memory_space<hbm>>) target_semaphore(%run_scoped3A : memref<!tpu.dma_semaphore, #tpu.memory_space<semaphore_mem>>)
        %dma_wait3A = arith.constant 9600 : i32
        %dma_wait3A_37 = arith.constant 0 : i32
        %dma_wait3A_38 = tpu.memref_slice %arg5[%arg0, %dma_wait3A, %dma_wait3A_37] : memref<2x10000x128xf32, #tpu.memory_space<hbm>> -> memref<1x400x128xf32, #tpu.memory_space<hbm>>
        %dma_wait3A_39 = tpu.memref_squeeze %dma_wait3A_38 : memref<1x400x128xf32, #tpu.memory_space<hbm>> -> memref<400x128xf32, #tpu.memory_space<hbm>>
        %dma_wait3A_40 = arith.constant 9600 : i32
        %dma_wait3A_41 = arith.constant 0 : i32
        %dma_wait3A_42 = tpu.memref_slice %arg6[%dma_wait3A_40, %dma_wait3A_41] : memref<10240x128xf32, #tpu.memory_space<vmem_shared>> -> memref<400x128xf32, #tpu.memory_space<vmem_shared>>
        tpu.wait_dma2 semaphore(%run_scoped3A : memref<!tpu.dma_semaphore, #tpu.memory_space<semaphore_mem>>) src(%dma_wait3A_42 : memref<400x128xf32, #tpu.memory_space<vmem_shared>>) dst(%dma_wait3A_39 : memref<400x128xf32, #tpu.memory_space<hbm>>)
        tpu.yield
      }) : () -> ()
    } else {
    }
    return
  }
}

module attributes {stable_mosaic.version = 14 : i64} {
  func.func @_pre_body(%arg0: i32, %arg1: memref<2000x128xf32, #tpu.memory_space<vmem>>, %arg2: memref<2000x128xf32, #tpu.memory_space<vmem>>, %arg3: memref<128x256xf32, #tpu.memory_space<vmem>>, %arg4: memref<1x128xf32, #tpu.memory_space<vmem>>, %arg5: memref<128x128xf32, #tpu.memory_space<vmem>>, %arg6: memref<2x2000x128xf32, #tpu.memory_space<vmem>>, %arg7: memref<2000x128xf32, #tpu.memory_space<vmem>>, %arg8: memref<2000x128xf32, #tpu.memory_space<vmem>>, %arg9: memref<2000x128xf32, #tpu.memory_space<vmem>>) attributes {dimension_semantics = [#tpu.dimension_semantics<arbitrary>], iteration_bounds = array<i64: 5>, scalar_prefetch = 0 : i64, scratch_operands = 0 : i64, tpu.core_type = #tpu.core_type<tc>, window_params = [{transform_indices = @transform_0, window_bounds = array<i64: 2000, 128>}, {transform_indices = @transform_1, window_bounds = array<i64: 2000, 128>}, {pipeline_mode = #tpu.pipeline_mode<synchronous>, transform_indices = @transform_2, window_bounds = array<i64: 128, 256>}, {pipeline_mode = #tpu.pipeline_mode<synchronous>, transform_indices = @transform_3, window_bounds = array<i64: 1, 128>}, {pipeline_mode = #tpu.pipeline_mode<synchronous>, transform_indices = @transform_4, window_bounds = array<i64: 128, 128>}, {transform_indices = @transform_5, window_bounds = array<i64: 2, 2000, 128>}, {transform_indices = @transform_6, window_bounds = array<i64: 2000, 128>}, {transform_indices = @transform_7, window_bounds = array<i64: 2000, 128>}, {transform_indices = @transform_8, window_bounds = array<i64: 2000, 128>}]} {
    %get3A = arith.constant 0 : index
    %get3A_0 = arith.constant 0 : index
    %get3A_1 = vector.load %arg1[%get3A, %get3A_0] : memref<2000x128xf32, #tpu.memory_space<vmem>>, vector<2000x128xf32>
    %get3A_2 = arith.constant 0 : index
    %get3A_3 = arith.constant 0 : index
    %get3A_4 = vector.load %arg3[%get3A_2, %get3A_3] : memref<128x256xf32, #tpu.memory_space<vmem>>, vector<128x128xf32>
    %dot_general3A = arith.constant dense<0.000000e+00> : vector<2000x128xf32>
    %dot_general3A_5 = tpu.matmul %get3A_1, %get3A_4, %dot_general3A {dimension_numbers = #tpu.dot_dimension_numbers<[1], [1], [0], [0], [0, 0, 1, 0], [], []>, transpose_lhs_hint = false} : vector<2000x128xf32>, vector<128x128xf32>, vector<2000x128xf32> -> vector<2000x128xf32>
    %get3A_6 = arith.constant 0 : index
    %get3A_7 = arith.constant 0 : index
    %get3A_8 = vector.load %arg2[%get3A_6, %get3A_7] : memref<2000x128xf32, #tpu.memory_space<vmem>>, vector<2000x128xf32>
    %get3A_9 = arith.constant 0 : index
    %get3A_10 = arith.constant 128 : index
    %get3A_11 = vector.load %arg3[%get3A_9, %get3A_10] : memref<128x256xf32, #tpu.memory_space<vmem>>, vector<128x128xf32>
    %dot_general3A_12 = arith.constant dense<0.000000e+00> : vector<2000x128xf32>
    %dot_general3A_13 = tpu.matmul %get3A_8, %get3A_11, %dot_general3A_12 {dimension_numbers = #tpu.dot_dimension_numbers<[1], [1], [0], [0], [0, 0, 1, 0], [], []>, transpose_lhs_hint = false} : vector<2000x128xf32>, vector<128x128xf32>, vector<2000x128xf32> -> vector<2000x128xf32>
    %add3A = arith.addf %dot_general3A_5, %dot_general3A_13 : vector<2000x128xf32>
    %get3A_14 = arith.constant 0 : index
    %get3A_15 = arith.constant 0 : index
    %get3A_16 = vector.load %arg4[%get3A_14, %get3A_15] : memref<1x128xf32, #tpu.memory_space<vmem>>, vector<1x128xf32>
    %add3A_17 = vector.broadcast %get3A_16 : vector<1x128xf32> to vector<2000x128xf32>
    %add3A_18 = arith.addf %add3A, %add3A_17 : vector<2000x128xf32>
    %get3A_19 = arith.constant 0 : index
    %get3A_20 = arith.constant 0 : index
    %get3A_21 = vector.load %arg5[%get3A_19, %get3A_20] : memref<128x128xf32, #tpu.memory_space<vmem>>, vector<128x128xf32>
    %dot_general3A_22 = arith.constant dense<0.000000e+00> : vector<2000x128xf32>
    %dot_general3A_23 = tpu.matmul %add3A_18, %get3A_21, %dot_general3A_22 {dimension_numbers = #tpu.dot_dimension_numbers<[1], [1], [0], [0], [0, 0, 1, 0], [], []>, transpose_lhs_hint = false} : vector<2000x128xf32>, vector<128x128xf32>, vector<2000x128xf32> -> vector<2000x128xf32>
    %get3A_24 = arith.constant 0 : index
    %get3A_25 = arith.constant 0 : index
    %get3A_26 = arith.constant 0 : index
    %get3A_27 = vector.load %arg6[%get3A_24, %get3A_25, %get3A_26] : memref<2x2000x128xf32, #tpu.memory_space<vmem>>, vector<1x2000x1xf32>
    %get3A_28 = vector.shape_cast %get3A_27 : vector<1x2000x1xf32> to vector<2000x1xf32>
    %add3A_29 = arith.constant 1.000000e+00 : f32
    %add3A_30 = vector.broadcast %add3A_29 : f32 to vector<2000x1xf32>
    %add3A_31 = arith.addf %add3A_30, %get3A_28 : vector<2000x1xf32>
    %get3A_32 = arith.constant 1 : index
    %get3A_33 = arith.constant 0 : index
    %get3A_34 = arith.constant 0 : index
    %get3A_35 = vector.load %arg6[%get3A_32, %get3A_33, %get3A_34] : memref<2x2000x128xf32, #tpu.memory_space<vmem>>, vector<1x2000x1xf32>
    %get3A_36 = vector.shape_cast %get3A_35 : vector<1x2000x1xf32> to vector<2000x1xf32>
    %add3A_37 = arith.addf %add3A_31, %get3A_36 : vector<2000x1xf32>
    %rsqrt3A = math.rsqrt %add3A_37 : vector<2000x1xf32>
    %swap3A = arith.constant 0 : index
    %swap3A_38 = arith.constant 0 : index
    %swap3A_39 = vector.load %arg7[%swap3A, %swap3A_38] : memref<2000x128xf32, #tpu.memory_space<vmem>>, vector<2000x128xf32>
    tpu.vector_store %arg7[%swap3A, %swap3A_38], %add3A_18 {strides = array<i32>} : memref<2000x128xf32, #tpu.memory_space<vmem>>, vector<2000x128xf32>,
    %swap3A_40 = arith.constant 0 : index
    %swap3A_41 = arith.constant 0 : index
    %swap3A_42 = vector.load %arg8[%swap3A_40, %swap3A_41] : memref<2000x128xf32, #tpu.memory_space<vmem>>, vector<2000x128xf32>
    tpu.vector_store %arg8[%swap3A_40, %swap3A_41], %dot_general3A_23 {strides = array<i32>} : memref<2000x128xf32, #tpu.memory_space<vmem>>, vector<2000x128xf32>,
    %mul3A = vector.broadcast %rsqrt3A : vector<2000x1xf32> to vector<2000x128xf32>
    %mul3A_43 = arith.mulf %mul3A, %dot_general3A_23 : vector<2000x128xf32>
    %swap3A_44 = arith.constant 0 : index
    %swap3A_45 = arith.constant 0 : index
    %swap3A_46 = vector.load %arg9[%swap3A_44, %swap3A_45] : memref<2000x128xf32, #tpu.memory_space<vmem>>, vector<2000x128xf32>
    tpu.vector_store %arg9[%swap3A_44, %swap3A_45], %mul3A_43 {strides = array<i32>} : memref<2000x128xf32, #tpu.memory_space<vmem>>, vector<2000x128xf32>,
    return
  }
  func.func @transform_0(%arg0: i32) -> (i32, i32) {
    %c0_i32 = arith.constant 0 : i32
    %c0_i32_0 = arith.constant 0 : i32
    return %arg0, %c0_i32 : i32, i32
  }
  func.func @transform_1(%arg0: i32) -> (i32, i32) {
    %c0_i32 = arith.constant 0 : i32
    %c0_i32_0 = arith.constant 0 : i32
    return %arg0, %c0_i32 : i32, i32
  }
  func.func @transform_2(%arg0: i32) -> (i32, i32) {
    %c0_i32 = arith.constant 0 : i32
    %c0_i32_0 = arith.constant 0 : i32
    %c0_i32_1 = arith.constant 0 : i32
    return %c0_i32, %c0_i32_0 : i32, i32
  }
  func.func @transform_3(%arg0: i32) -> (i32, i32) {
    %c0_i32 = arith.constant 0 : i32
    %c0_i32_0 = arith.constant 0 : i32
    %c0_i32_1 = arith.constant 0 : i32
    return %c0_i32, %c0_i32_0 : i32, i32
  }
  func.func @transform_4(%arg0: i32) -> (i32, i32) {
    %c0_i32 = arith.constant 0 : i32
    %c0_i32_0 = arith.constant 0 : i32
    %c0_i32_1 = arith.constant 0 : i32
    return %c0_i32, %c0_i32_0 : i32, i32
  }
  func.func @transform_5(%arg0: i32) -> (i32, i32, i32) {
    %c0_i32 = arith.constant 0 : i32
    %c0_i32_0 = arith.constant 0 : i32
    %c0_i32_1 = arith.constant 0 : i32
    return %c0_i32, %arg0, %c0_i32_0 : i32, i32, i32
  }
  func.func @transform_6(%arg0: i32) -> (i32, i32) {
    %c0_i32 = arith.constant 0 : i32
    %c0_i32_0 = arith.constant 0 : i32
    return %arg0, %c0_i32 : i32, i32
  }
  func.func @transform_7(%arg0: i32) -> (i32, i32) {
    %c0_i32 = arith.constant 0 : i32
    %c0_i32_0 = arith.constant 0 : i32
    return %arg0, %c0_i32 : i32, i32
  }
  func.func @transform_8(%arg0: i32) -> (i32, i32) {
    %c0_i32 = arith.constant 0 : i32
    %c0_i32_0 = arith.constant 0 : i32
    return %arg0, %c0_i32 : i32, i32
  }
}

module attributes {stable_mosaic.version = 14 : i64} {
  func.func @_layer_body(%arg0: i32, %arg1: memref<2000x128xf32, #tpu.memory_space<vmem>>, %arg2: memref<2000x128xf32, #tpu.memory_space<vmem>>, %arg3: memref<2x2000x128xf32, #tpu.memory_space<vmem>>, %arg4: memref<2x2000x128xf32, #tpu.memory_space<vmem>>, %arg5: memref<1x128xf32, #tpu.memory_space<vmem>>, %arg6: memref<1x128xf32, #tpu.memory_space<vmem>>, %arg7: memref<1x128xf32, #tpu.memory_space<vmem>>, %arg8: memref<128x128xf32, #tpu.memory_space<vmem>>, %arg9: memref<2000x128xf32, #tpu.memory_space<vmem>>, %arg10: memref<2000x128xf32, #tpu.memory_space<vmem>>, %arg11: memref<2000x128xf32, #tpu.memory_space<vmem>>) attributes {dimension_semantics = [#tpu.dimension_semantics<arbitrary>], iteration_bounds = array<i64: 5>, scalar_prefetch = 0 : i64, scratch_operands = 0 : i64, tpu.core_type = #tpu.core_type<tc>, window_params = [{transform_indices = @transform_0, window_bounds = array<i64: 2000, 128>}, {transform_indices = @transform_1, window_bounds = array<i64: 2000, 128>}, {transform_indices = @transform_2, window_bounds = array<i64: 2, 2000, 128>}, {transform_indices = @transform_3, window_bounds = array<i64: 2, 2000, 128>}, {pipeline_mode = #tpu.pipeline_mode<synchronous>, transform_indices = @transform_4, window_bounds = array<i64: 1, 128>}, {pipeline_mode = #tpu.pipeline_mode<synchronous>, transform_indices = @transform_5, window_bounds = array<i64: 1, 128>}, {pipeline_mode = #tpu.pipeline_mode<synchronous>, transform_indices = @transform_6, window_bounds = array<i64: 1, 128>}, {pipeline_mode = #tpu.pipeline_mode<synchronous>, transform_indices = @transform_7, window_bounds = array<i64: 128, 128>}, {transform_indices = @transform_8, window_bounds = array<i64: 2000, 128>}, {transform_indices = @transform_9, window_bounds = array<i64: 2000, 128>}, {transform_indices = @transform_10, window_bounds = array<i64: 2000, 128>}]} {
    %get3A = arith.constant 0 : index
    %get3A_0 = arith.constant 0 : index
    %get3A_1 = arith.constant 0 : index
    %get3A_2 = vector.load %arg4[%get3A, %get3A_0, %get3A_1] : memref<2x2000x128xf32, #tpu.memory_space<vmem>>, vector<1x2000x1xf32>
    %get3A_3 = vector.shape_cast %get3A_2 : vector<1x2000x1xf32> to vector<2000x1xf32>
    %add3A = arith.constant 1.000000e+00 : f32
    %add3A_4 = vector.broadcast %add3A : f32 to vector<2000x1xf32>
    %add3A_5 = arith.addf %add3A_4, %get3A_3 : vector<2000x1xf32>
    %get3A_6 = arith.constant 1 : index
    %get3A_7 = arith.constant 0 : index
    %get3A_8 = arith.constant 0 : index
    %get3A_9 = vector.load %arg4[%get3A_6, %get3A_7, %get3A_8] : memref<2x2000x128xf32, #tpu.memory_space<vmem>>, vector<1x2000x1xf32>
    %get3A_10 = vector.shape_cast %get3A_9 : vector<1x2000x1xf32> to vector<2000x1xf32>
    %add3A_11 = arith.addf %add3A_5, %get3A_10 : vector<2000x1xf32>
    %rsqrt3A = math.rsqrt %add3A_11 : vector<2000x1xf32>
    %get3A_12 = arith.constant 0 : index
    %get3A_13 = arith.constant 0 : index
    %get3A_14 = arith.constant 0 : index
    %get3A_15 = vector.load %arg3[%get3A_12, %get3A_13, %get3A_14] : memref<2x2000x128xf32, #tpu.memory_space<vmem>>, vector<1x2000x128xf32>
    %get3A_16 = vector.shape_cast %get3A_15 : vector<1x2000x128xf32> to vector<2000x128xf32>
    %get3A_17 = arith.constant 1 : index
    %get3A_18 = arith.constant 0 : index
    %get3A_19 = arith.constant 0 : index
    %get3A_20 = vector.load %arg3[%get3A_17, %get3A_18, %get3A_19] : memref<2x2000x128xf32, #tpu.memory_space<vmem>>, vector<1x2000x128xf32>
    %get3A_21 = vector.shape_cast %get3A_20 : vector<1x2000x128xf32> to vector<2000x128xf32>
    %add3A_22 = arith.addf %get3A_16, %get3A_21 : vector<2000x128xf32>
    %mul3A = vector.broadcast %rsqrt3A : vector<2000x1xf32> to vector<2000x128xf32>
    %mul3A_23 = arith.mulf %mul3A, %add3A_22 : vector<2000x128xf32>
    %mul3A_24 = arith.mulf %rsqrt3A, %rsqrt3A : vector<2000x1xf32>
    %get3A_25 = arith.constant 0 : index
    %get3A_26 = arith.constant 0 : index
    %get3A_27 = vector.load %arg2[%get3A_25, %get3A_26] : memref<2000x128xf32, #tpu.memory_space<vmem>>, vector<2000x128xf32>
    %mul3A_28 = vector.broadcast %mul3A_24 : vector<2000x1xf32> to vector<2000x128xf32>
    %mul3A_29 = arith.mulf %mul3A_28, %get3A_27 : vector<2000x128xf32>
    %add3A_30 = arith.addf %mul3A_23, %mul3A_29 : vector<2000x128xf32>
    %get3A_31 = arith.constant 0 : index
    %get3A_32 = arith.constant 0 : index
    %get3A_33 = vector.load %arg5[%get3A_31, %get3A_32] : memref<1x128xf32, #tpu.memory_space<vmem>>, vector<1x128xf32>
    %add3A_34 = vector.broadcast %get3A_33 : vector<1x128xf32> to vector<2000x128xf32>
    %add3A_35 = arith.addf %add3A_30, %add3A_34 : vector<2000x128xf32>
    %get3A_36 = arith.constant 0 : index
    %get3A_37 = arith.constant 0 : index
    %get3A_38 = vector.load %arg6[%get3A_36, %get3A_37] : memref<1x128xf32, #tpu.memory_space<vmem>>, vector<1x128xf32>
    %mul3A_39 = arith.constant 0.999994993 : f32
    %mul3A_40 = vector.broadcast %mul3A_39 : f32 to vector<1x128xf32>
    %mul3A_41 = arith.mulf %get3A_38, %mul3A_40 : vector<1x128xf32>
    %mul3A_42 = vector.broadcast %mul3A_41 : vector<1x128xf32> to vector<2000x128xf32>
    %mul3A_43 = arith.mulf %add3A_35, %mul3A_42 : vector<2000x128xf32>
    %get3A_44 = arith.constant 0 : index
    %get3A_45 = arith.constant 0 : index
    %get3A_46 = vector.load %arg7[%get3A_44, %get3A_45] : memref<1x128xf32, #tpu.memory_space<vmem>>, vector<1x128xf32>
    %add3A_47 = vector.broadcast %get3A_46 : vector<1x128xf32> to vector<2000x128xf32>
    %add3A_48 = arith.addf %mul3A_43, %add3A_47 : vector<2000x128xf32>
    %get3A_49 = arith.constant 0 : index
    %get3A_50 = arith.constant 0 : index
    %get3A_51 = vector.load %arg1[%get3A_49, %get3A_50] : memref<2000x128xf32, #tpu.memory_space<vmem>>, vector<2000x128xf32>
    %max3A = arith.constant 0.000000e+00 : f32
    %max3A_52 = vector.broadcast %max3A : f32 to vector<2000x128xf32>
    %max3A_53 = arith.maximumf %add3A_48, %max3A_52 : vector<2000x128xf32>
    %add3A_54 = arith.addf %get3A_51, %max3A_53 : vector<2000x128xf32>
    %swap3A = arith.constant 0 : index
    %swap3A_55 = arith.constant 0 : index
    %swap3A_56 = vector.load %arg9[%swap3A, %swap3A_55] : memref<2000x128xf32, #tpu.memory_space<vmem>>, vector<2000x128xf32>
    tpu.vector_store %arg9[%swap3A, %swap3A_55], %add3A_54 {strides = array<i32>} : memref<2000x128xf32, #tpu.memory_space<vmem>>, vector<2000x128xf32>,
    %get3A_57 = arith.constant 0 : index
    %get3A_58 = arith.constant 0 : index
    %get3A_59 = vector.load %arg8[%get3A_57, %get3A_58] : memref<128x128xf32, #tpu.memory_space<vmem>>, vector<128x128xf32>
    %dot_general3A = arith.constant dense<0.000000e+00> : vector<2000x128xf32>
    %dot_general3A_60 = tpu.matmul %add3A_54, %get3A_59, %dot_general3A {dimension_numbers = #tpu.dot_dimension_numbers<[1], [1], [0], [0], [0, 0, 1, 0], [], []>, transpose_lhs_hint = false} : vector<2000x128xf32>, vector<128x128xf32>, vector<2000x128xf32> -> vector<2000x128xf32>
    %swap3A_61 = arith.constant 0 : index
    %swap3A_62 = arith.constant 0 : index
    %swap3A_63 = vector.load %arg10[%swap3A_61, %swap3A_62] : memref<2000x128xf32, #tpu.memory_space<vmem>>, vector<2000x128xf32>
    tpu.vector_store %arg10[%swap3A_61, %swap3A_62], %dot_general3A_60 {strides = array<i32>} : memref<2000x128xf32, #tpu.memory_space<vmem>>, vector<2000x128xf32>,
    %mul3A_64 = vector.broadcast %rsqrt3A : vector<2000x1xf32> to vector<2000x128xf32>
    %mul3A_65 = arith.mulf %mul3A_64, %dot_general3A_60 : vector<2000x128xf32>
    %swap3A_66 = arith.constant 0 : index
    %swap3A_67 = arith.constant 0 : index
    %swap3A_68 = vector.load %arg11[%swap3A_66, %swap3A_67] : memref<2000x128xf32, #tpu.memory_space<vmem>>, vector<2000x128xf32>
    tpu.vector_store %arg11[%swap3A_66, %swap3A_67], %mul3A_65 {strides = array<i32>} : memref<2000x128xf32, #tpu.memory_space<vmem>>, vector<2000x128xf32>,
    return
  }
  func.func @transform_0(%arg0: i32) -> (i32, i32) {
    %c0_i32 = arith.constant 0 : i32
    %c0_i32_0 = arith.constant 0 : i32
    return %arg0, %c0_i32 : i32, i32
  }
  func.func @transform_1(%arg0: i32) -> (i32, i32) {
    %c0_i32 = arith.constant 0 : i32
    %c0_i32_0 = arith.constant 0 : i32
    return %arg0, %c0_i32 : i32, i32
  }
  func.func @transform_2(%arg0: i32) -> (i32, i32, i32) {
    %c0_i32 = arith.constant 0 : i32
    %c0_i32_0 = arith.constant 0 : i32
    %c0_i32_1 = arith.constant 0 : i32
    return %c0_i32, %arg0, %c0_i32_0 : i32, i32, i32
  }
  func.func @transform_3(%arg0: i32) -> (i32, i32, i32) {
    %c0_i32 = arith.constant 0 : i32
    %c0_i32_0 = arith.constant 0 : i32
    %c0_i32_1 = arith.constant 0 : i32
    return %c0_i32, %arg0, %c0_i32_0 : i32, i32, i32
  }
  func.func @transform_4(%arg0: i32) -> (i32, i32) {
    %c0_i32 = arith.constant 0 : i32
    %c0_i32_0 = arith.constant 0 : i32
    %c0_i32_1 = arith.constant 0 : i32
    return %c0_i32, %c0_i32_0 : i32, i32
  }
  func.func @transform_5(%arg0: i32) -> (i32, i32) {
    %c0_i32 = arith.constant 0 : i32
    %c0_i32_0 = arith.constant 0 : i32
    %c0_i32_1 = arith.constant 0 : i32
    return %c0_i32, %c0_i32_0 : i32, i32
  }
  func.func @transform_6(%arg0: i32) -> (i32, i32) {
    %c0_i32 = arith.constant 0 : i32
    %c0_i32_0 = arith.constant 0 : i32
    %c0_i32_1 = arith.constant 0 : i32
    return %c0_i32, %c0_i32_0 : i32, i32
  }
  func.func @transform_7(%arg0: i32) -> (i32, i32) {
    %c0_i32 = arith.constant 0 : i32
    %c0_i32_0 = arith.constant 0 : i32
    %c0_i32_1 = arith.constant 0 : i32
    return %c0_i32, %c0_i32_0 : i32, i32
  }
  func.func @transform_8(%arg0: i32) -> (i32, i32) {
    %c0_i32 = arith.constant 0 : i32
    %c0_i32_0 = arith.constant 0 : i32
    return %arg0, %c0_i32 : i32, i32
  }
  func.func @transform_9(%arg0: i32) -> (i32, i32) {
    %c0_i32 = arith.constant 0 : i32
    %c0_i32_0 = arith.constant 0 : i32
    return %arg0, %c0_i32 : i32, i32
  }
  func.func @transform_10(%arg0: i32) -> (i32, i32) {
    %c0_i32 = arith.constant 0 : i32
    %c0_i32_0 = arith.constant 0 : i32
    return %arg0, %c0_i32 : i32, i32
  }
}

module attributes {stable_mosaic.version = 14 : i64} {
  func.func @_final_body(%arg0: i32, %arg1: memref<2000x128xf32, #tpu.memory_space<vmem>>, %arg2: memref<2000x128xf32, #tpu.memory_space<vmem>>, %arg3: memref<2x2000x128xf32, #tpu.memory_space<vmem>>, %arg4: memref<2x2000x128xf32, #tpu.memory_space<vmem>>, %arg5: memref<1x128xf32, #tpu.memory_space<vmem>>, %arg6: memref<1x128xf32, #tpu.memory_space<vmem>>, %arg7: memref<1x128xf32, #tpu.memory_space<vmem>>, %arg8: memref<2000x128xf32, #tpu.memory_space<vmem>>) attributes {dimension_semantics = [#tpu.dimension_semantics<arbitrary>], iteration_bounds = array<i64: 5>, scalar_prefetch = 0 : i64, scratch_operands = 0 : i64, tpu.core_type = #tpu.core_type<tc>, window_params = [{transform_indices = @transform_0, window_bounds = array<i64: 2000, 128>}, {transform_indices = @transform_1, window_bounds = array<i64: 2000, 128>}, {transform_indices = @transform_2, window_bounds = array<i64: 2, 2000, 128>}, {transform_indices = @transform_3, window_bounds = array<i64: 2, 2000, 128>}, {pipeline_mode = #tpu.pipeline_mode<synchronous>, transform_indices = @transform_4, window_bounds = array<i64: 1, 128>}, {pipeline_mode = #tpu.pipeline_mode<synchronous>, transform_indices = @transform_5, window_bounds = array<i64: 1, 128>}, {pipeline_mode = #tpu.pipeline_mode<synchronous>, transform_indices = @transform_6, window_bounds = array<i64: 1, 128>}, {transform_indices = @transform_7, window_bounds = array<i64: 2000, 128>}]} {
    %get3A = arith.constant 0 : index
    %get3A_0 = arith.constant 0 : index
    %get3A_1 = arith.constant 0 : index
    %get3A_2 = vector.load %arg4[%get3A, %get3A_0, %get3A_1] : memref<2x2000x128xf32, #tpu.memory_space<vmem>>, vector<1x2000x1xf32>
    %get3A_3 = vector.shape_cast %get3A_2 : vector<1x2000x1xf32> to vector<2000x1xf32>
    %add3A = arith.constant 1.000000e+00 : f32
    %add3A_4 = vector.broadcast %add3A : f32 to vector<2000x1xf32>
    %add3A_5 = arith.addf %add3A_4, %get3A_3 : vector<2000x1xf32>
    %get3A_6 = arith.constant 1 : index
    %get3A_7 = arith.constant 0 : index
    %get3A_8 = arith.constant 0 : index
    %get3A_9 = vector.load %arg4[%get3A_6, %get3A_7, %get3A_8] : memref<2x2000x128xf32, #tpu.memory_space<vmem>>, vector<1x2000x1xf32>
    %get3A_10 = vector.shape_cast %get3A_9 : vector<1x2000x1xf32> to vector<2000x1xf32>
    %add3A_11 = arith.addf %add3A_5, %get3A_10 : vector<2000x1xf32>
    %rsqrt3A = math.rsqrt %add3A_11 : vector<2000x1xf32>
    %get3A_12 = arith.constant 0 : index
    %get3A_13 = arith.constant 0 : index
    %get3A_14 = arith.constant 0 : index
    %get3A_15 = vector.load %arg3[%get3A_12, %get3A_13, %get3A_14] : memref<2x2000x128xf32, #tpu.memory_space<vmem>>, vector<1x2000x128xf32>
    %get3A_16 = vector.shape_cast %get3A_15 : vector<1x2000x128xf32> to vector<2000x128xf32>
    %get3A_17 = arith.constant 1 : index
    %get3A_18 = arith.constant 0 : index
    %get3A_19 = arith.constant 0 : index
    %get3A_20 = vector.load %arg3[%get3A_17, %get3A_18, %get3A_19] : memref<2x2000x128xf32, #tpu.memory_space<vmem>>, vector<1x2000x128xf32>
    %get3A_21 = vector.shape_cast %get3A_20 : vector<1x2000x128xf32> to vector<2000x128xf32>
    %add3A_22 = arith.addf %get3A_16, %get3A_21 : vector<2000x128xf32>
    %mul3A = vector.broadcast %rsqrt3A : vector<2000x1xf32> to vector<2000x128xf32>
    %mul3A_23 = arith.mulf %mul3A, %add3A_22 : vector<2000x128xf32>
    %mul3A_24 = arith.mulf %rsqrt3A, %rsqrt3A : vector<2000x1xf32>
    %get3A_25 = arith.constant 0 : index
    %get3A_26 = arith.constant 0 : index
    %get3A_27 = vector.load %arg2[%get3A_25, %get3A_26] : memref<2000x128xf32, #tpu.memory_space<vmem>>, vector<2000x128xf32>
    %mul3A_28 = vector.broadcast %mul3A_24 : vector<2000x1xf32> to vector<2000x128xf32>
    %mul3A_29 = arith.mulf %mul3A_28, %get3A_27 : vector<2000x128xf32>
    %add3A_30 = arith.addf %mul3A_23, %mul3A_29 : vector<2000x128xf32>
    %get3A_31 = arith.constant 0 : index
    %get3A_32 = arith.constant 0 : index
    %get3A_33 = vector.load %arg5[%get3A_31, %get3A_32] : memref<1x128xf32, #tpu.memory_space<vmem>>, vector<1x128xf32>
    %add3A_34 = vector.broadcast %get3A_33 : vector<1x128xf32> to vector<2000x128xf32>
    %add3A_35 = arith.addf %add3A_30, %add3A_34 : vector<2000x128xf32>
    %get3A_36 = arith.constant 0 : index
    %get3A_37 = arith.constant 0 : index
    %get3A_38 = vector.load %arg6[%get3A_36, %get3A_37] : memref<1x128xf32, #tpu.memory_space<vmem>>, vector<1x128xf32>
    %mul3A_39 = arith.constant 0.999994993 : f32
    %mul3A_40 = vector.broadcast %mul3A_39 : f32 to vector<1x128xf32>
    %mul3A_41 = arith.mulf %get3A_38, %mul3A_40 : vector<1x128xf32>
    %mul3A_42 = vector.broadcast %mul3A_41 : vector<1x128xf32> to vector<2000x128xf32>
    %mul3A_43 = arith.mulf %add3A_35, %mul3A_42 : vector<2000x128xf32>
    %get3A_44 = arith.constant 0 : index
    %get3A_45 = arith.constant 0 : index
    %get3A_46 = vector.load %arg7[%get3A_44, %get3A_45] : memref<1x128xf32, #tpu.memory_space<vmem>>, vector<1x128xf32>
    %add3A_47 = vector.broadcast %get3A_46 : vector<1x128xf32> to vector<2000x128xf32>
    %add3A_48 = arith.addf %mul3A_43, %add3A_47 : vector<2000x128xf32>
    %get3A_49 = arith.constant 0 : index
    %get3A_50 = arith.constant 0 : index
    %get3A_51 = vector.load %arg1[%get3A_49, %get3A_50] : memref<2000x128xf32, #tpu.memory_space<vmem>>, vector<2000x128xf32>
    %max3A = arith.constant 0.000000e+00 : f32
    %max3A_52 = vector.broadcast %max3A : f32 to vector<2000x128xf32>
    %max3A_53 = arith.maximumf %add3A_48, %max3A_52 : vector<2000x128xf32>
    %add3A_54 = arith.addf %get3A_51, %max3A_53 : vector<2000x128xf32>
    %swap3A = arith.constant 0 : index
    %swap3A_55 = arith.constant 0 : index
    %swap3A_56 = vector.load %arg8[%swap3A, %swap3A_55] : memref<2000x128xf32, #tpu.memory_space<vmem>>, vector<2000x128xf32>
    tpu.vector_store %arg8[%swap3A, %swap3A_55], %add3A_54 {strides = array<i32>} : memref<2000x128xf32, #tpu.memory_space<vmem>>, vector<2000x128xf32>,
    return
  }
  func.func @transform_0(%arg0: i32) -> (i32, i32) {
    %c0_i32 = arith.constant 0 : i32
    %c0_i32_0 = arith.constant 0 : i32
    return %arg0, %c0_i32 : i32, i32
  }
  func.func @transform_1(%arg0: i32) -> (i32, i32) {
    %c0_i32 = arith.constant 0 : i32
    %c0_i32_0 = arith.constant 0 : i32
    return %arg0, %c0_i32 : i32, i32
  }
  func.func @transform_2(%arg0: i32) -> (i32, i32, i32) {
    %c0_i32 = arith.constant 0 : i32
    %c0_i32_0 = arith.constant 0 : i32
    %c0_i32_1 = arith.constant 0 : i32
    return %c0_i32, %arg0, %c0_i32_0 : i32, i32, i32
  }
  func.func @transform_3(%arg0: i32) -> (i32, i32, i32) {
    %c0_i32 = arith.constant 0 : i32
    %c0_i32_0 = arith.constant 0 : i32
    %c0_i32_1 = arith.constant 0 : i32
    return %c0_i32, %arg0, %c0_i32_0 : i32, i32, i32
  }
  func.func @transform_4(%arg0: i32) -> (i32, i32) {
    %c0_i32 = arith.constant 0 : i32
    %c0_i32_0 = arith.constant 0 : i32
    %c0_i32_1 = arith.constant 0 : i32
    return %c0_i32, %c0_i32_0 : i32, i32
  }
  func.func @transform_5(%arg0: i32) -> (i32, i32) {
    %c0_i32 = arith.constant 0 : i32
    %c0_i32_0 = arith.constant 0 : i32
    %c0_i32_1 = arith.constant 0 : i32
    return %c0_i32, %c0_i32_0 : i32, i32
  }
  func.func @transform_6(%arg0: i32) -> (i32, i32) {
    %c0_i32 = arith.constant 0 : i32
    %c0_i32_0 = arith.constant 0 : i32
    %c0_i32_1 = arith.constant 0 : i32
    return %c0_i32, %c0_i32_0 : i32, i32
  }
  func.func @transform_7(%arg0: i32) -> (i32, i32) {
    %c0_i32 = arith.constant 0 : i32
    %c0_i32_0 = arith.constant 0 : i32
    return %arg0, %c0_i32 : i32, i32
  }
}

</mosaic_0001>

<sc_bundles>
// kernel: kernel.11.cloned.1.call-start
scs
__scs_entry_jumppad:
0x0: {  	(pc) =	sbr.rel $0x88, $3  }
0x1: {  	(tag) =	ssettag $0x0;
	lr =	simm.s32 $0x1  }
0x2: {  	[smem:$0x3F94] =	sst lr;
	_ =	strace $0xD0000000  }
0x3: {  	_ = 	snop  }
0x4: {  	_ = 	snop  }
0x5: {  	_ = 	snop  }
0x6: {  	_ = 	snop  }
0x7: {  	_ = 	snop  }
__scs_overlays_trampoline_lowered:
0x8: {  	[smem:$0x3FA3] =	sst s0  }
0x9: {  	[smem:$0x3FA4] =	sst s1  }
0xa: {  	[smem:$0x3FA5] =	sst s2  }
0xb: {  	[smem:$0x3FA6] =	sst s3  }
0xc: {  	[smem:$0x3FA7] =	sst s4  }
0xd: {  	[smem:$0x3FA8] =	sst s5  }
0xe: {  	[smem:$0x3FA9] =	sst s6  }
0xf: {  	[smem:$0x3FAA] =	sst s7  }
0x10: {  	[smem:$0x3FAB] =	sst s8  }
0x11: {  	[smem:$0x3FAC] =	sst s9;
	s0 =	simm.s32 @!p0 $0x0  }
0x12: {  	s1 =	sld [smem:$0x3F92];
	s0 =	simm.s32 @p0 $0x1  }
0x13: {  	[smem:$0x3FAD] =	sst s0;
	s0 =	simm.s32 @!p1 $0x0  }
0x14: {  	s2 =	sld [smem:$0x3F91];
	s0 =	simm.s32 @p1 $0x1  }
0x15: {  	[smem:$0x3FAE] =	sst s0;
	s0 =	simm.s32 @!p2 $0x0  }
0x16: {  	s3 =	sld [smem:$0x3FDB];
	s0 =	simm.s32 @p2 $0x1  }
0x17: {  	s4 =	simm.s32 $0x1BF5;
	[smem:$0x3FB0] =	sst s0  }
0x18: {  	s0 =	sld [smem:$0x3F93];
	_ =	swait.ge [sflag:s4], $0x0  }
0x19: {  	s7 =	sld [smem:$0x3F94]  }
0x1a: {  	s8 =	sadd.s32 $0xFFFFE003, lr  }
0x1b: {  	s9 =	sadd.s32 $0xFFFFFEF7, lr;
	s5 =	simm.s32 $0xFFFFFFFF;
	p2 =	slt.u32 s8, $0xFFFFF086  }
0x1c: {  	p1 =	slt.u32 s9, $0xF7A;
	s5 =	simm.s32 @!p2 $0x0  }
0x1d: {  	s5 =	simm.s32 @p1 $0x1;
	p0 =	seq.s32 s7, s2  }
0x1e: {  	s7 =	smul.u32 @!p0 $0xF7A, s2;
	p2 =	seq.s32 @!p0 s5, $0x0  }
0x1f: {  	s9 =	smul.u32 $0xF7A, s1;
	s8 =	simm.s32 @!p0 $0x1BF5;
	p2 =	por !p2, p0  }
0x20: {  	[sflag:s8] =	ssyncset.s32 @!p0 $0xFFFFF086;
	s6 =	sadd.s32 @!p0 s3, s7;
	s7 =	simm.s32 @!p0 $0x108  }
0x21: {  	s3 =	sadd.s32 s3, s9;
	s6 =	sadd.s32 @!p0 $0x88, s6;
	s7 =	simm.s32 @p2 $0x1082  }
0x22: {  	[simem:s7], [sflag:s8] =	dma.local @!p0 [hbm:s6], $0xF7A  }
0x23: {  	s9 =	sor.u32 $0xD0000000, s2;
	s6 =	simm.s32 $0x108;
	_ =	swait.ge @!p0 [sflag:s8], $0x0  }
0x24: {  	s3 =	sadd.s32 $0x88, s3;
	s6 =	simm.s32 @!p1 $0x1082;
	[sflag:s4] =	ssyncset.s32 $0xFFFFF086  }
0x25: {  	[simem:s6], [sflag:s4] =	dma.local [hbm:s3], $0xF7A  }
0x26: {  	[smem:$0x3F94] =	sst s1;
	(tag) =	ssettag s2;
	_ =	strace s9  }
0x27: {  	s1 =	sld [smem:$0x3FA4]  }
0x28: {  	s2 =	sld [smem:$0x3FA5]  }
0x29: {  	s4 =	sld [smem:$0x3FA7]  }
0x2a: {  	p0 =	seq.s32 s5, $0x0;
	s5 =	sld [smem:$0x3FA8]  }
0x2b: {  	s6 =	sld [smem:$0x3FA9]  }
0x2c: {  	s7 =	sld [smem:$0x3FAA]  }
0x2d: {  	s3 =	simm.s32 $0x108;
	s8 =	sld [smem:$0x3FAB]  }
0x2e: {  	s3 =	simm.s32 @!p0 $0x1082;
	s9 =	sld [smem:$0x3FAC]  }
0x2f: {  	lr =	sadd.s32 s0, s3;
	s0 =	sld [smem:$0x3FA3]  }
0x30: {  	s3 =	sld [smem:$0x3FA6]  }
0x31: {  	[smem:$0x3FAF] =	sst s10  }
0x32: {  	s10 =	sld [smem:$0x3FAD];
	_ =	sdelay $0x3  }
0x33: {  	p0 =	seq.s32 s10, $0x1;
	s10 =	sld [smem:$0x3FAF];
	_ =	sdelay $0x3  }
0x34: {  	[smem:$0x3FAF] =	sst s10  }
0x35: {  	s10 =	sld [smem:$0x3FAE];
	_ =	sdelay $0x3  }
0x36: {  	p1 =	seq.s32 s10, $0x1;
	s10 =	sld [smem:$0x3FAF];
	_ =	sdelay $0x3  }
0x37: {  	[smem:$0x3FAF] =	sst s10  }
0x38: {  	s10 =	sld [smem:$0x3FB0]  }
0x39: {  	_ = 	snop;
	(pc) =	sbr.ind lr, $3  }
0x3a: {  	_ = 	snop  }
0x3b: {  	_ = 	snop  }
0x3c: {  	p2 =	seq.s32 s10, $0x1;
	s10 =	sld [smem:$0x3FAF]  }
0x3d: {  	_ =	shalt  }
0x3e: {  	_ =	shalt  }
0x3f: {  	_ =	shalt  }
0x40: {  	_ =	shalt  }
0x41: {  	_ =	shalt  }
0x42: {  	_ =	shalt  }
0x43: {  	_ =	shalt  }
0x44: {  	_ =	shalt  }
0x45: {  	_ =	shalt  }
0x46: {  	_ =	shalt  }
0x47: {  	_ =	shalt  }
0x48: {  	_ =	shalt  }
0x49: {  	_ =	shalt  }
0x4a: {  	_ =	shalt  }
0x4b: {  	_ =	shalt  }
0x4c: {  	_ =	shalt  }
0x4d: {  	_ =	shalt  }
0x4e: {  	_ =	shalt  }
0x4f: {  	_ =	shalt  }
0x50: {  	_ =	shalt  }
0x51: {  	_ =	shalt  }
0x52: {  	_ =	shalt  }
0x53: {  	_ =	shalt  }
0x54: {  	_ =	shalt  }
0x55: {  	_ =	shalt  }
0x56: {  	_ =	shalt  }
0x57: {  	_ =	shalt  }
0x58: {  	_ =	shalt  }
0x59: {  	_ =	shalt  }
0x5a: {  	_ =	shalt  }
0x5b: {  	_ =	shalt  }
0x5c: {  	_ =	shalt  }
0x5d: {  	_ =	shalt  }
0x5e: {  	_ =	shalt  }
0x5f: {  	_ =	shalt  }
0x60: {  	_ =	shalt  }
0x61: {  	_ =	shalt  }
0x62: {  	_ =	shalt  }
0x63: {  	_ =	shalt  }
0x64: {  	_ =	shalt  }
0x65: {  	_ =	shalt  }
0x66: {  	_ =	shalt  }
0x67: {  	_ =	shalt  }
0x68: {  	_ =	shalt  }
0x69: {  	_ =	shalt  }
0x6a: {  	_ =	shalt  }
0x6b: {  	_ =	shalt  }
0x6c: {  	_ =	shalt  }
0x6d: {  	_ =	shalt  }
0x6e: {  	_ =	shalt  }
0x6f: {  	_ =	shalt  }
0x70: {  	_ =	shalt  }
0x71: {  	_ =	shalt  }
0x72: {  	_ =	shalt  }
0x73: {  	_ =	shalt  }
0x74: {  	_ =	shalt  }
0x75: {  	_ =	shalt  }
0x76: {  	_ =	shalt  }
0x77: {  	_ =	shalt  }
0x78: {  	_ =	shalt  }
0x79: {  	_ =	shalt  }
0x7a: {  	_ =	shalt  }
0x7b: {  	_ =	shalt  }
0x7c: {  	_ =	shalt  }
0x7d: {  	_ =	shalt  }
0x7e: {  	_ =	shalt  }
0x7f: {  	_ =	shalt  }
0x80: {  	_ =	shalt  }
0x81: {  	_ =	shalt  }
0x82: {  	_ =	shalt  }
0x83: {  	_ =	shalt  }
0x84: {  	_ =	shalt  }
0x85: {  	_ =	shalt  }
0x86: {  	_ =	shalt  }
0x87: {  	_ =	shalt  }
.Lfunc_end0:
.L_simem_size_0:
called_computation.1_lowered:
.L_overlay_start_0:
0x88: {  	s2 =	sld [smem:$0x3FD9]  }
0x89: {  	s3 =	sld [smem:$0x3FFE];
	_ =	sdelay $0x1  }
0x8a: {  	s1 =	srdreg.scid  }
0x8b: {  	s0 =	sand.u32 $0x1, s1  }
0x8c: {  	s16 =	sshll.u32 s0, $0xA;
	s2 =	sadd.s32 s3, s2  }
0x8d: {  	s2 =	sadd.s32 s2, s16  }
0x8e: {  	[smem:$0x3FBB] =	sst s2  }
0x8f: {  	_ = 	snop  }
0x90: {  	(tm) =	ssettm $0x1  }
0x91: {  	s17 =	sld [smem:$0x3FFB];
	_ =	sdelay $0x3  }
0x92: {  	_ =	strace s17  }
0x93: {  	s2 =	sld [smem:$0x3FFC];
	_ =	sdelay $0x3  }
0x94: {  	_ =	strace s2  }
0x95: {  	s2 =	sld [smem:$0x3FFD];
	_ =	sdelay $0x3  }
0x96: {  	_ =	strace s2  }
0x97: {  	_ =	strace $0x8FFFFFFF  }
0x98: {  	s18 =	sld [smem:$0x3FDB];
	_ =	sdelay $0x1  }
0x99: {  	s19 =	simm.s32 $_scs_section_size  }
0x9a: {  	s4 =	simm.s32 $_size__tile_overlayer_lowered;
	s5 =	simm.s32 $_tile_overlayer_lowered  }
0x9b: {  	s22 =	simm.s32 $0x1BFF;
	s21 =	sshll.u32 s5, $0x1;
	s2 =	sadd.s32 s19, s18  }
0x9c: {  	s6 =	simm.s32 $0x0;
	s20 =	sshll.u32 s4, $0x1;
	s4 =	sadd.s32 s21, s2  }
0x9d: {  	[timem:s6], [sflag:s22] =	dma.local [hbm:s4], s20  }
0x9e: {  	_ =	swait.ge [sflag:s22], s20  }
0x9f: {  	s3 =	ssub.s32 $0x0, s20;
	[sflag:s22] =	ssyncset.done $0x0  }
0xa0: {  	[sflag:s22] =	ssyncadd.s32 s3;
	_ =	sdelay $0x1  }
0xa1: {  	s23 =	simm.s32 $0x1B8B  }
0xa2: {  	_ =	swait.ge [sflag:s23], $0x1  }
0xa3: {  	[sflag:s23] =	ssyncset.done $0x0  }
0xa4: {  	s25 =	simm.s32 $0x1B8E;
	s24 =	sld [smem:$0x3FFE];
	[sflag:s23] =	ssyncadd.s32 $0xFFFFFFFF  }
0xa5: {  	s26 =	simm.s32 $execute0_lowered;
	[smem:$0x3FD2] =	sst s25  }
0xa6: {  	s4 =	sshll.u32 s26, $0x1;
	_ =	strace $0x80000049;
	[dreg:$0x1] =	wrdreg $0xFFFFFFFF  }
0xa7: {  	s28 =	simm.s32 $_size_execute0_lowered;
	s2 =	sadd.s32 s2, s4;
	[dreg:$0x0] =	wrdreg $0x0  }
0xa8: {  	s4 =	sshll.u32 s28, $0x1;
	[dreg:$0x2] =	wrdreg s2  }
0xa9: {  	[dreg:$0x3] =	wrdreg s4  }
0xaa: {  	[dreg:$0x4] =	wrdreg $0xC0  }
0xab: {  	_ =	task [dreg:s6], $0x5FFFF  }
0xac: {  	[dreg:$0x1] =	wrdreg $0xFFFFFFFF  }
0xad: {  	[dreg:$0x0] =	wrdreg $0x60  }
0xae: {  	[dreg:$0x2] =	wrdreg s24  }
0xaf: {  	[dreg:$0x3] =	wrdreg $0x0  }
0xb0: {  	[dreg:$0x4] =	wrdreg $0x9  }
0xb1: {  	_ =	task.clear_ibuf [dreg:s6], $0x5FFFF;
	_ =	strace $0x90000049  }
0xb2: {  	s29 =	simm.s32 $0x9;
	_ =	strace $0x8000004B  }
0xb3: {  	_ =	swait.ge [sflag:s29], $0x1  }
0xb4: {  	[sflag:s29] =	ssyncadd.s32 $0xFFFFFFFF  }
0xb5: {  	_ =	strace $0x9000004B  }
0xb6: {  	_ =	sfence  }
0xb7: {  	s30 =	sld [smem:$0x0];
	_ =	sdelay $0x2  }
0xb8: {  	s31 =	sshll.u32 s1, $0xD;
	s1 =	sshrl.u32 s1, $0x2  }
0xb9: {  	s3 =	sand.u32 $0x4000, s31;
	s1 =	sadd.s32 s1, s30  }
0xba: {  	s0 =	sor.u32 s3, s0;
	s1 =	sshll.u32 s1, $0x11  }
0xbb: {  	s0 =	sor.u32 s1, s0  }
0xbc: {  	s0 =	sadd.s32 $0x8F2B, s0  }
0xbd: {  	[sflag:s0] =	ssyncadd.remote.s32 $0x1  }
0xbe: {  	_ =	sfence.sel $0xFFFF  }
0xbf: {  	[dreg:$0x0] =	wrdreg $0xFFFFFFFF;
	(pc) =	sbr.abs _section_cstart, $3  }
0xc0: {  	[dreg:$0x1] =	wrdreg $0xFFFFFFFF  }
0xc1: {  	_ =	task.clear_ibuf [dreg:s6], $0x2FFFF;
	_ =	strace $0x9FFFFFFF  }
0xc2: {  	(tm) =	ssettm $0x7FFFFFFF  }
0xc3: {  	_ =	shalt  }
tec
execute0_lowered:
.L_overlay_start_1:
0x0: {  	(tag) =	ssettag $0x1  }
0x1: {  	s0 =	rddreg [dreg:$0x0]  }
0x2: {  	s1 =	rddreg [dreg:$0x1]  }
0x3: {  	s2 =	simm.s32 $0x0;
	s3 =	srdreg.scid;
	s13 =	stileid.u32  }
0x4: {  	s28 =	simm.s32 $0x14040;
	s29 =	simm.s32 $0x19800;
	s30 =	simm.s32 $0x1  }
0x5: {  	s31 =	simm.s32 $0x2;
	[smem:$0x7FF] =	sst s2;
	s8 =	smul.u32 $0x50000, s13  }
0x6: {  	s4 =	sadd.s32 $0x65000, s0;
	s6 =	sadd.s32 $0xCE00, s0;
	s10 =	smul.u32 $0xA00, s13  }
0x7: {  	s3 =	sand.u32 $0x1, s3;
	s7 =	sadd.s32 $0x2E00, s0;
	s15 =	smul.u32 $0x5000, s13  }
0x8: {  	s0 =	sadd.s32 $0x8C200, s0;
	s12 =	smul.u32 $0x14000, s13;
	p1 =	seq.s32 s13, $0xF  }
0x9: {  	s13 =	simm.s32 $0x5;
	_ =	strace $0x8000004A;
	s5 =	ssub.s32 $0x2, s3  }
0xa: {  	p0 =	seq.s32 s3, $0x1;
	s3 =	smul.u32 $0x138800, s3;
	s9 =	sshrl.u32 s5, $0x1  }
0xb: {  	s14 =	sshrl.u32 s8, $0x2;
	s11 =	sadd.s32 s6, s10;
	s10 =	sadd.s32 s7, s10  }
0xc: {  	s8 =	sshrl.u32 s15, $0x3;
	s15 =	simm.s32 $0x6;
	s9 =	ssub.s32 s5, s9  }
0xd: {  	s5 =	sadd.s32 s14, s1;
	[dreg:$0x3] =	wrdreg s11;
	s16 =	sadd.s32 $0x380, s8  }
0xe: {  	[dreg:$0x4] =	wrdreg s10;
	s17 =	sadd.s32 $0x700, s8;
	s14 =	sadd.s32 s6, s16  }
0xf: {  	s8 =	sadd.s32 $0x880, s8;
	s10 =	sadd.s32 s7, s16;
	[dreg:$0x5] =	wrdreg s14  }
0x10: {  	s20 =	sadd.s32 s12, s3;
	s18 =	sadd.s32 s6, s17;
	[dreg:$0x6] =	wrdreg s10  }
0x11: {  	s3 =	sshrl.u32 s3, $0x3;
	s19 =	sadd.s32 s7, s17;
	[dreg:$0x7] =	wrdreg s18  }
0x12: {  	s11 =	simm.s32 $0x4;
	s6 =	sadd.s32 s6, s8;
	[dreg:$0x8] =	wrdreg s19  }
0x13: {  	s12 =	simm.s32 $0x15C80;
	s7 =	sadd.s32 s7, s8;
	[dreg:$0x9] =	wrdreg s6  }
0x14: {  	s21 =	sshrl.u32 s20, $0x3;
	s22 =	smax.u32 s9, $0x1;
	[dreg:$0xa] =	wrdreg s7  }
0x15: {  	s23 =	sadd.s32 $0x4000, s5;
	s24 =	sadd.s32 $0x8000, s5;
	[dreg:$0xd] =	wrdreg s22  }
0x16: {  	s25 =	sadd.s32 $0xC000, s5;
	s26 =	sadd.s32 $0x10000, s5;
	[dreg:$0xe] =	wrdreg s23  }
0x17: {  	s8 =	simm.s32 $0x140C0;
	s9 =	simm.s32 $0x1D800;
	[dreg:$0xf] =	wrdreg s24  }
0x18: {  	s6 =	sadd.s32 s0, s21;
	s0 =	sadd.s32 s0, s3;
	[dreg:$0x10] =	wrdreg s25  }
0x19: {  	[dreg:$0x11] =	wrdreg s26;
	s21 =	simm.s32 $0x17800;
	s22 =	simm.s32 $0x7  }
.Ltmp0:
0x1a: {  	s23 =	simm.s32 $0x14000;
	s24 =	simm.s32 $0x15C00;
	(pc) =	sbr.rel .LBB2_1-.Ltmp0, $4  }
0x1b: {  	s26 =	simm.s32 $0x40;
	s7 =	simm.s32 $0x1B800;
	s10 =	simm.s32 $0x3  }
0x1c: {  	s3 =	simm.s32 $0x14100;
	[dreg:$0xb] =	wrdreg s6;
	s0 =	sadd.s32 $0x25800, s0  }
0x1d: {  	s14 =	simm.s32 $0x14140;
	[dreg:$0xc] =	wrdreg s0;
	s0 =	sadd.s32 $0x12C000, s1  }
0x1e: {  	v0 =	vimm.f32 $0.0e+00;
	s6 =	simm.s32 $0x14080;
	s25 =	sshrl.u32 @p1 s0, $0x3;
	s0 =	simm.s32 $0x80  }
.LBB2_12:
0x1f: {  	_ =	swait.ge [sflag:s15], $0x4000  }
0x20: {  	[sflag:s15] =	ssyncset.done $0x0  }
0x21: {  	[sflag:s15] =	ssyncadd.s32 $0xFFFFC000  }
0x22: {  	[bflag:$0x0] =	sbarrier.arrive $0xFFFF  }
0x23: {  	s16 =	simm.s32 @p1 $0x1FC7;
	s17 =	rddreg [dreg:$0xc]  }
0x24: {  	[hbm:s17], [sflag:s16] =	dma.local @p1 [spmem:s25], $0x1900  }
0x25: {  	s16 =	simm.s32 @p1 $0x7  }
0x26: {  	s17 =	stileid.u32;
	_ =	swait.ge @p1 [sflag:s16], $0x1900  }
0x27: {  	s17 =	sshll.u32 @!p1 s17, $0x6;
	[sflag:s16] =	ssyncset.done @p1 $0x0;
	s18 =	rddreg [dreg:$0xb]  }
0x28: {  	[sflag:s16] =	ssyncadd.s32 @p1 $0xFFFFE700;
	s16 =	sor.u32 @!p1 $0x1C07, s17;
	s17 =	sshrl.u32 @!p1 s5, $0x3  }
0x29: {  	[hbm:s18], [sflag:s16] =	dma.local @!p1 [spmem:s17], $0x2800  }
0x2a: {  	s16 =	simm.s32 @!p1 $0x7  }
0x2b: {  	_ =	swait.ge @!p1 [sflag:s16], $0x2800  }
0x2c: {  	s2 =	sadd.s32 $0x1, s2;
	s20 =	rddreg [dreg:$0xd]  }
0x2d: {  	p2 =	sne.s32 s2, s20  }
.Ltmp1:
0x2e: {  	_ = 	snop;
	(pc) =	sbr.rel @!p2 .LBB2_13-.Ltmp1, $3  }
0x2f: {  	_ =	sdelay $0x1  }
0x30: {  	[sflag:s16] =	ssyncset.done @!p1 $0x0  }
0x31: {  	[sflag:s16] =	ssyncadd.s32 @!p1 $0xFFFFD800  }
.LBB2_1:
0x32: {  	s16 =	simm.s32 $0x0;
	s17 =	simm.s32 $0x200  }
.LBB2_2:
0x33: {  	p2 =	sne.s32 s17, $0xFE00;
	[tilespmem:s16+$0x17870] =	vst v0  }
0x34: {  	[tilespmem:s16+$0x17800] =	vst v0  }
0x35: {  	[tilespmem:s16+$0x17810] =	vst v0  }
.Ltmp2:
0x36: {  	[tilespmem:s16+$0x17820] =	vst v0;
	(pc) =	sbr.rel @p2 .LBB2_2-.Ltmp2, $4  }
0x37: {  	[tilespmem:s16+$0x17830] =	vst v0  }
0x38: {  	[tilespmem:s16+$0x17840] =	vst v0  }
0x39: {  	[tilespmem:s16+$0x17850] =	vst v0  }
0x3a: {  	[tilespmem:s16+$0x17860] =	vst v0;
	s16 =	sshra.s32 s17, $0x2;
	s17 =	sadd.s32 $0x200, s17  }
0x3b: {  	[tilespmem:s16+$0x17870] =	vst v0  }
0x3c: {  	[tilespmem:s16+$0x17800] =	vst v0  }
0x3d: {  	[tilespmem:s16+$0x17810] =	vst v0  }
0x3e: {  	[tilespmem:s16+$0x17820] =	vst v0  }
0x3f: {  	[tilespmem:s16+$0x17830] =	vst v0  }
0x40: {  	[tilespmem:s16+$0x17840] =	vst v0  }
0x41: {  	[tilespmem:s16+$0x17850] =	vst v0  }
0x42: {  	[tilespmem:s16+$0x17860] =	vst v0  }
0x43: {  	[spmem:s5] =	stream.linear.scatter [tilespmem:s21], [sflag:$0x7], $0x4000, $0x38;
	[tilespmem:$0x1F800] =	vst v63  }
0x44: {  	_ =	swait.ge [sflag:s22], $0x4000  }
0x45: {  	[sflag:s22] =	ssyncset.done $0x0  }
0x46: {  	s17 =	rddreg [dreg:$0xe];
	[sflag:s22] =	ssyncadd.s32 $0xFFFFC000  }
0x47: {  	[spmem:s17] =	stream.linear.scatter [tilespmem:s21], [sflag:$0x7], $0x4000, $0x38;
	[tilespmem:$0x1F800] =	vst v63  }
0x48: {  	_ =	swait.ge [sflag:s22], $0x4000  }
0x49: {  	[sflag:s22] =	ssyncset.done $0x0  }
0x4a: {  	s18 =	rddreg [dreg:$0xf];
	[sflag:s22] =	ssyncadd.s32 $0xFFFFC000  }
0x4b: {  	[spmem:s18] =	stream.linear.scatter [tilespmem:s21], [sflag:$0x7], $0x4000, $0x38;
	[tilespmem:$0x1F800] =	vst v63  }
0x4c: {  	_ =	swait.ge [sflag:s22], $0x4000  }
0x4d: {  	[sflag:s22] =	ssyncset.done $0x0  }
0x4e: {  	s19 =	rddreg [dreg:$0x10];
	[sflag:s22] =	ssyncadd.s32 $0xFFFFC000  }
0x4f: {  	[spmem:s19] =	stream.linear.scatter [tilespmem:s21], [sflag:$0x7], $0x4000, $0x38;
	[tilespmem:$0x1F800] =	vst v63  }
0x50: {  	_ =	swait.ge [sflag:s22], $0x4000  }
0x51: {  	[sflag:s22] =	ssyncset.done $0x0  }
0x52: {  	s20 =	rddreg [dreg:$0x11];
	[sflag:s22] =	ssyncadd.s32 $0xFFFFC000  }
0x53: {  	[spmem:s20] =	stream.linear.scatter [tilespmem:s21], [sflag:$0x7], $0x4000, $0x38;
	[tilespmem:$0x1F800] =	vst v63  }
.Ltmp3:
0x54: {  	_ =	swait.ge [sflag:s22], $0x4000;
	(pc) =	sbr.rel @!p0 .LBB2_4-.Ltmp3, $4  }
0x55: {  	[sflag:s22] =	ssyncset.done $0x0  }
0x56: {  	[sflag:s22] =	ssyncadd.s32 $0xFFFFC000  }
0x57: {  	[bflag:$0x0] =	sbarrier.arrive $0xFFFF  }
0x58: {  	s16 =	simm.s32 $0x0  }
0x59: {  	s17 =	rddreg [dreg:$0x7]  }
0x5a: {  	[tilespmem:s23], [sflag:$0x7] =	stream.linear.gather [hbm4b:s17+s16], $0xC00, $0x38;
	[tilespmem:$0x1F800] =	vst v63  }
0x5b: {  	_ =	swait.ge [sflag:s22], $0xC00  }
0x5c: {  	[sflag:s22] =	ssyncset.done $0x0  }
0x5d: {  	s20 =	rddreg [dreg:$0x8];
	[sflag:s22] =	ssyncadd.s32 $0xFFFFF400  }
0x5e: {  	[tilespmem:s24], [sflag:$0x7] =	stream.linear.gather [hbm4b:s20+s16], $0xC00, $0x38;
	[tilespmem:$0x1F800] =	vst v63  }
0x5f: {  	_ =	swait.ge [sflag:s22], $0xC00  }
0x60: {  	[sflag:s22] =	ssyncset.done $0x0  }
0x61: {  	[sflag:s22] =	ssyncadd.s32 $0xFFFFF400  }
0x62: {  	[tilespmem:s21], [sflag:$0x1] =	stream.indirect.gather [hbm4b:s4+s26], $0x80, s23, s26, $0xb8;
	[tilespmem:$0x1F800] =	vst v63  }
0x63: {  	_ = 	snop  }
0x64: {  	[tilespmem:s29], [sflag:$0x2] =	stream.indirect.gather [hbm4b:s4+s26], $0x80, s28, s26, $0xb8;
	[tilespmem:$0x1F800] =	vst v63  }
0x65: {  	_ =	swait.ge [sflag:s30], $0x2000  }
0x66: {  	[sflag:s30] =	ssyncset.done $0x0  }
0x67: {  	[sflag:s30] =	ssyncadd.s32 $0xFFFFE000  }
0x68: {  	_ =	swait.ge [sflag:s31], $0x2000  }
0x69: {  	[sflag:s31] =	ssyncset.done $0x0  }
0x6a: {  	[sflag:s31] =	ssyncadd.s32 $0xFFFFE000  }
0x6b: {  	[spmem:s1] =	stream.indirect.scatter.add.f32 [tilespmem:s21], [sflag:$0x5], $0x80, s24, s0, $0xb8;
	[tilespmem:$0x1F800] =	vst v63  }
0x6c: {  	_ = 	snop  }
0x6d: {  	[tilespmem:s7], [sflag:$0x3] =	stream.indirect.gather [hbm4b:s4+s26], $0x80, s6, s26, $0xb8;
	[tilespmem:$0x1F800] =	vst v63  }
0x6e: {  	_ = 	snop  }
0x6f: {  	[tilespmem:s9], [sflag:$0x4] =	stream.indirect.gather [hbm4b:s4+s26], $0x80, s8, s26, $0xb8;
	[tilespmem:$0x1F800] =	vst v63  }
0x70: {  	_ =	swait.ge [sflag:s10], $0x2000  }
0x71: {  	[sflag:s10] =	ssyncset.done $0x0  }
0x72: {  	[sflag:s10] =	ssyncadd.s32 $0xFFFFE000  }
0x73: {  	_ =	swait.ge [sflag:s11], $0x2000  }
0x74: {  	[sflag:s11] =	ssyncset.done $0x0  }
0x75: {  	[sflag:s11] =	ssyncadd.s32 $0xFFFFE000  }
0x76: {  	[spmem:s1] =	stream.indirect.scatter.add.f32 [tilespmem:s7], [sflag:$0x6], $0x80, s12, s0, $0xb8;
	[tilespmem:$0x1F800] =	vst v63  }
0x77: {  	_ =	swait.ge [sflag:s13], $0x4000  }
0x78: {  	[sflag:s13] =	ssyncset.done $0x0  }
0x79: {  	[sflag:s13] =	ssyncadd.s32 $0xFFFFC000  }
0x7a: {  	[tilespmem:s21], [sflag:$0x1] =	stream.indirect.gather [hbm4b:s4+s26], $0x80, s3, s26, $0xb8;
	[tilespmem:$0x1F800] =	vst v63  }
0x7b: {  	_ = 	snop  }
0x7c: {  	[tilespmem:s29], [sflag:$0x2] =	stream.indirect.gather [hbm4b:s4+s26], $0x80, s14, s26, $0xb8;
	[tilespmem:$0x1F800] =	vst v63  }
.LBB2_9:
0x7d: {  	_ =	swait.ge [sflag:s30], $0x2000  }
0x7e: {  	[sflag:s30] =	ssyncset.done $0x0  }
0x7f: {  	[sflag:s30] =	ssyncadd.s32 $0xFFFFE000  }
0x80: {  	_ =	swait.ge [sflag:s31], $0x2000  }
0x81: {  	s17 =	sshra.s32 s16, $0x2;
	[sflag:s31] =	ssyncset.done $0x0  }
0x82: {  	s18 =	sadd.s32 $0x15D00, s17;
	[sflag:s31] =	ssyncadd.s32 $0xFFFFE000  }
0x83: {  	[spmem:s1] =	stream.indirect.scatter.add.f32 [tilespmem:s21], [sflag:$0x5], $0x80, s18, s0, $0xb8;
	[tilespmem:$0x1F800] =	vst v63  }
0x84: {  	_ =	swait.ge [sflag:s15], $0x4000  }
0x85: {  	[sflag:s15] =	ssyncset.done $0x0  }
0x86: {  	s19 =	sadd.s32 $0x14180, s17;
	[sflag:s15] =	ssyncadd.s32 $0xFFFFC000  }
0x87: {  	[tilespmem:s7], [sflag:$0x3] =	stream.indirect.gather [hbm4b:s4+s26], $0x80, s19, s26, $0xb8;
	[tilespmem:$0x1F800] =	vst v63  }
0x88: {  	s20 =	sadd.s32 $0x141C0, s17  }
0x89: {  	[tilespmem:s9], [sflag:$0x4] =	stream.indirect.gather [hbm4b:s4+s26], $0x80, s20, s26, $0xb8;
	[tilespmem:$0x1F800] =	vst v63  }
0x8a: {  	_ =	swait.ge [sflag:s10], $0x2000  }
0x8b: {  	[sflag:s10] =	ssyncset.done $0x0  }
0x8c: {  	[sflag:s10] =	ssyncadd.s32 $0xFFFFE000  }
0x8d: {  	_ =	swait.ge [sflag:s11], $0x2000  }
0x8e: {  	[sflag:s11] =	ssyncset.done $0x0  }
0x8f: {  	p2 =	seq.s32 s16, $0x2800;
	s17 =	sadd.s32 $0x15D80, s17;
	[sflag:s11] =	ssyncadd.s32 $0xFFFFE000  }
0x90: {  	[spmem:s1] =	stream.indirect.scatter.add.f32 [tilespmem:s7], [sflag:$0x6], $0x80, s17, s0, $0xb8;
	[tilespmem:$0x1F800] =	vst v63  }
0x91: {  	s19 =	simm.s32 @!p2 $0x40;
	_ =	swait.ge [sflag:s13], $0x4000  }
0x92: {  	s20 =	simm.s32 @!p2 $0x17800;
	s17 =	sshra.s32 @!p2 s16, $0x2;
	[sflag:s13] =	ssyncset.done $0x0  }
0x93: {  	s16 =	sadd.s32 @!p2 $0x400, s16;
	s18 =	sadd.s32 @!p2 $0x14200, s17;
	[sflag:s13] =	ssyncadd.s32 $0xFFFFC000  }
0x94: {  	[tilespmem:s20], [sflag:$0x1] =	stream.indirect.gather @!p2 [hbm4b:s4+s19], $0x80, s18, s19, $0xb8;
	[tilespmem:$0x1F800] =	vst v63  }
0x95: {  	s17 =	sadd.s32 @!p2 $0x14240, s17;
	p3 =	sne.s32 @!p2 s16, $0x2C00;
	s18 =	simm.s32 @!p2 $0x19800  }
0x96: {  	[tilespmem:s18], [sflag:$0x2] =	stream.indirect.gather @!p2 [hbm4b:s4+s19], $0x80, s17, s19, $0xb8;
	[tilespmem:$0x1F800] =	vst v63  }
0x97: {  	p2 =	por p2, !p3  }
.Ltmp4:
0x98: {  	_ = 	snop;
	(pc) =	sbr.rel @!p2 .LBB2_9-.Ltmp4, $1  }
0x99: {  	_ =	sdelay $0x3  }
0x9a: {  	_ =	swait.ge [sflag:s15], $0x4000  }
0x9b: {  	[sflag:s15] =	ssyncset.done $0x0  }
0x9c: {  	s16 =	simm.s32 $0x0;
	s17 =	rddreg [dreg:$0x9];
	[sflag:s15] =	ssyncadd.s32 $0xFFFFC000  }
0x9d: {  	[tilespmem:s23], [sflag:$0x7] =	stream.linear.gather [hbm4b:s17+s16], $0xC00, $0x38;
	[tilespmem:$0x1F800] =	vst v63  }
0x9e: {  	_ =	swait.ge [sflag:s22], $0xC00  }
0x9f: {  	[sflag:s22] =	ssyncset.done $0x0  }
0xa0: {  	s20 =	rddreg [dreg:$0xa];
	[sflag:s22] =	ssyncadd.s32 $0xFFFFF400  }
0xa1: {  	[tilespmem:s24], [sflag:$0x7] =	stream.linear.gather [hbm4b:s20+s16], $0xC00, $0x38;
	[tilespmem:$0x1F800] =	vst v63  }
0xa2: {  	_ =	swait.ge [sflag:s22], $0xC00  }
0xa3: {  	[sflag:s22] =	ssyncset.done $0x0  }
0xa4: {  	[sflag:s22] =	ssyncadd.s32 $0xFFFFF400  }
0xa5: {  	[tilespmem:s21], [sflag:$0x1] =	stream.indirect.gather [hbm4b:s4+s26], $0x80, s23, s26, $0xb8;
	[tilespmem:$0x1F800] =	vst v63  }
0xa6: {  	_ = 	snop  }
0xa7: {  	[tilespmem:s29], [sflag:$0x2] =	stream.indirect.gather [hbm4b:s4+s26], $0x80, s28, s26, $0xb8;
	[tilespmem:$0x1F800] =	vst v63  }
0xa8: {  	_ =	swait.ge [sflag:s30], $0x2000  }
0xa9: {  	[sflag:s30] =	ssyncset.done $0x0  }
0xaa: {  	[sflag:s30] =	ssyncadd.s32 $0xFFFFE000  }
0xab: {  	_ =	swait.ge [sflag:s31], $0x2000  }
0xac: {  	[sflag:s31] =	ssyncset.done $0x0  }
0xad: {  	[sflag:s31] =	ssyncadd.s32 $0xFFFFE000  }
0xae: {  	[spmem:s1] =	stream.indirect.scatter.add.f32 [tilespmem:s21], [sflag:$0x5], $0x80, s24, s0, $0xb8;
	[tilespmem:$0x1F800] =	vst v63  }
0xaf: {  	_ = 	snop  }
0xb0: {  	[tilespmem:s7], [sflag:$0x3] =	stream.indirect.gather [hbm4b:s4+s26], $0x80, s6, s26, $0xb8;
	[tilespmem:$0x1F800] =	vst v63  }
0xb1: {  	_ = 	snop  }
0xb2: {  	[tilespmem:s9], [sflag:$0x4] =	stream.indirect.gather [hbm4b:s4+s26], $0x80, s8, s26, $0xb8;
	[tilespmem:$0x1F800] =	vst v63  }
0xb3: {  	_ =	swait.ge [sflag:s10], $0x2000  }
0xb4: {  	[sflag:s10] =	ssyncset.done $0x0  }
0xb5: {  	[sflag:s10] =	ssyncadd.s32 $0xFFFFE000  }
0xb6: {  	_ =	swait.ge [sflag:s11], $0x2000  }
0xb7: {  	[sflag:s11] =	ssyncset.done $0x0  }
0xb8: {  	[sflag:s11] =	ssyncadd.s32 $0xFFFFE000  }
0xb9: {  	[spmem:s1] =	stream.indirect.scatter.add.f32 [tilespmem:s7], [sflag:$0x6], $0x80, s12, s0, $0xb8;
	[tilespmem:$0x1F800] =	vst v63  }
0xba: {  	_ =	swait.ge [sflag:s13], $0x4000  }
0xbb: {  	[sflag:s13] =	ssyncset.done $0x0  }
0xbc: {  	[sflag:s13] =	ssyncadd.s32 $0xFFFFC000  }
0xbd: {  	[tilespmem:s21], [sflag:$0x1] =	stream.indirect.gather [hbm4b:s4+s26], $0x80, s3, s26, $0xb8;
	[tilespmem:$0x1F800] =	vst v63  }
0xbe: {  	_ = 	snop  }
0xbf: {  	[tilespmem:s29], [sflag:$0x2] =	stream.indirect.gather [hbm4b:s4+s26], $0x80, s14, s26, $0xb8;
	[tilespmem:$0x1F800] =	vst v63  }
.LBB2_11:
0xc0: {  	_ =	swait.ge [sflag:s30], $0x2000  }
0xc1: {  	[sflag:s30] =	ssyncset.done $0x0  }
0xc2: {  	[sflag:s30] =	ssyncadd.s32 $0xFFFFE000  }
0xc3: {  	_ =	swait.ge [sflag:s31], $0x2000  }
0xc4: {  	s17 =	sshra.s32 s16, $0x2;
	[sflag:s31] =	ssyncset.done $0x0  }
0xc5: {  	s18 =	sadd.s32 $0x15D00, s17;
	[sflag:s31] =	ssyncadd.s32 $0xFFFFE000  }
0xc6: {  	[spmem:s1] =	stream.indirect.scatter.add.f32 [tilespmem:s21], [sflag:$0x5], $0x80, s18, s0, $0xb8;
	[tilespmem:$0x1F800] =	vst v63  }
0xc7: {  	_ =	swait.ge [sflag:s15], $0x4000  }
0xc8: {  	[sflag:s15] =	ssyncset.done $0x0  }
0xc9: {  	s19 =	sadd.s32 $0x14180, s17;
	[sflag:s15] =	ssyncadd.s32 $0xFFFFC000  }
0xca: {  	[tilespmem:s7], [sflag:$0x3] =	stream.indirect.gather [hbm4b:s4+s26], $0x80, s19, s26, $0xb8;
	[tilespmem:$0x1F800] =	vst v63  }
0xcb: {  	s20 =	sadd.s32 $0x141C0, s17  }
0xcc: {  	[tilespmem:s9], [sflag:$0x4] =	stream.indirect.gather [hbm4b:s4+s26], $0x80, s20, s26, $0xb8;
	[tilespmem:$0x1F800] =	vst v63  }
0xcd: {  	_ =	swait.ge [sflag:s10], $0x2000  }
0xce: {  	[sflag:s10] =	ssyncset.done $0x0  }
0xcf: {  	[sflag:s10] =	ssyncadd.s32 $0xFFFFE000  }
0xd0: {  	_ =	swait.ge [sflag:s11], $0x2000  }
0xd1: {  	[sflag:s11] =	ssyncset.done $0x0  }
0xd2: {  	p2 =	seq.s32 s16, $0x2800;
	s17 =	sadd.s32 $0x15D80, s17;
	[sflag:s11] =	ssyncadd.s32 $0xFFFFE000  }
0xd3: {  	[spmem:s1] =	stream.indirect.scatter.add.f32 [tilespmem:s7], [sflag:$0x6], $0x80, s17, s0, $0xb8;
	[tilespmem:$0x1F800] =	vst v63  }
0xd4: {  	s19 =	simm.s32 @!p2 $0x40;
	_ =	swait.ge [sflag:s13], $0x4000  }
0xd5: {  	s20 =	simm.s32 @!p2 $0x17800;
	s17 =	sshra.s32 @!p2 s16, $0x2;
	[sflag:s13] =	ssyncset.done $0x0  }
0xd6: {  	s16 =	sadd.s32 @!p2 $0x400, s16;
	s18 =	sadd.s32 @!p2 $0x14200, s17;
	[sflag:s13] =	ssyncadd.s32 $0xFFFFC000  }
0xd7: {  	[tilespmem:s20], [sflag:$0x1] =	stream.indirect.gather @!p2 [hbm4b:s4+s19], $0x80, s18, s19, $0xb8;
	[tilespmem:$0x1F800] =	vst v63  }
0xd8: {  	s17 =	sadd.s32 @!p2 $0x14240, s17;
	p3 =	sne.s32 @!p2 s16, $0x2C00;
	s18 =	simm.s32 @!p2 $0x19800  }
0xd9: {  	[tilespmem:s18], [sflag:$0x2] =	stream.indirect.gather @!p2 [hbm4b:s4+s19], $0x80, s17, s19, $0xb8;
	[tilespmem:$0x1F800] =	vst v63  }
0xda: {  	p2 =	por p2, !p3  }
.Ltmp5:
0xdb: {  	_ = 	snop;
	(pc) =	sbr.rel @!p2 .LBB2_11-.Ltmp5, $1  }
0xdc: {  	_ =	sdelay $0x3  }
.Ltmp6:
0xdd: {  	_ = 	snop;
	(pc) =	sbr.rel .LBB2_12-.Ltmp6, $1  }
0xde: {  	_ =	sdelay $0x3  }
.LBB2_4:
0xdf: {  	s17 =	rddreg [dreg:$0x3]  }
0xe0: {  	[tilespmem:s23], [sflag:$0x7] =	stream.linear.gather [hbm4b:s17+s16], $0x1C00, $0x38;
	[tilespmem:$0x1F800] =	vst v63  }
0xe1: {  	_ =	swait.ge [sflag:s22], $0x1C00  }
0xe2: {  	[sflag:s22] =	ssyncset.done $0x0  }
0xe3: {  	s20 =	rddreg [dreg:$0x4];
	[sflag:s22] =	ssyncadd.s32 $0xFFFFE400  }
0xe4: {  	[tilespmem:s24], [sflag:$0x7] =	stream.linear.gather [hbm4b:s20+s16], $0x1C00, $0x38;
	[tilespmem:$0x1F800] =	vst v63  }
0xe5: {  	_ =	swait.ge [sflag:s22], $0x1C00  }
0xe6: {  	[sflag:s22] =	ssyncset.done $0x0  }
0xe7: {  	[sflag:s22] =	ssyncadd.s32 $0xFFFFE400  }
0xe8: {  	[tilespmem:s21], [sflag:$0x1] =	stream.indirect.gather [hbm4b:s4+s26], $0x80, s23, s26, $0xb8;
	[tilespmem:$0x1F800] =	vst v63  }
0xe9: {  	_ = 	snop  }
0xea: {  	[tilespmem:s29], [sflag:$0x2] =	stream.indirect.gather [hbm4b:s4+s26], $0x80, s28, s26, $0xb8;
	[tilespmem:$0x1F800] =	vst v63  }
0xeb: {  	_ =	swait.ge [sflag:s30], $0x2000  }
0xec: {  	[sflag:s30] =	ssyncset.done $0x0  }
0xed: {  	[sflag:s30] =	ssyncadd.s32 $0xFFFFE000  }
0xee: {  	_ =	swait.ge [sflag:s31], $0x2000  }
0xef: {  	[sflag:s31] =	ssyncset.done $0x0  }
0xf0: {  	[sflag:s31] =	ssyncadd.s32 $0xFFFFE000  }
0xf1: {  	[spmem:s1] =	stream.indirect.scatter.add.f32 [tilespmem:s21], [sflag:$0x5], $0x80, s24, s0, $0xb8;
	[tilespmem:$0x1F800] =	vst v63  }
0xf2: {  	_ = 	snop  }
0xf3: {  	[tilespmem:s7], [sflag:$0x3] =	stream.indirect.gather [hbm4b:s4+s26], $0x80, s6, s26, $0xb8;
	[tilespmem:$0x1F800] =	vst v63  }
0xf4: {  	_ = 	snop  }
0xf5: {  	[tilespmem:s9], [sflag:$0x4] =	stream.indirect.gather [hbm4b:s4+s26], $0x80, s8, s26, $0xb8;
	[tilespmem:$0x1F800] =	vst v63  }
0xf6: {  	_ =	swait.ge [sflag:s10], $0x2000  }
0xf7: {  	[sflag:s10] =	ssyncset.done $0x0  }
0xf8: {  	[sflag:s10] =	ssyncadd.s32 $0xFFFFE000  }
0xf9: {  	_ =	swait.ge [sflag:s11], $0x2000  }
0xfa: {  	[sflag:s11] =	ssyncset.done $0x0  }
0xfb: {  	[sflag:s11] =	ssyncadd.s32 $0xFFFFE000  }
0xfc: {  	[spmem:s1] =	stream.indirect.scatter.add.f32 [tilespmem:s7], [sflag:$0x6], $0x80, s12, s0, $0xb8;
	[tilespmem:$0x1F800] =	vst v63  }
0xfd: {  	_ =	swait.ge [sflag:s13], $0x4000  }
0xfe: {  	[sflag:s13] =	ssyncset.done $0x0  }
0xff: {  	[sflag:s13] =	ssyncadd.s32 $0xFFFFC000  }
0x100: {  	[tilespmem:s21], [sflag:$0x1] =	stream.indirect.gather [hbm4b:s4+s26], $0x80, s3, s26, $0xb8;
	[tilespmem:$0x1F800] =	vst v63  }
0x101: {  	_ = 	snop  }
0x102: {  	[tilespmem:s29], [sflag:$0x2] =	stream.indirect.gather [hbm4b:s4+s26], $0x80, s14, s26, $0xb8;
	[tilespmem:$0x1F800] =	vst v63  }
.LBB2_5:
0x103: {  	_ =	swait.ge [sflag:s30], $0x2000  }
0x104: {  	[sflag:s30] =	ssyncset.done $0x0  }
0x105: {  	[sflag:s30] =	ssyncadd.s32 $0xFFFFE000  }
0x106: {  	_ =	swait.ge [sflag:s31], $0x2000  }
0x107: {  	s17 =	sshra.s32 s16, $0x2;
	[sflag:s31] =	ssyncset.done $0x0  }
0x108: {  	s18 =	sadd.s32 $0x15D00, s17;
	[sflag:s31] =	ssyncadd.s32 $0xFFFFE000  }
0x109: {  	[spmem:s1] =	stream.indirect.scatter.add.f32 [tilespmem:s21], [sflag:$0x5], $0x80, s18, s0, $0xb8;
	[tilespmem:$0x1F800] =	vst v63  }
0x10a: {  	_ =	swait.ge [sflag:s15], $0x4000  }
0x10b: {  	[sflag:s15] =	ssyncset.done $0x0  }
0x10c: {  	s19 =	sadd.s32 $0x14180, s17;
	[sflag:s15] =	ssyncadd.s32 $0xFFFFC000  }
0x10d: {  	[tilespmem:s7], [sflag:$0x3] =	stream.indirect.gather [hbm4b:s4+s26], $0x80, s19, s26, $0xb8;
	[tilespmem:$0x1F800] =	vst v63  }
0x10e: {  	s20 =	sadd.s32 $0x141C0, s17  }
0x10f: {  	[tilespmem:s9], [sflag:$0x4] =	stream.indirect.gather [hbm4b:s4+s26], $0x80, s20, s26, $0xb8;
	[tilespmem:$0x1F800] =	vst v63  }
0x110: {  	_ =	swait.ge [sflag:s10], $0x2000  }
0x111: {  	[sflag:s10] =	ssyncset.done $0x0  }
0x112: {  	[sflag:s10] =	ssyncadd.s32 $0xFFFFE000  }
0x113: {  	_ =	swait.ge [sflag:s11], $0x2000  }
0x114: {  	[sflag:s11] =	ssyncset.done $0x0  }
0x115: {  	p2 =	seq.s32 s16, $0x6800;
	s17 =	sadd.s32 $0x15D80, s17;
	[sflag:s11] =	ssyncadd.s32 $0xFFFFE000  }
0x116: {  	[spmem:s1] =	stream.indirect.scatter.add.f32 [tilespmem:s7], [sflag:$0x6], $0x80, s17, s0, $0xb8;
	[tilespmem:$0x1F800] =	vst v63  }
0x117: {  	s19 =	simm.s32 @!p2 $0x40;
	_ =	swait.ge [sflag:s13], $0x4000  }
0x118: {  	s20 =	simm.s32 @!p2 $0x17800;
	s17 =	sshra.s32 @!p2 s16, $0x2;
	[sflag:s13] =	ssyncset.done $0x0  }
0x119: {  	s16 =	sadd.s32 @!p2 $0x400, s16;
	s18 =	sadd.s32 @!p2 $0x14200, s17;
	[sflag:s13] =	ssyncadd.s32 $0xFFFFC000  }
0x11a: {  	[tilespmem:s20], [sflag:$0x1] =	stream.indirect.gather @!p2 [hbm4b:s4+s19], $0x80, s18, s19, $0xb8;
	[tilespmem:$0x1F800] =	vst v63  }
0x11b: {  	s17 =	sadd.s32 @!p2 $0x14240, s17;
	p3 =	sne.s32 @!p2 s16, $0x6C00;
	s18 =	simm.s32 @!p2 $0x19800  }
0x11c: {  	[tilespmem:s18], [sflag:$0x2] =	stream.indirect.gather @!p2 [hbm4b:s4+s19], $0x80, s17, s19, $0xb8;
	[tilespmem:$0x1F800] =	vst v63  }
0x11d: {  	p2 =	por p2, !p3  }
.Ltmp7:
0x11e: {  	_ = 	snop;
	(pc) =	sbr.rel @!p2 .LBB2_5-.Ltmp7, $1  }
0x11f: {  	_ =	sdelay $0x3  }
0x120: {  	_ =	swait.ge [sflag:s15], $0x4000  }
0x121: {  	[sflag:s15] =	ssyncset.done $0x0  }
0x122: {  	s16 =	simm.s32 $0x0;
	s17 =	rddreg [dreg:$0x5];
	[sflag:s15] =	ssyncadd.s32 $0xFFFFC000  }
0x123: {  	[tilespmem:s23], [sflag:$0x7] =	stream.linear.gather [hbm4b:s17+s16], $0x1C00, $0x38;
	[tilespmem:$0x1F800] =	vst v63  }
0x124: {  	_ =	swait.ge [sflag:s22], $0x1C00  }
0x125: {  	[sflag:s22] =	ssyncset.done $0x0  }
0x126: {  	s20 =	rddreg [dreg:$0x6];
	[sflag:s22] =	ssyncadd.s32 $0xFFFFE400  }
0x127: {  	[tilespmem:s24], [sflag:$0x7] =	stream.linear.gather [hbm4b:s20+s16], $0x1C00, $0x38;
	[tilespmem:$0x1F800] =	vst v63  }
0x128: {  	_ =	swait.ge [sflag:s22], $0x1C00  }
0x129: {  	[sflag:s22] =	ssyncset.done $0x0  }
0x12a: {  	[sflag:s22] =	ssyncadd.s32 $0xFFFFE400  }
0x12b: {  	[tilespmem:s21], [sflag:$0x1] =	stream.indirect.gather [hbm4b:s4+s26], $0x80, s23, s26, $0xb8;
	[tilespmem:$0x1F800] =	vst v63  }
0x12c: {  	_ = 	snop  }
0x12d: {  	[tilespmem:s29], [sflag:$0x2] =	stream.indirect.gather [hbm4b:s4+s26], $0x80, s28, s26, $0xb8;
	[tilespmem:$0x1F800] =	vst v63  }
0x12e: {  	_ =	swait.ge [sflag:s30], $0x2000  }
0x12f: {  	[sflag:s30] =	ssyncset.done $0x0  }
0x130: {  	[sflag:s30] =	ssyncadd.s32 $0xFFFFE000  }
0x131: {  	_ =	swait.ge [sflag:s31], $0x2000  }
0x132: {  	[sflag:s31] =	ssyncset.done $0x0  }
0x133: {  	[sflag:s31] =	ssyncadd.s32 $0xFFFFE000  }
0x134: {  	[spmem:s1] =	stream.indirect.scatter.add.f32 [tilespmem:s21], [sflag:$0x5], $0x80, s24, s0, $0xb8;
	[tilespmem:$0x1F800] =	vst v63  }
0x135: {  	_ = 	snop  }
0x136: {  	[tilespmem:s7], [sflag:$0x3] =	stream.indirect.gather [hbm4b:s4+s26], $0x80, s6, s26, $0xb8;
	[tilespmem:$0x1F800] =	vst v63  }
0x137: {  	_ = 	snop  }
0x138: {  	[tilespmem:s9], [sflag:$0x4] =	stream.indirect.gather [hbm4b:s4+s26], $0x80, s8, s26, $0xb8;
	[tilespmem:$0x1F800] =	vst v63  }
0x139: {  	_ =	swait.ge [sflag:s10], $0x2000  }
0x13a: {  	[sflag:s10] =	ssyncset.done $0x0  }
0x13b: {  	[sflag:s10] =	ssyncadd.s32 $0xFFFFE000  }
0x13c: {  	_ =	swait.ge [sflag:s11], $0x2000  }
0x13d: {  	[sflag:s11] =	ssyncset.done $0x0  }
0x13e: {  	[sflag:s11] =	ssyncadd.s32 $0xFFFFE000  }
0x13f: {  	[spmem:s1] =	stream.indirect.scatter.add.f32 [tilespmem:s7], [sflag:$0x6], $0x80, s12, s0, $0xb8;
	[tilespmem:$0x1F800] =	vst v63  }
0x140: {  	_ =	swait.ge [sflag:s13], $0x4000  }
0x141: {  	[sflag:s13] =	ssyncset.done $0x0  }
0x142: {  	[sflag:s13] =	ssyncadd.s32 $0xFFFFC000  }
0x143: {  	[tilespmem:s21], [sflag:$0x1] =	stream.indirect.gather [hbm4b:s4+s26], $0x80, s3, s26, $0xb8;
	[tilespmem:$0x1F800] =	vst v63  }
0x144: {  	_ = 	snop  }
0x145: {  	[tilespmem:s29], [sflag:$0x2] =	stream.indirect.gather [hbm4b:s4+s26], $0x80, s14, s26, $0xb8;
	[tilespmem:$0x1F800] =	vst v63  }
.LBB2_7:
0x146: {  	_ =	swait.ge [sflag:s30], $0x2000  }
0x147: {  	[sflag:s30] =	ssyncset.done $0x0  }
0x148: {  	[sflag:s30] =	ssyncadd.s32 $0xFFFFE000  }
0x149: {  	_ =	swait.ge [sflag:s31], $0x2000  }
0x14a: {  	s17 =	sshra.s32 s16, $0x2;
	[sflag:s31] =	ssyncset.done $0x0  }
0x14b: {  	s18 =	sadd.s32 $0x15D00, s17;
	[sflag:s31] =	ssyncadd.s32 $0xFFFFE000  }
0x14c: {  	[spmem:s1] =	stream.indirect.scatter.add.f32 [tilespmem:s21], [sflag:$0x5], $0x80, s18, s0, $0xb8;
	[tilespmem:$0x1F800] =	vst v63  }
0x14d: {  	_ =	swait.ge [sflag:s15], $0x4000  }
0x14e: {  	[sflag:s15] =	ssyncset.done $0x0  }
0x14f: {  	s19 =	sadd.s32 $0x14180, s17;
	[sflag:s15] =	ssyncadd.s32 $0xFFFFC000  }
0x150: {  	[tilespmem:s7], [sflag:$0x3] =	stream.indirect.gather [hbm4b:s4+s26], $0x80, s19, s26, $0xb8;
	[tilespmem:$0x1F800] =	vst v63  }
0x151: {  	s20 =	sadd.s32 $0x141C0, s17  }
0x152: {  	[tilespmem:s9], [sflag:$0x4] =	stream.indirect.gather [hbm4b:s4+s26], $0x80, s20, s26, $0xb8;
	[tilespmem:$0x1F800] =	vst v63  }
0x153: {  	_ =	swait.ge [sflag:s10], $0x2000  }
0x154: {  	[sflag:s10] =	ssyncset.done $0x0  }
0x155: {  	[sflag:s10] =	ssyncadd.s32 $0xFFFFE000  }
0x156: {  	_ =	swait.ge [sflag:s11], $0x2000  }
0x157: {  	[sflag:s11] =	ssyncset.done $0x0  }
0x158: {  	p2 =	seq.s32 s16, $0x6800;
	s17 =	sadd.s32 $0x15D80, s17;
	[sflag:s11] =	ssyncadd.s32 $0xFFFFE000  }
0x159: {  	[spmem:s1] =	stream.indirect.scatter.add.f32 [tilespmem:s7], [sflag:$0x6], $0x80, s17, s0, $0xb8;
	[tilespmem:$0x1F800] =	vst v63  }
0x15a: {  	s19 =	simm.s32 @!p2 $0x40;
	_ =	swait.ge [sflag:s13], $0x4000  }
0x15b: {  	s20 =	simm.s32 @!p2 $0x17800;
	s17 =	sshra.s32 @!p2 s16, $0x2;
	[sflag:s13] =	ssyncset.done $0x0  }
0x15c: {  	s16 =	sadd.s32 @!p2 $0x400, s16;
	s18 =	sadd.s32 @!p2 $0x14200, s17;
	[sflag:s13] =	ssyncadd.s32 $0xFFFFC000  }
0x15d: {  	[tilespmem:s20], [sflag:$0x1] =	stream.indirect.gather @!p2 [hbm4b:s4+s19], $0x80, s18, s19, $0xb8;
	[tilespmem:$0x1F800] =	vst v63  }
0x15e: {  	s17 =	sadd.s32 @!p2 $0x14240, s17;
	p3 =	seq.s32 @!p2 s16, $0x6C00;
	s18 =	simm.s32 @!p2 $0x19800  }
0x15f: {  	[tilespmem:s18], [sflag:$0x2] =	stream.indirect.gather @!p2 [hbm4b:s4+s19], $0x80, s17, s19, $0xb8;
	[tilespmem:$0x1F800] =	vst v63  }
0x160: {  	p2 =	por p2, p3  }
.Ltmp8:
0x161: {  	_ = 	snop;
	(pc) =	sbr.rel @!p2 .LBB2_7-.Ltmp8, $1  }
0x162: {  	_ =	sdelay $0x3  }
.Ltmp9:
0x163: {  	_ = 	snop;
	(pc) =	sbr.rel .LBB2_12-.Ltmp9, $1  }
0x164: {  	_ =	sdelay $0x3  }
.LBB2_13:
0x165: {  	_ =	sfence.sel $0x180000  }
0x166: {  	[bflag:$0x0] =	sbarrier.arrive $0xFFFF  }
0x167: {  	_ =	strace $0x9000004A  }
0x168: {  	s0 =	stileid.u32;
	[bflag:$0x2] =	sbarrier.arrive $0xFFFF  }
0x169: {  	p0 =	sne.s32 s0, $0x0;
	s0 =	rddreg [dreg:$0x2]  }
0x16a: {  	s0 =	sadd.s32 @!p0 $0x100000, s0  }
0x16b: {  	[sflag:s0] =	ssyncadd.tile.s32 @!p0 $0x1;
	_ =	shalt  }
.Lfunc_end2:
_tile_overlayer_lowered:
.L_overlay_start_2:
0x16c: {  	(tag) =	ssettag $0x2  }
0x16d: {  	s0 =	rddreg [dreg:$0x0];
	s2 =	stileid.u32  }
0x16e: {  	s1 =	rddreg [dreg:$0x1];
	p0 =	sne.s32 s2, $0x0  }
0x16f: {  	s3 =	rddreg [dreg:$0x2];
	[bflag:$0x3] =	sbarrier.arrive $0xFFFF;
	s2 =	simm.s32 @!p0 $0x1C07  }
0x170: {  	[timem:s3], [sflag:s2] =	dma.local @!p0 [hbm:s0], s1  }
0x171: {  	s0 =	simm.s32 @!p0 $0x7  }
0x172: {  	_ =	swait.ge @!p0 [sflag:s0], s1  }
0x173: {  	s1 =	ssub.s32 @!p0 $0x0, s1;
	[sflag:s0] =	ssyncset.done @!p0 $0x0  }
0x174: {  	[sflag:s0] =	ssyncadd.s32 @!p0 s1  }
0x175: {  	[bflag:$0x3] =	sbarrier.arrive $0xFFFF  }
0x176: {  	_ =	shalt  }

// kernel: kernel.14.cloned.1.call-start
scs
__scs_entry_jumppad:
0x0: {  	(pc) =	sbr.rel $0x88, $3  }
0x1: {  	(tag) =	ssettag $0x0;
	lr =	simm.s32 $0x1  }
0x2: {  	[smem:$0x3F94] =	sst lr;
	_ =	strace $0xD0000000  }
0x3: {  	_ = 	snop  }
0x4: {  	_ = 	snop  }
0x5: {  	_ = 	snop  }
0x6: {  	_ = 	snop  }
0x7: {  	_ = 	snop  }
__scs_overlays_trampoline_lowered:
0x8: {  	[smem:$0x3FA3] =	sst s0  }
0x9: {  	[smem:$0x3FA4] =	sst s1  }
0xa: {  	[smem:$0x3FA5] =	sst s2  }
0xb: {  	[smem:$0x3FA6] =	sst s3  }
0xc: {  	[smem:$0x3FA7] =	sst s4  }
0xd: {  	[smem:$0x3FA8] =	sst s5  }
0xe: {  	[smem:$0x3FA9] =	sst s6  }
0xf: {  	[smem:$0x3FAA] =	sst s7  }
0x10: {  	[smem:$0x3FAB] =	sst s8  }
0x11: {  	[smem:$0x3FAC] =	sst s9;
	s0 =	simm.s32 @!p0 $0x0  }
0x12: {  	s1 =	sld [smem:$0x3F92];
	s0 =	simm.s32 @p0 $0x1  }
0x13: {  	[smem:$0x3FAD] =	sst s0;
	s0 =	simm.s32 @!p1 $0x0  }
0x14: {  	s2 =	sld [smem:$0x3F91];
	s0 =	simm.s32 @p1 $0x1  }
0x15: {  	[smem:$0x3FAE] =	sst s0;
	s0 =	simm.s32 @!p2 $0x0  }
0x16: {  	s3 =	sld [smem:$0x3FDB];
	s0 =	simm.s32 @p2 $0x1  }
0x17: {  	s4 =	simm.s32 $0x1BF5;
	[smem:$0x3FB0] =	sst s0  }
0x18: {  	s0 =	sld [smem:$0x3F93];
	_ =	swait.ge [sflag:s4], $0x0  }
0x19: {  	s7 =	sld [smem:$0x3F94]  }
0x1a: {  	s8 =	sadd.s32 $0xFFFFE003, lr  }
0x1b: {  	s9 =	sadd.s32 $0xFFFFFEF7, lr;
	s5 =	simm.s32 $0xFFFFFFFF;
	p2 =	slt.u32 s8, $0xFFFFF086  }
0x1c: {  	p1 =	slt.u32 s9, $0xF7A;
	s5 =	simm.s32 @!p2 $0x0  }
0x1d: {  	s5 =	simm.s32 @p1 $0x1;
	p0 =	seq.s32 s7, s2  }
0x1e: {  	s7 =	smul.u32 @!p0 $0xF7A, s2;
	p2 =	seq.s32 @!p0 s5, $0x0  }
0x1f: {  	s9 =	smul.u32 $0xF7A, s1;
	s8 =	simm.s32 @!p0 $0x1BF5;
	p2 =	por !p2, p0  }
0x20: {  	[sflag:s8] =	ssyncset.s32 @!p0 $0xFFFFF086;
	s6 =	sadd.s32 @!p0 s3, s7;
	s7 =	simm.s32 @!p0 $0x108  }
0x21: {  	s3 =	sadd.s32 s3, s9;
	s6 =	sadd.s32 @!p0 $0x88, s6;
	s7 =	simm.s32 @p2 $0x1082  }
0x22: {  	[simem:s7], [sflag:s8] =	dma.local @!p0 [hbm:s6], $0xF7A  }
0x23: {  	s9 =	sor.u32 $0xD0000000, s2;
	s6 =	simm.s32 $0x108;
	_ =	swait.ge @!p0 [sflag:s8], $0x0  }
0x24: {  	s3 =	sadd.s32 $0x88, s3;
	s6 =	simm.s32 @!p1 $0x1082;
	[sflag:s4] =	ssyncset.s32 $0xFFFFF086  }
0x25: {  	[simem:s6], [sflag:s4] =	dma.local [hbm:s3], $0xF7A  }
0x26: {  	[smem:$0x3F94] =	sst s1;
	(tag) =	ssettag s2;
	_ =	strace s9  }
0x27: {  	s1 =	sld [smem:$0x3FA4]  }
0x28: {  	s2 =	sld [smem:$0x3FA5]  }
0x29: {  	s4 =	sld [smem:$0x3FA7]  }
0x2a: {  	p0 =	seq.s32 s5, $0x0;
	s5 =	sld [smem:$0x3FA8]  }
0x2b: {  	s6 =	sld [smem:$0x3FA9]  }
0x2c: {  	s7 =	sld [smem:$0x3FAA]  }
0x2d: {  	s3 =	simm.s32 $0x108;
	s8 =	sld [smem:$0x3FAB]  }
0x2e: {  	s3 =	simm.s32 @!p0 $0x1082;
	s9 =	sld [smem:$0x3FAC]  }
0x2f: {  	lr =	sadd.s32 s0, s3;
	s0 =	sld [smem:$0x3FA3]  }
0x30: {  	s3 =	sld [smem:$0x3FA6]  }
0x31: {  	[smem:$0x3FAF] =	sst s10  }
0x32: {  	s10 =	sld [smem:$0x3FAD];
	_ =	sdelay $0x3  }
0x33: {  	p0 =	seq.s32 s10, $0x1;
	s10 =	sld [smem:$0x3FAF];
	_ =	sdelay $0x3  }
0x34: {  	[smem:$0x3FAF] =	sst s10  }
0x35: {  	s10 =	sld [smem:$0x3FAE];
	_ =	sdelay $0x3  }
0x36: {  	p1 =	seq.s32 s10, $0x1;
	s10 =	sld [smem:$0x3FAF];
	_ =	sdelay $0x3  }
0x37: {  	[smem:$0x3FAF] =	sst s10  }
0x38: {  	s10 =	sld [smem:$0x3FB0]  }
0x39: {  	_ = 	snop;
	(pc) =	sbr.ind lr, $3  }
0x3a: {  	_ = 	snop  }
0x3b: {  	_ = 	snop  }
0x3c: {  	p2 =	seq.s32 s10, $0x1;
	s10 =	sld [smem:$0x3FAF]  }
0x3d: {  	_ =	shalt  }
0x3e: {  	_ =	shalt  }
0x3f: {  	_ =	shalt  }
0x40: {  	_ =	shalt  }
0x41: {  	_ =	shalt  }
0x42: {  	_ =	shalt  }
0x43: {  	_ =	shalt  }
0x44: {  	_ =	shalt  }
0x45: {  	_ =	shalt  }
0x46: {  	_ =	shalt  }
0x47: {  	_ =	shalt  }
0x48: {  	_ =	shalt  }
0x49: {  	_ =	shalt  }
0x4a: {  	_ =	shalt  }
0x4b: {  	_ =	shalt  }
0x4c: {  	_ =	shalt  }
0x4d: {  	_ =	shalt  }
0x4e: {  	_ =	shalt  }
0x4f: {  	_ =	shalt  }
0x50: {  	_ =	shalt  }
0x51: {  	_ =	shalt  }
0x52: {  	_ =	shalt  }
0x53: {  	_ =	shalt  }
0x54: {  	_ =	shalt  }
0x55: {  	_ =	shalt  }
0x56: {  	_ =	shalt  }
0x57: {  	_ =	shalt  }
0x58: {  	_ =	shalt  }
0x59: {  	_ =	shalt  }
0x5a: {  	_ =	shalt  }
0x5b: {  	_ =	shalt  }
0x5c: {  	_ =	shalt  }
0x5d: {  	_ =	shalt  }
0x5e: {  	_ =	shalt  }
0x5f: {  	_ =	shalt  }
0x60: {  	_ =	shalt  }
0x61: {  	_ =	shalt  }
0x62: {  	_ =	shalt  }
0x63: {  	_ =	shalt  }
0x64: {  	_ =	shalt  }
0x65: {  	_ =	shalt  }
0x66: {  	_ =	shalt  }
0x67: {  	_ =	shalt  }
0x68: {  	_ =	shalt  }
0x69: {  	_ =	shalt  }
0x6a: {  	_ =	shalt  }
0x6b: {  	_ =	shalt  }
0x6c: {  	_ =	shalt  }
0x6d: {  	_ =	shalt  }
0x6e: {  	_ =	shalt  }
0x6f: {  	_ =	shalt  }
0x70: {  	_ =	shalt  }
0x71: {  	_ =	shalt  }
0x72: {  	_ =	shalt  }
0x73: {  	_ =	shalt  }
0x74: {  	_ =	shalt  }
0x75: {  	_ =	shalt  }
0x76: {  	_ =	shalt  }
0x77: {  	_ =	shalt  }
0x78: {  	_ =	shalt  }
0x79: {  	_ =	shalt  }
0x7a: {  	_ =	shalt  }
0x7b: {  	_ =	shalt  }
0x7c: {  	_ =	shalt  }
0x7d: {  	_ =	shalt  }
0x7e: {  	_ =	shalt  }
0x7f: {  	_ =	shalt  }
0x80: {  	_ =	shalt  }
0x81: {  	_ =	shalt  }
0x82: {  	_ =	shalt  }
0x83: {  	_ =	shalt  }
0x84: {  	_ =	shalt  }
0x85: {  	_ =	shalt  }
0x86: {  	_ =	shalt  }
0x87: {  	_ =	shalt  }
.Lfunc_end0:
.L_simem_size_0:
called_computation.2_lowered:
.L_overlay_start_0:
0x88: {  	s2 =	sld [smem:$0x3FD9]  }
0x89: {  	s3 =	sld [smem:$0x3FFE];
	_ =	sdelay $0x1  }
0x8a: {  	s1 =	srdreg.scid  }
0x8b: {  	s0 =	sand.u32 $0x1, s1  }
0x8c: {  	s17 =	sshll.u32 s0, $0xA;
	s2 =	sadd.s32 s3, s2  }
0x8d: {  	s2 =	sadd.s32 s2, s17  }
0x8e: {  	[smem:$0x3FBB] =	sst s2  }
0x8f: {  	_ = 	snop  }
0x90: {  	s2 =	sld [smem:$0x3FD0];
	(tm) =	ssettm $0x1  }
0x91: {  	s18 =	sld [smem:$0x3FFB];
	_ =	sdelay $0x3  }
0x92: {  	_ =	strace s18  }
0x93: {  	s3 =	sld [smem:$0x3FFC];
	_ =	sdelay $0x3  }
0x94: {  	_ =	strace s3  }
0x95: {  	s3 =	sld [smem:$0x3FFD];
	_ =	sdelay $0x3  }
0x96: {  	_ =	strace s3  }
0x97: {  	_ =	strace $0x8FFFFFFF  }
0x98: {  	s19 =	sld [smem:$0x3FDB];
	_ =	sdelay $0x1  }
0x99: {  	s4 =	simm.s32 $_scs_section_size  }
0x9a: {  	s5 =	simm.s32 $_size__tile_overlayer_lowered;
	s6 =	simm.s32 $_tile_overlayer_lowered  }
0x9b: {  	s22 =	simm.s32 $0x1BFF;
	s21 =	sshll.u32 s6, $0x1;
	s3 =	sadd.s32 s4, s19  }
0x9c: {  	s7 =	simm.s32 $0x0;
	s20 =	sshll.u32 s5, $0x1;
	s5 =	sadd.s32 s21, s3  }
0x9d: {  	[timem:s7], [sflag:s22] =	dma.local [hbm:s5], s20  }
0x9e: {  	_ =	swait.ge [sflag:s22], s20  }
0x9f: {  	s4 =	ssub.s32 $0x0, s20;
	[sflag:s22] =	ssyncset.done $0x0  }
0xa0: {  	[sflag:s22] =	ssyncadd.s32 s4;
	_ =	sdelay $0x1  }
0xa1: {  	s23 =	simm.s32 $0x1B8B  }
0xa2: {  	_ =	swait.ge [sflag:s23], $0x1  }
0xa3: {  	[sflag:s23] =	ssyncset.done $0x0  }
0xa4: {  	s25 =	simm.s32 $0x1B8E;
	s24 =	sld [smem:$0x3FFE];
	[sflag:s23] =	ssyncadd.s32 $0xFFFFFFFF  }
0xa5: {  	s26 =	simm.s32 $execute0_lowered;
	[smem:$0x3FD2] =	sst s25  }
0xa6: {  	s5 =	sshll.u32 s26, $0x1;
	_ =	strace $0x8000004C;
	[dreg:$0x1] =	wrdreg $0xFFFFFFFF  }
0xa7: {  	s28 =	simm.s32 $_size_execute0_lowered;
	s3 =	sadd.s32 s3, s5;
	[dreg:$0x0] =	wrdreg $0x0  }
0xa8: {  	s5 =	sshll.u32 s28, $0x1;
	[dreg:$0x2] =	wrdreg s3  }
0xa9: {  	[dreg:$0x3] =	wrdreg s5  }
0xaa: {  	[dreg:$0x4] =	wrdreg $0xC0  }
0xab: {  	_ =	task [dreg:s7], $0x5FFFF  }
0xac: {  	[dreg:$0x1] =	wrdreg $0xFFFFFFFF  }
0xad: {  	[dreg:$0x0] =	wrdreg $0x60  }
0xae: {  	[dreg:$0x2] =	wrdreg s2  }
0xaf: {  	[dreg:$0x3] =	wrdreg s24  }
0xb0: {  	[dreg:$0x4] =	wrdreg $0x0  }
0xb1: {  	[dreg:$0x5] =	wrdreg $0x9  }
0xb2: {  	_ =	task.clear_ibuf [dreg:s7], $0x6FFFF;
	_ =	strace $0x9000004C  }
0xb3: {  	s29 =	simm.s32 $0x9;
	_ =	strace $0x8000004E  }
0xb4: {  	_ =	swait.ge [sflag:s29], $0x1  }
0xb5: {  	[sflag:s29] =	ssyncadd.s32 $0xFFFFFFFF  }
0xb6: {  	_ =	strace $0x9000004E  }
0xb7: {  	_ =	sfence  }
0xb8: {  	s30 =	sld [smem:$0x0];
	_ =	sdelay $0x2  }
0xb9: {  	s31 =	sshll.u32 s1, $0xD;
	s1 =	sshrl.u32 s1, $0x2  }
0xba: {  	s3 =	sand.u32 $0x4000, s31;
	s1 =	sadd.s32 s1, s30  }
0xbb: {  	s0 =	sor.u32 s3, s0;
	s1 =	sshll.u32 s1, $0x11  }
0xbc: {  	s0 =	sor.u32 s1, s0  }
0xbd: {  	s0 =	sadd.s32 $0x8F2B, s0  }
0xbe: {  	[sflag:s0] =	ssyncadd.remote.s32 $0x1  }
0xbf: {  	_ =	sfence.sel $0xFFFF  }
0xc0: {  	[dreg:$0x0] =	wrdreg $0xFFFFFFFF;
	(pc) =	sbr.abs _section_cstart, $3  }
0xc1: {  	[dreg:$0x1] =	wrdreg $0xFFFFFFFF  }
0xc2: {  	_ =	task.clear_ibuf [dreg:s7], $0x2FFFF;
	_ =	strace $0x9FFFFFFF  }
0xc3: {  	(tm) =	ssettm $0x7FFFFFFF  }
tec
execute0_lowered:
.L_overlay_start_1:
0x0: {  	(tag) =	ssettag $0x1  }
0x1: {  	s1 =	rddreg [dreg:$0x0]  }
0x2: {  	s0 =	rddreg [dreg:$0x1]  }
0x3: {  	s2 =	rddreg [dreg:$0x2];
	s3 =	simm.s32 $0x0;
	s4 =	srdreg.scid  }
0x4: {  	s13 =	stileid.u32;
	s28 =	simm.s32 $0x14040;
	s29 =	simm.s32 $0x19800  }
0x5: {  	s30 =	simm.s32 $0x1;
	s31 =	simm.s32 $0x2;
	s8 =	smul.u32 $0x50000, s13  }
0x6: {  	[smem:$0x7FF] =	sst s3;
	s6 =	sadd.s32 $0xCE00, s0;
	s10 =	smul.u32 $0xA00, s13  }
0x7: {  	s4 =	sand.u32 $0x1, s4;
	s7 =	sadd.s32 $0x2E00, s0;
	s15 =	smul.u32 $0x5000, s13  }
0x8: {  	s0 =	sadd.s32 $0x65000, s0;
	s12 =	smul.u32 $0x14000, s13;
	p1 =	seq.s32 s13, $0xF  }
0x9: {  	s13 =	simm.s32 $0x5;
	_ =	strace $0x8000004D;
	s5 =	ssub.s32 $0x2, s4  }
0xa: {  	p0 =	seq.s32 s4, $0x1;
	s4 =	smul.u32 $0x138800, s4;
	s9 =	sshrl.u32 s5, $0x1  }
0xb: {  	s14 =	sshrl.u32 s8, $0x2;
	s11 =	sadd.s32 s6, s10;
	s10 =	sadd.s32 s7, s10  }
0xc: {  	s8 =	sshrl.u32 s15, $0x3;
	s15 =	simm.s32 $0x6;
	s9 =	ssub.s32 s5, s9  }
0xd: {  	s5 =	sadd.s32 s14, s2;
	[dreg:$0x4] =	wrdreg s11;
	s16 =	sadd.s32 $0x380, s8  }
0xe: {  	[dreg:$0x5] =	wrdreg s10;
	s17 =	sadd.s32 $0x700, s8;
	s14 =	sadd.s32 s6, s16  }
0xf: {  	s8 =	sadd.s32 $0x880, s8;
	s10 =	sadd.s32 s7, s16;
	[dreg:$0x6] =	wrdreg s14  }
0x10: {  	s20 =	sadd.s32 s12, s4;
	s18 =	sadd.s32 s6, s17;
	[dreg:$0x7] =	wrdreg s10  }
0x11: {  	s4 =	sshrl.u32 s4, $0x3;
	s19 =	sadd.s32 s7, s17;
	[dreg:$0x8] =	wrdreg s18  }
0x12: {  	s11 =	simm.s32 $0x4;
	s6 =	sadd.s32 s6, s8;
	[dreg:$0x9] =	wrdreg s19  }
0x13: {  	s12 =	simm.s32 $0x15C80;
	s7 =	sadd.s32 s7, s8;
	[dreg:$0xa] =	wrdreg s6  }
0x14: {  	s21 =	sshrl.u32 s20, $0x3;
	s22 =	smax.u32 s9, $0x1;
	[dreg:$0xb] =	wrdreg s7  }
0x15: {  	s23 =	sadd.s32 $0x4000, s5;
	s24 =	sadd.s32 $0x8000, s5;
	[dreg:$0xe] =	wrdreg s22  }
0x16: {  	s25 =	sadd.s32 $0xC000, s5;
	s26 =	sadd.s32 $0x10000, s5;
	[dreg:$0xf] =	wrdreg s23  }
0x17: {  	s8 =	simm.s32 $0x140C0;
	s9 =	simm.s32 $0x1D800;
	[dreg:$0x10] =	wrdreg s24  }
0x18: {  	s6 =	sadd.s32 s0, s21;
	s0 =	sadd.s32 s0, s4;
	[dreg:$0x11] =	wrdreg s25  }
0x19: {  	[dreg:$0x12] =	wrdreg s26;
	s21 =	simm.s32 $0x17800;
	s22 =	simm.s32 $0x7  }
.Ltmp0:
0x1a: {  	s23 =	simm.s32 $0x14000;
	s24 =	simm.s32 $0x15C00;
	(pc) =	sbr.rel .LBB2_1-.Ltmp0, $4  }
0x1b: {  	s26 =	simm.s32 $0x40;
	s7 =	simm.s32 $0x1B800;
	s10 =	simm.s32 $0x3  }
0x1c: {  	s4 =	simm.s32 $0x14100;
	[dreg:$0xc] =	wrdreg s6;
	s0 =	sadd.s32 $0x25800, s0  }
0x1d: {  	s14 =	simm.s32 $0x14140;
	[dreg:$0xd] =	wrdreg s0;
	s0 =	sadd.s32 $0x12C000, s2  }
0x1e: {  	v0 =	vimm.f32 $0.0e+00;
	s6 =	simm.s32 $0x14080;
	s25 =	sshrl.u32 @p1 s0, $0x3;
	s0 =	simm.s32 $0x80  }
.LBB2_12:
0x1f: {  	_ =	swait.ge [sflag:s15], $0x4000  }
0x20: {  	[sflag:s15] =	ssyncset.done $0x0  }
0x21: {  	[sflag:s15] =	ssyncadd.s32 $0xFFFFC000  }
0x22: {  	[bflag:$0x0] =	sbarrier.arrive $0xFFFF  }
0x23: {  	s16 =	simm.s32 @p1 $0x1FC7;
	s17 =	rddreg [dreg:$0xd]  }
0x24: {  	[hbm:s17], [sflag:s16] =	dma.local @p1 [spmem:s25], $0x1900  }
0x25: {  	s16 =	simm.s32 @p1 $0x7  }
0x26: {  	s17 =	stileid.u32;
	_ =	swait.ge @p1 [sflag:s16], $0x1900  }
0x27: {  	s17 =	sshll.u32 @!p1 s17, $0x6;
	[sflag:s16] =	ssyncset.done @p1 $0x0;
	s18 =	rddreg [dreg:$0xc]  }
0x28: {  	[sflag:s16] =	ssyncadd.s32 @p1 $0xFFFFE700;
	s16 =	sor.u32 @!p1 $0x1C07, s17;
	s17 =	sshrl.u32 @!p1 s5, $0x3  }
0x29: {  	[hbm:s18], [sflag:s16] =	dma.local @!p1 [spmem:s17], $0x2800  }
0x2a: {  	s16 =	simm.s32 @!p1 $0x7  }
0x2b: {  	_ =	swait.ge @!p1 [sflag:s16], $0x2800  }
0x2c: {  	s3 =	sadd.s32 $0x1, s3;
	s20 =	rddreg [dreg:$0xe]  }
0x2d: {  	p2 =	sne.s32 s3, s20  }
.Ltmp1:
0x2e: {  	_ = 	snop;
	(pc) =	sbr.rel @!p2 .LBB2_13-.Ltmp1, $3  }
0x2f: {  	_ =	sdelay $0x1  }
0x30: {  	[sflag:s16] =	ssyncset.done @!p1 $0x0  }
0x31: {  	[sflag:s16] =	ssyncadd.s32 @!p1 $0xFFFFD800  }
.LBB2_1:
0x32: {  	s16 =	simm.s32 $0x0;
	s17 =	simm.s32 $0x200  }
.LBB2_2:
0x33: {  	p2 =	sne.s32 s17, $0xFE00;
	[tilespmem:s16+$0x17870] =	vst v0  }
0x34: {  	[tilespmem:s16+$0x17800] =	vst v0  }
0x35: {  	[tilespmem:s16+$0x17810] =	vst v0  }
.Ltmp2:
0x36: {  	[tilespmem:s16+$0x17820] =	vst v0;
	(pc) =	sbr.rel @p2 .LBB2_2-.Ltmp2, $4  }
0x37: {  	[tilespmem:s16+$0x17830] =	vst v0  }
0x38: {  	[tilespmem:s16+$0x17840] =	vst v0  }
0x39: {  	[tilespmem:s16+$0x17850] =	vst v0  }
0x3a: {  	[tilespmem:s16+$0x17860] =	vst v0;
	s16 =	sshra.s32 s17, $0x2;
	s17 =	sadd.s32 $0x200, s17  }
0x3b: {  	[tilespmem:s16+$0x17870] =	vst v0  }
0x3c: {  	[tilespmem:s16+$0x17800] =	vst v0  }
0x3d: {  	[tilespmem:s16+$0x17810] =	vst v0  }
0x3e: {  	[tilespmem:s16+$0x17820] =	vst v0  }
0x3f: {  	[tilespmem:s16+$0x17830] =	vst v0  }
0x40: {  	[tilespmem:s16+$0x17840] =	vst v0  }
0x41: {  	[tilespmem:s16+$0x17850] =	vst v0  }
0x42: {  	[tilespmem:s16+$0x17860] =	vst v0  }
0x43: {  	[spmem:s5] =	stream.linear.scatter [tilespmem:s21], [sflag:$0x7], $0x4000, $0x38;
	[tilespmem:$0x1F800] =	vst v63  }
0x44: {  	_ =	swait.ge [sflag:s22], $0x4000  }
0x45: {  	[sflag:s22] =	ssyncset.done $0x0  }
0x46: {  	s17 =	rddreg [dreg:$0xf];
	[sflag:s22] =	ssyncadd.s32 $0xFFFFC000  }
0x47: {  	[spmem:s17] =	stream.linear.scatter [tilespmem:s21], [sflag:$0x7], $0x4000, $0x38;
	[tilespmem:$0x1F800] =	vst v63  }
0x48: {  	_ =	swait.ge [sflag:s22], $0x4000  }
0x49: {  	[sflag:s22] =	ssyncset.done $0x0  }
0x4a: {  	s18 =	rddreg [dreg:$0x10];
	[sflag:s22] =	ssyncadd.s32 $0xFFFFC000  }
0x4b: {  	[spmem:s18] =	stream.linear.scatter [tilespmem:s21], [sflag:$0x7], $0x4000, $0x38;
	[tilespmem:$0x1F800] =	vst v63  }
0x4c: {  	_ =	swait.ge [sflag:s22], $0x4000  }
0x4d: {  	[sflag:s22] =	ssyncset.done $0x0  }
0x4e: {  	s19 =	rddreg [dreg:$0x11];
	[sflag:s22] =	ssyncadd.s32 $0xFFFFC000  }
0x4f: {  	[spmem:s19] =	stream.linear.scatter [tilespmem:s21], [sflag:$0x7], $0x4000, $0x38;
	[tilespmem:$0x1F800] =	vst v63  }
0x50: {  	_ =	swait.ge [sflag:s22], $0x4000  }
0x51: {  	[sflag:s22] =	ssyncset.done $0x0  }
0x52: {  	s20 =	rddreg [dreg:$0x12];
	[sflag:s22] =	ssyncadd.s32 $0xFFFFC000  }
0x53: {  	[spmem:s20] =	stream.linear.scatter [tilespmem:s21], [sflag:$0x7], $0x4000, $0x38;
	[tilespmem:$0x1F800] =	vst v63  }
.Ltmp3:
0x54: {  	_ =	swait.ge [sflag:s22], $0x4000;
	(pc) =	sbr.rel @!p0 .LBB2_4-.Ltmp3, $4  }
0x55: {  	[sflag:s22] =	ssyncset.done $0x0  }
0x56: {  	[sflag:s22] =	ssyncadd.s32 $0xFFFFC000  }
0x57: {  	[bflag:$0x0] =	sbarrier.arrive $0xFFFF  }
0x58: {  	s16 =	simm.s32 $0x0  }
0x59: {  	s17 =	rddreg [dreg:$0x8]  }
0x5a: {  	[tilespmem:s23], [sflag:$0x7] =	stream.linear.gather [hbm4b:s17+s16], $0xC00, $0x38;
	[tilespmem:$0x1F800] =	vst v63  }
0x5b: {  	_ =	swait.ge [sflag:s22], $0xC00  }
0x5c: {  	[sflag:s22] =	ssyncset.done $0x0  }
0x5d: {  	s20 =	rddreg [dreg:$0x9];
	[sflag:s22] =	ssyncadd.s32 $0xFFFFF400  }
0x5e: {  	[tilespmem:s24], [sflag:$0x7] =	stream.linear.gather [hbm4b:s20+s16], $0xC00, $0x38;
	[tilespmem:$0x1F800] =	vst v63  }
0x5f: {  	_ =	swait.ge [sflag:s22], $0xC00  }
0x60: {  	[sflag:s22] =	ssyncset.done $0x0  }
0x61: {  	[sflag:s22] =	ssyncadd.s32 $0xFFFFF400  }
0x62: {  	[tilespmem:s21], [sflag:$0x1] =	stream.indirect.gather [hbm4b:s1+s26], $0x80, s23, s26, $0xb8;
	[tilespmem:$0x1F800] =	vst v63  }
0x63: {  	_ = 	snop  }
0x64: {  	[tilespmem:s29], [sflag:$0x2] =	stream.indirect.gather [hbm4b:s1+s26], $0x80, s28, s26, $0xb8;
	[tilespmem:$0x1F800] =	vst v63  }
0x65: {  	_ =	swait.ge [sflag:s30], $0x2000  }
0x66: {  	[sflag:s30] =	ssyncset.done $0x0  }
0x67: {  	[sflag:s30] =	ssyncadd.s32 $0xFFFFE000  }
0x68: {  	_ =	swait.ge [sflag:s31], $0x2000  }
0x69: {  	[sflag:s31] =	ssyncset.done $0x0  }
0x6a: {  	[sflag:s31] =	ssyncadd.s32 $0xFFFFE000  }
0x6b: {  	[spmem:s2] =	stream.indirect.scatter.add.f32 [tilespmem:s21], [sflag:$0x5], $0x80, s24, s0, $0xb8;
	[tilespmem:$0x1F800] =	vst v63  }
0x6c: {  	_ = 	snop  }
0x6d: {  	[tilespmem:s7], [sflag:$0x3] =	stream.indirect.gather [hbm4b:s1+s26], $0x80, s6, s26, $0xb8;
	[tilespmem:$0x1F800] =	vst v63  }
0x6e: {  	_ = 	snop  }
0x6f: {  	[tilespmem:s9], [sflag:$0x4] =	stream.indirect.gather [hbm4b:s1+s26], $0x80, s8, s26, $0xb8;
	[tilespmem:$0x1F800] =	vst v63  }
0x70: {  	_ =	swait.ge [sflag:s10], $0x2000  }
0x71: {  	[sflag:s10] =	ssyncset.done $0x0  }
0x72: {  	[sflag:s10] =	ssyncadd.s32 $0xFFFFE000  }
0x73: {  	_ =	swait.ge [sflag:s11], $0x2000  }
0x74: {  	[sflag:s11] =	ssyncset.done $0x0  }
0x75: {  	[sflag:s11] =	ssyncadd.s32 $0xFFFFE000  }
0x76: {  	[spmem:s2] =	stream.indirect.scatter.add.f32 [tilespmem:s7], [sflag:$0x6], $0x80, s12, s0, $0xb8;
	[tilespmem:$0x1F800] =	vst v63  }
0x77: {  	_ =	swait.ge [sflag:s13], $0x4000  }
0x78: {  	[sflag:s13] =	ssyncset.done $0x0  }
0x79: {  	[sflag:s13] =	ssyncadd.s32 $0xFFFFC000  }
0x7a: {  	[tilespmem:s21], [sflag:$0x1] =	stream.indirect.gather [hbm4b:s1+s26], $0x80, s4, s26, $0xb8;
	[tilespmem:$0x1F800] =	vst v63  }
0x7b: {  	_ = 	snop  }
0x7c: {  	[tilespmem:s29], [sflag:$0x2] =	stream.indirect.gather [hbm4b:s1+s26], $0x80, s14, s26, $0xb8;
	[tilespmem:$0x1F800] =	vst v63  }
.LBB2_9:
0x7d: {  	_ =	swait.ge [sflag:s30], $0x2000  }
0x7e: {  	[sflag:s30] =	ssyncset.done $0x0  }
0x7f: {  	[sflag:s30] =	ssyncadd.s32 $0xFFFFE000  }
0x80: {  	_ =	swait.ge [sflag:s31], $0x2000  }
0x81: {  	s17 =	sshra.s32 s16, $0x2;
	[sflag:s31] =	ssyncset.done $0x0  }
0x82: {  	s18 =	sadd.s32 $0x15D00, s17;
	[sflag:s31] =	ssyncadd.s32 $0xFFFFE000  }
0x83: {  	[spmem:s2] =	stream.indirect.scatter.add.f32 [tilespmem:s21], [sflag:$0x5], $0x80, s18, s0, $0xb8;
	[tilespmem:$0x1F800] =	vst v63  }
0x84: {  	_ =	swait.ge [sflag:s15], $0x4000  }
0x85: {  	[sflag:s15] =	ssyncset.done $0x0  }
0x86: {  	s19 =	sadd.s32 $0x14180, s17;
	[sflag:s15] =	ssyncadd.s32 $0xFFFFC000  }
0x87: {  	[tilespmem:s7], [sflag:$0x3] =	stream.indirect.gather [hbm4b:s1+s26], $0x80, s19, s26, $0xb8;
	[tilespmem:$0x1F800] =	vst v63  }
0x88: {  	s20 =	sadd.s32 $0x141C0, s17  }
0x89: {  	[tilespmem:s9], [sflag:$0x4] =	stream.indirect.gather [hbm4b:s1+s26], $0x80, s20, s26, $0xb8;
	[tilespmem:$0x1F800] =	vst v63  }
0x8a: {  	_ =	swait.ge [sflag:s10], $0x2000  }
0x8b: {  	[sflag:s10] =	ssyncset.done $0x0  }
0x8c: {  	[sflag:s10] =	ssyncadd.s32 $0xFFFFE000  }
0x8d: {  	_ =	swait.ge [sflag:s11], $0x2000  }
0x8e: {  	[sflag:s11] =	ssyncset.done $0x0  }
0x8f: {  	p2 =	seq.s32 s16, $0x2800;
	s17 =	sadd.s32 $0x15D80, s17;
	[sflag:s11] =	ssyncadd.s32 $0xFFFFE000  }
0x90: {  	[spmem:s2] =	stream.indirect.scatter.add.f32 [tilespmem:s7], [sflag:$0x6], $0x80, s17, s0, $0xb8;
	[tilespmem:$0x1F800] =	vst v63  }
0x91: {  	s19 =	simm.s32 @!p2 $0x40;
	_ =	swait.ge [sflag:s13], $0x4000  }
0x92: {  	s20 =	simm.s32 @!p2 $0x17800;
	s17 =	sshra.s32 @!p2 s16, $0x2;
	[sflag:s13] =	ssyncset.done $0x0  }
0x93: {  	s16 =	sadd.s32 @!p2 $0x400, s16;
	s18 =	sadd.s32 @!p2 $0x14200, s17;
	[sflag:s13] =	ssyncadd.s32 $0xFFFFC000  }
0x94: {  	[tilespmem:s20], [sflag:$0x1] =	stream.indirect.gather @!p2 [hbm4b:s1+s19], $0x80, s18, s19, $0xb8;
	[tilespmem:$0x1F800] =	vst v63  }
0x95: {  	s17 =	sadd.s32 @!p2 $0x14240, s17;
	p3 =	sne.s32 @!p2 s16, $0x2C00;
	s18 =	simm.s32 @!p2 $0x19800  }
0x96: {  	[tilespmem:s18], [sflag:$0x2] =	stream.indirect.gather @!p2 [hbm4b:s1+s19], $0x80, s17, s19, $0xb8;
	[tilespmem:$0x1F800] =	vst v63  }
0x97: {  	p2 =	por p2, !p3  }
.Ltmp4:
0x98: {  	_ = 	snop;
	(pc) =	sbr.rel @!p2 .LBB2_9-.Ltmp4, $1  }
0x99: {  	_ =	sdelay $0x3  }
0x9a: {  	_ =	swait.ge [sflag:s15], $0x4000  }
0x9b: {  	[sflag:s15] =	ssyncset.done $0x0  }
0x9c: {  	s16 =	simm.s32 $0x0;
	s17 =	rddreg [dreg:$0xa];
	[sflag:s15] =	ssyncadd.s32 $0xFFFFC000  }
0x9d: {  	[tilespmem:s23], [sflag:$0x7] =	stream.linear.gather [hbm4b:s17+s16], $0xC00, $0x38;
	[tilespmem:$0x1F800] =	vst v63  }
0x9e: {  	_ =	swait.ge [sflag:s22], $0xC00  }
0x9f: {  	[sflag:s22] =	ssyncset.done $0x0  }
0xa0: {  	s20 =	rddreg [dreg:$0xb];
	[sflag:s22] =	ssyncadd.s32 $0xFFFFF400  }
0xa1: {  	[tilespmem:s24], [sflag:$0x7] =	stream.linear.gather [hbm4b:s20+s16], $0xC00, $0x38;
	[tilespmem:$0x1F800] =	vst v63  }
0xa2: {  	_ =	swait.ge [sflag:s22], $0xC00  }
0xa3: {  	[sflag:s22] =	ssyncset.done $0x0  }
0xa4: {  	[sflag:s22] =	ssyncadd.s32 $0xFFFFF400  }
0xa5: {  	[tilespmem:s21], [sflag:$0x1] =	stream.indirect.gather [hbm4b:s1+s26], $0x80, s23, s26, $0xb8;
	[tilespmem:$0x1F800] =	vst v63  }
0xa6: {  	_ = 	snop  }
0xa7: {  	[tilespmem:s29], [sflag:$0x2] =	stream.indirect.gather [hbm4b:s1+s26], $0x80, s28, s26, $0xb8;
	[tilespmem:$0x1F800] =	vst v63  }
0xa8: {  	_ =	swait.ge [sflag:s30], $0x2000  }
0xa9: {  	[sflag:s30] =	ssyncset.done $0x0  }
0xaa: {  	[sflag:s30] =	ssyncadd.s32 $0xFFFFE000  }
0xab: {  	_ =	swait.ge [sflag:s31], $0x2000  }
0xac: {  	[sflag:s31] =	ssyncset.done $0x0  }
0xad: {  	[sflag:s31] =	ssyncadd.s32 $0xFFFFE000  }
0xae: {  	[spmem:s2] =	stream.indirect.scatter.add.f32 [tilespmem:s21], [sflag:$0x5], $0x80, s24, s0, $0xb8;
	[tilespmem:$0x1F800] =	vst v63  }
0xaf: {  	_ = 	snop  }
0xb0: {  	[tilespmem:s7], [sflag:$0x3] =	stream.indirect.gather [hbm4b:s1+s26], $0x80, s6, s26, $0xb8;
	[tilespmem:$0x1F800] =	vst v63  }
0xb1: {  	_ = 	snop  }
0xb2: {  	[tilespmem:s9], [sflag:$0x4] =	stream.indirect.gather [hbm4b:s1+s26], $0x80, s8, s26, $0xb8;
	[tilespmem:$0x1F800] =	vst v63  }
0xb3: {  	_ =	swait.ge [sflag:s10], $0x2000  }
0xb4: {  	[sflag:s10] =	ssyncset.done $0x0  }
0xb5: {  	[sflag:s10] =	ssyncadd.s32 $0xFFFFE000  }
0xb6: {  	_ =	swait.ge [sflag:s11], $0x2000  }
0xb7: {  	[sflag:s11] =	ssyncset.done $0x0  }
0xb8: {  	[sflag:s11] =	ssyncadd.s32 $0xFFFFE000  }
0xb9: {  	[spmem:s2] =	stream.indirect.scatter.add.f32 [tilespmem:s7], [sflag:$0x6], $0x80, s12, s0, $0xb8;
	[tilespmem:$0x1F800] =	vst v63  }
0xba: {  	_ =	swait.ge [sflag:s13], $0x4000  }
0xbb: {  	[sflag:s13] =	ssyncset.done $0x0  }
0xbc: {  	[sflag:s13] =	ssyncadd.s32 $0xFFFFC000  }
0xbd: {  	[tilespmem:s21], [sflag:$0x1] =	stream.indirect.gather [hbm4b:s1+s26], $0x80, s4, s26, $0xb8;
	[tilespmem:$0x1F800] =	vst v63  }
0xbe: {  	_ = 	snop  }
0xbf: {  	[tilespmem:s29], [sflag:$0x2] =	stream.indirect.gather [hbm4b:s1+s26], $0x80, s14, s26, $0xb8;
	[tilespmem:$0x1F800] =	vst v63  }
.LBB2_11:
0xc0: {  	_ =	swait.ge [sflag:s30], $0x2000  }
0xc1: {  	[sflag:s30] =	ssyncset.done $0x0  }
0xc2: {  	[sflag:s30] =	ssyncadd.s32 $0xFFFFE000  }
0xc3: {  	_ =	swait.ge [sflag:s31], $0x2000  }
0xc4: {  	s17 =	sshra.s32 s16, $0x2;
	[sflag:s31] =	ssyncset.done $0x0  }
0xc5: {  	s18 =	sadd.s32 $0x15D00, s17;
	[sflag:s31] =	ssyncadd.s32 $0xFFFFE000  }
0xc6: {  	[spmem:s2] =	stream.indirect.scatter.add.f32 [tilespmem:s21], [sflag:$0x5], $0x80, s18, s0, $0xb8;
	[tilespmem:$0x1F800] =	vst v63  }
0xc7: {  	_ =	swait.ge [sflag:s15], $0x4000  }
0xc8: {  	[sflag:s15] =	ssyncset.done $0x0  }
0xc9: {  	s19 =	sadd.s32 $0x14180, s17;
	[sflag:s15] =	ssyncadd.s32 $0xFFFFC000  }
0xca: {  	[tilespmem:s7], [sflag:$0x3] =	stream.indirect.gather [hbm4b:s1+s26], $0x80, s19, s26, $0xb8;
	[tilespmem:$0x1F800] =	vst v63  }
0xcb: {  	s20 =	sadd.s32 $0x141C0, s17  }
0xcc: {  	[tilespmem:s9], [sflag:$0x4] =	stream.indirect.gather [hbm4b:s1+s26], $0x80, s20, s26, $0xb8;
	[tilespmem:$0x1F800] =	vst v63  }
0xcd: {  	_ =	swait.ge [sflag:s10], $0x2000  }
0xce: {  	[sflag:s10] =	ssyncset.done $0x0  }
0xcf: {  	[sflag:s10] =	ssyncadd.s32 $0xFFFFE000  }
0xd0: {  	_ =	swait.ge [sflag:s11], $0x2000  }
0xd1: {  	[sflag:s11] =	ssyncset.done $0x0  }
0xd2: {  	p2 =	seq.s32 s16, $0x2800;
	s17 =	sadd.s32 $0x15D80, s17;
	[sflag:s11] =	ssyncadd.s32 $0xFFFFE000  }
0xd3: {  	[spmem:s2] =	stream.indirect.scatter.add.f32 [tilespmem:s7], [sflag:$0x6], $0x80, s17, s0, $0xb8;
	[tilespmem:$0x1F800] =	vst v63  }
0xd4: {  	s19 =	simm.s32 @!p2 $0x40;
	_ =	swait.ge [sflag:s13], $0x4000  }
0xd5: {  	s20 =	simm.s32 @!p2 $0x17800;
	s17 =	sshra.s32 @!p2 s16, $0x2;
	[sflag:s13] =	ssyncset.done $0x0  }
0xd6: {  	s16 =	sadd.s32 @!p2 $0x400, s16;
	s18 =	sadd.s32 @!p2 $0x14200, s17;
	[sflag:s13] =	ssyncadd.s32 $0xFFFFC000  }
0xd7: {  	[tilespmem:s20], [sflag:$0x1] =	stream.indirect.gather @!p2 [hbm4b:s1+s19], $0x80, s18, s19, $0xb8;
	[tilespmem:$0x1F800] =	vst v63  }
0xd8: {  	s17 =	sadd.s32 @!p2 $0x14240, s17;
	p3 =	sne.s32 @!p2 s16, $0x2C00;
	s18 =	simm.s32 @!p2 $0x19800  }
0xd9: {  	[tilespmem:s18], [sflag:$0x2] =	stream.indirect.gather @!p2 [hbm4b:s1+s19], $0x80, s17, s19, $0xb8;
	[tilespmem:$0x1F800] =	vst v63  }
0xda: {  	p2 =	por p2, !p3  }
.Ltmp5:
0xdb: {  	_ = 	snop;
	(pc) =	sbr.rel @!p2 .LBB2_11-.Ltmp5, $1  }
0xdc: {  	_ =	sdelay $0x3  }
.Ltmp6:
0xdd: {  	_ = 	snop;
	(pc) =	sbr.rel .LBB2_12-.Ltmp6, $1  }
0xde: {  	_ =	sdelay $0x3  }
.LBB2_4:
0xdf: {  	s17 =	rddreg [dreg:$0x4]  }
0xe0: {  	[tilespmem:s23], [sflag:$0x7] =	stream.linear.gather [hbm4b:s17+s16], $0x1C00, $0x38;
	[tilespmem:$0x1F800] =	vst v63  }
0xe1: {  	_ =	swait.ge [sflag:s22], $0x1C00  }
0xe2: {  	[sflag:s22] =	ssyncset.done $0x0  }
0xe3: {  	s20 =	rddreg [dreg:$0x5];
	[sflag:s22] =	ssyncadd.s32 $0xFFFFE400  }
0xe4: {  	[tilespmem:s24], [sflag:$0x7] =	stream.linear.gather [hbm4b:s20+s16], $0x1C00, $0x38;
	[tilespmem:$0x1F800] =	vst v63  }
0xe5: {  	_ =	swait.ge [sflag:s22], $0x1C00  }
0xe6: {  	[sflag:s22] =	ssyncset.done $0x0  }
0xe7: {  	[sflag:s22] =	ssyncadd.s32 $0xFFFFE400  }
0xe8: {  	[tilespmem:s21], [sflag:$0x1] =	stream.indirect.gather [hbm4b:s1+s26], $0x80, s23, s26, $0xb8;
	[tilespmem:$0x1F800] =	vst v63  }
0xe9: {  	_ = 	snop  }
0xea: {  	[tilespmem:s29], [sflag:$0x2] =	stream.indirect.gather [hbm4b:s1+s26], $0x80, s28, s26, $0xb8;
	[tilespmem:$0x1F800] =	vst v63  }
0xeb: {  	_ =	swait.ge [sflag:s30], $0x2000  }
0xec: {  	[sflag:s30] =	ssyncset.done $0x0  }
0xed: {  	[sflag:s30] =	ssyncadd.s32 $0xFFFFE000  }
0xee: {  	_ =	swait.ge [sflag:s31], $0x2000  }
0xef: {  	[sflag:s31] =	ssyncset.done $0x0  }
0xf0: {  	[sflag:s31] =	ssyncadd.s32 $0xFFFFE000  }
0xf1: {  	[spmem:s2] =	stream.indirect.scatter.add.f32 [tilespmem:s21], [sflag:$0x5], $0x80, s24, s0, $0xb8;
	[tilespmem:$0x1F800] =	vst v63  }
0xf2: {  	_ = 	snop  }
0xf3: {  	[tilespmem:s7], [sflag:$0x3] =	stream.indirect.gather [hbm4b:s1+s26], $0x80, s6, s26, $0xb8;
	[tilespmem:$0x1F800] =	vst v63  }
0xf4: {  	_ = 	snop  }
0xf5: {  	[tilespmem:s9], [sflag:$0x4] =	stream.indirect.gather [hbm4b:s1+s26], $0x80, s8, s26, $0xb8;
	[tilespmem:$0x1F800] =	vst v63  }
0xf6: {  	_ =	swait.ge [sflag:s10], $0x2000  }
0xf7: {  	[sflag:s10] =	ssyncset.done $0x0  }
0xf8: {  	[sflag:s10] =	ssyncadd.s32 $0xFFFFE000  }
0xf9: {  	_ =	swait.ge [sflag:s11], $0x2000  }
0xfa: {  	[sflag:s11] =	ssyncset.done $0x0  }
0xfb: {  	[sflag:s11] =	ssyncadd.s32 $0xFFFFE000  }
0xfc: {  	[spmem:s2] =	stream.indirect.scatter.add.f32 [tilespmem:s7], [sflag:$0x6], $0x80, s12, s0, $0xb8;
	[tilespmem:$0x1F800] =	vst v63  }
0xfd: {  	_ =	swait.ge [sflag:s13], $0x4000  }
0xfe: {  	[sflag:s13] =	ssyncset.done $0x0  }
0xff: {  	[sflag:s13] =	ssyncadd.s32 $0xFFFFC000  }
0x100: {  	[tilespmem:s21], [sflag:$0x1] =	stream.indirect.gather [hbm4b:s1+s26], $0x80, s4, s26, $0xb8;
	[tilespmem:$0x1F800] =	vst v63  }
0x101: {  	_ = 	snop  }
0x102: {  	[tilespmem:s29], [sflag:$0x2] =	stream.indirect.gather [hbm4b:s1+s26], $0x80, s14, s26, $0xb8;
	[tilespmem:$0x1F800] =	vst v63  }
.LBB2_5:
0x103: {  	_ =	swait.ge [sflag:s30], $0x2000  }
0x104: {  	[sflag:s30] =	ssyncset.done $0x0  }
0x105: {  	[sflag:s30] =	ssyncadd.s32 $0xFFFFE000  }
0x106: {  	_ =	swait.ge [sflag:s31], $0x2000  }
0x107: {  	s17 =	sshra.s32 s16, $0x2;
	[sflag:s31] =	ssyncset.done $0x0  }
0x108: {  	s18 =	sadd.s32 $0x15D00, s17;
	[sflag:s31] =	ssyncadd.s32 $0xFFFFE000  }
0x109: {  	[spmem:s2] =	stream.indirect.scatter.add.f32 [tilespmem:s21], [sflag:$0x5], $0x80, s18, s0, $0xb8;
	[tilespmem:$0x1F800] =	vst v63  }
0x10a: {  	_ =	swait.ge [sflag:s15], $0x4000  }
0x10b: {  	[sflag:s15] =	ssyncset.done $0x0  }
0x10c: {  	s19 =	sadd.s32 $0x14180, s17;
	[sflag:s15] =	ssyncadd.s32 $0xFFFFC000  }
0x10d: {  	[tilespmem:s7], [sflag:$0x3] =	stream.indirect.gather [hbm4b:s1+s26], $0x80, s19, s26, $0xb8;
	[tilespmem:$0x1F800] =	vst v63  }
0x10e: {  	s20 =	sadd.s32 $0x141C0, s17  }
0x10f: {  	[tilespmem:s9], [sflag:$0x4] =	stream.indirect.gather [hbm4b:s1+s26], $0x80, s20, s26, $0xb8;
	[tilespmem:$0x1F800] =	vst v63  }
0x110: {  	_ =	swait.ge [sflag:s10], $0x2000  }
0x111: {  	[sflag:s10] =	ssyncset.done $0x0  }
0x112: {  	[sflag:s10] =	ssyncadd.s32 $0xFFFFE000  }
0x113: {  	_ =	swait.ge [sflag:s11], $0x2000  }
0x114: {  	[sflag:s11] =	ssyncset.done $0x0  }
0x115: {  	p2 =	seq.s32 s16, $0x6800;
	s17 =	sadd.s32 $0x15D80, s17;
	[sflag:s11] =	ssyncadd.s32 $0xFFFFE000  }
0x116: {  	[spmem:s2] =	stream.indirect.scatter.add.f32 [tilespmem:s7], [sflag:$0x6], $0x80, s17, s0, $0xb8;
	[tilespmem:$0x1F800] =	vst v63  }
0x117: {  	s19 =	simm.s32 @!p2 $0x40;
	_ =	swait.ge [sflag:s13], $0x4000  }
0x118: {  	s20 =	simm.s32 @!p2 $0x17800;
	s17 =	sshra.s32 @!p2 s16, $0x2;
	[sflag:s13] =	ssyncset.done $0x0  }
0x119: {  	s16 =	sadd.s32 @!p2 $0x400, s16;
	s18 =	sadd.s32 @!p2 $0x14200, s17;
	[sflag:s13] =	ssyncadd.s32 $0xFFFFC000  }
0x11a: {  	[tilespmem:s20], [sflag:$0x1] =	stream.indirect.gather @!p2 [hbm4b:s1+s19], $0x80, s18, s19, $0xb8;
	[tilespmem:$0x1F800] =	vst v63  }
0x11b: {  	s17 =	sadd.s32 @!p2 $0x14240, s17;
	p3 =	sne.s32 @!p2 s16, $0x6C00;
	s18 =	simm.s32 @!p2 $0x19800  }
0x11c: {  	[tilespmem:s18], [sflag:$0x2] =	stream.indirect.gather @!p2 [hbm4b:s1+s19], $0x80, s17, s19, $0xb8;
	[tilespmem:$0x1F800] =	vst v63  }
0x11d: {  	p2 =	por p2, !p3  }
.Ltmp7:
0x11e: {  	_ = 	snop;
	(pc) =	sbr.rel @!p2 .LBB2_5-.Ltmp7, $1  }
0x11f: {  	_ =	sdelay $0x3  }
0x120: {  	_ =	swait.ge [sflag:s15], $0x4000  }
0x121: {  	[sflag:s15] =	ssyncset.done $0x0  }
0x122: {  	s16 =	simm.s32 $0x0;
	s17 =	rddreg [dreg:$0x6];
	[sflag:s15] =	ssyncadd.s32 $0xFFFFC000  }
0x123: {  	[tilespmem:s23], [sflag:$0x7] =	stream.linear.gather [hbm4b:s17+s16], $0x1C00, $0x38;
	[tilespmem:$0x1F800] =	vst v63  }
0x124: {  	_ =	swait.ge [sflag:s22], $0x1C00  }
0x125: {  	[sflag:s22] =	ssyncset.done $0x0  }
0x126: {  	s20 =	rddreg [dreg:$0x7];
	[sflag:s22] =	ssyncadd.s32 $0xFFFFE400  }
0x127: {  	[tilespmem:s24], [sflag:$0x7] =	stream.linear.gather [hbm4b:s20+s16], $0x1C00, $0x38;
	[tilespmem:$0x1F800] =	vst v63  }
0x128: {  	_ =	swait.ge [sflag:s22], $0x1C00  }
0x129: {  	[sflag:s22] =	ssyncset.done $0x0  }
0x12a: {  	[sflag:s22] =	ssyncadd.s32 $0xFFFFE400  }
0x12b: {  	[tilespmem:s21], [sflag:$0x1] =	stream.indirect.gather [hbm4b:s1+s26], $0x80, s23, s26, $0xb8;
	[tilespmem:$0x1F800] =	vst v63  }
0x12c: {  	_ = 	snop  }
0x12d: {  	[tilespmem:s29], [sflag:$0x2] =	stream.indirect.gather [hbm4b:s1+s26], $0x80, s28, s26, $0xb8;
	[tilespmem:$0x1F800] =	vst v63  }
0x12e: {  	_ =	swait.ge [sflag:s30], $0x2000  }
0x12f: {  	[sflag:s30] =	ssyncset.done $0x0  }
0x130: {  	[sflag:s30] =	ssyncadd.s32 $0xFFFFE000  }
0x131: {  	_ =	swait.ge [sflag:s31], $0x2000  }
0x132: {  	[sflag:s31] =	ssyncset.done $0x0  }
0x133: {  	[sflag:s31] =	ssyncadd.s32 $0xFFFFE000  }
0x134: {  	[spmem:s2] =	stream.indirect.scatter.add.f32 [tilespmem:s21], [sflag:$0x5], $0x80, s24, s0, $0xb8;
	[tilespmem:$0x1F800] =	vst v63  }
0x135: {  	_ = 	snop  }
0x136: {  	[tilespmem:s7], [sflag:$0x3] =	stream.indirect.gather [hbm4b:s1+s26], $0x80, s6, s26, $0xb8;
	[tilespmem:$0x1F800] =	vst v63  }
0x137: {  	_ = 	snop  }
0x138: {  	[tilespmem:s9], [sflag:$0x4] =	stream.indirect.gather [hbm4b:s1+s26], $0x80, s8, s26, $0xb8;
	[tilespmem:$0x1F800] =	vst v63  }
0x139: {  	_ =	swait.ge [sflag:s10], $0x2000  }
0x13a: {  	[sflag:s10] =	ssyncset.done $0x0  }
0x13b: {  	[sflag:s10] =	ssyncadd.s32 $0xFFFFE000  }
0x13c: {  	_ =	swait.ge [sflag:s11], $0x2000  }
0x13d: {  	[sflag:s11] =	ssyncset.done $0x0  }
0x13e: {  	[sflag:s11] =	ssyncadd.s32 $0xFFFFE000  }
0x13f: {  	[spmem:s2] =	stream.indirect.scatter.add.f32 [tilespmem:s7], [sflag:$0x6], $0x80, s12, s0, $0xb8;
	[tilespmem:$0x1F800] =	vst v63  }
0x140: {  	_ =	swait.ge [sflag:s13], $0x4000  }
0x141: {  	[sflag:s13] =	ssyncset.done $0x0  }
0x142: {  	[sflag:s13] =	ssyncadd.s32 $0xFFFFC000  }
0x143: {  	[tilespmem:s21], [sflag:$0x1] =	stream.indirect.gather [hbm4b:s1+s26], $0x80, s4, s26, $0xb8;
	[tilespmem:$0x1F800] =	vst v63  }
0x144: {  	_ = 	snop  }
0x145: {  	[tilespmem:s29], [sflag:$0x2] =	stream.indirect.gather [hbm4b:s1+s26], $0x80, s14, s26, $0xb8;
	[tilespmem:$0x1F800] =	vst v63  }
.LBB2_7:
0x146: {  	_ =	swait.ge [sflag:s30], $0x2000  }
0x147: {  	[sflag:s30] =	ssyncset.done $0x0  }
0x148: {  	[sflag:s30] =	ssyncadd.s32 $0xFFFFE000  }
0x149: {  	_ =	swait.ge [sflag:s31], $0x2000  }
0x14a: {  	s17 =	sshra.s32 s16, $0x2;
	[sflag:s31] =	ssyncset.done $0x0  }
0x14b: {  	s18 =	sadd.s32 $0x15D00, s17;
	[sflag:s31] =	ssyncadd.s32 $0xFFFFE000  }
0x14c: {  	[spmem:s2] =	stream.indirect.scatter.add.f32 [tilespmem:s21], [sflag:$0x5], $0x80, s18, s0, $0xb8;
	[tilespmem:$0x1F800] =	vst v63  }
0x14d: {  	_ =	swait.ge [sflag:s15], $0x4000  }
0x14e: {  	[sflag:s15] =	ssyncset.done $0x0  }
0x14f: {  	s19 =	sadd.s32 $0x14180, s17;
	[sflag:s15] =	ssyncadd.s32 $0xFFFFC000  }
0x150: {  	[tilespmem:s7], [sflag:$0x3] =	stream.indirect.gather [hbm4b:s1+s26], $0x80, s19, s26, $0xb8;
	[tilespmem:$0x1F800] =	vst v63  }
0x151: {  	s20 =	sadd.s32 $0x141C0, s17  }
0x152: {  	[tilespmem:s9], [sflag:$0x4] =	stream.indirect.gather [hbm4b:s1+s26], $0x80, s20, s26, $0xb8;
	[tilespmem:$0x1F800] =	vst v63  }
0x153: {  	_ =	swait.ge [sflag:s10], $0x2000  }
0x154: {  	[sflag:s10] =	ssyncset.done $0x0  }
0x155: {  	[sflag:s10] =	ssyncadd.s32 $0xFFFFE000  }
0x156: {  	_ =	swait.ge [sflag:s11], $0x2000  }
0x157: {  	[sflag:s11] =	ssyncset.done $0x0  }
0x158: {  	p2 =	seq.s32 s16, $0x6800;
	s17 =	sadd.s32 $0x15D80, s17;
	[sflag:s11] =	ssyncadd.s32 $0xFFFFE000  }
0x159: {  	[spmem:s2] =	stream.indirect.scatter.add.f32 [tilespmem:s7], [sflag:$0x6], $0x80, s17, s0, $0xb8;
	[tilespmem:$0x1F800] =	vst v63  }
0x15a: {  	s19 =	simm.s32 @!p2 $0x40;
	_ =	swait.ge [sflag:s13], $0x4000  }
0x15b: {  	s20 =	simm.s32 @!p2 $0x17800;
	s17 =	sshra.s32 @!p2 s16, $0x2;
	[sflag:s13] =	ssyncset.done $0x0  }
0x15c: {  	s16 =	sadd.s32 @!p2 $0x400, s16;
	s18 =	sadd.s32 @!p2 $0x14200, s17;
	[sflag:s13] =	ssyncadd.s32 $0xFFFFC000  }
0x15d: {  	[tilespmem:s20], [sflag:$0x1] =	stream.indirect.gather @!p2 [hbm4b:s1+s19], $0x80, s18, s19, $0xb8;
	[tilespmem:$0x1F800] =	vst v63  }
0x15e: {  	s17 =	sadd.s32 @!p2 $0x14240, s17;
	p3 =	seq.s32 @!p2 s16, $0x6C00;
	s18 =	simm.s32 @!p2 $0x19800  }
0x15f: {  	[tilespmem:s18], [sflag:$0x2] =	stream.indirect.gather @!p2 [hbm4b:s1+s19], $0x80, s17, s19, $0xb8;
	[tilespmem:$0x1F800] =	vst v63  }
0x160: {  	p2 =	por p2, p3  }
.Ltmp8:
0x161: {  	_ = 	snop;
	(pc) =	sbr.rel @!p2 .LBB2_7-.Ltmp8, $1  }
0x162: {  	_ =	sdelay $0x3  }
.Ltmp9:
0x163: {  	_ = 	snop;
	(pc) =	sbr.rel .LBB2_12-.Ltmp9, $1  }
0x164: {  	_ =	sdelay $0x3  }
.LBB2_13:
0x165: {  	_ =	sfence.sel $0x180000  }
0x166: {  	[bflag:$0x0] =	sbarrier.arrive $0xFFFF  }
0x167: {  	_ =	strace $0x9000004D  }
0x168: {  	s0 =	stileid.u32;
	[bflag:$0x2] =	sbarrier.arrive $0xFFFF  }
0x169: {  	p0 =	sne.s32 s0, $0x0;
	s0 =	rddreg [dreg:$0x3]  }
0x16a: {  	s0 =	sadd.s32 @!p0 $0x100000, s0  }
0x16b: {  	[sflag:s0] =	ssyncadd.tile.s32 @!p0 $0x1;
	_ =	shalt  }
.Lfunc_end2:
_tile_overlayer_lowered:
.L_overlay_start_2:
0x16c: {  	(tag) =	ssettag $0x2  }
0x16d: {  	s0 =	rddreg [dreg:$0x0];
	s2 =	stileid.u32  }
0x16e: {  	s1 =	rddreg [dreg:$0x1];
	p0 =	sne.s32 s2, $0x0  }
0x16f: {  	s3 =	rddreg [dreg:$0x2];
	[bflag:$0x3] =	sbarrier.arrive $0xFFFF;
	s2 =	simm.s32 @!p0 $0x1C07  }
0x170: {  	[timem:s3], [sflag:s2] =	dma.local @!p0 [hbm:s0], s1  }
0x171: {  	s0 =	simm.s32 @!p0 $0x7  }
0x172: {  	_ =	swait.ge @!p0 [sflag:s0], s1  }
0x173: {  	s1 =	ssub.s32 @!p0 $0x0, s1;
	[sflag:s0] =	ssyncset.done @!p0 $0x0  }
0x174: {  	[sflag:s0] =	ssyncadd.s32 @!p0 s1  }
0x175: {  	[bflag:$0x3] =	sbarrier.arrive $0xFFFF  }
0x176: {  	_ =	shalt  }

// kernel: kernel.8.cloned.1.call-start
scs
__scs_entry_jumppad:
0x0: {  	(pc) =	sbr.rel $0x88, $3  }
0x1: {  	(tag) =	ssettag $0x0;
	lr =	simm.s32 $0x1  }
0x2: {  	[smem:$0x3F94] =	sst lr;
	_ =	strace $0xD0000000  }
0x3: {  	_ = 	snop  }
0x4: {  	_ = 	snop  }
0x5: {  	_ = 	snop  }
0x6: {  	_ = 	snop  }
0x7: {  	_ = 	snop  }
__scs_overlays_trampoline_lowered:
0x8: {  	[smem:$0x3FA3] =	sst s0  }
0x9: {  	[smem:$0x3FA4] =	sst s1  }
0xa: {  	[smem:$0x3FA5] =	sst s2  }
0xb: {  	[smem:$0x3FA6] =	sst s3  }
0xc: {  	[smem:$0x3FA7] =	sst s4  }
0xd: {  	[smem:$0x3FA8] =	sst s5  }
0xe: {  	[smem:$0x3FA9] =	sst s6  }
0xf: {  	[smem:$0x3FAA] =	sst s7  }
0x10: {  	[smem:$0x3FAB] =	sst s8  }
0x11: {  	[smem:$0x3FAC] =	sst s9;
	s0 =	simm.s32 @!p0 $0x0  }
0x12: {  	s1 =	sld [smem:$0x3F92];
	s0 =	simm.s32 @p0 $0x1  }
0x13: {  	[smem:$0x3FAD] =	sst s0;
	s0 =	simm.s32 @!p1 $0x0  }
0x14: {  	s2 =	sld [smem:$0x3F91];
	s0 =	simm.s32 @p1 $0x1  }
0x15: {  	[smem:$0x3FAE] =	sst s0;
	s0 =	simm.s32 @!p2 $0x0  }
0x16: {  	s3 =	sld [smem:$0x3FDB];
	s0 =	simm.s32 @p2 $0x1  }
0x17: {  	s4 =	simm.s32 $0x1BF5;
	[smem:$0x3FB0] =	sst s0  }
0x18: {  	s0 =	sld [smem:$0x3F93];
	_ =	swait.ge [sflag:s4], $0x0  }
0x19: {  	s7 =	sld [smem:$0x3F94]  }
0x1a: {  	s8 =	sadd.s32 $0xFFFFE003, lr  }
0x1b: {  	s9 =	sadd.s32 $0xFFFFFEF7, lr;
	s5 =	simm.s32 $0xFFFFFFFF;
	p2 =	slt.u32 s8, $0xFFFFF086  }
0x1c: {  	p1 =	slt.u32 s9, $0xF7A;
	s5 =	simm.s32 @!p2 $0x0  }
0x1d: {  	s5 =	simm.s32 @p1 $0x1;
	p0 =	seq.s32 s7, s2  }
0x1e: {  	s7 =	smul.u32 @!p0 $0xF7A, s2;
	p2 =	seq.s32 @!p0 s5, $0x0  }
0x1f: {  	s9 =	smul.u32 $0xF7A, s1;
	s8 =	simm.s32 @!p0 $0x1BF5;
	p2 =	por !p2, p0  }
0x20: {  	[sflag:s8] =	ssyncset.s32 @!p0 $0xFFFFF086;
	s6 =	sadd.s32 @!p0 s3, s7;
	s7 =	simm.s32 @!p0 $0x108  }
0x21: {  	s3 =	sadd.s32 s3, s9;
	s6 =	sadd.s32 @!p0 $0x88, s6;
	s7 =	simm.s32 @p2 $0x1082  }
0x22: {  	[simem:s7], [sflag:s8] =	dma.local @!p0 [hbm:s6], $0xF7A  }
0x23: {  	s9 =	sor.u32 $0xD0000000, s2;
	s6 =	simm.s32 $0x108;
	_ =	swait.ge @!p0 [sflag:s8], $0x0  }
0x24: {  	s3 =	sadd.s32 $0x88, s3;
	s6 =	simm.s32 @!p1 $0x1082;
	[sflag:s4] =	ssyncset.s32 $0xFFFFF086  }
0x25: {  	[simem:s6], [sflag:s4] =	dma.local [hbm:s3], $0xF7A  }
0x26: {  	[smem:$0x3F94] =	sst s1;
	(tag) =	ssettag s2;
	_ =	strace s9  }
0x27: {  	s1 =	sld [smem:$0x3FA4]  }
0x28: {  	s2 =	sld [smem:$0x3FA5]  }
0x29: {  	s4 =	sld [smem:$0x3FA7]  }
0x2a: {  	p0 =	seq.s32 s5, $0x0;
	s5 =	sld [smem:$0x3FA8]  }
0x2b: {  	s6 =	sld [smem:$0x3FA9]  }
0x2c: {  	s7 =	sld [smem:$0x3FAA]  }
0x2d: {  	s3 =	simm.s32 $0x108;
	s8 =	sld [smem:$0x3FAB]  }
0x2e: {  	s3 =	simm.s32 @!p0 $0x1082;
	s9 =	sld [smem:$0x3FAC]  }
0x2f: {  	lr =	sadd.s32 s0, s3;
	s0 =	sld [smem:$0x3FA3]  }
0x30: {  	s3 =	sld [smem:$0x3FA6]  }
0x31: {  	[smem:$0x3FAF] =	sst s10  }
0x32: {  	s10 =	sld [smem:$0x3FAD];
	_ =	sdelay $0x3  }
0x33: {  	p0 =	seq.s32 s10, $0x1;
	s10 =	sld [smem:$0x3FAF];
	_ =	sdelay $0x3  }
0x34: {  	[smem:$0x3FAF] =	sst s10  }
0x35: {  	s10 =	sld [smem:$0x3FAE];
	_ =	sdelay $0x3  }
0x36: {  	p1 =	seq.s32 s10, $0x1;
	s10 =	sld [smem:$0x3FAF];
	_ =	sdelay $0x3  }
0x37: {  	[smem:$0x3FAF] =	sst s10  }
0x38: {  	s10 =	sld [smem:$0x3FB0]  }
0x39: {  	_ = 	snop;
	(pc) =	sbr.ind lr, $3  }
0x3a: {  	_ = 	snop  }
0x3b: {  	_ = 	snop  }
0x3c: {  	p2 =	seq.s32 s10, $0x1;
	s10 =	sld [smem:$0x3FAF]  }
0x3d: {  	_ =	shalt  }
0x3e: {  	_ =	shalt  }
0x3f: {  	_ =	shalt  }
0x40: {  	_ =	shalt  }
0x41: {  	_ =	shalt  }
0x42: {  	_ =	shalt  }
0x43: {  	_ =	shalt  }
0x44: {  	_ =	shalt  }
0x45: {  	_ =	shalt  }
0x46: {  	_ =	shalt  }
0x47: {  	_ =	shalt  }
0x48: {  	_ =	shalt  }
0x49: {  	_ =	shalt  }
0x4a: {  	_ =	shalt  }
0x4b: {  	_ =	shalt  }
0x4c: {  	_ =	shalt  }
0x4d: {  	_ =	shalt  }
0x4e: {  	_ =	shalt  }
0x4f: {  	_ =	shalt  }
0x50: {  	_ =	shalt  }
0x51: {  	_ =	shalt  }
0x52: {  	_ =	shalt  }
0x53: {  	_ =	shalt  }
0x54: {  	_ =	shalt  }
0x55: {  	_ =	shalt  }
0x56: {  	_ =	shalt  }
0x57: {  	_ =	shalt  }
0x58: {  	_ =	shalt  }
0x59: {  	_ =	shalt  }
0x5a: {  	_ =	shalt  }
0x5b: {  	_ =	shalt  }
0x5c: {  	_ =	shalt  }
0x5d: {  	_ =	shalt  }
0x5e: {  	_ =	shalt  }
0x5f: {  	_ =	shalt  }
0x60: {  	_ =	shalt  }
0x61: {  	_ =	shalt  }
0x62: {  	_ =	shalt  }
0x63: {  	_ =	shalt  }
0x64: {  	_ =	shalt  }
0x65: {  	_ =	shalt  }
0x66: {  	_ =	shalt  }
0x67: {  	_ =	shalt  }
0x68: {  	_ =	shalt  }
0x69: {  	_ =	shalt  }
0x6a: {  	_ =	shalt  }
0x6b: {  	_ =	shalt  }
0x6c: {  	_ =	shalt  }
0x6d: {  	_ =	shalt  }
0x6e: {  	_ =	shalt  }
0x6f: {  	_ =	shalt  }
0x70: {  	_ =	shalt  }
0x71: {  	_ =	shalt  }
0x72: {  	_ =	shalt  }
0x73: {  	_ =	shalt  }
0x74: {  	_ =	shalt  }
0x75: {  	_ =	shalt  }
0x76: {  	_ =	shalt  }
0x77: {  	_ =	shalt  }
0x78: {  	_ =	shalt  }
0x79: {  	_ =	shalt  }
0x7a: {  	_ =	shalt  }
0x7b: {  	_ =	shalt  }
0x7c: {  	_ =	shalt  }
0x7d: {  	_ =	shalt  }
0x7e: {  	_ =	shalt  }
0x7f: {  	_ =	shalt  }
0x80: {  	_ =	shalt  }
0x81: {  	_ =	shalt  }
0x82: {  	_ =	shalt  }
0x83: {  	_ =	shalt  }
0x84: {  	_ =	shalt  }
0x85: {  	_ =	shalt  }
0x86: {  	_ =	shalt  }
0x87: {  	_ =	shalt  }
.Lfunc_end0:
.L_simem_size_0:
called_computation_lowered:
.L_overlay_start_0:
0x88: {  	s2 =	sld [smem:$0x3FD9]  }
0x89: {  	s3 =	sld [smem:$0x3FFE];
	_ =	sdelay $0x1  }
0x8a: {  	s1 =	srdreg.scid  }
0x8b: {  	s0 =	sand.u32 $0x1, s1  }
0x8c: {  	s16 =	sshll.u32 s0, $0xA;
	s2 =	sadd.s32 s3, s2  }
0x8d: {  	s2 =	sadd.s32 s2, s16  }
0x8e: {  	[smem:$0x3FBB] =	sst s2  }
0x8f: {  	_ = 	snop  }
0x90: {  	(tm) =	ssettm $0x1  }
0x91: {  	s17 =	sld [smem:$0x3FFB];
	_ =	sdelay $0x3  }
0x92: {  	_ =	strace s17  }
0x93: {  	s2 =	sld [smem:$0x3FFC];
	_ =	sdelay $0x3  }
0x94: {  	_ =	strace s2  }
0x95: {  	s2 =	sld [smem:$0x3FFD];
	_ =	sdelay $0x3  }
0x96: {  	_ =	strace s2  }
0x97: {  	_ =	strace $0x8FFFFFFF  }
0x98: {  	s18 =	sld [smem:$0x3FDB];
	_ =	sdelay $0x1  }
0x99: {  	s19 =	simm.s32 $_scs_section_size  }
0x9a: {  	s4 =	simm.s32 $_size__tile_overlayer_lowered;
	s5 =	simm.s32 $_tile_overlayer_lowered  }
0x9b: {  	s22 =	simm.s32 $0x1BFF;
	s21 =	sshll.u32 s5, $0x1;
	s2 =	sadd.s32 s19, s18  }
0x9c: {  	s6 =	simm.s32 $0x0;
	s20 =	sshll.u32 s4, $0x1;
	s4 =	sadd.s32 s21, s2  }
0x9d: {  	[timem:s6], [sflag:s22] =	dma.local [hbm:s4], s20  }
0x9e: {  	_ =	swait.ge [sflag:s22], s20  }
0x9f: {  	s3 =	ssub.s32 $0x0, s20;
	[sflag:s22] =	ssyncset.done $0x0  }
0xa0: {  	[sflag:s22] =	ssyncadd.s32 s3;
	_ =	sdelay $0x1  }
0xa1: {  	s23 =	simm.s32 $0x1B8B  }
0xa2: {  	_ =	swait.ge [sflag:s23], $0x1  }
0xa3: {  	[sflag:s23] =	ssyncset.done $0x0  }
0xa4: {  	s25 =	simm.s32 $0x1B8E;
	s24 =	sld [smem:$0x3FFE];
	[sflag:s23] =	ssyncadd.s32 $0xFFFFFFFF  }
0xa5: {  	s26 =	simm.s32 $execute0_lowered;
	[smem:$0x3FD2] =	sst s25  }
0xa6: {  	s4 =	sshll.u32 s26, $0x1;
	_ =	strace $0x80000046;
	[dreg:$0x1] =	wrdreg $0xFFFFFFFF  }
0xa7: {  	s28 =	simm.s32 $_size_execute0_lowered;
	s2 =	sadd.s32 s2, s4;
	[dreg:$0x0] =	wrdreg $0x0  }
0xa8: {  	s4 =	sshll.u32 s28, $0x1;
	[dreg:$0x2] =	wrdreg s2  }
0xa9: {  	[dreg:$0x3] =	wrdreg s4  }
0xaa: {  	[dreg:$0x4] =	wrdreg $0xC0  }
0xab: {  	_ =	task [dreg:s6], $0x5FFFF  }
0xac: {  	[dreg:$0x1] =	wrdreg $0xFFFFFFFF  }
0xad: {  	[dreg:$0x0] =	wrdreg $0x60  }
0xae: {  	[dreg:$0x2] =	wrdreg s24  }
0xaf: {  	[dreg:$0x3] =	wrdreg $0x0  }
0xb0: {  	[dreg:$0x4] =	wrdreg $0x9  }
0xb1: {  	_ =	task.clear_ibuf [dreg:s6], $0x5FFFF;
	_ =	strace $0x90000046  }
0xb2: {  	s29 =	simm.s32 $0x9;
	_ =	strace $0x80000048  }
0xb3: {  	_ =	swait.ge [sflag:s29], $0x1  }
0xb4: {  	[sflag:s29] =	ssyncadd.s32 $0xFFFFFFFF  }
0xb5: {  	_ =	strace $0x90000048  }
0xb6: {  	_ =	sfence  }
0xb7: {  	s30 =	sld [smem:$0x0];
	_ =	sdelay $0x2  }
0xb8: {  	s31 =	sshll.u32 s1, $0xD;
	s1 =	sshrl.u32 s1, $0x2  }
0xb9: {  	s3 =	sand.u32 $0x4000, s31;
	s1 =	sadd.s32 s1, s30  }
0xba: {  	s0 =	sor.u32 s3, s0;
	s1 =	sshll.u32 s1, $0x11  }
0xbb: {  	s0 =	sor.u32 s1, s0  }
0xbc: {  	s0 =	sadd.s32 $0x8F2B, s0  }
0xbd: {  	[sflag:s0] =	ssyncadd.remote.s32 $0x1  }
0xbe: {  	_ =	sfence.sel $0xFFFF  }
0xbf: {  	[dreg:$0x0] =	wrdreg $0xFFFFFFFF;
	(pc) =	sbr.abs _section_cstart, $3  }
0xc0: {  	[dreg:$0x1] =	wrdreg $0xFFFFFFFF  }
0xc1: {  	_ =	task.clear_ibuf [dreg:s6], $0x2FFFF;
	_ =	strace $0x9FFFFFFF  }
0xc2: {  	(tm) =	ssettm $0x7FFFFFFF  }
0xc3: {  	_ =	shalt  }
tec
execute0_lowered:
.L_overlay_start_1:
0x0: {  	(tag) =	ssettag $0x1  }
0x1: {  	s4 =	rddreg [dreg:$0x0]  }
0x2: {  	s2 =	rddreg [dreg:$0x1];
	s3 =	srdreg.scid  }
0x3: {  	s1 =	stileid.u32;
	s0 =	rddreg [dreg:$0x2];
	s14 =	simm.s32 $0x15400  }
0x4: {  	s15 =	simm.s32 $0x2;
	s16 =	simm.s32 $0x80;
	s17 =	simm.s32 $0x1  }
0x5: {  	s5 =	sand.u32 $0x1, s3;
	s6 =	sshll.u32 s1, $0x1;
	s3 =	simm.s32 $0x0  }
0x6: {  	s7 =	smul.u32 $0x50000, s1;
	s9 =	sadd.s32 $0x2E00, s4;
	s10 =	sadd.s32 $0x16E00, s4  }
0x7: {  	s12 =	smul.u32 $0x14000, s1;
	s18 =	sadd.s32 $0x12C000, s2;
	p0 =	seq.s32 s1, $0xF  }
0x8: {  	s6 =	sor.u32 s5, s6;
	[smem:$0x7FF] =	sst s3;
	s11 =	smul.u32 $0x138800, s5  }
0x9: {  	s28 =	ssub.s32 $0x2, s5;
	s18 =	sshrl.u32 @p0 s18, $0x3;
	s8 =	smul.u32 $0x500, s6  }
0xa: {  	_ =	strace $0x80000047;
	s29 =	sshrl.u32 s28, $0x1;
	s7 =	sshrl.u32 s7, $0x2  }
0xb: {  	s6 =	smul.u32 $0x2800, s6;
	s13 =	ssub.s32 s28, s29;
	s4 =	sadd.s32 s7, s2  }
0xc: {  	s30 =	sadd.s32 s12, s11;
	s31 =	sshrl.u32 s11, $0x3;
	s5 =	sadd.s32 s9, s8  }
0xd: {  	s6 =	sshrl.u32 s6, $0x3;
	s7 =	sshrl.u32 s30, $0x3;
	s8 =	sadd.s32 s10, s31  }
0xe: {  	s11 =	sadd.s32 $0x8000, s4;
	s12 =	sadd.s32 $0xC000, s4;
	s6 =	sadd.s32 s9, s6  }
0xf: {  	s7 =	sadd.s32 s10, s7;
	s8 =	sadd.s32 $0x25800, s8;
	s9 =	smax.u32 s13, $0x1  }
0x10: {  	v0 =	vimm.f32 $0.0e+00;
	v1 =	vimm.f32 $1.000000000e+00;
	s10 =	sadd.s32 $0x4000, s4;
	s13 =	sadd.s32 $0x10000, s4;
	s6 =	sadd.s32 $0x280, s6  }
.LBB2_1:
0x11: {  	s19 =	simm.s32 $0x0;
	s20 =	simm.s32 $0x200  }
.LBB2_2:
0x12: {  	p1 =	sne.s32 s20, $0xFE00;
	[tilespmem:s19+$0x15470] =	vst v0  }
0x13: {  	[tilespmem:s19+$0x15400] =	vst v0  }
0x14: {  	[tilespmem:s19+$0x15410] =	vst v0  }
.Ltmp0:
0x15: {  	[tilespmem:s19+$0x15420] =	vst v0;
	(pc) =	sbr.rel @p1 .LBB2_2-.Ltmp0, $4  }
0x16: {  	[tilespmem:s19+$0x15430] =	vst v0  }
0x17: {  	[tilespmem:s19+$0x15440] =	vst v0  }
0x18: {  	[tilespmem:s19+$0x15450] =	vst v0  }
0x19: {  	[tilespmem:s19+$0x15460] =	vst v0;
	s19 =	sshra.s32 s20, $0x2;
	s20 =	sadd.s32 $0x200, s20  }
0x1a: {  	[tilespmem:s19+$0x15470] =	vst v0  }
0x1b: {  	[tilespmem:s19+$0x15400] =	vst v0  }
0x1c: {  	[tilespmem:s19+$0x15410] =	vst v0  }
0x1d: {  	[tilespmem:s19+$0x15420] =	vst v0  }
0x1e: {  	[tilespmem:s19+$0x15430] =	vst v0  }
0x1f: {  	[tilespmem:s19+$0x15440] =	vst v0  }
0x20: {  	[tilespmem:s19+$0x15450] =	vst v0  }
0x21: {  	[tilespmem:s19+$0x15460] =	vst v0  }
0x22: {  	[spmem:s4] =	stream.linear.scatter [tilespmem:s14], [sflag:$0x2], $0x4000, $0x38;
	[tilespmem:$0x19400] =	vst v63  }
0x23: {  	_ =	swait.ge [sflag:s15], $0x4000  }
0x24: {  	[sflag:s15] =	ssyncset.done $0x0  }
0x25: {  	[sflag:s15] =	ssyncadd.s32 $0xFFFFC000  }
0x26: {  	[spmem:s10] =	stream.linear.scatter [tilespmem:s14], [sflag:$0x2], $0x4000, $0x38;
	[tilespmem:$0x19400] =	vst v63  }
0x27: {  	_ =	swait.ge [sflag:s15], $0x4000  }
0x28: {  	[sflag:s15] =	ssyncset.done $0x0  }
0x29: {  	[sflag:s15] =	ssyncadd.s32 $0xFFFFC000  }
0x2a: {  	[spmem:s11] =	stream.linear.scatter [tilespmem:s14], [sflag:$0x2], $0x4000, $0x38;
	[tilespmem:$0x19400] =	vst v63  }
0x2b: {  	_ =	swait.ge [sflag:s15], $0x4000  }
0x2c: {  	[sflag:s15] =	ssyncset.done $0x0  }
0x2d: {  	[sflag:s15] =	ssyncadd.s32 $0xFFFFC000  }
0x2e: {  	[spmem:s12] =	stream.linear.scatter [tilespmem:s14], [sflag:$0x2], $0x4000, $0x38;
	[tilespmem:$0x19400] =	vst v63  }
0x2f: {  	_ =	swait.ge [sflag:s15], $0x4000  }
0x30: {  	[sflag:s15] =	ssyncset.done $0x0  }
0x31: {  	[sflag:s15] =	ssyncadd.s32 $0xFFFFC000  }
0x32: {  	[spmem:s13] =	stream.linear.scatter [tilespmem:s14], [sflag:$0x2], $0x4000, $0x38;
	[tilespmem:$0x19400] =	vst v63  }
0x33: {  	_ =	swait.ge [sflag:s15], $0x4000  }
0x34: {  	[sflag:s15] =	ssyncset.done $0x0  }
0x35: {  	s19 =	simm.s32 $0x0;
	s20 =	simm.s32 $0x200;
	[sflag:s15] =	ssyncadd.s32 $0xFFFFC000  }
.LBB2_4:
0x36: {  	p1 =	sne.s32 s20, $0xFE00;
	[tilespmem:s19+$0x15470] =	vst v1  }
0x37: {  	[tilespmem:s19+$0x15400] =	vst v1  }
0x38: {  	[tilespmem:s19+$0x15410] =	vst v1  }
.Ltmp1:
0x39: {  	[tilespmem:s19+$0x15420] =	vst v1;
	(pc) =	sbr.rel @p1 .LBB2_4-.Ltmp1, $4  }
0x3a: {  	[tilespmem:s19+$0x15430] =	vst v1  }
0x3b: {  	[tilespmem:s19+$0x15440] =	vst v1  }
0x3c: {  	[tilespmem:s19+$0x15450] =	vst v1  }
0x3d: {  	[tilespmem:s19+$0x15460] =	vst v1;
	s19 =	sshra.s32 s20, $0x2;
	s20 =	sadd.s32 $0x200, s20  }
0x3e: {  	[tilespmem:s19+$0x15470] =	vst v1  }
0x3f: {  	[tilespmem:s19+$0x15400] =	vst v1  }
0x40: {  	[tilespmem:s19+$0x15410] =	vst v1  }
0x41: {  	[tilespmem:s19+$0x15420] =	vst v1  }
0x42: {  	[tilespmem:s19+$0x15430] =	vst v1  }
0x43: {  	[tilespmem:s19+$0x15440] =	vst v1  }
0x44: {  	[tilespmem:s19+$0x15450] =	vst v1  }
0x45: {  	[tilespmem:s19+$0x15460] =	vst v1  }
0x46: {  	s20 =	simm.s32 $0x0;
	s19 =	simm.s32 $0x14000;
	[bflag:$0x0] =	sbarrier.arrive $0xFFFF  }
0x47: {  	[tilespmem:s19], [sflag:$0x2] =	stream.linear.gather [hbm4b:s5+s20], $0x1400, $0x38;
	[tilespmem:$0x19400] =	vst v63  }
0x48: {  	_ =	swait.ge [sflag:s15], $0x1400  }
0x49: {  	p1 =	por $0x1, $0x1;
	[sflag:s15] =	ssyncset.done $0x0  }
0x4a: {  	s21 =	simm.s32 @!p1 $0x1;
	[sflag:s15] =	ssyncadd.s32 $0xFFFFEC00  }
0x4b: {  	[spmem:s2] =	stream.indirect.scatter.add.f32 [tilespmem:s14], [sflag:$0x1], $0x80, s19, s16, $0xb8;
	[tilespmem:$0x19400] =	vst v63  }
0x4c: {  	_ =	swait.ge @!p1 [sflag:s21], $0x4000  }
0x4d: {  	s20 =	simm.s32 $0x1;
	[sflag:s21] =	ssyncset.done @!p1 $0x0  }
.LBB2_6:
0x4e: {  	[sflag:s21] =	ssyncadd.s32 @!p1 $0xFFFFC000  }
0x4f: {  	s19 =	sadd.s32 $0x80, s19;
	s21 =	smov.u32 s20;
	s20 =	sadd.s32 $0x1, s20  }
0x50: {  	p2 =	sne.s32 s20, $0x28  }
0x51: {  	[spmem:s2] =	stream.indirect.scatter.add.f32 [tilespmem:s14], [sflag:$0x1], $0x80, s19, s16, $0xb8;
	[tilespmem:$0x19400] =	vst v63  }
.Ltmp2:
0x52: {  	_ = 	snop;
	(pc) =	sbr.rel @p2 .LBB2_6-.Ltmp2, $4  }
0x53: {  	p1 =	slt.u32 s21, $0x8  }
0x54: {  	s21 =	simm.s32 @!p1 $0x1  }
0x55: {  	_ =	swait.ge @!p1 [sflag:s21], $0x4000  }
0x56: {  	[sflag:s21] =	ssyncset.done @!p1 $0x0  }
0x57: {  	[sflag:s21] =	ssyncadd.s32 @!p1 $0xFFFFC000  }
0x58: {  	_ =	swait.ge [sflag:s17], $0x4000  }
0x59: {  	[sflag:s17] =	ssyncset.done $0x0  }
0x5a: {  	[sflag:s17] =	ssyncadd.s32 $0xFFFFC000  }
0x5b: {  	_ =	swait.ge [sflag:s17], $0x4000  }
0x5c: {  	[sflag:s17] =	ssyncset.done $0x0  }
0x5d: {  	[sflag:s17] =	ssyncadd.s32 $0xFFFFC000  }
0x5e: {  	_ =	swait.ge [sflag:s17], $0x4000  }
0x5f: {  	[sflag:s17] =	ssyncset.done $0x0  }
0x60: {  	[sflag:s17] =	ssyncadd.s32 $0xFFFFC000  }
0x61: {  	_ =	swait.ge [sflag:s17], $0x4000  }
0x62: {  	[sflag:s17] =	ssyncset.done $0x0  }
0x63: {  	[sflag:s17] =	ssyncadd.s32 $0xFFFFC000  }
0x64: {  	_ =	swait.ge [sflag:s17], $0x4000  }
0x65: {  	[sflag:s17] =	ssyncset.done $0x0  }
0x66: {  	[sflag:s17] =	ssyncadd.s32 $0xFFFFC000  }
0x67: {  	_ =	swait.ge [sflag:s17], $0x4000  }
0x68: {  	[sflag:s17] =	ssyncset.done $0x0  }
0x69: {  	[sflag:s17] =	ssyncadd.s32 $0xFFFFC000  }
0x6a: {  	_ =	swait.ge [sflag:s17], $0x4000  }
0x6b: {  	[sflag:s17] =	ssyncset.done $0x0  }
0x6c: {  	[sflag:s17] =	ssyncadd.s32 $0xFFFFC000  }
0x6d: {  	_ =	swait.ge [sflag:s17], $0x4000  }
0x6e: {  	[sflag:s17] =	ssyncset.done $0x0  }
0x6f: {  	s20 =	simm.s32 $0x0;
	s19 =	simm.s32 $0x14000;
	[sflag:s17] =	ssyncadd.s32 $0xFFFFC000  }
0x70: {  	[tilespmem:s19], [sflag:$0x2] =	stream.linear.gather [hbm4b:s6+s20], $0x1400, $0x38;
	[tilespmem:$0x19400] =	vst v63  }
0x71: {  	_ =	swait.ge [sflag:s15], $0x1400  }
0x72: {  	p1 =	por $0x1, $0x1;
	[sflag:s15] =	ssyncset.done $0x0  }
0x73: {  	s21 =	simm.s32 @!p1 $0x1;
	[sflag:s15] =	ssyncadd.s32 $0xFFFFEC00  }
0x74: {  	[spmem:s2] =	stream.indirect.scatter.add.f32 [tilespmem:s14], [sflag:$0x1], $0x80, s19, s16, $0xb8;
	[tilespmem:$0x19400] =	vst v63  }
0x75: {  	_ =	swait.ge @!p1 [sflag:s21], $0x4000  }
0x76: {  	s20 =	simm.s32 $0x1;
	[sflag:s21] =	ssyncset.done @!p1 $0x0  }
.LBB2_8:
0x77: {  	[sflag:s21] =	ssyncadd.s32 @!p1 $0xFFFFC000  }
0x78: {  	s19 =	sadd.s32 $0x80, s19;
	s21 =	smov.u32 s20;
	s20 =	sadd.s32 $0x1, s20  }
0x79: {  	p2 =	sne.s32 s20, $0x28  }
0x7a: {  	[spmem:s2] =	stream.indirect.scatter.add.f32 [tilespmem:s14], [sflag:$0x1], $0x80, s19, s16, $0xb8;
	[tilespmem:$0x19400] =	vst v63  }
.Ltmp3:
0x7b: {  	_ = 	snop;
	(pc) =	sbr.rel @p2 .LBB2_8-.Ltmp3, $4  }
0x7c: {  	p1 =	slt.u32 s21, $0x8  }
0x7d: {  	s21 =	simm.s32 @!p1 $0x1  }
0x7e: {  	_ =	swait.ge @!p1 [sflag:s21], $0x4000  }
0x7f: {  	[sflag:s21] =	ssyncset.done @!p1 $0x0  }
0x80: {  	[sflag:s21] =	ssyncadd.s32 @!p1 $0xFFFFC000  }
0x81: {  	_ =	swait.ge [sflag:s17], $0x4000  }
0x82: {  	[sflag:s17] =	ssyncset.done $0x0  }
0x83: {  	[sflag:s17] =	ssyncadd.s32 $0xFFFFC000  }
0x84: {  	_ =	swait.ge [sflag:s17], $0x4000  }
0x85: {  	[sflag:s17] =	ssyncset.done $0x0  }
0x86: {  	[sflag:s17] =	ssyncadd.s32 $0xFFFFC000  }
0x87: {  	_ =	swait.ge [sflag:s17], $0x4000  }
0x88: {  	[sflag:s17] =	ssyncset.done $0x0  }
0x89: {  	[sflag:s17] =	ssyncadd.s32 $0xFFFFC000  }
0x8a: {  	_ =	swait.ge [sflag:s17], $0x4000  }
0x8b: {  	[sflag:s17] =	ssyncset.done $0x0  }
0x8c: {  	[sflag:s17] =	ssyncadd.s32 $0xFFFFC000  }
0x8d: {  	_ =	swait.ge [sflag:s17], $0x4000  }
0x8e: {  	[sflag:s17] =	ssyncset.done $0x0  }
0x8f: {  	[sflag:s17] =	ssyncadd.s32 $0xFFFFC000  }
0x90: {  	_ =	swait.ge [sflag:s17], $0x4000  }
0x91: {  	[sflag:s17] =	ssyncset.done $0x0  }
0x92: {  	[sflag:s17] =	ssyncadd.s32 $0xFFFFC000  }
0x93: {  	_ =	swait.ge [sflag:s17], $0x4000  }
0x94: {  	[sflag:s17] =	ssyncset.done $0x0  }
0x95: {  	[sflag:s17] =	ssyncadd.s32 $0xFFFFC000  }
0x96: {  	_ =	swait.ge [sflag:s17], $0x4000  }
0x97: {  	[sflag:s17] =	ssyncset.done $0x0  }
0x98: {  	[sflag:s17] =	ssyncadd.s32 $0xFFFFC000  }
0x99: {  	s19 =	simm.s32 @p0 $0x1FC2;
	[bflag:$0x0] =	sbarrier.arrive $0xFFFF  }
0x9a: {  	[hbm:s8], [sflag:s19] =	dma.local @p0 [spmem:s18], $0x1900  }
0x9b: {  	s19 =	simm.s32 @p0 $0x2  }
0x9c: {  	s3 =	sadd.s32 $0x1, s3;
	_ =	swait.ge @p0 [sflag:s19], $0x1900  }
0x9d: {  	s20 =	sshll.u32 @!p0 s1, $0x6;
	p1 =	sne.s32 s3, s9;
	[sflag:s19] =	ssyncset.done @p0 $0x0  }
0x9e: {  	[sflag:s19] =	ssyncadd.s32 @p0 $0xFFFFE700;
	s19 =	sor.u32 @!p0 $0x1C02, s20;
	s20 =	sshrl.u32 @!p0 s4, $0x3  }
0x9f: {  	[hbm:s7], [sflag:s19] =	dma.local @!p0 [spmem:s20], $0x2800  }
.Ltmp4:
0xa0: {  	_ = 	snop;
	(pc) =	sbr.rel @p1 .LBB2_1-.Ltmp4, $4  }
0xa1: {  	s19 =	simm.s32 @!p0 $0x2  }
0xa2: {  	_ =	swait.ge @!p0 [sflag:s19], $0x2800  }
0xa3: {  	[sflag:s19] =	ssyncset.done @!p0 $0x0  }
0xa4: {  	[sflag:s19] =	ssyncadd.s32 @!p0 $0xFFFFD800  }
0xa5: {  	_ =	sfence.sel $0x180000  }
0xa6: {  	[bflag:$0x0] =	sbarrier.arrive $0xFFFF  }
0xa7: {  	p0 =	sne.s32 s1, $0x0;
	_ =	strace $0x90000047  }
0xa8: {  	s0 =	sadd.s32 @!p0 $0x100000, s0;
	[bflag:$0x2] =	sbarrier.arrive $0xFFFF  }
0xa9: {  	[sflag:s0] =	ssyncadd.tile.s32 @!p0 $0x1;
	_ =	shalt  }
.Lfunc_end2:
_tile_overlayer_lowered:
.L_overlay_start_2:
0xaa: {  	(tag) =	ssettag $0x2  }
0xab: {  	s0 =	rddreg [dreg:$0x0];
	s2 =	stileid.u32  }
0xac: {  	s1 =	rddreg [dreg:$0x1];
	p0 =	sne.s32 s2, $0x0  }
0xad: {  	s3 =	rddreg [dreg:$0x2];
	[bflag:$0x3] =	sbarrier.arrive $0xFFFF;
	s2 =	simm.s32 @!p0 $0x1C02  }
0xae: {  	[timem:s3], [sflag:s2] =	dma.local @!p0 [hbm:s0], s1  }
0xaf: {  	s0 =	simm.s32 @!p0 $0x2  }
0xb0: {  	_ =	swait.ge @!p0 [sflag:s0], s1  }
0xb1: {  	s1 =	ssub.s32 @!p0 $0x0, s1;
	[sflag:s0] =	ssyncset.done @!p0 $0x0  }
0xb2: {  	[sflag:s0] =	ssyncadd.s32 @!p0 s1  }
0xb3: {  	[bflag:$0x3] =	sbarrier.arrive $0xFFFF  }
0xb4: {  	_ =	shalt  }

</sc_bundles>
